<compile_context>
chip_gen: v7x
topology: tpu7x:2x2x1
jax: 0.10.2.dev20260603
libtpu: 0.0.44.dev20260713+nightly
codegen_flags: <defaults>
</compile_context>

<pallas_src>
import functools

import jax
import jax.numpy as jnp
from jax import lax
from jax.experimental import pallas as pl
from jax.experimental.pallas import tpu as pltpu
from jax.experimental.pallas import tpu_sc as plsc

_NUM_NODES = 100000
_EMBED_DIM = 128
_BATCH = 16384

_NC = 2
_NS = 16
_NW = _NC * _NS
_PW = _BATCH // _NW
_CHUNK = 128
_NCHUNK = _PW // _CHUNK
_L = 16


def _sc_body(table, ni, nj, beta_arr, out,
             idx_v, rows_v, out_v, beta_s, sem_a, sem_b):
    wid = lax.axis_index("s") * _NC + lax.axis_index("c")
    base = wid * _NCHUNK

    cp_ni = pltpu.async_copy(ni.at[pl.ds(base, _NCHUNK)], idx_v.at[0], sem_a)
    cp_nj = pltpu.async_copy(nj.at[pl.ds(base, _NCHUNK)], idx_v.at[1], sem_a)
    cp_b = pltpu.async_copy(beta_arr, beta_s.at[pl.ds(0, 1)], sem_b)

    lane = lax.iota(jnp.int32, _L)
    xperms = {k: lane ^ k for k in (8, 4, 2, 1)}
    masks = {k: (lane & k) != 0 for k in (8, 4, 2, 1)}
    gdn = lax.GatherDimensionNumbers(
        offset_dims=(), collapsed_slice_dims=(0,), start_index_map=(0,))

    def _permute(x, pm):
        return lax.gather(
            x, pm.reshape(_L, 1), gdn, (1,),
            indices_are_sorted=False, unique_indices=True,
            mode=lax.GatherScatterMode.PROMISE_IN_BOUNDS)

    sems = [sem_a, sem_b]

    def fire(c):
        p = c % 2
        return (pltpu.async_copy(table.at[idx_v.at[0, c]], rows_v.at[p, 0],
                                 sems[p]),
                pltpu.async_copy(table.at[idx_v.at[1, c]], rows_v.at[p, 1],
                                 sems[p]))

    def _merge(x, y, k):
        a = jnp.where(masks[k], y, x)
        b = jnp.where(masks[k], x, y)
        return a + _permute(b, xperms[k])

    lane12 = lane & 12
    lane3 = lane & 3

    def compute(c):
        p = c % 2

        def pair_acc(row):
            acc = None
            for d in range(_EMBED_DIM // _L):
                vi = rows_v[p, 0, row, pl.ds(d * _L, _L)]
                vj = rows_v[p, 1, row, pl.ds(d * _L, _L)]
                df = vi - vj
                acc = df * df if acc is None else acc + df * df
            return acc

        @plsc.parallel_loop(0, _CHUNK // 4)
        def pair4_body(q):
            g = q >> 2
            i = q & 3
            row0 = g * _L + i
            a0 = pair_acc(row0)
            a1 = pair_acc(row0 + 4)
            a2 = pair_acc(row0 + 8)
            a3 = pair_acc(row0 + 12)
            l1a = _merge(a0, a2, 8)
            l1b = _merge(a1, a3, 8)
            l2 = _merge(l1a, l1b, 4)
            l3 = l2 + _permute(l2, xperms[2])
            ssq4 = l3 + _permute(l3, xperms[1])
            idx = (c * _CHUNK + g * _L + i) + lane12
            plsc.store_scatter(out_v, [idx], ssq4, mask=lane3 == i)

        for g in range(_CHUNK // _L):
            ssq = out_v[pl.ds(c * _CHUNK + g * _L, _L)]
            bits = lax.bitcast_convert_type(ssq, jnp.int32)
            seed = jnp.int32(0x5F3759DF) - lax.shift_right_logical(bits, 1)
            y = lax.bitcast_convert_type(seed, jnp.float32)
            half = ssq * jnp.float32(0.5)
            for _n in range(2):
                y = y * (jnp.float32(1.5) - half * y * y)
            dist = ssq * y
            out_v[pl.ds(c * _CHUNK + g * _L, _L)] = beta_r - dist

    cp_ni.wait()
    cp_nj.wait()
    cps = [None] * _NCHUNK
    cps[0] = fire(0)
    cp_b.wait()
    beta_r = _permute(beta_s[...], lane * 0)
    for c in range(_NCHUNK):
        if c + 1 < _NCHUNK:
            cps[c + 1] = fire(c + 1)
        cps[c][0].wait()
        cps[c][1].wait()
        compute(c)

    pltpu.sync_copy(out_v, out.at[pl.ds(wid * _PW, _PW)])


@jax.jit
def _shallow_sc(table, ni, nj, beta_arr):
    mesh = plsc.VectorSubcoreMesh(core_axis_name="c", subcore_axis_name="s")
    f = functools.partial(
        pl.kernel,
        mesh=mesh,
        compiler_params=pltpu.CompilerParams(needs_layout_passes=False),
        out_type=jax.ShapeDtypeStruct((_BATCH,), jnp.float32),
        scratch_types=[
            pltpu.VMEM((2, _NCHUNK, _CHUNK), jnp.int32),
            pltpu.VMEM((2, 2, _CHUNK, _EMBED_DIM), jnp.float32),
            pltpu.VMEM((_PW,), jnp.float32),
            pltpu.VMEM((_L,), jnp.float32),
            pltpu.SemaphoreType.DMA,
            pltpu.SemaphoreType.DMA,
        ],
    )(_sc_body)
    return f(table, ni, nj, beta_arr)


def kernel(node_i, node_j, embeddings, beta):
    ni = node_i.astype(jnp.int32).reshape(_NW * _NCHUNK, _CHUNK)
    nj = node_j.astype(jnp.int32).reshape(_NW * _NCHUNK, _CHUNK)
    beta_arr = beta.astype(jnp.float32).reshape(1)
    return _shallow_sc(embeddings, ni, nj, beta_arr)

# --- scband reference (transcript-rebuilt; emitter-appended) ---
"""Pipeline reference for scband-shallow-13073880449310 (READ-ONLY COPY).

The authoritative reference and input builder live on the scoring server;
editing this copy changes nothing except your own understanding.
"""

import jax, jax.numpy as jnp
import numpy as np

NUM_NODES = 100000
EMBED_DIM = 128
BATCH = 16384

def setup_inputs(seed: int = 0) -> dict:
    key = jax.random.key(seed)
    k1, k2, k3 = jax.random.split(key, 3)
    node_i = jax.random.randint(k1, (BATCH,), 0, NUM_NODES, dtype=jnp.int64 if jax.config.jax_enable_x64 else jnp.int32)
    # offset ensures node_j != node_i elementwise (avoids zero-distance pairs)
    offset = jax.random.randint(k2, (BATCH,), 1, NUM_NODES - 1, dtype=node_i.dtype)
    node_j = (node_i + offset) % NUM_NODES
    embeddings = jax.random.uniform(k3, (NUM_NODES, EMBED_DIM), dtype=jnp.float32)
    beta = jnp.array(0.0, dtype=jnp.float32)
    return {"node_i": node_i, "node_j": node_j, "embeddings": embeddings, "beta": beta}

def reference(node_i, node_j, embeddings, beta):
    z_i = jnp.take(embeddings, node_i, axis=0)
    z_j = jnp.take(embeddings, node_j, axis=0)
    diff = z_i - z_j
    dist = jnp.sqrt(jnp.sum(diff * diff, axis=-1))
    return beta - dist

if __name__ == "__main__":
    import jax
    _d = setup_inputs()
    print(jax.jit(kernel)(*tuple(_d.values())))

</pallas_src>

<mosaic_0001>
#map = affine_map<(d0, d1) -> (0, 0)>
#map1 = affine_map<(d0, d1) -> (0)>
module attributes {stable_mosaic.version = 14 : i64} {
  func.func @_sc_body(%arg0: i32, %arg1: i32, %arg2: memref<100000x128xf32, #tpu.memory_space<hbm>>, %arg3: memref<128x128xi32, #tpu.memory_space<hbm>>, %arg4: memref<128x128xi32, #tpu.memory_space<hbm>>, %arg5: memref<1xf32, #tpu.memory_space<hbm>>, %arg6: memref<16384xf32, #tpu.memory_space<hbm>>, %arg7: memref<2x4x128xi32, #tpu.memory_space<vmem>>, %arg8: memref<2x2x128x128xf32, #tpu.memory_space<vmem>>, %arg9: memref<512xf32, #tpu.memory_space<vmem>>, %arg10: memref<16xf32, #tpu.memory_space<vmem>>, %arg11: memref<!tpu.dma_semaphore, #tpu.memory_space<semaphore_mem>>, %arg12: memref<!tpu.dma_semaphore, #tpu.memory_space<semaphore_mem>>) attributes {dimension_semantics = [#tpu.dimension_semantics<core_parallel>, #tpu.dimension_semantics<subcore_parallel>], iteration_bounds = array<i64: 2, 16>, scalar_prefetch = 0 : i64, scratch_operands = 6 : i64, tpu.core_type = #tpu.core_type<sc_vector_subcore>, window_params = [{transform_indices = #map}, {transform_indices = #map}, {transform_indices = #map}, {transform_indices = #map1}, {transform_indices = #map1}]} {
    %mul3A = arith.constant 2 : i32
    %mul3A_0 = arith.muli %arg1, %mul3A : i32
    %add3A = arith.addi %mul3A_0, %arg0 : i32
    %mul3A_1 = arith.constant 4 : i32
    %mul3A_2 = arith.muli %add3A, %mul3A_1 : i32
    %dma_start3A = arith.constant 0 : i32
    %dma_start3A_3 = arith.constant 0 : i32
    %dma_start3A_4 = arith.constant 0 : i32
    %dma_start3A_5 = tpu.memref_slice %arg7[%dma_start3A, %dma_start3A_3, %dma_start3A_4] : memref<2x4x128xi32, #tpu.memory_space<vmem>> -> memref<1x4x128xi32, #tpu.memory_space<vmem>>
    %dma_start3A_6 = tpu.memref_squeeze %dma_start3A_5 : memref<1x4x128xi32, #tpu.memory_space<vmem>> -> memref<4x128xi32, #tpu.memory_space<vmem>>
    %dma_start3A_7 = arith.constant 0 : i32
    %dma_start3A_8 = tpu.memref_slice %arg3[%mul3A_2, %dma_start3A_7] : memref<128x128xi32, #tpu.memory_space<hbm>> -> memref<4x128xi32, #tpu.memory_space<hbm>>
    %dma_start3A_9 = arith.constant 0 : i32
    %dma_start3A_10 = arith.constant 0 : i32
    %dma_start3A_11 = tpu.memref_slice %arg7[%dma_start3A, %dma_start3A_9, %dma_start3A_10] : memref<2x4x128xi32, #tpu.memory_space<vmem>> -> memref<1x4x128xi32, #tpu.memory_space<vmem>>
    %dma_start3A_12 = tpu.memref_squeeze %dma_start3A_11 : memref<1x4x128xi32, #tpu.memory_space<vmem>> -> memref<4x128xi32, #tpu.memory_space<vmem>>
    %dma_start3A_13 = arith.constant 0 : i32
    %dma_start3A_14 = tpu.memref_slice %arg3[%mul3A_2, %dma_start3A_13] : memref<128x128xi32, #tpu.memory_space<hbm>> -> memref<4x128xi32, #tpu.memory_space<hbm>>
    tpu.enqueue_dma source(%dma_start3A_14 : memref<4x128xi32, #tpu.memory_space<hbm>>) target(%dma_start3A_12 : memref<4x128xi32, #tpu.memory_space<vmem>>) target_semaphore(%arg11 : memref<!tpu.dma_semaphore, #tpu.memory_space<semaphore_mem>>)
    %dma_start3A_15 = arith.constant 1 : i32
    %dma_start3A_16 = arith.constant 0 : i32
    %dma_start3A_17 = arith.constant 0 : i32
    %dma_start3A_18 = tpu.memref_slice %arg7[%dma_start3A_15, %dma_start3A_16, %dma_start3A_17] : memref<2x4x128xi32, #tpu.memory_space<vmem>> -> memref<1x4x128xi32, #tpu.memory_space<vmem>>
    %dma_start3A_19 = tpu.memref_squeeze %dma_start3A_18 : memref<1x4x128xi32, #tpu.memory_space<vmem>> -> memref<4x128xi32, #tpu.memory_space<vmem>>
    %dma_start3A_20 = arith.constant 0 : i32
    %dma_start3A_21 = tpu.memref_slice %arg4[%mul3A_2, %dma_start3A_20] : memref<128x128xi32, #tpu.memory_space<hbm>> -> memref<4x128xi32, #tpu.memory_space<hbm>>
    %dma_start3A_22 = arith.constant 0 : i32
    %dma_start3A_23 = arith.constant 0 : i32
    %dma_start3A_24 = tpu.memref_slice %arg7[%dma_start3A_15, %dma_start3A_22, %dma_start3A_23] : memref<2x4x128xi32, #tpu.memory_space<vmem>> -> memref<1x4x128xi32, #tpu.memory_space<vmem>>
    %dma_start3A_25 = tpu.memref_squeeze %dma_start3A_24 : memref<1x4x128xi32, #tpu.memory_space<vmem>> -> memref<4x128xi32, #tpu.memory_space<vmem>>
    %dma_start3A_26 = arith.constant 0 : i32
    %dma_start3A_27 = tpu.memref_slice %arg4[%mul3A_2, %dma_start3A_26] : memref<128x128xi32, #tpu.memory_space<hbm>> -> memref<4x128xi32, #tpu.memory_space<hbm>>
    tpu.enqueue_dma source(%dma_start3A_27 : memref<4x128xi32, #tpu.memory_space<hbm>>) target(%dma_start3A_25 : memref<4x128xi32, #tpu.memory_space<vmem>>) target_semaphore(%arg11 : memref<!tpu.dma_semaphore, #tpu.memory_space<semaphore_mem>>)
    %dma_start3A_28 = arith.constant 0 : i32
    %dma_start3A_29 = tpu.memref_slice %arg10[%dma_start3A_28] : memref<16xf32, #tpu.memory_space<vmem>> -> memref<1xf32, #tpu.memory_space<vmem>>
    %dma_start3A_30 = arith.constant 0 : i32
    %dma_start3A_31 = tpu.memref_slice %arg10[%dma_start3A_30] : memref<16xf32, #tpu.memory_space<vmem>> -> memref<1xf32, #tpu.memory_space<vmem>>
    tpu.enqueue_dma source(%arg5 : memref<1xf32, #tpu.memory_space<hbm>>) target(%dma_start3A_31 : memref<1xf32, #tpu.memory_space<vmem>>) target_semaphore(%arg12 : memref<!tpu.dma_semaphore, #tpu.memory_space<semaphore_mem>>)
    %iota3A = tpu.iota {dimensions = array<i32: 0>} : vector<16xi32>
    %xor3A = arith.constant 8 : i32
    %xor3A_32 = vector.broadcast %xor3A : i32 to vector<16xi32>
    %xor3A_33 = arith.xori %iota3A, %xor3A_32 : vector<16xi32>
    %xor3A_34 = arith.constant 4 : i32
    %xor3A_35 = vector.broadcast %xor3A_34 : i32 to vector<16xi32>
    %xor3A_36 = arith.xori %iota3A, %xor3A_35 : vector<16xi32>
    %xor3A_37 = arith.constant 2 : i32
    %xor3A_38 = vector.broadcast %xor3A_37 : i32 to vector<16xi32>
    %xor3A_39 = arith.xori %iota3A, %xor3A_38 : vector<16xi32>
    %xor3A_40 = arith.constant 1 : i32
    %xor3A_41 = vector.broadcast %xor3A_40 : i32 to vector<16xi32>
    %xor3A_42 = arith.xori %iota3A, %xor3A_41 : vector<16xi32>
    %and3A = arith.constant 8 : i32
    %and3A_43 = vector.broadcast %and3A : i32 to vector<16xi32>
    %and3A_44 = arith.andi %iota3A, %and3A_43 : vector<16xi32>
    %ne3A = arith.constant 0 : i32
    %ne3A_45 = vector.broadcast %ne3A : i32 to vector<16xi32>
    %ne3A_46 = arith.cmpi ne, %and3A_44, %ne3A_45 : vector<16xi32>
    %and3A_47 = arith.constant 4 : i32
    %and3A_48 = vector.broadcast %and3A_47 : i32 to vector<16xi32>
    %and3A_49 = arith.andi %iota3A, %and3A_48 : vector<16xi32>
    %ne3A_50 = arith.constant 0 : i32
    %ne3A_51 = vector.broadcast %ne3A_50 : i32 to vector<16xi32>
    %ne3A_52 = arith.cmpi ne, %and3A_49, %ne3A_51 : vector<16xi32>
    %and3A_53 = arith.constant 2 : i32
    %and3A_54 = vector.broadcast %and3A_53 : i32 to vector<16xi32>
    %and3A_55 = arith.andi %iota3A, %and3A_54 : vector<16xi32>
    %ne3A_56 = arith.constant 0 : i32
    %ne3A_57 = vector.broadcast %ne3A_56 : i32 to vector<16xi32>
    %ne3A_58 = arith.cmpi ne, %and3A_55, %ne3A_57 : vector<16xi32>
    %and3A_59 = arith.constant 1 : i32
    %and3A_60 = vector.broadcast %and3A_59 : i32 to vector<16xi32>
    %and3A_61 = arith.andi %iota3A, %and3A_60 : vector<16xi32>
    %ne3A_62 = arith.constant 0 : i32
    %ne3A_63 = vector.broadcast %ne3A_62 : i32 to vector<16xi32>
    %ne3A_64 = arith.cmpi ne, %and3A_61, %ne3A_63 : vector<16xi32>
    %and3A_65 = arith.constant 12 : i32
    %and3A_66 = vector.broadcast %and3A_65 : i32 to vector<16xi32>
    %and3A_67 = arith.andi %iota3A, %and3A_66 : vector<16xi32>
    %and3A_68 = arith.constant 3 : i32
    %and3A_69 = vector.broadcast %and3A_68 : i32 to vector<16xi32>
    %and3A_70 = arith.andi %iota3A, %and3A_69 : vector<16xi32>
    %dma_wait3A = arith.constant 0 : i32
    %dma_wait3A_71 = arith.constant 0 : i32
    %dma_wait3A_72 = arith.constant 0 : i32
    %dma_wait3A_73 = tpu.memref_slice %arg7[%dma_wait3A, %dma_wait3A_71, %dma_wait3A_72] : memref<2x4x128xi32, #tpu.memory_space<vmem>> -> memref<1x4x128xi32, #tpu.memory_space<vmem>>
    %dma_wait3A_74 = tpu.memref_squeeze %dma_wait3A_73 : memref<1x4x128xi32, #tpu.memory_space<vmem>> -> memref<4x128xi32, #tpu.memory_space<vmem>>
    %dma_wait3A_75 = arith.constant 0 : i32
    %dma_wait3A_76 = tpu.memref_slice %arg3[%mul3A_2, %dma_wait3A_75] : memref<128x128xi32, #tpu.memory_space<hbm>> -> memref<4x128xi32, #tpu.memory_space<hbm>>
    %dma_wait3A_77 = arith.constant 0 : i32
    %dma_wait3A_78 = arith.constant 0 : i32
    %dma_wait3A_79 = tpu.memref_slice %arg7[%dma_wait3A, %dma_wait3A_77, %dma_wait3A_78] : memref<2x4x128xi32, #tpu.memory_space<vmem>> -> memref<1x4x128xi32, #tpu.memory_space<vmem>>
    %dma_wait3A_80 = tpu.memref_squeeze %dma_wait3A_79 : memref<1x4x128xi32, #tpu.memory_space<vmem>> -> memref<4x128xi32, #tpu.memory_space<vmem>>
    %dma_wait3A_81 = arith.constant 0 : i32
    %dma_wait3A_82 = tpu.memref_slice %arg3[%mul3A_2, %dma_wait3A_81] : memref<128x128xi32, #tpu.memory_space<hbm>> -> memref<4x128xi32, #tpu.memory_space<hbm>>
    tpu.wait_dma2 semaphore(%arg11 : memref<!tpu.dma_semaphore, #tpu.memory_space<semaphore_mem>>) src(%dma_wait3A_82 : memref<4x128xi32, #tpu.memory_space<hbm>>) dst(%dma_wait3A_80 : memref<4x128xi32, #tpu.memory_space<vmem>>)
    %dma_wait3A_83 = arith.constant 1 : i32
    %dma_wait3A_84 = arith.constant 0 : i32
    %dma_wait3A_85 = arith.constant 0 : i32
    %dma_wait3A_86 = tpu.memref_slice %arg7[%dma_wait3A_83, %dma_wait3A_84, %dma_wait3A_85] : memref<2x4x128xi32, #tpu.memory_space<vmem>> -> memref<1x4x128xi32, #tpu.memory_space<vmem>>
    %dma_wait3A_87 = tpu.memref_squeeze %dma_wait3A_86 : memref<1x4x128xi32, #tpu.memory_space<vmem>> -> memref<4x128xi32, #tpu.memory_space<vmem>>
    %dma_wait3A_88 = arith.constant 0 : i32
    %dma_wait3A_89 = tpu.memref_slice %arg4[%mul3A_2, %dma_wait3A_88] : memref<128x128xi32, #tpu.memory_space<hbm>> -> memref<4x128xi32, #tpu.memory_space<hbm>>
    %dma_wait3A_90 = arith.constant 0 : i32
    %dma_wait3A_91 = arith.constant 0 : i32
    %dma_wait3A_92 = tpu.memref_slice %arg7[%dma_wait3A_83, %dma_wait3A_90, %dma_wait3A_91] : memref<2x4x128xi32, #tpu.memory_space<vmem>> -> memref<1x4x128xi32, #tpu.memory_space<vmem>>
    %dma_wait3A_93 = tpu.memref_squeeze %dma_wait3A_92 : memref<1x4x128xi32, #tpu.memory_space<vmem>> -> memref<4x128xi32, #tpu.memory_space<vmem>>
    %dma_wait3A_94 = arith.constant 0 : i32
    %dma_wait3A_95 = tpu.memref_slice %arg4[%mul3A_2, %dma_wait3A_94] : memref<128x128xi32, #tpu.memory_space<hbm>> -> memref<4x128xi32, #tpu.memory_space<hbm>>
    tpu.wait_dma2 semaphore(%arg11 : memref<!tpu.dma_semaphore, #tpu.memory_space<semaphore_mem>>) src(%dma_wait3A_95 : memref<4x128xi32, #tpu.memory_space<hbm>>) dst(%dma_wait3A_93 : memref<4x128xi32, #tpu.memory_space<vmem>>)
    %dma_start3A_96 = arith.constant 0 : i32
    %dma_start3A_97 = arith.constant 0 : i32
    %dma_start3A_98 = arith.constant 0 : i32
    %dma_start3A_99 = arith.constant 0 : i32
    %dma_start3A_100 = arith.constant 0 : i32
    %dma_start3A_101 = arith.constant 0 : i32
    %dma_start3A_102 = tpu.memref_slice %arg8[%dma_start3A_98, %dma_start3A_99, %dma_start3A_100, %dma_start3A_101] : memref<2x2x128x128xf32, #tpu.memory_space<vmem>> -> memref<1x1x128x128xf32, #tpu.memory_space<vmem>>
    %dma_start3A_103 = tpu.memref_squeeze %dma_start3A_102 : memref<1x1x128x128xf32, #tpu.memory_space<vmem>> -> memref<128x128xf32, #tpu.memory_space<vmem>>
    %dma_start3A_104 = arith.constant 0 : i32
    %dma_start3A_105 = tpu.memref_slice %arg7[%dma_start3A_96, %dma_start3A_97, %dma_start3A_104] : memref<2x4x128xi32, #tpu.memory_space<vmem>> -> memref<1x1x128xi32, #tpu.memory_space<vmem>>
    %dma_start3A_106 = tpu.memref_squeeze %dma_start3A_105 : memref<1x1x128xi32, #tpu.memory_space<vmem>> -> memref<128xi32, #tpu.memory_space<vmem>>
    %dma_start3A_107 = arith.constant 0 : i32
    %dma_start3A_108 = arith.constant 0 : i32
    %dma_start3A_109 = tpu.memref_slice %arg2[%dma_start3A_107, %dma_start3A_108] : memref<100000x128xf32, #tpu.memory_space<hbm>> -> memref<100000x128xf32, #tpu.memory_space<hbm>>
    tpu.enqueue_indirect_dma source(%dma_start3A_109 : memref<100000x128xf32, #tpu.memory_space<hbm>>) target(%dma_start3A_103 : memref<128x128xf32, #tpu.memory_space<vmem>>) offsets(%dma_start3A_106 : memref<128xi32, #tpu.memory_space<vmem>>) semaphore(%arg11 : memref<!tpu.dma_semaphore, #tpu.memory_space<semaphore_mem>>)
    %dma_start3A_110 = arith.constant 1 : i32
    %dma_start3A_111 = arith.constant 0 : i32
    %dma_start3A_112 = arith.constant 0 : i32
    %dma_start3A_113 = arith.constant 1 : i32
    %dma_start3A_114 = arith.constant 0 : i32
    %dma_start3A_115 = arith.constant 0 : i32
    %dma_start3A_116 = tpu.memref_slice %arg8[%dma_start3A_112, %dma_start3A_113, %dma_start3A_114, %dma_start3A_115] : memref<2x2x128x128xf32, #tpu.memory_space<vmem>> -> memref<1x1x128x128xf32, #tpu.memory_space<vmem>>
    %dma_start3A_117 = tpu.memref_squeeze %dma_start3A_116 : memref<1x1x128x128xf32, #tpu.memory_space<vmem>> -> memref<128x128xf32, #tpu.memory_space<vmem>>
    %dma_start3A_118 = arith.constant 0 : i32
    %dma_start3A_119 = tpu.memref_slice %arg7[%dma_start3A_110, %dma_start3A_111, %dma_start3A_118] : memref<2x4x128xi32, #tpu.memory_space<vmem>> -> memref<1x1x128xi32, #tpu.memory_space<vmem>>
    %dma_start3A_120 = tpu.memref_squeeze %dma_start3A_119 : memref<1x1x128xi32, #tpu.memory_space<vmem>> -> memref<128xi32, #tpu.memory_space<vmem>>
    %dma_start3A_121 = arith.constant 0 : i32
    %dma_start3A_122 = arith.constant 0 : i32
    %dma_start3A_123 = tpu.memref_slice %arg2[%dma_start3A_121, %dma_start3A_122] : memref<100000x128xf32, #tpu.memory_space<hbm>> -> memref<100000x128xf32, #tpu.memory_space<hbm>>
    tpu.enqueue_indirect_dma source(%dma_start3A_123 : memref<100000x128xf32, #tpu.memory_space<hbm>>) target(%dma_start3A_117 : memref<128x128xf32, #tpu.memory_space<vmem>>) offsets(%dma_start3A_120 : memref<128xi32, #tpu.memory_space<vmem>>) semaphore(%arg11 : memref<!tpu.dma_semaphore, #tpu.memory_space<semaphore_mem>>)
    %dma_wait3A_124 = arith.constant 0 : i32
    %dma_wait3A_125 = tpu.memref_slice %arg10[%dma_wait3A_124] : memref<16xf32, #tpu.memory_space<vmem>> -> memref<1xf32, #tpu.memory_space<vmem>>
    %dma_wait3A_126 = arith.constant 0 : i32
    %dma_wait3A_127 = tpu.memref_slice %arg10[%dma_wait3A_126] : memref<16xf32, #tpu.memory_space<vmem>> -> memref<1xf32, #tpu.memory_space<vmem>>
    tpu.wait_dma2 semaphore(%arg12 : memref<!tpu.dma_semaphore, #tpu.memory_space<semaphore_mem>>) src(%arg5 : memref<1xf32, #tpu.memory_space<hbm>>) dst(%dma_wait3A_127 : memref<1xf32, #tpu.memory_space<vmem>>)
    %get3A = arith.constant 0 : index
    %get3A_128 = tpu.vector_load %arg10[%get3A] {strides = array<i32>} : memref<16xf32, #tpu.memory_space<vmem>>, vector<16xf32>,
    %mul3A_129 = arith.constant 0 : i32
    %mul3A_130 = vector.broadcast %mul3A_129 : i32 to vector<16xi32>
    %mul3A_131 = arith.muli %iota3A, %mul3A_130 : vector<16xi32>
    %reshape3A = vector.shape_cast %mul3A_131 : vector<16xi32> to vector<16x1xi32>
    %gather3A = vector.shape_cast %reshape3A : vector<16x1xi32> to vector<16xi32>
    %gather3A_132 = tpu.dynamic_gather %get3A_128[%gather3A] in [0] : vector<16xf32>, vector<16xi32> -> vector<16xf32>
    %dma_start3A_133 = arith.constant 0 : i32
    %dma_start3A_134 = arith.constant 1 : i32
    %dma_start3A_135 = arith.constant 1 : i32
    %dma_start3A_136 = arith.constant 0 : i32
    %dma_start3A_137 = arith.constant 0 : i32
    %dma_start3A_138 = arith.constant 0 : i32
    %dma_start3A_139 = tpu.memref_slice %arg8[%dma_start3A_135, %dma_start3A_136, %dma_start3A_137, %dma_start3A_138] : memref<2x2x128x128xf32, #tpu.memory_space<vmem>> -> memref<1x1x128x128xf32, #tpu.memory_space<vmem>>
    %dma_start3A_140 = tpu.memref_squeeze %dma_start3A_139 : memref<1x1x128x128xf32, #tpu.memory_space<vmem>> -> memref<128x128xf32, #tpu.memory_space<vmem>>
    %dma_start3A_141 = arith.constant 0 : i32
    %dma_start3A_142 = tpu.memref_slice %arg7[%dma_start3A_133, %dma_start3A_134, %dma_start3A_141] : memref<2x4x128xi32, #tpu.memory_space<vmem>> -> memref<1x1x128xi32, #tpu.memory_space<vmem>>
    %dma_start3A_143 = tpu.memref_squeeze %dma_start3A_142 : memref<1x1x128xi32, #tpu.memory_space<vmem>> -> memref<128xi32, #tpu.memory_space<vmem>>
    %dma_start3A_144 = arith.constant 0 : i32
    %dma_start3A_145 = arith.constant 0 : i32
    %dma_start3A_146 = tpu.memref_slice %arg2[%dma_start3A_144, %dma_start3A_145] : memref<100000x128xf32, #tpu.memory_space<hbm>> -> memref<100000x128xf32, #tpu.memory_space<hbm>>
    tpu.enqueue_indirect_dma source(%dma_start3A_146 : memref<100000x128xf32, #tpu.memory_space<hbm>>) target(%dma_start3A_140 : memref<128x128xf32, #tpu.memory_space<vmem>>) offsets(%dma_start3A_143 : memref<128xi32, #tpu.memory_space<vmem>>) semaphore(%arg12 : memref<!tpu.dma_semaphore, #tpu.memory_space<semaphore_mem>>)
    %dma_start3A_147 = arith.constant 1 : i32
    %dma_start3A_148 = arith.constant 1 : i32
    %dma_start3A_149 = arith.constant 1 : i32
    %dma_start3A_150 = arith.constant 1 : i32
    %dma_start3A_151 = arith.constant 0 : i32
    %dma_start3A_152 = arith.constant 0 : i32
    %dma_start3A_153 = tpu.memref_slice %arg8[%dma_start3A_149, %dma_start3A_150, %dma_start3A_151, %dma_start3A_152] : memref<2x2x128x128xf32, #tpu.memory_space<vmem>> -> memref<1x1x128x128xf32, #tpu.memory_space<vmem>>
    %dma_start3A_154 = tpu.memref_squeeze %dma_start3A_153 : memref<1x1x128x128xf32, #tpu.memory_space<vmem>> -> memref<128x128xf32, #tpu.memory_space<vmem>>
    %dma_start3A_155 = arith.constant 0 : i32
    %dma_start3A_156 = tpu.memref_slice %arg7[%dma_start3A_147, %dma_start3A_148, %dma_start3A_155] : memref<2x4x128xi32, #tpu.memory_space<vmem>> -> memref<1x1x128xi32, #tpu.memory_space<vmem>>
    %dma_start3A_157 = tpu.memref_squeeze %dma_start3A_156 : memref<1x1x128xi32, #tpu.memory_space<vmem>> -> memref<128xi32, #tpu.memory_space<vmem>>
    %dma_start3A_158 = arith.constant 0 : i32
    %dma_start3A_159 = arith.constant 0 : i32
    %dma_start3A_160 = tpu.memref_slice %arg2[%dma_start3A_158, %dma_start3A_159] : memref<100000x128xf32, #tpu.memory_space<hbm>> -> memref<100000x128xf32, #tpu.memory_space<hbm>>
    tpu.enqueue_indirect_dma source(%dma_start3A_160 : memref<100000x128xf32, #tpu.memory_space<hbm>>) target(%dma_start3A_154 : memref<128x128xf32, #tpu.memory_space<vmem>>) offsets(%dma_start3A_157 : memref<128xi32, #tpu.memory_space<vmem>>) semaphore(%arg12 : memref<!tpu.dma_semaphore, #tpu.memory_space<semaphore_mem>>)
    %dma_wait3A_161 = arith.constant 0 : i32
    %dma_wait3A_162 = arith.constant 0 : i32
    %dma_wait3A_163 = arith.constant 0 : i32
    %dma_wait3A_164 = arith.constant 0 : i32
    %dma_wait3A_165 = arith.constant 0 : i32
    %dma_wait3A_166 = arith.constant 0 : i32
    %dma_wait3A_167 = tpu.memref_slice %arg8[%dma_wait3A_163, %dma_wait3A_164, %dma_wait3A_165, %dma_wait3A_166] : memref<2x2x128x128xf32, #tpu.memory_space<vmem>> -> memref<1x1x128x128xf32, #tpu.memory_space<vmem>>
    %dma_wait3A_168 = tpu.memref_squeeze %dma_wait3A_167 : memref<1x1x128x128xf32, #tpu.memory_space<vmem>> -> memref<128x128xf32, #tpu.memory_space<vmem>>
    %dma_wait3A_169 = arith.constant 0 : i32
    %dma_wait3A_170 = tpu.memref_slice %arg7[%dma_wait3A_161, %dma_wait3A_162, %dma_wait3A_169] : memref<2x4x128xi32, #tpu.memory_space<vmem>> -> memref<1x1x128xi32, #tpu.memory_space<vmem>>
    %dma_wait3A_171 = tpu.memref_squeeze %dma_wait3A_170 : memref<1x1x128xi32, #tpu.memory_space<vmem>> -> memref<128xi32, #tpu.memory_space<vmem>>
    %dma_wait3A_172 = arith.constant 0 : i32
    %dma_wait3A_173 = arith.constant 0 : i32
    %dma_wait3A_174 = tpu.memref_slice %arg2[%dma_wait3A_172, %dma_wait3A_173] : memref<100000x128xf32, #tpu.memory_space<hbm>> -> memref<100000x128xf32, #tpu.memory_space<hbm>>
    tpu.wait_indirect_dma semaphore(%arg11 : memref<!tpu.dma_semaphore, #tpu.memory_space<semaphore_mem>>) src(%dma_wait3A_174 : memref<100000x128xf32, #tpu.memory_space<hbm>>) dst(%dma_wait3A_168 : memref<128x128xf32, #tpu.memory_space<vmem>>)
    %dma_wait3A_175 = arith.constant 1 : i32
    %dma_wait3A_176 = arith.constant 0 : i32
    %dma_wait3A_177 = arith.constant 0 : i32
    %dma_wait3A_178 = arith.constant 1 : i32
    %dma_wait3A_179 = arith.constant 0 : i32
    %dma_wait3A_180 = arith.constant 0 : i32
    %dma_wait3A_181 = tpu.memref_slice %arg8[%dma_wait3A_177, %dma_wait3A_178, %dma_wait3A_179, %dma_wait3A_180] : memref<2x2x128x128xf32, #tpu.memory_space<vmem>> -> memref<1x1x128x128xf32, #tpu.memory_space<vmem>>
    %dma_wait3A_182 = tpu.memref_squeeze %dma_wait3A_181 : memref<1x1x128x128xf32, #tpu.memory_space<vmem>> -> memref<128x128xf32, #tpu.memory_space<vmem>>
    %dma_wait3A_183 = arith.constant 0 : i32
    %dma_wait3A_184 = tpu.memref_slice %arg7[%dma_wait3A_175, %dma_wait3A_176, %dma_wait3A_183] : memref<2x4x128xi32, #tpu.memory_space<vmem>> -> memref<1x1x128xi32, #tpu.memory_space<vmem>>
    %dma_wait3A_185 = tpu.memref_squeeze %dma_wait3A_184 : memref<1x1x128xi32, #tpu.memory_space<vmem>> -> memref<128xi32, #tpu.memory_space<vmem>>
    %dma_wait3A_186 = arith.constant 0 : i32
    %dma_wait3A_187 = arith.constant 0 : i32
    %dma_wait3A_188 = tpu.memref_slice %arg2[%dma_wait3A_186, %dma_wait3A_187] : memref<100000x128xf32, #tpu.memory_space<hbm>> -> memref<100000x128xf32, #tpu.memory_space<hbm>>
    tpu.wait_indirect_dma semaphore(%arg11 : memref<!tpu.dma_semaphore, #tpu.memory_space<semaphore_mem>>) src(%dma_wait3A_188 : memref<100000x128xf32, #tpu.memory_space<hbm>>) dst(%dma_wait3A_182 : memref<128x128xf32, #tpu.memory_space<vmem>>)
    %parallel_loop3A = arith.constant 0 : i32
    %parallel_loop3A_189 = arith.constant 32 : i32
    %parallel_loop3A_190 = arith.constant 1 : i32
    scf.for %parallel_loop3A_1266 = %parallel_loop3A to %parallel_loop3A_189 step %parallel_loop3A_190  : i32 {
      %parallel_loop3A_1267 = arith.constant 2 : i32
      %parallel_loop3A_1268 = arith.shrsi %parallel_loop3A_1266, %parallel_loop3A_1267 : i32
      %parallel_loop3A_1269 = arith.constant 3 : i32
      %parallel_loop3A_1270 = arith.andi %parallel_loop3A_1266, %parallel_loop3A_1269 : i32
      %parallel_loop3A_1271 = arith.constant 16 : i32
      %parallel_loop3A_1272 = arith.muli %parallel_loop3A_1268, %parallel_loop3A_1271 : i32
      %parallel_loop3A_1273 = arith.addi %parallel_loop3A_1272, %parallel_loop3A_1270 : i32
      %parallel_loop3A_1274 = arith.constant 0 : i32
      %parallel_loop3A_1275 = arith.constant 0 : i32
      %parallel_loop3A_1276 = arith.index_cast %parallel_loop3A_1274 : i32 to index
      %parallel_loop3A_1277 = arith.index_cast %parallel_loop3A_1275 : i32 to index
      %parallel_loop3A_1278 = arith.index_cast %parallel_loop3A_1273 : i32 to index
      %parallel_loop3A_1279 = arith.constant 0 : index
      %parallel_loop3A_1280 = tpu.vector_load %arg8[%parallel_loop3A_1276, %parallel_loop3A_1277, %parallel_loop3A_1278, %parallel_loop3A_1279] {strides = array<i32>} : memref<2x2x128x128xf32, #tpu.memory_space<vmem>>, vector<16xf32>,
      %parallel_loop3A_1281 = arith.constant 0 : i32
      %parallel_loop3A_1282 = arith.constant 1 : i32
      %parallel_loop3A_1283 = arith.index_cast %parallel_loop3A_1281 : i32 to index
      %parallel_loop3A_1284 = arith.index_cast %parallel_loop3A_1282 : i32 to index
      %parallel_loop3A_1285 = arith.index_cast %parallel_loop3A_1273 : i32 to index
      %parallel_loop3A_1286 = arith.constant 0 : index
      %parallel_loop3A_1287 = tpu.vector_load %arg8[%parallel_loop3A_1283, %parallel_loop3A_1284, %parallel_loop3A_1285, %parallel_loop3A_1286] {strides = array<i32>} : memref<2x2x128x128xf32, #tpu.memory_space<vmem>>, vector<16xf32>,
      %parallel_loop3A_1288 = arith.subf %parallel_loop3A_1280, %parallel_loop3A_1287 : vector<16xf32>
      %parallel_loop3A_1289 = arith.mulf %parallel_loop3A_1288, %parallel_loop3A_1288 : vector<16xf32>
      %parallel_loop3A_1290 = arith.constant 0 : i32
      %parallel_loop3A_1291 = arith.constant 0 : i32
      %parallel_loop3A_1292 = arith.index_cast %parallel_loop3A_1290 : i32 to index
      %parallel_loop3A_1293 = arith.index_cast %parallel_loop3A_1291 : i32 to index
      %parallel_loop3A_1294 = arith.index_cast %parallel_loop3A_1273 : i32 to index
      %parallel_loop3A_1295 = arith.constant 16 : index
      %parallel_loop3A_1296 = tpu.vector_load %arg8[%parallel_loop3A_1292, %parallel_loop3A_1293, %parallel_loop3A_1294, %parallel_loop3A_1295] {strides = array<i32>} : memref<2x2x128x128xf32, #tpu.memory_space<vmem>>, vector<16xf32>,
      %parallel_loop3A_1297 = arith.constant 0 : i32
      %parallel_loop3A_1298 = arith.constant 1 : i32
      %parallel_loop3A_1299 = arith.index_cast %parallel_loop3A_1297 : i32 to index
      %parallel_loop3A_1300 = arith.index_cast %parallel_loop3A_1298 : i32 to index
      %parallel_loop3A_1301 = arith.index_cast %parallel_loop3A_1273 : i32 to index
      %parallel_loop3A_1302 = arith.constant 16 : index
      %parallel_loop3A_1303 = tpu.vector_load %arg8[%parallel_loop3A_1299, %parallel_loop3A_1300, %parallel_loop3A_1301, %parallel_loop3A_1302] {strides = array<i32>} : memref<2x2x128x128xf32, #tpu.memory_space<vmem>>, vector<16xf32>,
      %parallel_loop3A_1304 = arith.subf %parallel_loop3A_1296, %parallel_loop3A_1303 : vector<16xf32>
      %parallel_loop3A_1305 = arith.mulf %parallel_loop3A_1304, %parallel_loop3A_1304 : vector<16xf32>
      %parallel_loop3A_1306 = arith.addf %parallel_loop3A_1289, %parallel_loop3A_1305 : vector<16xf32>
      %parallel_loop3A_1307 = arith.constant 0 : i32
      %parallel_loop3A_1308 = arith.constant 0 : i32
      %parallel_loop3A_1309 = arith.index_cast %parallel_loop3A_1307 : i32 to index
      %parallel_loop3A_1310 = arith.index_cast %parallel_loop3A_1308 : i32 to index
      %parallel_loop3A_1311 = arith.index_cast %parallel_loop3A_1273 : i32 to index
      %parallel_loop3A_1312 = arith.constant 32 : index
      %parallel_loop3A_1313 = tpu.vector_load %arg8[%parallel_loop3A_1309, %parallel_loop3A_1310, %parallel_loop3A_1311, %parallel_loop3A_1312] {strides = array<i32>} : memref<2x2x128x128xf32, #tpu.memory_space<vmem>>, vector<16xf32>,
      %parallel_loop3A_1314 = arith.constant 0 : i32
      %parallel_loop3A_1315 = arith.constant 1 : i32
      %parallel_loop3A_1316 = arith.index_cast %parallel_loop3A_1314 : i32 to index
      %parallel_loop3A_1317 = arith.index_cast %parallel_loop3A_1315 : i32 to index
      %parallel_loop3A_1318 = arith.index_cast %parallel_loop3A_1273 : i32 to index
      %parallel_loop3A_1319 = arith.constant 32 : index
      %parallel_loop3A_1320 = tpu.vector_load %arg8[%parallel_loop3A_1316, %parallel_loop3A_1317, %parallel_loop3A_1318, %parallel_loop3A_1319] {strides = array<i32>} : memref<2x2x128x128xf32, #tpu.memory_space<vmem>>, vector<16xf32>,
      %parallel_loop3A_1321 = arith.subf %parallel_loop3A_1313, %parallel_loop3A_1320 : vector<16xf32>
      %parallel_loop3A_1322 = arith.mulf %parallel_loop3A_1321, %parallel_loop3A_1321 : vector<16xf32>
      %parallel_loop3A_1323 = arith.addf %parallel_loop3A_1306, %parallel_loop3A_1322 : vector<16xf32>
      %parallel_loop3A_1324 = arith.constant 0 : i32
      %parallel_loop3A_1325 = arith.constant 0 : i32
      %parallel_loop3A_1326 = arith.index_cast %parallel_loop3A_1324 : i32 to index
      %parallel_loop3A_1327 = arith.index_cast %parallel_loop3A_1325 : i32 to index
      %parallel_loop3A_1328 = arith.index_cast %parallel_loop3A_1273 : i32 to index
      %parallel_loop3A_1329 = arith.constant 48 : index
      %parallel_loop3A_1330 = tpu.vector_load %arg8[%parallel_loop3A_1326, %parallel_loop3A_1327, %parallel_loop3A_1328, %parallel_loop3A_1329] {strides = array<i32>} : memref<2x2x128x128xf32, #tpu.memory_space<vmem>>, vector<16xf32>,
      %parallel_loop3A_1331 = arith.constant 0 : i32
      %parallel_loop3A_1332 = arith.constant 1 : i32
      %parallel_loop3A_1333 = arith.index_cast %parallel_loop3A_1331 : i32 to index
      %parallel_loop3A_1334 = arith.index_cast %parallel_loop3A_1332 : i32 to index
      %parallel_loop3A_1335 = arith.index_cast %parallel_loop3A_1273 : i32 to index
      %parallel_loop3A_1336 = arith.constant 48 : index
      %parallel_loop3A_1337 = tpu.vector_load %arg8[%parallel_loop3A_1333, %parallel_loop3A_1334, %parallel_loop3A_1335, %parallel_loop3A_1336] {strides = array<i32>} : memref<2x2x128x128xf32, #tpu.memory_space<vmem>>, vector<16xf32>,
      %parallel_loop3A_1338 = arith.subf %parallel_loop3A_1330, %parallel_loop3A_1337 : vector<16xf32>
      %parallel_loop3A_1339 = arith.mulf %parallel_loop3A_1338, %parallel_loop3A_1338 : vector<16xf32>
      %parallel_loop3A_1340 = arith.addf %parallel_loop3A_1323, %parallel_loop3A_1339 : vector<16xf32>
      %parallel_loop3A_1341 = arith.constant 0 : i32
      %parallel_loop3A_1342 = arith.constant 0 : i32
      %parallel_loop3A_1343 = arith.index_cast %parallel_loop3A_1341 : i32 to index
      %parallel_loop3A_1344 = arith.index_cast %parallel_loop3A_1342 : i32 to index
      %parallel_loop3A_1345 = arith.index_cast %parallel_loop3A_1273 : i32 to index
      %parallel_loop3A_1346 = arith.constant 64 : index
      %parallel_loop3A_1347 = tpu.vector_load %arg8[%parallel_loop3A_1343, %parallel_loop3A_1344, %parallel_loop3A_1345, %parallel_loop3A_1346] {strides = array<i32>} : memref<2x2x128x128xf32, #tpu.memory_space<vmem>>, vector<16xf32>,
      %parallel_loop3A_1348 = arith.constant 0 : i32
      %parallel_loop3A_1349 = arith.constant 1 : i32
      %parallel_loop3A_1350 = arith.index_cast %parallel_loop3A_1348 : i32 to index
      %parallel_loop3A_1351 = arith.index_cast %parallel_loop3A_1349 : i32 to index
      %parallel_loop3A_1352 = arith.index_cast %parallel_loop3A_1273 : i32 to index
      %parallel_loop3A_1353 = arith.constant 64 : index
      %parallel_loop3A_1354 = tpu.vector_load %arg8[%parallel_loop3A_1350, %parallel_loop3A_1351, %parallel_loop3A_1352, %parallel_loop3A_1353] {strides = array<i32>} : memref<2x2x128x128xf32, #tpu.memory_space<vmem>>, vector<16xf32>,
      %parallel_loop3A_1355 = arith.subf %parallel_loop3A_1347, %parallel_loop3A_1354 : vector<16xf32>
      %parallel_loop3A_1356 = arith.mulf %parallel_loop3A_1355, %parallel_loop3A_1355 : vector<16xf32>
      %parallel_loop3A_1357 = arith.addf %parallel_loop3A_1340, %parallel_loop3A_1356 : vector<16xf32>
      %parallel_loop3A_1358 = arith.constant 0 : i32
      %parallel_loop3A_1359 = arith.constant 0 : i32
      %parallel_loop3A_1360 = arith.index_cast %parallel_loop3A_1358 : i32 to index
      %parallel_loop3A_1361 = arith.index_cast %parallel_loop3A_1359 : i32 to index
      %parallel_loop3A_1362 = arith.index_cast %parallel_loop3A_1273 : i32 to index
      %parallel_loop3A_1363 = arith.constant 80 : index
      %parallel_loop3A_1364 = tpu.vector_load %arg8[%parallel_loop3A_1360, %parallel_loop3A_1361, %parallel_loop3A_1362, %parallel_loop3A_1363] {strides = array<i32>} : memref<2x2x128x128xf32, #tpu.memory_space<vmem>>, vector<16xf32>,
      %parallel_loop3A_1365 = arith.constant 0 : i32
      %parallel_loop3A_1366 = arith.constant 1 : i32
      %parallel_loop3A_1367 = arith.index_cast %parallel_loop3A_1365 : i32 to index
      %parallel_loop3A_1368 = arith.index_cast %parallel_loop3A_1366 : i32 to index
      %parallel_loop3A_1369 = arith.index_cast %parallel_loop3A_1273 : i32 to index
      %parallel_loop3A_1370 = arith.constant 80 : index
      %parallel_loop3A_1371 = tpu.vector_load %arg8[%parallel_loop3A_1367, %parallel_loop3A_1368, %parallel_loop3A_1369, %parallel_loop3A_1370] {strides = array<i32>} : memref<2x2x128x128xf32, #tpu.memory_space<vmem>>, vector<16xf32>,
      %parallel_loop3A_1372 = arith.subf %parallel_loop3A_1364, %parallel_loop3A_1371 : vector<16xf32>
      %parallel_loop3A_1373 = arith.mulf %parallel_loop3A_1372, %parallel_loop3A_1372 : vector<16xf32>
      %parallel_loop3A_1374 = arith.addf %parallel_loop3A_1357, %parallel_loop3A_1373 : vector<16xf32>
      %parallel_loop3A_1375 = arith.constant 0 : i32
      %parallel_loop3A_1376 = arith.constant 0 : i32
      %parallel_loop3A_1377 = arith.index_cast %parallel_loop3A_1375 : i32 to index
      %parallel_loop3A_1378 = arith.index_cast %parallel_loop3A_1376 : i32 to index
      %parallel_loop3A_1379 = arith.index_cast %parallel_loop3A_1273 : i32 to index
      %parallel_loop3A_1380 = arith.constant 96 : index
      %parallel_loop3A_1381 = tpu.vector_load %arg8[%parallel_loop3A_1377, %parallel_loop3A_1378, %parallel_loop3A_1379, %parallel_loop3A_1380] {strides = array<i32>} : memref<2x2x128x128xf32, #tpu.memory_space<vmem>>, vector<16xf32>,
      %parallel_loop3A_1382 = arith.constant 0 : i32
      %parallel_loop3A_1383 = arith.constant 1 : i32
      %parallel_loop3A_1384 = arith.index_cast %parallel_loop3A_1382 : i32 to index
      %parallel_loop3A_1385 = arith.index_cast %parallel_loop3A_1383 : i32 to index
      %parallel_loop3A_1386 = arith.index_cast %parallel_loop3A_1273 : i32 to index
      %parallel_loop3A_1387 = arith.constant 96 : index
      %parallel_loop3A_1388 = tpu.vector_load %arg8[%parallel_loop3A_1384, %parallel_loop3A_1385, %parallel_loop3A_1386, %parallel_loop3A_1387] {strides = array<i32>} : memref<2x2x128x128xf32, #tpu.memory_space<vmem>>, vector<16xf32>,
      %parallel_loop3A_1389 = arith.subf %parallel_loop3A_1381, %parallel_loop3A_1388 : vector<16xf32>
      %parallel_loop3A_1390 = arith.mulf %parallel_loop3A_1389, %parallel_loop3A_1389 : vector<16xf32>
      %parallel_loop3A_1391 = arith.addf %parallel_loop3A_1374, %parallel_loop3A_1390 : vector<16xf32>
      %parallel_loop3A_1392 = arith.constant 0 : i32
      %parallel_loop3A_1393 = arith.constant 0 : i32
      %parallel_loop3A_1394 = arith.index_cast %parallel_loop3A_1392 : i32 to index
      %parallel_loop3A_1395 = arith.index_cast %parallel_loop3A_1393 : i32 to index
      %parallel_loop3A_1396 = arith.index_cast %parallel_loop3A_1273 : i32 to index
      %parallel_loop3A_1397 = arith.constant 112 : index
      %parallel_loop3A_1398 = tpu.vector_load %arg8[%parallel_loop3A_1394, %parallel_loop3A_1395, %parallel_loop3A_1396, %parallel_loop3A_1397] {strides = array<i32>} : memref<2x2x128x128xf32, #tpu.memory_space<vmem>>, vector<16xf32>,
      %parallel_loop3A_1399 = arith.constant 0 : i32
      %parallel_loop3A_1400 = arith.constant 1 : i32
      %parallel_loop3A_1401 = arith.index_cast %parallel_loop3A_1399 : i32 to index
      %parallel_loop3A_1402 = arith.index_cast %parallel_loop3A_1400 : i32 to index
      %parallel_loop3A_1403 = arith.index_cast %parallel_loop3A_1273 : i32 to index
      %parallel_loop3A_1404 = arith.constant 112 : index
      %parallel_loop3A_1405 = tpu.vector_load %arg8[%parallel_loop3A_1401, %parallel_loop3A_1402, %parallel_loop3A_1403, %parallel_loop3A_1404] {strides = array<i32>} : memref<2x2x128x128xf32, #tpu.memory_space<vmem>>, vector<16xf32>,
      %parallel_loop3A_1406 = arith.subf %parallel_loop3A_1398, %parallel_loop3A_1405 : vector<16xf32>
      %parallel_loop3A_1407 = arith.mulf %parallel_loop3A_1406, %parallel_loop3A_1406 : vector<16xf32>
      %parallel_loop3A_1408 = arith.addf %parallel_loop3A_1391, %parallel_loop3A_1407 : vector<16xf32>
      %parallel_loop3A_1409 = arith.constant 4 : i32
      %parallel_loop3A_1410 = arith.addi %parallel_loop3A_1273, %parallel_loop3A_1409 : i32
      %parallel_loop3A_1411 = arith.constant 0 : i32
      %parallel_loop3A_1412 = arith.constant 0 : i32
      %parallel_loop3A_1413 = arith.index_cast %parallel_loop3A_1411 : i32 to index
      %parallel_loop3A_1414 = arith.index_cast %parallel_loop3A_1412 : i32 to index
      %parallel_loop3A_1415 = arith.index_cast %parallel_loop3A_1410 : i32 to index
      %parallel_loop3A_1416 = arith.constant 0 : index
      %parallel_loop3A_1417 = tpu.vector_load %arg8[%parallel_loop3A_1413, %parallel_loop3A_1414, %parallel_loop3A_1415, %parallel_loop3A_1416] {strides = array<i32>} : memref<2x2x128x128xf32, #tpu.memory_space<vmem>>, vector<16xf32>,
      %parallel_loop3A_1418 = arith.constant 0 : i32
      %parallel_loop3A_1419 = arith.constant 1 : i32
      %parallel_loop3A_1420 = arith.index_cast %parallel_loop3A_1418 : i32 to index
      %parallel_loop3A_1421 = arith.index_cast %parallel_loop3A_1419 : i32 to index
      %parallel_loop3A_1422 = arith.index_cast %parallel_loop3A_1410 : i32 to index
      %parallel_loop3A_1423 = arith.constant 0 : index
      %parallel_loop3A_1424 = tpu.vector_load %arg8[%parallel_loop3A_1420, %parallel_loop3A_1421, %parallel_loop3A_1422, %parallel_loop3A_1423] {strides = array<i32>} : memref<2x2x128x128xf32, #tpu.memory_space<vmem>>, vector<16xf32>,
      %parallel_loop3A_1425 = arith.subf %parallel_loop3A_1417, %parallel_loop3A_1424 : vector<16xf32>
      %parallel_loop3A_1426 = arith.mulf %parallel_loop3A_1425, %parallel_loop3A_1425 : vector<16xf32>
      %parallel_loop3A_1427 = arith.constant 0 : i32
      %parallel_loop3A_1428 = arith.constant 0 : i32
      %parallel_loop3A_1429 = arith.index_cast %parallel_loop3A_1427 : i32 to index
      %parallel_loop3A_1430 = arith.index_cast %parallel_loop3A_1428 : i32 to index
      %parallel_loop3A_1431 = arith.index_cast %parallel_loop3A_1410 : i32 to index
      %parallel_loop3A_1432 = arith.constant 16 : index
      %parallel_loop3A_1433 = tpu.vector_load %arg8[%parallel_loop3A_1429, %parallel_loop3A_1430, %parallel_loop3A_1431, %parallel_loop3A_1432] {strides = array<i32>} : memref<2x2x128x128xf32, #tpu.memory_space<vmem>>, vector<16xf32>,
      %parallel_loop3A_1434 = arith.constant 0 : i32
      %parallel_loop3A_1435 = arith.constant 1 : i32
      %parallel_loop3A_1436 = arith.index_cast %parallel_loop3A_1434 : i32 to index
      %parallel_loop3A_1437 = arith.index_cast %parallel_loop3A_1435 : i32 to index
      %parallel_loop3A_1438 = arith.index_cast %parallel_loop3A_1410 : i32 to index
      %parallel_loop3A_1439 = arith.constant 16 : index
      %parallel_loop3A_1440 = tpu.vector_load %arg8[%parallel_loop3A_1436, %parallel_loop3A_1437, %parallel_loop3A_1438, %parallel_loop3A_1439] {strides = array<i32>} : memref<2x2x128x128xf32, #tpu.memory_space<vmem>>, vector<16xf32>,
      %parallel_loop3A_1441 = arith.subf %parallel_loop3A_1433, %parallel_loop3A_1440 : vector<16xf32>
      %parallel_loop3A_1442 = arith.mulf %parallel_loop3A_1441, %parallel_loop3A_1441 : vector<16xf32>
      %parallel_loop3A_1443 = arith.addf %parallel_loop3A_1426, %parallel_loop3A_1442 : vector<16xf32>
      %parallel_loop3A_1444 = arith.constant 0 : i32
      %parallel_loop3A_1445 = arith.constant 0 : i32
      %parallel_loop3A_1446 = arith.index_cast %parallel_loop3A_1444 : i32 to index
      %parallel_loop3A_1447 = arith.index_cast %parallel_loop3A_1445 : i32 to index
      %parallel_loop3A_1448 = arith.index_cast %parallel_loop3A_1410 : i32 to index
      %parallel_loop3A_1449 = arith.constant 32 : index
      %parallel_loop3A_1450 = tpu.vector_load %arg8[%parallel_loop3A_1446, %parallel_loop3A_1447, %parallel_loop3A_1448, %parallel_loop3A_1449] {strides = array<i32>} : memref<2x2x128x128xf32, #tpu.memory_space<vmem>>, vector<16xf32>,
      %parallel_loop3A_1451 = arith.constant 0 : i32
      %parallel_loop3A_1452 = arith.constant 1 : i32
      %parallel_loop3A_1453 = arith.index_cast %parallel_loop3A_1451 : i32 to index
      %parallel_loop3A_1454 = arith.index_cast %parallel_loop3A_1452 : i32 to index
      %parallel_loop3A_1455 = arith.index_cast %parallel_loop3A_1410 : i32 to index
      %parallel_loop3A_1456 = arith.constant 32 : index
      %parallel_loop3A_1457 = tpu.vector_load %arg8[%parallel_loop3A_1453, %parallel_loop3A_1454, %parallel_loop3A_1455, %parallel_loop3A_1456] {strides = array<i32>} : memref<2x2x128x128xf32, #tpu.memory_space<vmem>>, vector<16xf32>,
      %parallel_loop3A_1458 = arith.subf %parallel_loop3A_1450, %parallel_loop3A_1457 : vector<16xf32>
      %parallel_loop3A_1459 = arith.mulf %parallel_loop3A_1458, %parallel_loop3A_1458 : vector<16xf32>
      %parallel_loop3A_1460 = arith.addf %parallel_loop3A_1443, %parallel_loop3A_1459 : vector<16xf32>
      %parallel_loop3A_1461 = arith.constant 0 : i32
      %parallel_loop3A_1462 = arith.constant 0 : i32
      %parallel_loop3A_1463 = arith.index_cast %parallel_loop3A_1461 : i32 to index
      %parallel_loop3A_1464 = arith.index_cast %parallel_loop3A_1462 : i32 to index
      %parallel_loop3A_1465 = arith.index_cast %parallel_loop3A_1410 : i32 to index
      %parallel_loop3A_1466 = arith.constant 48 : index
      %parallel_loop3A_1467 = tpu.vector_load %arg8[%parallel_loop3A_1463, %parallel_loop3A_1464, %parallel_loop3A_1465, %parallel_loop3A_1466] {strides = array<i32>} : memref<2x2x128x128xf32, #tpu.memory_space<vmem>>, vector<16xf32>,
      %parallel_loop3A_1468 = arith.constant 0 : i32
      %parallel_loop3A_1469 = arith.constant 1 : i32
      %parallel_loop3A_1470 = arith.index_cast %parallel_loop3A_1468 : i32 to index
      %parallel_loop3A_1471 = arith.index_cast %parallel_loop3A_1469 : i32 to index
      %parallel_loop3A_1472 = arith.index_cast %parallel_loop3A_1410 : i32 to index
      %parallel_loop3A_1473 = arith.constant 48 : index
      %parallel_loop3A_1474 = tpu.vector_load %arg8[%parallel_loop3A_1470, %parallel_loop3A_1471, %parallel_loop3A_1472, %parallel_loop3A_1473] {strides = array<i32>} : memref<2x2x128x128xf32, #tpu.memory_space<vmem>>, vector<16xf32>,
      %parallel_loop3A_1475 = arith.subf %parallel_loop3A_1467, %parallel_loop3A_1474 : vector<16xf32>
      %parallel_loop3A_1476 = arith.mulf %parallel_loop3A_1475, %parallel_loop3A_1475 : vector<16xf32>
      %parallel_loop3A_1477 = arith.addf %parallel_loop3A_1460, %parallel_loop3A_1476 : vector<16xf32>
      %parallel_loop3A_1478 = arith.constant 0 : i32
      %parallel_loop3A_1479 = arith.constant 0 : i32
      %parallel_loop3A_1480 = arith.index_cast %parallel_loop3A_1478 : i32 to index
      %parallel_loop3A_1481 = arith.index_cast %parallel_loop3A_1479 : i32 to index
      %parallel_loop3A_1482 = arith.index_cast %parallel_loop3A_1410 : i32 to index
      %parallel_loop3A_1483 = arith.constant 64 : index
      %parallel_loop3A_1484 = tpu.vector_load %arg8[%parallel_loop3A_1480, %parallel_loop3A_1481, %parallel_loop3A_1482, %parallel_loop3A_1483] {strides = array<i32>} : memref<2x2x128x128xf32, #tpu.memory_space<vmem>>, vector<16xf32>,
      %parallel_loop3A_1485 = arith.constant 0 : i32
      %parallel_loop3A_1486 = arith.constant 1 : i32
      %parallel_loop3A_1487 = arith.index_cast %parallel_loop3A_1485 : i32 to index
      %parallel_loop3A_1488 = arith.index_cast %parallel_loop3A_1486 : i32 to index
      %parallel_loop3A_1489 = arith.index_cast %parallel_loop3A_1410 : i32 to index
      %parallel_loop3A_1490 = arith.constant 64 : index
      %parallel_loop3A_1491 = tpu.vector_load %arg8[%parallel_loop3A_1487, %parallel_loop3A_1488, %parallel_loop3A_1489, %parallel_loop3A_1490] {strides = array<i32>} : memref<2x2x128x128xf32, #tpu.memory_space<vmem>>, vector<16xf32>,
      %parallel_loop3A_1492 = arith.subf %parallel_loop3A_1484, %parallel_loop3A_1491 : vector<16xf32>
      %parallel_loop3A_1493 = arith.mulf %parallel_loop3A_1492, %parallel_loop3A_1492 : vector<16xf32>
      %parallel_loop3A_1494 = arith.addf %parallel_loop3A_1477, %parallel_loop3A_1493 : vector<16xf32>
      %parallel_loop3A_1495 = arith.constant 0 : i32
      %parallel_loop3A_1496 = arith.constant 0 : i32
      %parallel_loop3A_1497 = arith.index_cast %parallel_loop3A_1495 : i32 to index
      %parallel_loop3A_1498 = arith.index_cast %parallel_loop3A_1496 : i32 to index
      %parallel_loop3A_1499 = arith.index_cast %parallel_loop3A_1410 : i32 to index
      %parallel_loop3A_1500 = arith.constant 80 : index
      %parallel_loop3A_1501 = tpu.vector_load %arg8[%parallel_loop3A_1497, %parallel_loop3A_1498, %parallel_loop3A_1499, %parallel_loop3A_1500] {strides = array<i32>} : memref<2x2x128x128xf32, #tpu.memory_space<vmem>>, vector<16xf32>,
      %parallel_loop3A_1502 = arith.constant 0 : i32
      %parallel_loop3A_1503 = arith.constant 1 : i32
      %parallel_loop3A_1504 = arith.index_cast %parallel_loop3A_1502 : i32 to index
      %parallel_loop3A_1505 = arith.index_cast %parallel_loop3A_1503 : i32 to index
      %parallel_loop3A_1506 = arith.index_cast %parallel_loop3A_1410 : i32 to index
      %parallel_loop3A_1507 = arith.constant 80 : index
      %parallel_loop3A_1508 = tpu.vector_load %arg8[%parallel_loop3A_1504, %parallel_loop3A_1505, %parallel_loop3A_1506, %parallel_loop3A_1507] {strides = array<i32>} : memref<2x2x128x128xf32, #tpu.memory_space<vmem>>, vector<16xf32>,
      %parallel_loop3A_1509 = arith.subf %parallel_loop3A_1501, %parallel_loop3A_1508 : vector<16xf32>
      %parallel_loop3A_1510 = arith.mulf %parallel_loop3A_1509, %parallel_loop3A_1509 : vector<16xf32>
      %parallel_loop3A_1511 = arith.addf %parallel_loop3A_1494, %parallel_loop3A_1510 : vector<16xf32>
      %parallel_loop3A_1512 = arith.constant 0 : i32
      %parallel_loop3A_1513 = arith.constant 0 : i32
      %parallel_loop3A_1514 = arith.index_cast %parallel_loop3A_1512 : i32 to index
      %parallel_loop3A_1515 = arith.index_cast %parallel_loop3A_1513 : i32 to index
      %parallel_loop3A_1516 = arith.index_cast %parallel_loop3A_1410 : i32 to index
      %parallel_loop3A_1517 = arith.constant 96 : index
      %parallel_loop3A_1518 = tpu.vector_load %arg8[%parallel_loop3A_1514, %parallel_loop3A_1515, %parallel_loop3A_1516, %parallel_loop3A_1517] {strides = array<i32>} : memref<2x2x128x128xf32, #tpu.memory_space<vmem>>, vector<16xf32>,
      %parallel_loop3A_1519 = arith.constant 0 : i32
      %parallel_loop3A_1520 = arith.constant 1 : i32
      %parallel_loop3A_1521 = arith.index_cast %parallel_loop3A_1519 : i32 to index
      %parallel_loop3A_1522 = arith.index_cast %parallel_loop3A_1520 : i32 to index
      %parallel_loop3A_1523 = arith.index_cast %parallel_loop3A_1410 : i32 to index
      %parallel_loop3A_1524 = arith.constant 96 : index
      %parallel_loop3A_1525 = tpu.vector_load %arg8[%parallel_loop3A_1521, %parallel_loop3A_1522, %parallel_loop3A_1523, %parallel_loop3A_1524] {strides = array<i32>} : memref<2x2x128x128xf32, #tpu.memory_space<vmem>>, vector<16xf32>,
      %parallel_loop3A_1526 = arith.subf %parallel_loop3A_1518, %parallel_loop3A_1525 : vector<16xf32>
      %parallel_loop3A_1527 = arith.mulf %parallel_loop3A_1526, %parallel_loop3A_1526 : vector<16xf32>
      %parallel_loop3A_1528 = arith.addf %parallel_loop3A_1511, %parallel_loop3A_1527 : vector<16xf32>
      %parallel_loop3A_1529 = arith.constant 0 : i32
      %parallel_loop3A_1530 = arith.constant 0 : i32
      %parallel_loop3A_1531 = arith.index_cast %parallel_loop3A_1529 : i32 to index
      %parallel_loop3A_1532 = arith.index_cast %parallel_loop3A_1530 : i32 to index
      %parallel_loop3A_1533 = arith.index_cast %parallel_loop3A_1410 : i32 to index
      %parallel_loop3A_1534 = arith.constant 112 : index
      %parallel_loop3A_1535 = tpu.vector_load %arg8[%parallel_loop3A_1531, %parallel_loop3A_1532, %parallel_loop3A_1533, %parallel_loop3A_1534] {strides = array<i32>} : memref<2x2x128x128xf32, #tpu.memory_space<vmem>>, vector<16xf32>,
      %parallel_loop3A_1536 = arith.constant 0 : i32
      %parallel_loop3A_1537 = arith.constant 1 : i32
      %parallel_loop3A_1538 = arith.index_cast %parallel_loop3A_1536 : i32 to index
      %parallel_loop3A_1539 = arith.index_cast %parallel_loop3A_1537 : i32 to index
      %parallel_loop3A_1540 = arith.index_cast %parallel_loop3A_1410 : i32 to index
      %parallel_loop3A_1541 = arith.constant 112 : index
      %parallel_loop3A_1542 = tpu.vector_load %arg8[%parallel_loop3A_1538, %parallel_loop3A_1539, %parallel_loop3A_1540, %parallel_loop3A_1541] {strides = array<i32>} : memref<2x2x128x128xf32, #tpu.memory_space<vmem>>, vector<16xf32>,
      %parallel_loop3A_1543 = arith.subf %parallel_loop3A_1535, %parallel_loop3A_1542 : vector<16xf32>
      %parallel_loop3A_1544 = arith.mulf %parallel_loop3A_1543, %parallel_loop3A_1543 : vector<16xf32>
      %parallel_loop3A_1545 = arith.addf %parallel_loop3A_1528, %parallel_loop3A_1544 : vector<16xf32>
      %parallel_loop3A_1546 = arith.constant 8 : i32
      %parallel_loop3A_1547 = arith.addi %parallel_loop3A_1273, %parallel_loop3A_1546 : i32
      %parallel_loop3A_1548 = arith.constant 0 : i32
      %parallel_loop3A_1549 = arith.constant 0 : i32
      %parallel_loop3A_1550 = arith.index_cast %parallel_loop3A_1548 : i32 to index
      %parallel_loop3A_1551 = arith.index_cast %parallel_loop3A_1549 : i32 to index
      %parallel_loop3A_1552 = arith.index_cast %parallel_loop3A_1547 : i32 to index
      %parallel_loop3A_1553 = arith.constant 0 : index
      %parallel_loop3A_1554 = tpu.vector_load %arg8[%parallel_loop3A_1550, %parallel_loop3A_1551, %parallel_loop3A_1552, %parallel_loop3A_1553] {strides = array<i32>} : memref<2x2x128x128xf32, #tpu.memory_space<vmem>>, vector<16xf32>,
      %parallel_loop3A_1555 = arith.constant 0 : i32
      %parallel_loop3A_1556 = arith.constant 1 : i32
      %parallel_loop3A_1557 = arith.index_cast %parallel_loop3A_1555 : i32 to index
      %parallel_loop3A_1558 = arith.index_cast %parallel_loop3A_1556 : i32 to index
      %parallel_loop3A_1559 = arith.index_cast %parallel_loop3A_1547 : i32 to index
      %parallel_loop3A_1560 = arith.constant 0 : index
      %parallel_loop3A_1561 = tpu.vector_load %arg8[%parallel_loop3A_1557, %parallel_loop3A_1558, %parallel_loop3A_1559, %parallel_loop3A_1560] {strides = array<i32>} : memref<2x2x128x128xf32, #tpu.memory_space<vmem>>, vector<16xf32>,
      %parallel_loop3A_1562 = arith.subf %parallel_loop3A_1554, %parallel_loop3A_1561 : vector<16xf32>
      %parallel_loop3A_1563 = arith.mulf %parallel_loop3A_1562, %parallel_loop3A_1562 : vector<16xf32>
      %parallel_loop3A_1564 = arith.constant 0 : i32
      %parallel_loop3A_1565 = arith.constant 0 : i32
      %parallel_loop3A_1566 = arith.index_cast %parallel_loop3A_1564 : i32 to index
      %parallel_loop3A_1567 = arith.index_cast %parallel_loop3A_1565 : i32 to index
      %parallel_loop3A_1568 = arith.index_cast %parallel_loop3A_1547 : i32 to index
      %parallel_loop3A_1569 = arith.constant 16 : index
      %parallel_loop3A_1570 = tpu.vector_load %arg8[%parallel_loop3A_1566, %parallel_loop3A_1567, %parallel_loop3A_1568, %parallel_loop3A_1569] {strides = array<i32>} : memref<2x2x128x128xf32, #tpu.memory_space<vmem>>, vector<16xf32>,
      %parallel_loop3A_1571 = arith.constant 0 : i32
      %parallel_loop3A_1572 = arith.constant 1 : i32
      %parallel_loop3A_1573 = arith.index_cast %parallel_loop3A_1571 : i32 to index
      %parallel_loop3A_1574 = arith.index_cast %parallel_loop3A_1572 : i32 to index
      %parallel_loop3A_1575 = arith.index_cast %parallel_loop3A_1547 : i32 to index
      %parallel_loop3A_1576 = arith.constant 16 : index
      %parallel_loop3A_1577 = tpu.vector_load %arg8[%parallel_loop3A_1573, %parallel_loop3A_1574, %parallel_loop3A_1575, %parallel_loop3A_1576] {strides = array<i32>} : memref<2x2x128x128xf32, #tpu.memory_space<vmem>>, vector<16xf32>,
      %parallel_loop3A_1578 = arith.subf %parallel_loop3A_1570, %parallel_loop3A_1577 : vector<16xf32>
      %parallel_loop3A_1579 = arith.mulf %parallel_loop3A_1578, %parallel_loop3A_1578 : vector<16xf32>
      %parallel_loop3A_1580 = arith.addf %parallel_loop3A_1563, %parallel_loop3A_1579 : vector<16xf32>
      %parallel_loop3A_1581 = arith.constant 0 : i32
      %parallel_loop3A_1582 = arith.constant 0 : i32
      %parallel_loop3A_1583 = arith.index_cast %parallel_loop3A_1581 : i32 to index
      %parallel_loop3A_1584 = arith.index_cast %parallel_loop3A_1582 : i32 to index
      %parallel_loop3A_1585 = arith.index_cast %parallel_loop3A_1547 : i32 to index
      %parallel_loop3A_1586 = arith.constant 32 : index
      %parallel_loop3A_1587 = tpu.vector_load %arg8[%parallel_loop3A_1583, %parallel_loop3A_1584, %parallel_loop3A_1585, %parallel_loop3A_1586] {strides = array<i32>} : memref<2x2x128x128xf32, #tpu.memory_space<vmem>>, vector<16xf32>,
      %parallel_loop3A_1588 = arith.constant 0 : i32
      %parallel_loop3A_1589 = arith.constant 1 : i32
      %parallel_loop3A_1590 = arith.index_cast %parallel_loop3A_1588 : i32 to index
      %parallel_loop3A_1591 = arith.index_cast %parallel_loop3A_1589 : i32 to index
      %parallel_loop3A_1592 = arith.index_cast %parallel_loop3A_1547 : i32 to index
      %parallel_loop3A_1593 = arith.constant 32 : index
      %parallel_loop3A_1594 = tpu.vector_load %arg8[%parallel_loop3A_1590, %parallel_loop3A_1591, %parallel_loop3A_1592, %parallel_loop3A_1593] {strides = array<i32>} : memref<2x2x128x128xf32, #tpu.memory_space<vmem>>, vector<16xf32>,
      %parallel_loop3A_1595 = arith.subf %parallel_loop3A_1587, %parallel_loop3A_1594 : vector<16xf32>
      %parallel_loop3A_1596 = arith.mulf %parallel_loop3A_1595, %parallel_loop3A_1595 : vector<16xf32>
      %parallel_loop3A_1597 = arith.addf %parallel_loop3A_1580, %parallel_loop3A_1596 : vector<16xf32>
      %parallel_loop3A_1598 = arith.constant 0 : i32
      %parallel_loop3A_1599 = arith.constant 0 : i32
      %parallel_loop3A_1600 = arith.index_cast %parallel_loop3A_1598 : i32 to index
      %parallel_loop3A_1601 = arith.index_cast %parallel_loop3A_1599 : i32 to index
      %parallel_loop3A_1602 = arith.index_cast %parallel_loop3A_1547 : i32 to index
      %parallel_loop3A_1603 = arith.constant 48 : index
      %parallel_loop3A_1604 = tpu.vector_load %arg8[%parallel_loop3A_1600, %parallel_loop3A_1601, %parallel_loop3A_1602, %parallel_loop3A_1603] {strides = array<i32>} : memref<2x2x128x128xf32, #tpu.memory_space<vmem>>, vector<16xf32>,
      %parallel_loop3A_1605 = arith.constant 0 : i32
      %parallel_loop3A_1606 = arith.constant 1 : i32
      %parallel_loop3A_1607 = arith.index_cast %parallel_loop3A_1605 : i32 to index
      %parallel_loop3A_1608 = arith.index_cast %parallel_loop3A_1606 : i32 to index
      %parallel_loop3A_1609 = arith.index_cast %parallel_loop3A_1547 : i32 to index
      %parallel_loop3A_1610 = arith.constant 48 : index
      %parallel_loop3A_1611 = tpu.vector_load %arg8[%parallel_loop3A_1607, %parallel_loop3A_1608, %parallel_loop3A_1609, %parallel_loop3A_1610] {strides = array<i32>} : memref<2x2x128x128xf32, #tpu.memory_space<vmem>>, vector<16xf32>,
      %parallel_loop3A_1612 = arith.subf %parallel_loop3A_1604, %parallel_loop3A_1611 : vector<16xf32>
      %parallel_loop3A_1613 = arith.mulf %parallel_loop3A_1612, %parallel_loop3A_1612 : vector<16xf32>
      %parallel_loop3A_1614 = arith.addf %parallel_loop3A_1597, %parallel_loop3A_1613 : vector<16xf32>
      %parallel_loop3A_1615 = arith.constant 0 : i32
      %parallel_loop3A_1616 = arith.constant 0 : i32
      %parallel_loop3A_1617 = arith.index_cast %parallel_loop3A_1615 : i32 to index
      %parallel_loop3A_1618 = arith.index_cast %parallel_loop3A_1616 : i32 to index
      %parallel_loop3A_1619 = arith.index_cast %parallel_loop3A_1547 : i32 to index
      %parallel_loop3A_1620 = arith.constant 64 : index
      %parallel_loop3A_1621 = tpu.vector_load %arg8[%parallel_loop3A_1617, %parallel_loop3A_1618, %parallel_loop3A_1619, %parallel_loop3A_1620] {strides = array<i32>} : memref<2x2x128x128xf32, #tpu.memory_space<vmem>>, vector<16xf32>,
      %parallel_loop3A_1622 = arith.constant 0 : i32
      %parallel_loop3A_1623 = arith.constant 1 : i32
      %parallel_loop3A_1624 = arith.index_cast %parallel_loop3A_1622 : i32 to index
      %parallel_loop3A_1625 = arith.index_cast %parallel_loop3A_1623 : i32 to index
      %parallel_loop3A_1626 = arith.index_cast %parallel_loop3A_1547 : i32 to index
      %parallel_loop3A_1627 = arith.constant 64 : index
      %parallel_loop3A_1628 = tpu.vector_load %arg8[%parallel_loop3A_1624, %parallel_loop3A_1625, %parallel_loop3A_1626, %parallel_loop3A_1627] {strides = array<i32>} : memref<2x2x128x128xf32, #tpu.memory_space<vmem>>, vector<16xf32>,
      %parallel_loop3A_1629 = arith.subf %parallel_loop3A_1621, %parallel_loop3A_1628 : vector<16xf32>
      %parallel_loop3A_1630 = arith.mulf %parallel_loop3A_1629, %parallel_loop3A_1629 : vector<16xf32>
      %parallel_loop3A_1631 = arith.addf %parallel_loop3A_1614, %parallel_loop3A_1630 : vector<16xf32>
      %parallel_loop3A_1632 = arith.constant 0 : i32
      %parallel_loop3A_1633 = arith.constant 0 : i32
      %parallel_loop3A_1634 = arith.index_cast %parallel_loop3A_1632 : i32 to index
      %parallel_loop3A_1635 = arith.index_cast %parallel_loop3A_1633 : i32 to index
      %parallel_loop3A_1636 = arith.index_cast %parallel_loop3A_1547 : i32 to index
      %parallel_loop3A_1637 = arith.constant 80 : index
      %parallel_loop3A_1638 = tpu.vector_load %arg8[%parallel_loop3A_1634, %parallel_loop3A_1635, %parallel_loop3A_1636, %parallel_loop3A_1637] {strides = array<i32>} : memref<2x2x128x128xf32, #tpu.memory_space<vmem>>, vector<16xf32>,
      %parallel_loop3A_1639 = arith.constant 0 : i32
      %parallel_loop3A_1640 = arith.constant 1 : i32
      %parallel_loop3A_1641 = arith.index_cast %parallel_loop3A_1639 : i32 to index
      %parallel_loop3A_1642 = arith.index_cast %parallel_loop3A_1640 : i32 to index
      %parallel_loop3A_1643 = arith.index_cast %parallel_loop3A_1547 : i32 to index
      %parallel_loop3A_1644 = arith.constant 80 : index
      %parallel_loop3A_1645 = tpu.vector_load %arg8[%parallel_loop3A_1641, %parallel_loop3A_1642, %parallel_loop3A_1643, %parallel_loop3A_1644] {strides = array<i32>} : memref<2x2x128x128xf32, #tpu.memory_space<vmem>>, vector<16xf32>,
      %parallel_loop3A_1646 = arith.subf %parallel_loop3A_1638, %parallel_loop3A_1645 : vector<16xf32>
      %parallel_loop3A_1647 = arith.mulf %parallel_loop3A_1646, %parallel_loop3A_1646 : vector<16xf32>
      %parallel_loop3A_1648 = arith.addf %parallel_loop3A_1631, %parallel_loop3A_1647 : vector<16xf32>
      %parallel_loop3A_1649 = arith.constant 0 : i32
      %parallel_loop3A_1650 = arith.constant 0 : i32
      %parallel_loop3A_1651 = arith.index_cast %parallel_loop3A_1649 : i32 to index
      %parallel_loop3A_1652 = arith.index_cast %parallel_loop3A_1650 : i32 to index
      %parallel_loop3A_1653 = arith.index_cast %parallel_loop3A_1547 : i32 to index
      %parallel_loop3A_1654 = arith.constant 96 : index
      %parallel_loop3A_1655 = tpu.vector_load %arg8[%parallel_loop3A_1651, %parallel_loop3A_1652, %parallel_loop3A_1653, %parallel_loop3A_1654] {strides = array<i32>} : memref<2x2x128x128xf32, #tpu.memory_space<vmem>>, vector<16xf32>,
      %parallel_loop3A_1656 = arith.constant 0 : i32
      %parallel_loop3A_1657 = arith.constant 1 : i32
      %parallel_loop3A_1658 = arith.index_cast %parallel_loop3A_1656 : i32 to index
      %parallel_loop3A_1659 = arith.index_cast %parallel_loop3A_1657 : i32 to index
      %parallel_loop3A_1660 = arith.index_cast %parallel_loop3A_1547 : i32 to index
      %parallel_loop3A_1661 = arith.constant 96 : index
      %parallel_loop3A_1662 = tpu.vector_load %arg8[%parallel_loop3A_1658, %parallel_loop3A_1659, %parallel_loop3A_1660, %parallel_loop3A_1661] {strides = array<i32>} : memref<2x2x128x128xf32, #tpu.memory_space<vmem>>, vector<16xf32>,
      %parallel_loop3A_1663 = arith.subf %parallel_loop3A_1655, %parallel_loop3A_1662 : vector<16xf32>
      %parallel_loop3A_1664 = arith.mulf %parallel_loop3A_1663, %parallel_loop3A_1663 : vector<16xf32>
      %parallel_loop3A_1665 = arith.addf %parallel_loop3A_1648, %parallel_loop3A_1664 : vector<16xf32>
      %parallel_loop3A_1666 = arith.constant 0 : i32
      %parallel_loop3A_1667 = arith.constant 0 : i32
      %parallel_loop3A_1668 = arith.index_cast %parallel_loop3A_1666 : i32 to index
      %parallel_loop3A_1669 = arith.index_cast %parallel_loop3A_1667 : i32 to index
      %parallel_loop3A_1670 = arith.index_cast %parallel_loop3A_1547 : i32 to index
      %parallel_loop3A_1671 = arith.constant 112 : index
      %parallel_loop3A_1672 = tpu.vector_load %arg8[%parallel_loop3A_1668, %parallel_loop3A_1669, %parallel_loop3A_1670, %parallel_loop3A_1671] {strides = array<i32>} : memref<2x2x128x128xf32, #tpu.memory_space<vmem>>, vector<16xf32>,
      %parallel_loop3A_1673 = arith.constant 0 : i32
      %parallel_loop3A_1674 = arith.constant 1 : i32
      %parallel_loop3A_1675 = arith.index_cast %parallel_loop3A_1673 : i32 to index
      %parallel_loop3A_1676 = arith.index_cast %parallel_loop3A_1674 : i32 to index
      %parallel_loop3A_1677 = arith.index_cast %parallel_loop3A_1547 : i32 to index
      %parallel_loop3A_1678 = arith.constant 112 : index
      %parallel_loop3A_1679 = tpu.vector_load %arg8[%parallel_loop3A_1675, %parallel_loop3A_1676, %parallel_loop3A_1677, %parallel_loop3A_1678] {strides = array<i32>} : memref<2x2x128x128xf32, #tpu.memory_space<vmem>>, vector<16xf32>,
      %parallel_loop3A_1680 = arith.subf %parallel_loop3A_1672, %parallel_loop3A_1679 : vector<16xf32>
      %parallel_loop3A_1681 = arith.mulf %parallel_loop3A_1680, %parallel_loop3A_1680 : vector<16xf32>
      %parallel_loop3A_1682 = arith.addf %parallel_loop3A_1665, %parallel_loop3A_1681 : vector<16xf32>
      %parallel_loop3A_1683 = arith.constant 12 : i32
      %parallel_loop3A_1684 = arith.addi %parallel_loop3A_1273, %parallel_loop3A_1683 : i32
      %parallel_loop3A_1685 = arith.constant 0 : i32
      %parallel_loop3A_1686 = arith.constant 0 : i32
      %parallel_loop3A_1687 = arith.index_cast %parallel_loop3A_1685 : i32 to index
      %parallel_loop3A_1688 = arith.index_cast %parallel_loop3A_1686 : i32 to index
      %parallel_loop3A_1689 = arith.index_cast %parallel_loop3A_1684 : i32 to index
      %parallel_loop3A_1690 = arith.constant 0 : index
      %parallel_loop3A_1691 = tpu.vector_load %arg8[%parallel_loop3A_1687, %parallel_loop3A_1688, %parallel_loop3A_1689, %parallel_loop3A_1690] {strides = array<i32>} : memref<2x2x128x128xf32, #tpu.memory_space<vmem>>, vector<16xf32>,
      %parallel_loop3A_1692 = arith.constant 0 : i32
      %parallel_loop3A_1693 = arith.constant 1 : i32
      %parallel_loop3A_1694 = arith.index_cast %parallel_loop3A_1692 : i32 to index
      %parallel_loop3A_1695 = arith.index_cast %parallel_loop3A_1693 : i32 to index
      %parallel_loop3A_1696 = arith.index_cast %parallel_loop3A_1684 : i32 to index
      %parallel_loop3A_1697 = arith.constant 0 : index
      %parallel_loop3A_1698 = tpu.vector_load %arg8[%parallel_loop3A_1694, %parallel_loop3A_1695, %parallel_loop3A_1696, %parallel_loop3A_1697] {strides = array<i32>} : memref<2x2x128x128xf32, #tpu.memory_space<vmem>>, vector<16xf32>,
      %parallel_loop3A_1699 = arith.subf %parallel_loop3A_1691, %parallel_loop3A_1698 : vector<16xf32>
      %parallel_loop3A_1700 = arith.mulf %parallel_loop3A_1699, %parallel_loop3A_1699 : vector<16xf32>
      %parallel_loop3A_1701 = arith.constant 0 : i32
      %parallel_loop3A_1702 = arith.constant 0 : i32
      %parallel_loop3A_1703 = arith.index_cast %parallel_loop3A_1701 : i32 to index
      %parallel_loop3A_1704 = arith.index_cast %parallel_loop3A_1702 : i32 to index
      %parallel_loop3A_1705 = arith.index_cast %parallel_loop3A_1684 : i32 to index
      %parallel_loop3A_1706 = arith.constant 16 : index
      %parallel_loop3A_1707 = tpu.vector_load %arg8[%parallel_loop3A_1703, %parallel_loop3A_1704, %parallel_loop3A_1705, %parallel_loop3A_1706] {strides = array<i32>} : memref<2x2x128x128xf32, #tpu.memory_space<vmem>>, vector<16xf32>,
      %parallel_loop3A_1708 = arith.constant 0 : i32
      %parallel_loop3A_1709 = arith.constant 1 : i32
      %parallel_loop3A_1710 = arith.index_cast %parallel_loop3A_1708 : i32 to index
      %parallel_loop3A_1711 = arith.index_cast %parallel_loop3A_1709 : i32 to index
      %parallel_loop3A_1712 = arith.index_cast %parallel_loop3A_1684 : i32 to index
      %parallel_loop3A_1713 = arith.constant 16 : index
      %parallel_loop3A_1714 = tpu.vector_load %arg8[%parallel_loop3A_1710, %parallel_loop3A_1711, %parallel_loop3A_1712, %parallel_loop3A_1713] {strides = array<i32>} : memref<2x2x128x128xf32, #tpu.memory_space<vmem>>, vector<16xf32>,
      %parallel_loop3A_1715 = arith.subf %parallel_loop3A_1707, %parallel_loop3A_1714 : vector<16xf32>
      %parallel_loop3A_1716 = arith.mulf %parallel_loop3A_1715, %parallel_loop3A_1715 : vector<16xf32>
      %parallel_loop3A_1717 = arith.addf %parallel_loop3A_1700, %parallel_loop3A_1716 : vector<16xf32>
      %parallel_loop3A_1718 = arith.constant 0 : i32
      %parallel_loop3A_1719 = arith.constant 0 : i32
      %parallel_loop3A_1720 = arith.index_cast %parallel_loop3A_1718 : i32 to index
      %parallel_loop3A_1721 = arith.index_cast %parallel_loop3A_1719 : i32 to index
      %parallel_loop3A_1722 = arith.index_cast %parallel_loop3A_1684 : i32 to index
      %parallel_loop3A_1723 = arith.constant 32 : index
      %parallel_loop3A_1724 = tpu.vector_load %arg8[%parallel_loop3A_1720, %parallel_loop3A_1721, %parallel_loop3A_1722, %parallel_loop3A_1723] {strides = array<i32>} : memref<2x2x128x128xf32, #tpu.memory_space<vmem>>, vector<16xf32>,
      %parallel_loop3A_1725 = arith.constant 0 : i32
      %parallel_loop3A_1726 = arith.constant 1 : i32
      %parallel_loop3A_1727 = arith.index_cast %parallel_loop3A_1725 : i32 to index
      %parallel_loop3A_1728 = arith.index_cast %parallel_loop3A_1726 : i32 to index
      %parallel_loop3A_1729 = arith.index_cast %parallel_loop3A_1684 : i32 to index
      %parallel_loop3A_1730 = arith.constant 32 : index
      %parallel_loop3A_1731 = tpu.vector_load %arg8[%parallel_loop3A_1727, %parallel_loop3A_1728, %parallel_loop3A_1729, %parallel_loop3A_1730] {strides = array<i32>} : memref<2x2x128x128xf32, #tpu.memory_space<vmem>>, vector<16xf32>,
      %parallel_loop3A_1732 = arith.subf %parallel_loop3A_1724, %parallel_loop3A_1731 : vector<16xf32>
      %parallel_loop3A_1733 = arith.mulf %parallel_loop3A_1732, %parallel_loop3A_1732 : vector<16xf32>
      %parallel_loop3A_1734 = arith.addf %parallel_loop3A_1717, %parallel_loop3A_1733 : vector<16xf32>
      %parallel_loop3A_1735 = arith.constant 0 : i32
      %parallel_loop3A_1736 = arith.constant 0 : i32
      %parallel_loop3A_1737 = arith.index_cast %parallel_loop3A_1735 : i32 to index
      %parallel_loop3A_1738 = arith.index_cast %parallel_loop3A_1736 : i32 to index
      %parallel_loop3A_1739 = arith.index_cast %parallel_loop3A_1684 : i32 to index
      %parallel_loop3A_1740 = arith.constant 48 : index
      %parallel_loop3A_1741 = tpu.vector_load %arg8[%parallel_loop3A_1737, %parallel_loop3A_1738, %parallel_loop3A_1739, %parallel_loop3A_1740] {strides = array<i32>} : memref<2x2x128x128xf32, #tpu.memory_space<vmem>>, vector<16xf32>,
      %parallel_loop3A_1742 = arith.constant 0 : i32
      %parallel_loop3A_1743 = arith.constant 1 : i32
      %parallel_loop3A_1744 = arith.index_cast %parallel_loop3A_1742 : i32 to index
      %parallel_loop3A_1745 = arith.index_cast %parallel_loop3A_1743 : i32 to index
      %parallel_loop3A_1746 = arith.index_cast %parallel_loop3A_1684 : i32 to index
      %parallel_loop3A_1747 = arith.constant 48 : index
      %parallel_loop3A_1748 = tpu.vector_load %arg8[%parallel_loop3A_1744, %parallel_loop3A_1745, %parallel_loop3A_1746, %parallel_loop3A_1747] {strides = array<i32>} : memref<2x2x128x128xf32, #tpu.memory_space<vmem>>, vector<16xf32>,
      %parallel_loop3A_1749 = arith.subf %parallel_loop3A_1741, %parallel_loop3A_1748 : vector<16xf32>
      %parallel_loop3A_1750 = arith.mulf %parallel_loop3A_1749, %parallel_loop3A_1749 : vector<16xf32>
      %parallel_loop3A_1751 = arith.addf %parallel_loop3A_1734, %parallel_loop3A_1750 : vector<16xf32>
      %parallel_loop3A_1752 = arith.constant 0 : i32
      %parallel_loop3A_1753 = arith.constant 0 : i32
      %parallel_loop3A_1754 = arith.index_cast %parallel_loop3A_1752 : i32 to index
      %parallel_loop3A_1755 = arith.index_cast %parallel_loop3A_1753 : i32 to index
      %parallel_loop3A_1756 = arith.index_cast %parallel_loop3A_1684 : i32 to index
      %parallel_loop3A_1757 = arith.constant 64 : index
      %parallel_loop3A_1758 = tpu.vector_load %arg8[%parallel_loop3A_1754, %parallel_loop3A_1755, %parallel_loop3A_1756, %parallel_loop3A_1757] {strides = array<i32>} : memref<2x2x128x128xf32, #tpu.memory_space<vmem>>, vector<16xf32>,
      %parallel_loop3A_1759 = arith.constant 0 : i32
      %parallel_loop3A_1760 = arith.constant 1 : i32
      %parallel_loop3A_1761 = arith.index_cast %parallel_loop3A_1759 : i32 to index
      %parallel_loop3A_1762 = arith.index_cast %parallel_loop3A_1760 : i32 to index
      %parallel_loop3A_1763 = arith.index_cast %parallel_loop3A_1684 : i32 to index
      %parallel_loop3A_1764 = arith.constant 64 : index
      %parallel_loop3A_1765 = tpu.vector_load %arg8[%parallel_loop3A_1761, %parallel_loop3A_1762, %parallel_loop3A_1763, %parallel_loop3A_1764] {strides = array<i32>} : memref<2x2x128x128xf32, #tpu.memory_space<vmem>>, vector<16xf32>,
      %parallel_loop3A_1766 = arith.subf %parallel_loop3A_1758, %parallel_loop3A_1765 : vector<16xf32>
      %parallel_loop3A_1767 = arith.mulf %parallel_loop3A_1766, %parallel_loop3A_1766 : vector<16xf32>
      %parallel_loop3A_1768 = arith.addf %parallel_loop3A_1751, %parallel_loop3A_1767 : vector<16xf32>
      %parallel_loop3A_1769 = arith.constant 0 : i32
      %parallel_loop3A_1770 = arith.constant 0 : i32
      %parallel_loop3A_1771 = arith.index_cast %parallel_loop3A_1769 : i32 to index
      %parallel_loop3A_1772 = arith.index_cast %parallel_loop3A_1770 : i32 to index
      %parallel_loop3A_1773 = arith.index_cast %parallel_loop3A_1684 : i32 to index
      %parallel_loop3A_1774 = arith.constant 80 : index
      %parallel_loop3A_1775 = tpu.vector_load %arg8[%parallel_loop3A_1771, %parallel_loop3A_1772, %parallel_loop3A_1773, %parallel_loop3A_1774] {strides = array<i32>} : memref<2x2x128x128xf32, #tpu.memory_space<vmem>>, vector<16xf32>,
      %parallel_loop3A_1776 = arith.constant 0 : i32
      %parallel_loop3A_1777 = arith.constant 1 : i32
      %parallel_loop3A_1778 = arith.index_cast %parallel_loop3A_1776 : i32 to index
      %parallel_loop3A_1779 = arith.index_cast %parallel_loop3A_1777 : i32 to index
      %parallel_loop3A_1780 = arith.index_cast %parallel_loop3A_1684 : i32 to index
      %parallel_loop3A_1781 = arith.constant 80 : index
      %parallel_loop3A_1782 = tpu.vector_load %arg8[%parallel_loop3A_1778, %parallel_loop3A_1779, %parallel_loop3A_1780, %parallel_loop3A_1781] {strides = array<i32>} : memref<2x2x128x128xf32, #tpu.memory_space<vmem>>, vector<16xf32>,
      %parallel_loop3A_1783 = arith.subf %parallel_loop3A_1775, %parallel_loop3A_1782 : vector<16xf32>
      %parallel_loop3A_1784 = arith.mulf %parallel_loop3A_1783, %parallel_loop3A_1783 : vector<16xf32>
      %parallel_loop3A_1785 = arith.addf %parallel_loop3A_1768, %parallel_loop3A_1784 : vector<16xf32>
      %parallel_loop3A_1786 = arith.constant 0 : i32
      %parallel_loop3A_1787 = arith.constant 0 : i32
      %parallel_loop3A_1788 = arith.index_cast %parallel_loop3A_1786 : i32 to index
      %parallel_loop3A_1789 = arith.index_cast %parallel_loop3A_1787 : i32 to index
      %parallel_loop3A_1790 = arith.index_cast %parallel_loop3A_1684 : i32 to index
      %parallel_loop3A_1791 = arith.constant 96 : index
      %parallel_loop3A_1792 = tpu.vector_load %arg8[%parallel_loop3A_1788, %parallel_loop3A_1789, %parallel_loop3A_1790, %parallel_loop3A_1791] {strides = array<i32>} : memref<2x2x128x128xf32, #tpu.memory_space<vmem>>, vector<16xf32>,
      %parallel_loop3A_1793 = arith.constant 0 : i32
      %parallel_loop3A_1794 = arith.constant 1 : i32
      %parallel_loop3A_1795 = arith.index_cast %parallel_loop3A_1793 : i32 to index
      %parallel_loop3A_1796 = arith.index_cast %parallel_loop3A_1794 : i32 to index
      %parallel_loop3A_1797 = arith.index_cast %parallel_loop3A_1684 : i32 to index
      %parallel_loop3A_1798 = arith.constant 96 : index
      %parallel_loop3A_1799 = tpu.vector_load %arg8[%parallel_loop3A_1795, %parallel_loop3A_1796, %parallel_loop3A_1797, %parallel_loop3A_1798] {strides = array<i32>} : memref<2x2x128x128xf32, #tpu.memory_space<vmem>>, vector<16xf32>,
      %parallel_loop3A_1800 = arith.subf %parallel_loop3A_1792, %parallel_loop3A_1799 : vector<16xf32>
      %parallel_loop3A_1801 = arith.mulf %parallel_loop3A_1800, %parallel_loop3A_1800 : vector<16xf32>
      %parallel_loop3A_1802 = arith.addf %parallel_loop3A_1785, %parallel_loop3A_1801 : vector<16xf32>
      %parallel_loop3A_1803 = arith.constant 0 : i32
      %parallel_loop3A_1804 = arith.constant 0 : i32
      %parallel_loop3A_1805 = arith.index_cast %parallel_loop3A_1803 : i32 to index
      %parallel_loop3A_1806 = arith.index_cast %parallel_loop3A_1804 : i32 to index
      %parallel_loop3A_1807 = arith.index_cast %parallel_loop3A_1684 : i32 to index
      %parallel_loop3A_1808 = arith.constant 112 : index
      %parallel_loop3A_1809 = tpu.vector_load %arg8[%parallel_loop3A_1805, %parallel_loop3A_1806, %parallel_loop3A_1807, %parallel_loop3A_1808] {strides = array<i32>} : memref<2x2x128x128xf32, #tpu.memory_space<vmem>>, vector<16xf32>,
      %parallel_loop3A_1810 = arith.constant 0 : i32
      %parallel_loop3A_1811 = arith.constant 1 : i32
      %parallel_loop3A_1812 = arith.index_cast %parallel_loop3A_1810 : i32 to index
      %parallel_loop3A_1813 = arith.index_cast %parallel_loop3A_1811 : i32 to index
      %parallel_loop3A_1814 = arith.index_cast %parallel_loop3A_1684 : i32 to index
      %parallel_loop3A_1815 = arith.constant 112 : index
      %parallel_loop3A_1816 = tpu.vector_load %arg8[%parallel_loop3A_1812, %parallel_loop3A_1813, %parallel_loop3A_1814, %parallel_loop3A_1815] {strides = array<i32>} : memref<2x2x128x128xf32, #tpu.memory_space<vmem>>, vector<16xf32>,
      %parallel_loop3A_1817 = arith.subf %parallel_loop3A_1809, %parallel_loop3A_1816 : vector<16xf32>
      %parallel_loop3A_1818 = arith.mulf %parallel_loop3A_1817, %parallel_loop3A_1817 : vector<16xf32>
      %parallel_loop3A_1819 = arith.addf %parallel_loop3A_1802, %parallel_loop3A_1818 : vector<16xf32>
      %parallel_loop3A_1820 = arith.select %ne3A_46, %parallel_loop3A_1682, %parallel_loop3A_1408 : vector<16xi1>, vector<16xf32>
      %parallel_loop3A_1821 = arith.select %ne3A_46, %parallel_loop3A_1408, %parallel_loop3A_1682 : vector<16xi1>, vector<16xf32>
      %parallel_loop3A_1822 = vector.shape_cast %xor3A_33 : vector<16xi32> to vector<16x1xi32>
      %parallel_loop3A_1823 = vector.shape_cast %parallel_loop3A_1822 : vector<16x1xi32> to vector<16xi32>
      %parallel_loop3A_1824 = tpu.dynamic_gather %parallel_loop3A_1821[%parallel_loop3A_1823] in [0] : vector<16xf32>, vector<16xi32> -> vector<16xf32>
      %parallel_loop3A_1825 = arith.addf %parallel_loop3A_1820, %parallel_loop3A_1824 : vector<16xf32>
      %parallel_loop3A_1826 = arith.select %ne3A_46, %parallel_loop3A_1819, %parallel_loop3A_1545 : vector<16xi1>, vector<16xf32>
      %parallel_loop3A_1827 = arith.select %ne3A_46, %parallel_loop3A_1545, %parallel_loop3A_1819 : vector<16xi1>, vector<16xf32>
      %parallel_loop3A_1828 = vector.shape_cast %xor3A_33 : vector<16xi32> to vector<16x1xi32>
      %parallel_loop3A_1829 = vector.shape_cast %parallel_loop3A_1828 : vector<16x1xi32> to vector<16xi32>
      %parallel_loop3A_1830 = tpu.dynamic_gather %parallel_loop3A_1827[%parallel_loop3A_1829] in [0] : vector<16xf32>, vector<16xi32> -> vector<16xf32>
      %parallel_loop3A_1831 = arith.addf %parallel_loop3A_1826, %parallel_loop3A_1830 : vector<16xf32>
      %parallel_loop3A_1832 = arith.select %ne3A_52, %parallel_loop3A_1831, %parallel_loop3A_1825 : vector<16xi1>, vector<16xf32>
      %parallel_loop3A_1833 = arith.select %ne3A_52, %parallel_loop3A_1825, %parallel_loop3A_1831 : vector<16xi1>, vector<16xf32>
      %parallel_loop3A_1834 = vector.shape_cast %xor3A_36 : vector<16xi32> to vector<16x1xi32>
      %parallel_loop3A_1835 = vector.shape_cast %parallel_loop3A_1834 : vector<16x1xi32> to vector<16xi32>
      %parallel_loop3A_1836 = tpu.dynamic_gather %parallel_loop3A_1833[%parallel_loop3A_1835] in [0] : vector<16xf32>, vector<16xi32> -> vector<16xf32>
      %parallel_loop3A_1837 = arith.addf %parallel_loop3A_1832, %parallel_loop3A_1836 : vector<16xf32>
      %parallel_loop3A_1838 = vector.shape_cast %xor3A_39 : vector<16xi32> to vector<16x1xi32>
      %parallel_loop3A_1839 = vector.shape_cast %parallel_loop3A_1838 : vector<16x1xi32> to vector<16xi32>
      %parallel_loop3A_1840 = tpu.dynamic_gather %parallel_loop3A_1837[%parallel_loop3A_1839] in [0] : vector<16xf32>, vector<16xi32> -> vector<16xf32>
      %parallel_loop3A_1841 = arith.addf %parallel_loop3A_1837, %parallel_loop3A_1840 : vector<16xf32>
      %parallel_loop3A_1842 = vector.shape_cast %xor3A_42 : vector<16xi32> to vector<16x1xi32>
      %parallel_loop3A_1843 = vector.shape_cast %parallel_loop3A_1842 : vector<16x1xi32> to vector<16xi32>
      %parallel_loop3A_1844 = tpu.dynamic_gather %parallel_loop3A_1841[%parallel_loop3A_1843] in [0] : vector<16xf32>, vector<16xi32> -> vector<16xf32>
      %parallel_loop3A_1845 = arith.addf %parallel_loop3A_1841, %parallel_loop3A_1844 : vector<16xf32>
      %parallel_loop3A_1846 = arith.constant 16 : i32
      %parallel_loop3A_1847 = arith.muli %parallel_loop3A_1268, %parallel_loop3A_1846 : i32
      %parallel_loop3A_1848 = arith.constant 0 : i32
      %parallel_loop3A_1849 = arith.addi %parallel_loop3A_1848, %parallel_loop3A_1847 : i32
      %parallel_loop3A_1850 = arith.addi %parallel_loop3A_1849, %parallel_loop3A_1270 : i32
      %parallel_loop3A_1851 = vector.broadcast %parallel_loop3A_1850 : i32 to vector<16xi32>
      %parallel_loop3A_1852 = arith.addi %parallel_loop3A_1851, %and3A_67 : vector<16xi32>
      %parallel_loop3A_1853 = vector.broadcast %parallel_loop3A_1270 : i32 to vector<16xi32>
      %parallel_loop3A_1854 = arith.cmpi eq, %and3A_70, %parallel_loop3A_1853 : vector<16xi32>
      tpu.vector_store_idx %arg9[%parallel_loop3A_1852], %parallel_loop3A_1845 masked %parallel_loop3A_1854 : memref<512xf32, #tpu.memory_space<vmem>>[vector<16xi32>], vector<16xf32>, vector<16xi1>
    } {sc.loop_unroll_factor = 1 : i64, sc.parallel_access}
    %get3A_191 = arith.constant 0 : index
    %get3A_192 = tpu.vector_load %arg9[%get3A_191] {strides = array<i32>} : memref<512xf32, #tpu.memory_space<vmem>>, vector<16xf32>,
    %bitcast_convert_type3A = tpu.bitcast %get3A_192 : vector<16xf32> -> vector<16xi32>
    %shift_right_logical3A = arith.constant 1 : i32
    %shift_right_logical3A_193 = vector.broadcast %shift_right_logical3A : i32 to vector<16xi32>
    %shift_right_logical3A_194 = arith.shrui %bitcast_convert_type3A, %shift_right_logical3A_193 : vector<16xi32>
    %sub3A = arith.constant 1597463007 : i32
    %sub3A_195 = vector.broadcast %sub3A : i32 to vector<16xi32>
    %sub3A_196 = arith.subi %sub3A_195, %shift_right_logical3A_194 : vector<16xi32>
    %bitcast_convert_type3A_197 = tpu.bitcast %sub3A_196 : vector<16xi32> -> vector<16xf32>
    %mul3A_198 = arith.constant 5.000000e-01 : f32
    %mul3A_199 = vector.broadcast %mul3A_198 : f32 to vector<16xf32>
    %mul3A_200 = arith.mulf %get3A_192, %mul3A_199 : vector<16xf32>
    %mul3A_201 = arith.mulf %mul3A_200, %bitcast_convert_type3A_197 : vector<16xf32>
    %mul3A_202 = arith.mulf %mul3A_201, %bitcast_convert_type3A_197 : vector<16xf32>
    %sub3A_203 = arith.constant 1.500000e+00 : f32
    %sub3A_204 = vector.broadcast %sub3A_203 : f32 to vector<16xf32>
    %sub3A_205 = arith.subf %sub3A_204, %mul3A_202 : vector<16xf32>
    %mul3A_206 = arith.mulf %bitcast_convert_type3A_197, %sub3A_205 : vector<16xf32>
    %mul3A_207 = arith.mulf %mul3A_200, %mul3A_206 : vector<16xf32>
    %mul3A_208 = arith.mulf %mul3A_207, %mul3A_206 : vector<16xf32>
    %sub3A_209 = arith.constant 1.500000e+00 : f32
    %sub3A_210 = vector.broadcast %sub3A_209 : f32 to vector<16xf32>
    %sub3A_211 = arith.subf %sub3A_210, %mul3A_208 : vector<16xf32>
    %mul3A_212 = arith.mulf %mul3A_206, %sub3A_211 : vector<16xf32>
    %mul3A_213 = arith.mulf %get3A_192, %mul3A_212 : vector<16xf32>
    %sub3A_214 = arith.subf %gather3A_132, %mul3A_213 : vector<16xf32>
    %swap3A = arith.constant 0 : index
    %swap3A_215 = tpu.vector_load %arg9[%swap3A] {strides = array<i32>} : memref<512xf32, #tpu.memory_space<vmem>>, vector<16xf32>,
    tpu.vector_store %arg9[%swap3A], %sub3A_214 {strides = array<i32>} : memref<512xf32, #tpu.memory_space<vmem>>, vector<16xf32>,
    %get3A_216 = arith.constant 16 : index
    %get3A_217 = tpu.vector_load %arg9[%get3A_216] {strides = array<i32>} : memref<512xf32, #tpu.memory_space<vmem>>, vector<16xf32>,
    %bitcast_convert_type3A_218 = tpu.bitcast %get3A_217 : vector<16xf32> -> vector<16xi32>
    %shift_right_logical3A_219 = arith.constant 1 : i32
    %shift_right_logical3A_220 = vector.broadcast %shift_right_logical3A_219 : i32 to vector<16xi32>
    %shift_right_logical3A_221 = arith.shrui %bitcast_convert_type3A_218, %shift_right_logical3A_220 : vector<16xi32>
    %sub3A_222 = arith.constant 1597463007 : i32
    %sub3A_223 = vector.broadcast %sub3A_222 : i32 to vector<16xi32>
    %sub3A_224 = arith.subi %sub3A_223, %shift_right_logical3A_221 : vector<16xi32>
    %bitcast_convert_type3A_225 = tpu.bitcast %sub3A_224 : vector<16xi32> -> vector<16xf32>
    %mul3A_226 = arith.constant 5.000000e-01 : f32
    %mul3A_227 = vector.broadcast %mul3A_226 : f32 to vector<16xf32>
    %mul3A_228 = arith.mulf %get3A_217, %mul3A_227 : vector<16xf32>
    %mul3A_229 = arith.mulf %mul3A_228, %bitcast_convert_type3A_225 : vector<16xf32>
    %mul3A_230 = arith.mulf %mul3A_229, %bitcast_convert_type3A_225 : vector<16xf32>
    %sub3A_231 = arith.constant 1.500000e+00 : f32
    %sub3A_232 = vector.broadcast %sub3A_231 : f32 to vector<16xf32>
    %sub3A_233 = arith.subf %sub3A_232, %mul3A_230 : vector<16xf32>
    %mul3A_234 = arith.mulf %bitcast_convert_type3A_225, %sub3A_233 : vector<16xf32>
    %mul3A_235 = arith.mulf %mul3A_228, %mul3A_234 : vector<16xf32>
    %mul3A_236 = arith.mulf %mul3A_235, %mul3A_234 : vector<16xf32>
    %sub3A_237 = arith.constant 1.500000e+00 : f32
    %sub3A_238 = vector.broadcast %sub3A_237 : f32 to vector<16xf32>
    %sub3A_239 = arith.subf %sub3A_238, %mul3A_236 : vector<16xf32>
    %mul3A_240 = arith.mulf %mul3A_234, %sub3A_239 : vector<16xf32>
    %mul3A_241 = arith.mulf %get3A_217, %mul3A_240 : vector<16xf32>
    %sub3A_242 = arith.subf %gather3A_132, %mul3A_241 : vector<16xf32>
    %swap3A_243 = arith.constant 16 : index
    %swap3A_244 = tpu.vector_load %arg9[%swap3A_243] {strides = array<i32>} : memref<512xf32, #tpu.memory_space<vmem>>, vector<16xf32>,
    tpu.vector_store %arg9[%swap3A_243], %sub3A_242 {strides = array<i32>} : memref<512xf32, #tpu.memory_space<vmem>>, vector<16xf32>,
    %get3A_245 = arith.constant 32 : index
    %get3A_246 = tpu.vector_load %arg9[%get3A_245] {strides = array<i32>} : memref<512xf32, #tpu.memory_space<vmem>>, vector<16xf32>,
    %bitcast_convert_type3A_247 = tpu.bitcast %get3A_246 : vector<16xf32> -> vector<16xi32>
    %shift_right_logical3A_248 = arith.constant 1 : i32
    %shift_right_logical3A_249 = vector.broadcast %shift_right_logical3A_248 : i32 to vector<16xi32>
    %shift_right_logical3A_250 = arith.shrui %bitcast_convert_type3A_247, %shift_right_logical3A_249 : vector<16xi32>
    %sub3A_251 = arith.constant 1597463007 : i32
    %sub3A_252 = vector.broadcast %sub3A_251 : i32 to vector<16xi32>
    %sub3A_253 = arith.subi %sub3A_252, %shift_right_logical3A_250 : vector<16xi32>
    %bitcast_convert_type3A_254 = tpu.bitcast %sub3A_253 : vector<16xi32> -> vector<16xf32>
    %mul3A_255 = arith.constant 5.000000e-01 : f32
    %mul3A_256 = vector.broadcast %mul3A_255 : f32 to vector<16xf32>
    %mul3A_257 = arith.mulf %get3A_246, %mul3A_256 : vector<16xf32>
    %mul3A_258 = arith.mulf %mul3A_257, %bitcast_convert_type3A_254 : vector<16xf32>
    %mul3A_259 = arith.mulf %mul3A_258, %bitcast_convert_type3A_254 : vector<16xf32>
    %sub3A_260 = arith.constant 1.500000e+00 : f32
    %sub3A_261 = vector.broadcast %sub3A_260 : f32 to vector<16xf32>
    %sub3A_262 = arith.subf %sub3A_261, %mul3A_259 : vector<16xf32>
    %mul3A_263 = arith.mulf %bitcast_convert_type3A_254, %sub3A_262 : vector<16xf32>
    %mul3A_264 = arith.mulf %mul3A_257, %mul3A_263 : vector<16xf32>
    %mul3A_265 = arith.mulf %mul3A_264, %mul3A_263 : vector<16xf32>
    %sub3A_266 = arith.constant 1.500000e+00 : f32
    %sub3A_267 = vector.broadcast %sub3A_266 : f32 to vector<16xf32>
    %sub3A_268 = arith.subf %sub3A_267, %mul3A_265 : vector<16xf32>
    %mul3A_269 = arith.mulf %mul3A_263, %sub3A_268 : vector<16xf32>
    %mul3A_270 = arith.mulf %get3A_246, %mul3A_269 : vector<16xf32>
    %sub3A_271 = arith.subf %gather3A_132, %mul3A_270 : vector<16xf32>
    %swap3A_272 = arith.constant 32 : index
    %swap3A_273 = tpu.vector_load %arg9[%swap3A_272] {strides = array<i32>} : memref<512xf32, #tpu.memory_space<vmem>>, vector<16xf32>,
    tpu.vector_store %arg9[%swap3A_272], %sub3A_271 {strides = array<i32>} : memref<512xf32, #tpu.memory_space<vmem>>, vector<16xf32>,
    %get3A_274 = arith.constant 48 : index
    %get3A_275 = tpu.vector_load %arg9[%get3A_274] {strides = array<i32>} : memref<512xf32, #tpu.memory_space<vmem>>, vector<16xf32>,
    %bitcast_convert_type3A_276 = tpu.bitcast %get3A_275 : vector<16xf32> -> vector<16xi32>
    %shift_right_logical3A_277 = arith.constant 1 : i32
    %shift_right_logical3A_278 = vector.broadcast %shift_right_logical3A_277 : i32 to vector<16xi32>
    %shift_right_logical3A_279 = arith.shrui %bitcast_convert_type3A_276, %shift_right_logical3A_278 : vector<16xi32>
    %sub3A_280 = arith.constant 1597463007 : i32
    %sub3A_281 = vector.broadcast %sub3A_280 : i32 to vector<16xi32>
    %sub3A_282 = arith.subi %sub3A_281, %shift_right_logical3A_279 : vector<16xi32>
    %bitcast_convert_type3A_283 = tpu.bitcast %sub3A_282 : vector<16xi32> -> vector<16xf32>
    %mul3A_284 = arith.constant 5.000000e-01 : f32
    %mul3A_285 = vector.broadcast %mul3A_284 : f32 to vector<16xf32>
    %mul3A_286 = arith.mulf %get3A_275, %mul3A_285 : vector<16xf32>
    %mul3A_287 = arith.mulf %mul3A_286, %bitcast_convert_type3A_283 : vector<16xf32>
    %mul3A_288 = arith.mulf %mul3A_287, %bitcast_convert_type3A_283 : vector<16xf32>
    %sub3A_289 = arith.constant 1.500000e+00 : f32
    %sub3A_290 = vector.broadcast %sub3A_289 : f32 to vector<16xf32>
    %sub3A_291 = arith.subf %sub3A_290, %mul3A_288 : vector<16xf32>
    %mul3A_292 = arith.mulf %bitcast_convert_type3A_283, %sub3A_291 : vector<16xf32>
    %mul3A_293 = arith.mulf %mul3A_286, %mul3A_292 : vector<16xf32>
    %mul3A_294 = arith.mulf %mul3A_293, %mul3A_292 : vector<16xf32>
    %sub3A_295 = arith.constant 1.500000e+00 : f32
    %sub3A_296 = vector.broadcast %sub3A_295 : f32 to vector<16xf32>
    %sub3A_297 = arith.subf %sub3A_296, %mul3A_294 : vector<16xf32>
    %mul3A_298 = arith.mulf %mul3A_292, %sub3A_297 : vector<16xf32>
    %mul3A_299 = arith.mulf %get3A_275, %mul3A_298 : vector<16xf32>
    %sub3A_300 = arith.subf %gather3A_132, %mul3A_299 : vector<16xf32>
    %swap3A_301 = arith.constant 48 : index
    %swap3A_302 = tpu.vector_load %arg9[%swap3A_301] {strides = array<i32>} : memref<512xf32, #tpu.memory_space<vmem>>, vector<16xf32>,
    tpu.vector_store %arg9[%swap3A_301], %sub3A_300 {strides = array<i32>} : memref<512xf32, #tpu.memory_space<vmem>>, vector<16xf32>,
    %get3A_303 = arith.constant 64 : index
    %get3A_304 = tpu.vector_load %arg9[%get3A_303] {strides = array<i32>} : memref<512xf32, #tpu.memory_space<vmem>>, vector<16xf32>,
    %bitcast_convert_type3A_305 = tpu.bitcast %get3A_304 : vector<16xf32> -> vector<16xi32>
    %shift_right_logical3A_306 = arith.constant 1 : i32
    %shift_right_logical3A_307 = vector.broadcast %shift_right_logical3A_306 : i32 to vector<16xi32>
    %shift_right_logical3A_308 = arith.shrui %bitcast_convert_type3A_305, %shift_right_logical3A_307 : vector<16xi32>
    %sub3A_309 = arith.constant 1597463007 : i32
    %sub3A_310 = vector.broadcast %sub3A_309 : i32 to vector<16xi32>
    %sub3A_311 = arith.subi %sub3A_310, %shift_right_logical3A_308 : vector<16xi32>
    %bitcast_convert_type3A_312 = tpu.bitcast %sub3A_311 : vector<16xi32> -> vector<16xf32>
    %mul3A_313 = arith.constant 5.000000e-01 : f32
    %mul3A_314 = vector.broadcast %mul3A_313 : f32 to vector<16xf32>
    %mul3A_315 = arith.mulf %get3A_304, %mul3A_314 : vector<16xf32>
    %mul3A_316 = arith.mulf %mul3A_315, %bitcast_convert_type3A_312 : vector<16xf32>
    %mul3A_317 = arith.mulf %mul3A_316, %bitcast_convert_type3A_312 : vector<16xf32>
    %sub3A_318 = arith.constant 1.500000e+00 : f32
    %sub3A_319 = vector.broadcast %sub3A_318 : f32 to vector<16xf32>
    %sub3A_320 = arith.subf %sub3A_319, %mul3A_317 : vector<16xf32>
    %mul3A_321 = arith.mulf %bitcast_convert_type3A_312, %sub3A_320 : vector<16xf32>
    %mul3A_322 = arith.mulf %mul3A_315, %mul3A_321 : vector<16xf32>
    %mul3A_323 = arith.mulf %mul3A_322, %mul3A_321 : vector<16xf32>
    %sub3A_324 = arith.constant 1.500000e+00 : f32
    %sub3A_325 = vector.broadcast %sub3A_324 : f32 to vector<16xf32>
    %sub3A_326 = arith.subf %sub3A_325, %mul3A_323 : vector<16xf32>
    %mul3A_327 = arith.mulf %mul3A_321, %sub3A_326 : vector<16xf32>
    %mul3A_328 = arith.mulf %get3A_304, %mul3A_327 : vector<16xf32>
    %sub3A_329 = arith.subf %gather3A_132, %mul3A_328 : vector<16xf32>
    %swap3A_330 = arith.constant 64 : index
    %swap3A_331 = tpu.vector_load %arg9[%swap3A_330] {strides = array<i32>} : memref<512xf32, #tpu.memory_space<vmem>>, vector<16xf32>,
    tpu.vector_store %arg9[%swap3A_330], %sub3A_329 {strides = array<i32>} : memref<512xf32, #tpu.memory_space<vmem>>, vector<16xf32>,
    %get3A_332 = arith.constant 80 : index
    %get3A_333 = tpu.vector_load %arg9[%get3A_332] {strides = array<i32>} : memref<512xf32, #tpu.memory_space<vmem>>, vector<16xf32>,
    %bitcast_convert_type3A_334 = tpu.bitcast %get3A_333 : vector<16xf32> -> vector<16xi32>
    %shift_right_logical3A_335 = arith.constant 1 : i32
    %shift_right_logical3A_336 = vector.broadcast %shift_right_logical3A_335 : i32 to vector<16xi32>
    %shift_right_logical3A_337 = arith.shrui %bitcast_convert_type3A_334, %shift_right_logical3A_336 : vector<16xi32>
    %sub3A_338 = arith.constant 1597463007 : i32
    %sub3A_339 = vector.broadcast %sub3A_338 : i32 to vector<16xi32>
    %sub3A_340 = arith.subi %sub3A_339, %shift_right_logical3A_337 : vector<16xi32>
    %bitcast_convert_type3A_341 = tpu.bitcast %sub3A_340 : vector<16xi32> -> vector<16xf32>
    %mul3A_342 = arith.constant 5.000000e-01 : f32
    %mul3A_343 = vector.broadcast %mul3A_342 : f32 to vector<16xf32>
    %mul3A_344 = arith.mulf %get3A_333, %mul3A_343 : vector<16xf32>
    %mul3A_345 = arith.mulf %mul3A_344, %bitcast_convert_type3A_341 : vector<16xf32>
    %mul3A_346 = arith.mulf %mul3A_345, %bitcast_convert_type3A_341 : vector<16xf32>
    %sub3A_347 = arith.constant 1.500000e+00 : f32
    %sub3A_348 = vector.broadcast %sub3A_347 : f32 to vector<16xf32>
    %sub3A_349 = arith.subf %sub3A_348, %mul3A_346 : vector<16xf32>
    %mul3A_350 = arith.mulf %bitcast_convert_type3A_341, %sub3A_349 : vector<16xf32>
    %mul3A_351 = arith.mulf %mul3A_344, %mul3A_350 : vector<16xf32>
    %mul3A_352 = arith.mulf %mul3A_351, %mul3A_350 : vector<16xf32>
    %sub3A_353 = arith.constant 1.500000e+00 : f32
    %sub3A_354 = vector.broadcast %sub3A_353 : f32 to vector<16xf32>
    %sub3A_355 = arith.subf %sub3A_354, %mul3A_352 : vector<16xf32>
    %mul3A_356 = arith.mulf %mul3A_350, %sub3A_355 : vector<16xf32>
    %mul3A_357 = arith.mulf %get3A_333, %mul3A_356 : vector<16xf32>
    %sub3A_358 = arith.subf %gather3A_132, %mul3A_357 : vector<16xf32>
    %swap3A_359 = arith.constant 80 : index
    %swap3A_360 = tpu.vector_load %arg9[%swap3A_359] {strides = array<i32>} : memref<512xf32, #tpu.memory_space<vmem>>, vector<16xf32>,
    tpu.vector_store %arg9[%swap3A_359], %sub3A_358 {strides = array<i32>} : memref<512xf32, #tpu.memory_space<vmem>>, vector<16xf32>,
    %get3A_361 = arith.constant 96 : index
    %get3A_362 = tpu.vector_load %arg9[%get3A_361] {strides = array<i32>} : memref<512xf32, #tpu.memory_space<vmem>>, vector<16xf32>,
    %bitcast_convert_type3A_363 = tpu.bitcast %get3A_362 : vector<16xf32> -> vector<16xi32>
    %shift_right_logical3A_364 = arith.constant 1 : i32
    %shift_right_logical3A_365 = vector.broadcast %shift_right_logical3A_364 : i32 to vector<16xi32>
    %shift_right_logical3A_366 = arith.shrui %bitcast_convert_type3A_363, %shift_right_logical3A_365 : vector<16xi32>
    %sub3A_367 = arith.constant 1597463007 : i32
    %sub3A_368 = vector.broadcast %sub3A_367 : i32 to vector<16xi32>
    %sub3A_369 = arith.subi %sub3A_368, %shift_right_logical3A_366 : vector<16xi32>
    %bitcast_convert_type3A_370 = tpu.bitcast %sub3A_369 : vector<16xi32> -> vector<16xf32>
    %mul3A_371 = arith.constant 5.000000e-01 : f32
    %mul3A_372 = vector.broadcast %mul3A_371 : f32 to vector<16xf32>
    %mul3A_373 = arith.mulf %get3A_362, %mul3A_372 : vector<16xf32>
    %mul3A_374 = arith.mulf %mul3A_373, %bitcast_convert_type3A_370 : vector<16xf32>
    %mul3A_375 = arith.mulf %mul3A_374, %bitcast_convert_type3A_370 : vector<16xf32>
    %sub3A_376 = arith.constant 1.500000e+00 : f32
    %sub3A_377 = vector.broadcast %sub3A_376 : f32 to vector<16xf32>
    %sub3A_378 = arith.subf %sub3A_377, %mul3A_375 : vector<16xf32>
    %mul3A_379 = arith.mulf %bitcast_convert_type3A_370, %sub3A_378 : vector<16xf32>
    %mul3A_380 = arith.mulf %mul3A_373, %mul3A_379 : vector<16xf32>
    %mul3A_381 = arith.mulf %mul3A_380, %mul3A_379 : vector<16xf32>
    %sub3A_382 = arith.constant 1.500000e+00 : f32
    %sub3A_383 = vector.broadcast %sub3A_382 : f32 to vector<16xf32>
    %sub3A_384 = arith.subf %sub3A_383, %mul3A_381 : vector<16xf32>
    %mul3A_385 = arith.mulf %mul3A_379, %sub3A_384 : vector<16xf32>
    %mul3A_386 = arith.mulf %get3A_362, %mul3A_385 : vector<16xf32>
    %sub3A_387 = arith.subf %gather3A_132, %mul3A_386 : vector<16xf32>
    %swap3A_388 = arith.constant 96 : index
    %swap3A_389 = tpu.vector_load %arg9[%swap3A_388] {strides = array<i32>} : memref<512xf32, #tpu.memory_space<vmem>>, vector<16xf32>,
    tpu.vector_store %arg9[%swap3A_388], %sub3A_387 {strides = array<i32>} : memref<512xf32, #tpu.memory_space<vmem>>, vector<16xf32>,
    %get3A_390 = arith.constant 112 : index
    %get3A_391 = tpu.vector_load %arg9[%get3A_390] {strides = array<i32>} : memref<512xf32, #tpu.memory_space<vmem>>, vector<16xf32>,
    %bitcast_convert_type3A_392 = tpu.bitcast %get3A_391 : vector<16xf32> -> vector<16xi32>
    %shift_right_logical3A_393 = arith.constant 1 : i32
    %shift_right_logical3A_394 = vector.broadcast %shift_right_logical3A_393 : i32 to vector<16xi32>
    %shift_right_logical3A_395 = arith.shrui %bitcast_convert_type3A_392, %shift_right_logical3A_394 : vector<16xi32>
    %sub3A_396 = arith.constant 1597463007 : i32
    %sub3A_397 = vector.broadcast %sub3A_396 : i32 to vector<16xi32>
    %sub3A_398 = arith.subi %sub3A_397, %shift_right_logical3A_395 : vector<16xi32>
    %bitcast_convert_type3A_399 = tpu.bitcast %sub3A_398 : vector<16xi32> -> vector<16xf32>
    %mul3A_400 = arith.constant 5.000000e-01 : f32
    %mul3A_401 = vector.broadcast %mul3A_400 : f32 to vector<16xf32>
    %mul3A_402 = arith.mulf %get3A_391, %mul3A_401 : vector<16xf32>
    %mul3A_403 = arith.mulf %mul3A_402, %bitcast_convert_type3A_399 : vector<16xf32>
    %mul3A_404 = arith.mulf %mul3A_403, %bitcast_convert_type3A_399 : vector<16xf32>
    %sub3A_405 = arith.constant 1.500000e+00 : f32
    %sub3A_406 = vector.broadcast %sub3A_405 : f32 to vector<16xf32>
    %sub3A_407 = arith.subf %sub3A_406, %mul3A_404 : vector<16xf32>
    %mul3A_408 = arith.mulf %bitcast_convert_type3A_399, %sub3A_407 : vector<16xf32>
    %mul3A_409 = arith.mulf %mul3A_402, %mul3A_408 : vector<16xf32>
    %mul3A_410 = arith.mulf %mul3A_409, %mul3A_408 : vector<16xf32>
    %sub3A_411 = arith.constant 1.500000e+00 : f32
    %sub3A_412 = vector.broadcast %sub3A_411 : f32 to vector<16xf32>
    %sub3A_413 = arith.subf %sub3A_412, %mul3A_410 : vector<16xf32>
    %mul3A_414 = arith.mulf %mul3A_408, %sub3A_413 : vector<16xf32>
    %mul3A_415 = arith.mulf %get3A_391, %mul3A_414 : vector<16xf32>
    %sub3A_416 = arith.subf %gather3A_132, %mul3A_415 : vector<16xf32>
    %swap3A_417 = arith.constant 112 : index
    %swap3A_418 = tpu.vector_load %arg9[%swap3A_417] {strides = array<i32>} : memref<512xf32, #tpu.memory_space<vmem>>, vector<16xf32>,
    tpu.vector_store %arg9[%swap3A_417], %sub3A_416 {strides = array<i32>} : memref<512xf32, #tpu.memory_space<vmem>>, vector<16xf32>,
    %dma_start3A_419 = arith.constant 0 : i32
    %dma_start3A_420 = arith.constant 2 : i32
    %dma_start3A_421 = arith.constant 0 : i32
    %dma_start3A_422 = arith.constant 0 : i32
    %dma_start3A_423 = arith.constant 0 : i32
    %dma_start3A_424 = arith.constant 0 : i32
    %dma_start3A_425 = tpu.memref_slice %arg8[%dma_start3A_421, %dma_start3A_422, %dma_start3A_423, %dma_start3A_424] : memref<2x2x128x128xf32, #tpu.memory_space<vmem>> -> memref<1x1x128x128xf32, #tpu.memory_space<vmem>>
    %dma_start3A_426 = tpu.memref_squeeze %dma_start3A_425 : memref<1x1x128x128xf32, #tpu.memory_space<vmem>> -> memref<128x128xf32, #tpu.memory_space<vmem>>
    %dma_start3A_427 = arith.constant 0 : i32
    %dma_start3A_428 = tpu.memref_slice %arg7[%dma_start3A_419, %dma_start3A_420, %dma_start3A_427] : memref<2x4x128xi32, #tpu.memory_space<vmem>> -> memref<1x1x128xi32, #tpu.memory_space<vmem>>
    %dma_start3A_429 = tpu.memref_squeeze %dma_start3A_428 : memref<1x1x128xi32, #tpu.memory_space<vmem>> -> memref<128xi32, #tpu.memory_space<vmem>>
    %dma_start3A_430 = arith.constant 0 : i32
    %dma_start3A_431 = arith.constant 0 : i32
    %dma_start3A_432 = tpu.memref_slice %arg2[%dma_start3A_430, %dma_start3A_431] : memref<100000x128xf32, #tpu.memory_space<hbm>> -> memref<100000x128xf32, #tpu.memory_space<hbm>>
    tpu.enqueue_indirect_dma source(%dma_start3A_432 : memref<100000x128xf32, #tpu.memory_space<hbm>>) target(%dma_start3A_426 : memref<128x128xf32, #tpu.memory_space<vmem>>) offsets(%dma_start3A_429 : memref<128xi32, #tpu.memory_space<vmem>>) semaphore(%arg11 : memref<!tpu.dma_semaphore, #tpu.memory_space<semaphore_mem>>)
    %dma_start3A_433 = arith.constant 1 : i32
    %dma_start3A_434 = arith.constant 2 : i32
    %dma_start3A_435 = arith.constant 0 : i32
    %dma_start3A_436 = arith.constant 1 : i32
    %dma_start3A_437 = arith.constant 0 : i32
    %dma_start3A_438 = arith.constant 0 : i32
    %dma_start3A_439 = tpu.memref_slice %arg8[%dma_start3A_435, %dma_start3A_436, %dma_start3A_437, %dma_start3A_438] : memref<2x2x128x128xf32, #tpu.memory_space<vmem>> -> memref<1x1x128x128xf32, #tpu.memory_space<vmem>>
    %dma_start3A_440 = tpu.memref_squeeze %dma_start3A_439 : memref<1x1x128x128xf32, #tpu.memory_space<vmem>> -> memref<128x128xf32, #tpu.memory_space<vmem>>
    %dma_start3A_441 = arith.constant 0 : i32
    %dma_start3A_442 = tpu.memref_slice %arg7[%dma_start3A_433, %dma_start3A_434, %dma_start3A_441] : memref<2x4x128xi32, #tpu.memory_space<vmem>> -> memref<1x1x128xi32, #tpu.memory_space<vmem>>
    %dma_start3A_443 = tpu.memref_squeeze %dma_start3A_442 : memref<1x1x128xi32, #tpu.memory_space<vmem>> -> memref<128xi32, #tpu.memory_space<vmem>>
    %dma_start3A_444 = arith.constant 0 : i32
    %dma_start3A_445 = arith.constant 0 : i32
    %dma_start3A_446 = tpu.memref_slice %arg2[%dma_start3A_444, %dma_start3A_445] : memref<100000x128xf32, #tpu.memory_space<hbm>> -> memref<100000x128xf32, #tpu.memory_space<hbm>>
    tpu.enqueue_indirect_dma source(%dma_start3A_446 : memref<100000x128xf32, #tpu.memory_space<hbm>>) target(%dma_start3A_440 : memref<128x128xf32, #tpu.memory_space<vmem>>) offsets(%dma_start3A_443 : memref<128xi32, #tpu.memory_space<vmem>>) semaphore(%arg11 : memref<!tpu.dma_semaphore, #tpu.memory_space<semaphore_mem>>)
    %dma_wait3A_447 = arith.constant 0 : i32
    %dma_wait3A_448 = arith.constant 1 : i32
    %dma_wait3A_449 = arith.constant 1 : i32
    %dma_wait3A_450 = arith.constant 0 : i32
    %dma_wait3A_451 = arith.constant 0 : i32
    %dma_wait3A_452 = arith.constant 0 : i32
    %dma_wait3A_453 = tpu.memref_slice %arg8[%dma_wait3A_449, %dma_wait3A_450, %dma_wait3A_451, %dma_wait3A_452] : memref<2x2x128x128xf32, #tpu.memory_space<vmem>> -> memref<1x1x128x128xf32, #tpu.memory_space<vmem>>
    %dma_wait3A_454 = tpu.memref_squeeze %dma_wait3A_453 : memref<1x1x128x128xf32, #tpu.memory_space<vmem>> -> memref<128x128xf32, #tpu.memory_space<vmem>>
    %dma_wait3A_455 = arith.constant 0 : i32
    %dma_wait3A_456 = tpu.memref_slice %arg7[%dma_wait3A_447, %dma_wait3A_448, %dma_wait3A_455] : memref<2x4x128xi32, #tpu.memory_space<vmem>> -> memref<1x1x128xi32, #tpu.memory_space<vmem>>
    %dma_wait3A_457 = tpu.memref_squeeze %dma_wait3A_456 : memref<1x1x128xi32, #tpu.memory_space<vmem>> -> memref<128xi32, #tpu.memory_space<vmem>>
    %dma_wait3A_458 = arith.constant 0 : i32
    %dma_wait3A_459 = arith.constant 0 : i32
    %dma_wait3A_460 = tpu.memref_slice %arg2[%dma_wait3A_458, %dma_wait3A_459] : memref<100000x128xf32, #tpu.memory_space<hbm>> -> memref<100000x128xf32, #tpu.memory_space<hbm>>
    tpu.wait_indirect_dma semaphore(%arg12 : memref<!tpu.dma_semaphore, #tpu.memory_space<semaphore_mem>>) src(%dma_wait3A_460 : memref<100000x128xf32, #tpu.memory_space<hbm>>) dst(%dma_wait3A_454 : memref<128x128xf32, #tpu.memory_space<vmem>>)
    %dma_wait3A_461 = arith.constant 1 : i32
    %dma_wait3A_462 = arith.constant 1 : i32
    %dma_wait3A_463 = arith.constant 1 : i32
    %dma_wait3A_464 = arith.constant 1 : i32
    %dma_wait3A_465 = arith.constant 0 : i32
    %dma_wait3A_466 = arith.constant 0 : i32
    %dma_wait3A_467 = tpu.memref_slice %arg8[%dma_wait3A_463, %dma_wait3A_464, %dma_wait3A_465, %dma_wait3A_466] : memref<2x2x128x128xf32, #tpu.memory_space<vmem>> -> memref<1x1x128x128xf32, #tpu.memory_space<vmem>>
    %dma_wait3A_468 = tpu.memref_squeeze %dma_wait3A_467 : memref<1x1x128x128xf32, #tpu.memory_space<vmem>> -> memref<128x128xf32, #tpu.memory_space<vmem>>
    %dma_wait3A_469 = arith.constant 0 : i32
    %dma_wait3A_470 = tpu.memref_slice %arg7[%dma_wait3A_461, %dma_wait3A_462, %dma_wait3A_469] : memref<2x4x128xi32, #tpu.memory_space<vmem>> -> memref<1x1x128xi32, #tpu.memory_space<vmem>>
    %dma_wait3A_471 = tpu.memref_squeeze %dma_wait3A_470 : memref<1x1x128xi32, #tpu.memory_space<vmem>> -> memref<128xi32, #tpu.memory_space<vmem>>
    %dma_wait3A_472 = arith.constant 0 : i32
    %dma_wait3A_473 = arith.constant 0 : i32
    %dma_wait3A_474 = tpu.memref_slice %arg2[%dma_wait3A_472, %dma_wait3A_473] : memref<100000x128xf32, #tpu.memory_space<hbm>> -> memref<100000x128xf32, #tpu.memory_space<hbm>>
    tpu.wait_indirect_dma semaphore(%arg12 : memref<!tpu.dma_semaphore, #tpu.memory_space<semaphore_mem>>) src(%dma_wait3A_474 : memref<100000x128xf32, #tpu.memory_space<hbm>>) dst(%dma_wait3A_468 : memref<128x128xf32, #tpu.memory_space<vmem>>)
    %parallel_loop3A_475 = arith.constant 0 : i32
    %parallel_loop3A_476 = arith.constant 32 : i32
    %parallel_loop3A_477 = arith.constant 1 : i32
    scf.for %parallel_loop3A_1266 = %parallel_loop3A_475 to %parallel_loop3A_476 step %parallel_loop3A_477  : i32 {
      %parallel_loop3A_1267 = arith.constant 2 : i32
      %parallel_loop3A_1268 = arith.shrsi %parallel_loop3A_1266, %parallel_loop3A_1267 : i32
      %parallel_loop3A_1269 = arith.constant 3 : i32
      %parallel_loop3A_1270 = arith.andi %parallel_loop3A_1266, %parallel_loop3A_1269 : i32
      %parallel_loop3A_1271 = arith.constant 16 : i32
      %parallel_loop3A_1272 = arith.muli %parallel_loop3A_1268, %parallel_loop3A_1271 : i32
      %parallel_loop3A_1273 = arith.addi %parallel_loop3A_1272, %parallel_loop3A_1270 : i32
      %parallel_loop3A_1274 = arith.constant 1 : i32
      %parallel_loop3A_1275 = arith.constant 0 : i32
      %parallel_loop3A_1276 = arith.index_cast %parallel_loop3A_1274 : i32 to index
      %parallel_loop3A_1277 = arith.index_cast %parallel_loop3A_1275 : i32 to index
      %parallel_loop3A_1278 = arith.index_cast %parallel_loop3A_1273 : i32 to index
      %parallel_loop3A_1279 = arith.constant 0 : index
      %parallel_loop3A_1280 = tpu.vector_load %arg8[%parallel_loop3A_1276, %parallel_loop3A_1277, %parallel_loop3A_1278, %parallel_loop3A_1279] {strides = array<i32>} : memref<2x2x128x128xf32, #tpu.memory_space<vmem>>, vector<16xf32>,
      %parallel_loop3A_1281 = arith.constant 1 : i32
      %parallel_loop3A_1282 = arith.constant 1 : i32
      %parallel_loop3A_1283 = arith.index_cast %parallel_loop3A_1281 : i32 to index
      %parallel_loop3A_1284 = arith.index_cast %parallel_loop3A_1282 : i32 to index
      %parallel_loop3A_1285 = arith.index_cast %parallel_loop3A_1273 : i32 to index
      %parallel_loop3A_1286 = arith.constant 0 : index
      %parallel_loop3A_1287 = tpu.vector_load %arg8[%parallel_loop3A_1283, %parallel_loop3A_1284, %parallel_loop3A_1285, %parallel_loop3A_1286] {strides = array<i32>} : memref<2x2x128x128xf32, #tpu.memory_space<vmem>>, vector<16xf32>,
      %parallel_loop3A_1288 = arith.subf %parallel_loop3A_1280, %parallel_loop3A_1287 : vector<16xf32>
      %parallel_loop3A_1289 = arith.mulf %parallel_loop3A_1288, %parallel_loop3A_1288 : vector<16xf32>
      %parallel_loop3A_1290 = arith.constant 1 : i32
      %parallel_loop3A_1291 = arith.constant 0 : i32
      %parallel_loop3A_1292 = arith.index_cast %parallel_loop3A_1290 : i32 to index
      %parallel_loop3A_1293 = arith.index_cast %parallel_loop3A_1291 : i32 to index
      %parallel_loop3A_1294 = arith.index_cast %parallel_loop3A_1273 : i32 to index
      %parallel_loop3A_1295 = arith.constant 16 : index
      %parallel_loop3A_1296 = tpu.vector_load %arg8[%parallel_loop3A_1292, %parallel_loop3A_1293, %parallel_loop3A_1294, %parallel_loop3A_1295] {strides = array<i32>} : memref<2x2x128x128xf32, #tpu.memory_space<vmem>>, vector<16xf32>,
      %parallel_loop3A_1297 = arith.constant 1 : i32
      %parallel_loop3A_1298 = arith.constant 1 : i32
      %parallel_loop3A_1299 = arith.index_cast %parallel_loop3A_1297 : i32 to index
      %parallel_loop3A_1300 = arith.index_cast %parallel_loop3A_1298 : i32 to index
      %parallel_loop3A_1301 = arith.index_cast %parallel_loop3A_1273 : i32 to index
      %parallel_loop3A_1302 = arith.constant 16 : index
      %parallel_loop3A_1303 = tpu.vector_load %arg8[%parallel_loop3A_1299, %parallel_loop3A_1300, %parallel_loop3A_1301, %parallel_loop3A_1302] {strides = array<i32>} : memref<2x2x128x128xf32, #tpu.memory_space<vmem>>, vector<16xf32>,
      %parallel_loop3A_1304 = arith.subf %parallel_loop3A_1296, %parallel_loop3A_1303 : vector<16xf32>
      %parallel_loop3A_1305 = arith.mulf %parallel_loop3A_1304, %parallel_loop3A_1304 : vector<16xf32>
      %parallel_loop3A_1306 = arith.addf %parallel_loop3A_1289, %parallel_loop3A_1305 : vector<16xf32>
      %parallel_loop3A_1307 = arith.constant 1 : i32
      %parallel_loop3A_1308 = arith.constant 0 : i32
      %parallel_loop3A_1309 = arith.index_cast %parallel_loop3A_1307 : i32 to index
      %parallel_loop3A_1310 = arith.index_cast %parallel_loop3A_1308 : i32 to index
      %parallel_loop3A_1311 = arith.index_cast %parallel_loop3A_1273 : i32 to index
      %parallel_loop3A_1312 = arith.constant 32 : index
      %parallel_loop3A_1313 = tpu.vector_load %arg8[%parallel_loop3A_1309, %parallel_loop3A_1310, %parallel_loop3A_1311, %parallel_loop3A_1312] {strides = array<i32>} : memref<2x2x128x128xf32, #tpu.memory_space<vmem>>, vector<16xf32>,
      %parallel_loop3A_1314 = arith.constant 1 : i32
      %parallel_loop3A_1315 = arith.constant 1 : i32
      %parallel_loop3A_1316 = arith.index_cast %parallel_loop3A_1314 : i32 to index
      %parallel_loop3A_1317 = arith.index_cast %parallel_loop3A_1315 : i32 to index
      %parallel_loop3A_1318 = arith.index_cast %parallel_loop3A_1273 : i32 to index
      %parallel_loop3A_1319 = arith.constant 32 : index
      %parallel_loop3A_1320 = tpu.vector_load %arg8[%parallel_loop3A_1316, %parallel_loop3A_1317, %parallel_loop3A_1318, %parallel_loop3A_1319] {strides = array<i32>} : memref<2x2x128x128xf32, #tpu.memory_space<vmem>>, vector<16xf32>,
      %parallel_loop3A_1321 = arith.subf %parallel_loop3A_1313, %parallel_loop3A_1320 : vector<16xf32>
      %parallel_loop3A_1322 = arith.mulf %parallel_loop3A_1321, %parallel_loop3A_1321 : vector<16xf32>
      %parallel_loop3A_1323 = arith.addf %parallel_loop3A_1306, %parallel_loop3A_1322 : vector<16xf32>
      %parallel_loop3A_1324 = arith.constant 1 : i32
      %parallel_loop3A_1325 = arith.constant 0 : i32
      %parallel_loop3A_1326 = arith.index_cast %parallel_loop3A_1324 : i32 to index
      %parallel_loop3A_1327 = arith.index_cast %parallel_loop3A_1325 : i32 to index
      %parallel_loop3A_1328 = arith.index_cast %parallel_loop3A_1273 : i32 to index
      %parallel_loop3A_1329 = arith.constant 48 : index
      %parallel_loop3A_1330 = tpu.vector_load %arg8[%parallel_loop3A_1326, %parallel_loop3A_1327, %parallel_loop3A_1328, %parallel_loop3A_1329] {strides = array<i32>} : memref<2x2x128x128xf32, #tpu.memory_space<vmem>>, vector<16xf32>,
      %parallel_loop3A_1331 = arith.constant 1 : i32
      %parallel_loop3A_1332 = arith.constant 1 : i32
      %parallel_loop3A_1333 = arith.index_cast %parallel_loop3A_1331 : i32 to index
      %parallel_loop3A_1334 = arith.index_cast %parallel_loop3A_1332 : i32 to index
      %parallel_loop3A_1335 = arith.index_cast %parallel_loop3A_1273 : i32 to index
      %parallel_loop3A_1336 = arith.constant 48 : index
      %parallel_loop3A_1337 = tpu.vector_load %arg8[%parallel_loop3A_1333, %parallel_loop3A_1334, %parallel_loop3A_1335, %parallel_loop3A_1336] {strides = array<i32>} : memref<2x2x128x128xf32, #tpu.memory_space<vmem>>, vector<16xf32>,
      %parallel_loop3A_1338 = arith.subf %parallel_loop3A_1330, %parallel_loop3A_1337 : vector<16xf32>
      %parallel_loop3A_1339 = arith.mulf %parallel_loop3A_1338, %parallel_loop3A_1338 : vector<16xf32>
      %parallel_loop3A_1340 = arith.addf %parallel_loop3A_1323, %parallel_loop3A_1339 : vector<16xf32>
      %parallel_loop3A_1341 = arith.constant 1 : i32
      %parallel_loop3A_1342 = arith.constant 0 : i32
      %parallel_loop3A_1343 = arith.index_cast %parallel_loop3A_1341 : i32 to index
      %parallel_loop3A_1344 = arith.index_cast %parallel_loop3A_1342 : i32 to index
      %parallel_loop3A_1345 = arith.index_cast %parallel_loop3A_1273 : i32 to index
      %parallel_loop3A_1346 = arith.constant 64 : index
      %parallel_loop3A_1347 = tpu.vector_load %arg8[%parallel_loop3A_1343, %parallel_loop3A_1344, %parallel_loop3A_1345, %parallel_loop3A_1346] {strides = array<i32>} : memref<2x2x128x128xf32, #tpu.memory_space<vmem>>, vector<16xf32>,
      %parallel_loop3A_1348 = arith.constant 1 : i32
      %parallel_loop3A_1349 = arith.constant 1 : i32
      %parallel_loop3A_1350 = arith.index_cast %parallel_loop3A_1348 : i32 to index
      %parallel_loop3A_1351 = arith.index_cast %parallel_loop3A_1349 : i32 to index
      %parallel_loop3A_1352 = arith.index_cast %parallel_loop3A_1273 : i32 to index
      %parallel_loop3A_1353 = arith.constant 64 : index
      %parallel_loop3A_1354 = tpu.vector_load %arg8[%parallel_loop3A_1350, %parallel_loop3A_1351, %parallel_loop3A_1352, %parallel_loop3A_1353] {strides = array<i32>} : memref<2x2x128x128xf32, #tpu.memory_space<vmem>>, vector<16xf32>,
      %parallel_loop3A_1355 = arith.subf %parallel_loop3A_1347, %parallel_loop3A_1354 : vector<16xf32>
      %parallel_loop3A_1356 = arith.mulf %parallel_loop3A_1355, %parallel_loop3A_1355 : vector<16xf32>
      %parallel_loop3A_1357 = arith.addf %parallel_loop3A_1340, %parallel_loop3A_1356 : vector<16xf32>
      %parallel_loop3A_1358 = arith.constant 1 : i32
      %parallel_loop3A_1359 = arith.constant 0 : i32
      %parallel_loop3A_1360 = arith.index_cast %parallel_loop3A_1358 : i32 to index
      %parallel_loop3A_1361 = arith.index_cast %parallel_loop3A_1359 : i32 to index
      %parallel_loop3A_1362 = arith.index_cast %parallel_loop3A_1273 : i32 to index
      %parallel_loop3A_1363 = arith.constant 80 : index
      %parallel_loop3A_1364 = tpu.vector_load %arg8[%parallel_loop3A_1360, %parallel_loop3A_1361, %parallel_loop3A_1362, %parallel_loop3A_1363] {strides = array<i32>} : memref<2x2x128x128xf32, #tpu.memory_space<vmem>>, vector<16xf32>,
      %parallel_loop3A_1365 = arith.constant 1 : i32
      %parallel_loop3A_1366 = arith.constant 1 : i32
      %parallel_loop3A_1367 = arith.index_cast %parallel_loop3A_1365 : i32 to index
      %parallel_loop3A_1368 = arith.index_cast %parallel_loop3A_1366 : i32 to index
      %parallel_loop3A_1369 = arith.index_cast %parallel_loop3A_1273 : i32 to index
      %parallel_loop3A_1370 = arith.constant 80 : index
      %parallel_loop3A_1371 = tpu.vector_load %arg8[%parallel_loop3A_1367, %parallel_loop3A_1368, %parallel_loop3A_1369, %parallel_loop3A_1370] {strides = array<i32>} : memref<2x2x128x128xf32, #tpu.memory_space<vmem>>, vector<16xf32>,
      %parallel_loop3A_1372 = arith.subf %parallel_loop3A_1364, %parallel_loop3A_1371 : vector<16xf32>
      %parallel_loop3A_1373 = arith.mulf %parallel_loop3A_1372, %parallel_loop3A_1372 : vector<16xf32>
      %parallel_loop3A_1374 = arith.addf %parallel_loop3A_1357, %parallel_loop3A_1373 : vector<16xf32>
      %parallel_loop3A_1375 = arith.constant 1 : i32
      %parallel_loop3A_1376 = arith.constant 0 : i32
      %parallel_loop3A_1377 = arith.index_cast %parallel_loop3A_1375 : i32 to index
      %parallel_loop3A_1378 = arith.index_cast %parallel_loop3A_1376 : i32 to index
      %parallel_loop3A_1379 = arith.index_cast %parallel_loop3A_1273 : i32 to index
      %parallel_loop3A_1380 = arith.constant 96 : index
      %parallel_loop3A_1381 = tpu.vector_load %arg8[%parallel_loop3A_1377, %parallel_loop3A_1378, %parallel_loop3A_1379, %parallel_loop3A_1380] {strides = array<i32>} : memref<2x2x128x128xf32, #tpu.memory_space<vmem>>, vector<16xf32>,
      %parallel_loop3A_1382 = arith.constant 1 : i32
      %parallel_loop3A_1383 = arith.constant 1 : i32
      %parallel_loop3A_1384 = arith.index_cast %parallel_loop3A_1382 : i32 to index
      %parallel_loop3A_1385 = arith.index_cast %parallel_loop3A_1383 : i32 to index
      %parallel_loop3A_1386 = arith.index_cast %parallel_loop3A_1273 : i32 to index
      %parallel_loop3A_1387 = arith.constant 96 : index
      %parallel_loop3A_1388 = tpu.vector_load %arg8[%parallel_loop3A_1384, %parallel_loop3A_1385, %parallel_loop3A_1386, %parallel_loop3A_1387] {strides = array<i32>} : memref<2x2x128x128xf32, #tpu.memory_space<vmem>>, vector<16xf32>,
      %parallel_loop3A_1389 = arith.subf %parallel_loop3A_1381, %parallel_loop3A_1388 : vector<16xf32>
      %parallel_loop3A_1390 = arith.mulf %parallel_loop3A_1389, %parallel_loop3A_1389 : vector<16xf32>
      %parallel_loop3A_1391 = arith.addf %parallel_loop3A_1374, %parallel_loop3A_1390 : vector<16xf32>
      %parallel_loop3A_1392 = arith.constant 1 : i32
      %parallel_loop3A_1393 = arith.constant 0 : i32
      %parallel_loop3A_1394 = arith.index_cast %parallel_loop3A_1392 : i32 to index
      %parallel_loop3A_1395 = arith.index_cast %parallel_loop3A_1393 : i32 to index
      %parallel_loop3A_1396 = arith.index_cast %parallel_loop3A_1273 : i32 to index
      %parallel_loop3A_1397 = arith.constant 112 : index
      %parallel_loop3A_1398 = tpu.vector_load %arg8[%parallel_loop3A_1394, %parallel_loop3A_1395, %parallel_loop3A_1396, %parallel_loop3A_1397] {strides = array<i32>} : memref<2x2x128x128xf32, #tpu.memory_space<vmem>>, vector<16xf32>,
      %parallel_loop3A_1399 = arith.constant 1 : i32
      %parallel_loop3A_1400 = arith.constant 1 : i32
      %parallel_loop3A_1401 = arith.index_cast %parallel_loop3A_1399 : i32 to index
      %parallel_loop3A_1402 = arith.index_cast %parallel_loop3A_1400 : i32 to index
      %parallel_loop3A_1403 = arith.index_cast %parallel_loop3A_1273 : i32 to index
      %parallel_loop3A_1404 = arith.constant 112 : index
      %parallel_loop3A_1405 = tpu.vector_load %arg8[%parallel_loop3A_1401, %parallel_loop3A_1402, %parallel_loop3A_1403, %parallel_loop3A_1404] {strides = array<i32>} : memref<2x2x128x128xf32, #tpu.memory_space<vmem>>, vector<16xf32>,
      %parallel_loop3A_1406 = arith.subf %parallel_loop3A_1398, %parallel_loop3A_1405 : vector<16xf32>
      %parallel_loop3A_1407 = arith.mulf %parallel_loop3A_1406, %parallel_loop3A_1406 : vector<16xf32>
      %parallel_loop3A_1408 = arith.addf %parallel_loop3A_1391, %parallel_loop3A_1407 : vector<16xf32>
      %parallel_loop3A_1409 = arith.constant 4 : i32
      %parallel_loop3A_1410 = arith.addi %parallel_loop3A_1273, %parallel_loop3A_1409 : i32
      %parallel_loop3A_1411 = arith.constant 1 : i32
      %parallel_loop3A_1412 = arith.constant 0 : i32
      %parallel_loop3A_1413 = arith.index_cast %parallel_loop3A_1411 : i32 to index
      %parallel_loop3A_1414 = arith.index_cast %parallel_loop3A_1412 : i32 to index
      %parallel_loop3A_1415 = arith.index_cast %parallel_loop3A_1410 : i32 to index
      %parallel_loop3A_1416 = arith.constant 0 : index
      %parallel_loop3A_1417 = tpu.vector_load %arg8[%parallel_loop3A_1413, %parallel_loop3A_1414, %parallel_loop3A_1415, %parallel_loop3A_1416] {strides = array<i32>} : memref<2x2x128x128xf32, #tpu.memory_space<vmem>>, vector<16xf32>,
      %parallel_loop3A_1418 = arith.constant 1 : i32
      %parallel_loop3A_1419 = arith.constant 1 : i32
      %parallel_loop3A_1420 = arith.index_cast %parallel_loop3A_1418 : i32 to index
      %parallel_loop3A_1421 = arith.index_cast %parallel_loop3A_1419 : i32 to index
      %parallel_loop3A_1422 = arith.index_cast %parallel_loop3A_1410 : i32 to index
      %parallel_loop3A_1423 = arith.constant 0 : index
      %parallel_loop3A_1424 = tpu.vector_load %arg8[%parallel_loop3A_1420, %parallel_loop3A_1421, %parallel_loop3A_1422, %parallel_loop3A_1423] {strides = array<i32>} : memref<2x2x128x128xf32, #tpu.memory_space<vmem>>, vector<16xf32>,
      %parallel_loop3A_1425 = arith.subf %parallel_loop3A_1417, %parallel_loop3A_1424 : vector<16xf32>
      %parallel_loop3A_1426 = arith.mulf %parallel_loop3A_1425, %parallel_loop3A_1425 : vector<16xf32>
      %parallel_loop3A_1427 = arith.constant 1 : i32
      %parallel_loop3A_1428 = arith.constant 0 : i32
      %parallel_loop3A_1429 = arith.index_cast %parallel_loop3A_1427 : i32 to index
      %parallel_loop3A_1430 = arith.index_cast %parallel_loop3A_1428 : i32 to index
      %parallel_loop3A_1431 = arith.index_cast %parallel_loop3A_1410 : i32 to index
      %parallel_loop3A_1432 = arith.constant 16 : index
      %parallel_loop3A_1433 = tpu.vector_load %arg8[%parallel_loop3A_1429, %parallel_loop3A_1430, %parallel_loop3A_1431, %parallel_loop3A_1432] {strides = array<i32>} : memref<2x2x128x128xf32, #tpu.memory_space<vmem>>, vector<16xf32>,
      %parallel_loop3A_1434 = arith.constant 1 : i32
      %parallel_loop3A_1435 = arith.constant 1 : i32
      %parallel_loop3A_1436 = arith.index_cast %parallel_loop3A_1434 : i32 to index
      %parallel_loop3A_1437 = arith.index_cast %parallel_loop3A_1435 : i32 to index
      %parallel_loop3A_1438 = arith.index_cast %parallel_loop3A_1410 : i32 to index
      %parallel_loop3A_1439 = arith.constant 16 : index
      %parallel_loop3A_1440 = tpu.vector_load %arg8[%parallel_loop3A_1436, %parallel_loop3A_1437, %parallel_loop3A_1438, %parallel_loop3A_1439] {strides = array<i32>} : memref<2x2x128x128xf32, #tpu.memory_space<vmem>>, vector<16xf32>,
      %parallel_loop3A_1441 = arith.subf %parallel_loop3A_1433, %parallel_loop3A_1440 : vector<16xf32>
      %parallel_loop3A_1442 = arith.mulf %parallel_loop3A_1441, %parallel_loop3A_1441 : vector<16xf32>
      %parallel_loop3A_1443 = arith.addf %parallel_loop3A_1426, %parallel_loop3A_1442 : vector<16xf32>
      %parallel_loop3A_1444 = arith.constant 1 : i32
      %parallel_loop3A_1445 = arith.constant 0 : i32
      %parallel_loop3A_1446 = arith.index_cast %parallel_loop3A_1444 : i32 to index
      %parallel_loop3A_1447 = arith.index_cast %parallel_loop3A_1445 : i32 to index
      %parallel_loop3A_1448 = arith.index_cast %parallel_loop3A_1410 : i32 to index
      %parallel_loop3A_1449 = arith.constant 32 : index
      %parallel_loop3A_1450 = tpu.vector_load %arg8[%parallel_loop3A_1446, %parallel_loop3A_1447, %parallel_loop3A_1448, %parallel_loop3A_1449] {strides = array<i32>} : memref<2x2x128x128xf32, #tpu.memory_space<vmem>>, vector<16xf32>,
      %parallel_loop3A_1451 = arith.constant 1 : i32
      %parallel_loop3A_1452 = arith.constant 1 : i32
      %parallel_loop3A_1453 = arith.index_cast %parallel_loop3A_1451 : i32 to index
      %parallel_loop3A_1454 = arith.index_cast %parallel_loop3A_1452 : i32 to index
      %parallel_loop3A_1455 = arith.index_cast %parallel_loop3A_1410 : i32 to index
      %parallel_loop3A_1456 = arith.constant 32 : index
      %parallel_loop3A_1457 = tpu.vector_load %arg8[%parallel_loop3A_1453, %parallel_loop3A_1454, %parallel_loop3A_1455, %parallel_loop3A_1456] {strides = array<i32>} : memref<2x2x128x128xf32, #tpu.memory_space<vmem>>, vector<16xf32>,
      %parallel_loop3A_1458 = arith.subf %parallel_loop3A_1450, %parallel_loop3A_1457 : vector<16xf32>
      %parallel_loop3A_1459 = arith.mulf %parallel_loop3A_1458, %parallel_loop3A_1458 : vector<16xf32>
      %parallel_loop3A_1460 = arith.addf %parallel_loop3A_1443, %parallel_loop3A_1459 : vector<16xf32>
      %parallel_loop3A_1461 = arith.constant 1 : i32
      %parallel_loop3A_1462 = arith.constant 0 : i32
      %parallel_loop3A_1463 = arith.index_cast %parallel_loop3A_1461 : i32 to index
      %parallel_loop3A_1464 = arith.index_cast %parallel_loop3A_1462 : i32 to index
      %parallel_loop3A_1465 = arith.index_cast %parallel_loop3A_1410 : i32 to index
      %parallel_loop3A_1466 = arith.constant 48 : index
      %parallel_loop3A_1467 = tpu.vector_load %arg8[%parallel_loop3A_1463, %parallel_loop3A_1464, %parallel_loop3A_1465, %parallel_loop3A_1466] {strides = array<i32>} : memref<2x2x128x128xf32, #tpu.memory_space<vmem>>, vector<16xf32>,
      %parallel_loop3A_1468 = arith.constant 1 : i32
      %parallel_loop3A_1469 = arith.constant 1 : i32
      %parallel_loop3A_1470 = arith.index_cast %parallel_loop3A_1468 : i32 to index
      %parallel_loop3A_1471 = arith.index_cast %parallel_loop3A_1469 : i32 to index
      %parallel_loop3A_1472 = arith.index_cast %parallel_loop3A_1410 : i32 to index
      %parallel_loop3A_1473 = arith.constant 48 : index
      %parallel_loop3A_1474 = tpu.vector_load %arg8[%parallel_loop3A_1470, %parallel_loop3A_1471, %parallel_loop3A_1472, %parallel_loop3A_1473] {strides = array<i32>} : memref<2x2x128x128xf32, #tpu.memory_space<vmem>>, vector<16xf32>,
      %parallel_loop3A_1475 = arith.subf %parallel_loop3A_1467, %parallel_loop3A_1474 : vector<16xf32>
      %parallel_loop3A_1476 = arith.mulf %parallel_loop3A_1475, %parallel_loop3A_1475 : vector<16xf32>
      %parallel_loop3A_1477 = arith.addf %parallel_loop3A_1460, %parallel_loop3A_1476 : vector<16xf32>
      %parallel_loop3A_1478 = arith.constant 1 : i32
      %parallel_loop3A_1479 = arith.constant 0 : i32
      %parallel_loop3A_1480 = arith.index_cast %parallel_loop3A_1478 : i32 to index
      %parallel_loop3A_1481 = arith.index_cast %parallel_loop3A_1479 : i32 to index
      %parallel_loop3A_1482 = arith.index_cast %parallel_loop3A_1410 : i32 to index
      %parallel_loop3A_1483 = arith.constant 64 : index
      %parallel_loop3A_1484 = tpu.vector_load %arg8[%parallel_loop3A_1480, %parallel_loop3A_1481, %parallel_loop3A_1482, %parallel_loop3A_1483] {strides = array<i32>} : memref<2x2x128x128xf32, #tpu.memory_space<vmem>>, vector<16xf32>,
      %parallel_loop3A_1485 = arith.constant 1 : i32
      %parallel_loop3A_1486 = arith.constant 1 : i32
      %parallel_loop3A_1487 = arith.index_cast %parallel_loop3A_1485 : i32 to index
      %parallel_loop3A_1488 = arith.index_cast %parallel_loop3A_1486 : i32 to index
      %parallel_loop3A_1489 = arith.index_cast %parallel_loop3A_1410 : i32 to index
      %parallel_loop3A_1490 = arith.constant 64 : index
      %parallel_loop3A_1491 = tpu.vector_load %arg8[%parallel_loop3A_1487, %parallel_loop3A_1488, %parallel_loop3A_1489, %parallel_loop3A_1490] {strides = array<i32>} : memref<2x2x128x128xf32, #tpu.memory_space<vmem>>, vector<16xf32>,
      %parallel_loop3A_1492 = arith.subf %parallel_loop3A_1484, %parallel_loop3A_1491 : vector<16xf32>
      %parallel_loop3A_1493 = arith.mulf %parallel_loop3A_1492, %parallel_loop3A_1492 : vector<16xf32>
      %parallel_loop3A_1494 = arith.addf %parallel_loop3A_1477, %parallel_loop3A_1493 : vector<16xf32>
      %parallel_loop3A_1495 = arith.constant 1 : i32
      %parallel_loop3A_1496 = arith.constant 0 : i32
      %parallel_loop3A_1497 = arith.index_cast %parallel_loop3A_1495 : i32 to index
      %parallel_loop3A_1498 = arith.index_cast %parallel_loop3A_1496 : i32 to index
      %parallel_loop3A_1499 = arith.index_cast %parallel_loop3A_1410 : i32 to index
      %parallel_loop3A_1500 = arith.constant 80 : index
      %parallel_loop3A_1501 = tpu.vector_load %arg8[%parallel_loop3A_1497, %parallel_loop3A_1498, %parallel_loop3A_1499, %parallel_loop3A_1500] {strides = array<i32>} : memref<2x2x128x128xf32, #tpu.memory_space<vmem>>, vector<16xf32>,
      %parallel_loop3A_1502 = arith.constant 1 : i32
      %parallel_loop3A_1503 = arith.constant 1 : i32
      %parallel_loop3A_1504 = arith.index_cast %parallel_loop3A_1502 : i32 to index
      %parallel_loop3A_1505 = arith.index_cast %parallel_loop3A_1503 : i32 to index
      %parallel_loop3A_1506 = arith.index_cast %parallel_loop3A_1410 : i32 to index
      %parallel_loop3A_1507 = arith.constant 80 : index
      %parallel_loop3A_1508 = tpu.vector_load %arg8[%parallel_loop3A_1504, %parallel_loop3A_1505, %parallel_loop3A_1506, %parallel_loop3A_1507] {strides = array<i32>} : memref<2x2x128x128xf32, #tpu.memory_space<vmem>>, vector<16xf32>,
      %parallel_loop3A_1509 = arith.subf %parallel_loop3A_1501, %parallel_loop3A_1508 : vector<16xf32>
      %parallel_loop3A_1510 = arith.mulf %parallel_loop3A_1509, %parallel_loop3A_1509 : vector<16xf32>
      %parallel_loop3A_1511 = arith.addf %parallel_loop3A_1494, %parallel_loop3A_1510 : vector<16xf32>
      %parallel_loop3A_1512 = arith.constant 1 : i32
      %parallel_loop3A_1513 = arith.constant 0 : i32
      %parallel_loop3A_1514 = arith.index_cast %parallel_loop3A_1512 : i32 to index
      %parallel_loop3A_1515 = arith.index_cast %parallel_loop3A_1513 : i32 to index
      %parallel_loop3A_1516 = arith.index_cast %parallel_loop3A_1410 : i32 to index
      %parallel_loop3A_1517 = arith.constant 96 : index
      %parallel_loop3A_1518 = tpu.vector_load %arg8[%parallel_loop3A_1514, %parallel_loop3A_1515, %parallel_loop3A_1516, %parallel_loop3A_1517] {strides = array<i32>} : memref<2x2x128x128xf32, #tpu.memory_space<vmem>>, vector<16xf32>,
      %parallel_loop3A_1519 = arith.constant 1 : i32
      %parallel_loop3A_1520 = arith.constant 1 : i32
      %parallel_loop3A_1521 = arith.index_cast %parallel_loop3A_1519 : i32 to index
      %parallel_loop3A_1522 = arith.index_cast %parallel_loop3A_1520 : i32 to index
      %parallel_loop3A_1523 = arith.index_cast %parallel_loop3A_1410 : i32 to index
      %parallel_loop3A_1524 = arith.constant 96 : index
      %parallel_loop3A_1525 = tpu.vector_load %arg8[%parallel_loop3A_1521, %parallel_loop3A_1522, %parallel_loop3A_1523, %parallel_loop3A_1524] {strides = array<i32>} : memref<2x2x128x128xf32, #tpu.memory_space<vmem>>, vector<16xf32>,
      %parallel_loop3A_1526 = arith.subf %parallel_loop3A_1518, %parallel_loop3A_1525 : vector<16xf32>
      %parallel_loop3A_1527 = arith.mulf %parallel_loop3A_1526, %parallel_loop3A_1526 : vector<16xf32>
      %parallel_loop3A_1528 = arith.addf %parallel_loop3A_1511, %parallel_loop3A_1527 : vector<16xf32>
      %parallel_loop3A_1529 = arith.constant 1 : i32
      %parallel_loop3A_1530 = arith.constant 0 : i32
      %parallel_loop3A_1531 = arith.index_cast %parallel_loop3A_1529 : i32 to index
      %parallel_loop3A_1532 = arith.index_cast %parallel_loop3A_1530 : i32 to index
      %parallel_loop3A_1533 = arith.index_cast %parallel_loop3A_1410 : i32 to index
      %parallel_loop3A_1534 = arith.constant 112 : index
      %parallel_loop3A_1535 = tpu.vector_load %arg8[%parallel_loop3A_1531, %parallel_loop3A_1532, %parallel_loop3A_1533, %parallel_loop3A_1534] {strides = array<i32>} : memref<2x2x128x128xf32, #tpu.memory_space<vmem>>, vector<16xf32>,
      %parallel_loop3A_1536 = arith.constant 1 : i32
      %parallel_loop3A_1537 = arith.constant 1 : i32
      %parallel_loop3A_1538 = arith.index_cast %parallel_loop3A_1536 : i32 to index
      %parallel_loop3A_1539 = arith.index_cast %parallel_loop3A_1537 : i32 to index
      %parallel_loop3A_1540 = arith.index_cast %parallel_loop3A_1410 : i32 to index
      %parallel_loop3A_1541 = arith.constant 112 : index
      %parallel_loop3A_1542 = tpu.vector_load %arg8[%parallel_loop3A_1538, %parallel_loop3A_1539, %parallel_loop3A_1540, %parallel_loop3A_1541] {strides = array<i32>} : memref<2x2x128x128xf32, #tpu.memory_space<vmem>>, vector<16xf32>,
      %parallel_loop3A_1543 = arith.subf %parallel_loop3A_1535, %parallel_loop3A_1542 : vector<16xf32>
      %parallel_loop3A_1544 = arith.mulf %parallel_loop3A_1543, %parallel_loop3A_1543 : vector<16xf32>
      %parallel_loop3A_1545 = arith.addf %parallel_loop3A_1528, %parallel_loop3A_1544 : vector<16xf32>
      %parallel_loop3A_1546 = arith.constant 8 : i32
      %parallel_loop3A_1547 = arith.addi %parallel_loop3A_1273, %parallel_loop3A_1546 : i32
      %parallel_loop3A_1548 = arith.constant 1 : i32
      %parallel_loop3A_1549 = arith.constant 0 : i32
      %parallel_loop3A_1550 = arith.index_cast %parallel_loop3A_1548 : i32 to index
      %parallel_loop3A_1551 = arith.index_cast %parallel_loop3A_1549 : i32 to index
      %parallel_loop3A_1552 = arith.index_cast %parallel_loop3A_1547 : i32 to index
      %parallel_loop3A_1553 = arith.constant 0 : index
      %parallel_loop3A_1554 = tpu.vector_load %arg8[%parallel_loop3A_1550, %parallel_loop3A_1551, %parallel_loop3A_1552, %parallel_loop3A_1553] {strides = array<i32>} : memref<2x2x128x128xf32, #tpu.memory_space<vmem>>, vector<16xf32>,
      %parallel_loop3A_1555 = arith.constant 1 : i32
      %parallel_loop3A_1556 = arith.constant 1 : i32
      %parallel_loop3A_1557 = arith.index_cast %parallel_loop3A_1555 : i32 to index
      %parallel_loop3A_1558 = arith.index_cast %parallel_loop3A_1556 : i32 to index
      %parallel_loop3A_1559 = arith.index_cast %parallel_loop3A_1547 : i32 to index
      %parallel_loop3A_1560 = arith.constant 0 : index
      %parallel_loop3A_1561 = tpu.vector_load %arg8[%parallel_loop3A_1557, %parallel_loop3A_1558, %parallel_loop3A_1559, %parallel_loop3A_1560] {strides = array<i32>} : memref<2x2x128x128xf32, #tpu.memory_space<vmem>>, vector<16xf32>,
      %parallel_loop3A_1562 = arith.subf %parallel_loop3A_1554, %parallel_loop3A_1561 : vector<16xf32>
      %parallel_loop3A_1563 = arith.mulf %parallel_loop3A_1562, %parallel_loop3A_1562 : vector<16xf32>
      %parallel_loop3A_1564 = arith.constant 1 : i32
      %parallel_loop3A_1565 = arith.constant 0 : i32
      %parallel_loop3A_1566 = arith.index_cast %parallel_loop3A_1564 : i32 to index
      %parallel_loop3A_1567 = arith.index_cast %parallel_loop3A_1565 : i32 to index
      %parallel_loop3A_1568 = arith.index_cast %parallel_loop3A_1547 : i32 to index
      %parallel_loop3A_1569 = arith.constant 16 : index
      %parallel_loop3A_1570 = tpu.vector_load %arg8[%parallel_loop3A_1566, %parallel_loop3A_1567, %parallel_loop3A_1568, %parallel_loop3A_1569] {strides = array<i32>} : memref<2x2x128x128xf32, #tpu.memory_space<vmem>>, vector<16xf32>,
      %parallel_loop3A_1571 = arith.constant 1 : i32
      %parallel_loop3A_1572 = arith.constant 1 : i32
      %parallel_loop3A_1573 = arith.index_cast %parallel_loop3A_1571 : i32 to index
      %parallel_loop3A_1574 = arith.index_cast %parallel_loop3A_1572 : i32 to index
      %parallel_loop3A_1575 = arith.index_cast %parallel_loop3A_1547 : i32 to index
      %parallel_loop3A_1576 = arith.constant 16 : index
      %parallel_loop3A_1577 = tpu.vector_load %arg8[%parallel_loop3A_1573, %parallel_loop3A_1574, %parallel_loop3A_1575, %parallel_loop3A_1576] {strides = array<i32>} : memref<2x2x128x128xf32, #tpu.memory_space<vmem>>, vector<16xf32>,
      %parallel_loop3A_1578 = arith.subf %parallel_loop3A_1570, %parallel_loop3A_1577 : vector<16xf32>
      %parallel_loop3A_1579 = arith.mulf %parallel_loop3A_1578, %parallel_loop3A_1578 : vector<16xf32>
      %parallel_loop3A_1580 = arith.addf %parallel_loop3A_1563, %parallel_loop3A_1579 : vector<16xf32>
      %parallel_loop3A_1581 = arith.constant 1 : i32
      %parallel_loop3A_1582 = arith.constant 0 : i32
      %parallel_loop3A_1583 = arith.index_cast %parallel_loop3A_1581 : i32 to index
      %parallel_loop3A_1584 = arith.index_cast %parallel_loop3A_1582 : i32 to index
      %parallel_loop3A_1585 = arith.index_cast %parallel_loop3A_1547 : i32 to index
      %parallel_loop3A_1586 = arith.constant 32 : index
      %parallel_loop3A_1587 = tpu.vector_load %arg8[%parallel_loop3A_1583, %parallel_loop3A_1584, %parallel_loop3A_1585, %parallel_loop3A_1586] {strides = array<i32>} : memref<2x2x128x128xf32, #tpu.memory_space<vmem>>, vector<16xf32>,
      %parallel_loop3A_1588 = arith.constant 1 : i32
      %parallel_loop3A_1589 = arith.constant 1 : i32
      %parallel_loop3A_1590 = arith.index_cast %parallel_loop3A_1588 : i32 to index
      %parallel_loop3A_1591 = arith.index_cast %parallel_loop3A_1589 : i32 to index
      %parallel_loop3A_1592 = arith.index_cast %parallel_loop3A_1547 : i32 to index
      %parallel_loop3A_1593 = arith.constant 32 : index
      %parallel_loop3A_1594 = tpu.vector_load %arg8[%parallel_loop3A_1590, %parallel_loop3A_1591, %parallel_loop3A_1592, %parallel_loop3A_1593] {strides = array<i32>} : memref<2x2x128x128xf32, #tpu.memory_space<vmem>>, vector<16xf32>,
      %parallel_loop3A_1595 = arith.subf %parallel_loop3A_1587, %parallel_loop3A_1594 : vector<16xf32>
      %parallel_loop3A_1596 = arith.mulf %parallel_loop3A_1595, %parallel_loop3A_1595 : vector<16xf32>
      %parallel_loop3A_1597 = arith.addf %parallel_loop3A_1580, %parallel_loop3A_1596 : vector<16xf32>
      %parallel_loop3A_1598 = arith.constant 1 : i32
      %parallel_loop3A_1599 = arith.constant 0 : i32
      %parallel_loop3A_1600 = arith.index_cast %parallel_loop3A_1598 : i32 to index
      %parallel_loop3A_1601 = arith.index_cast %parallel_loop3A_1599 : i32 to index
      %parallel_loop3A_1602 = arith.index_cast %parallel_loop3A_1547 : i32 to index
      %parallel_loop3A_1603 = arith.constant 48 : index
      %parallel_loop3A_1604 = tpu.vector_load %arg8[%parallel_loop3A_1600, %parallel_loop3A_1601, %parallel_loop3A_1602, %parallel_loop3A_1603] {strides = array<i32>} : memref<2x2x128x128xf32, #tpu.memory_space<vmem>>, vector<16xf32>,
      %parallel_loop3A_1605 = arith.constant 1 : i32
      %parallel_loop3A_1606 = arith.constant 1 : i32
      %parallel_loop3A_1607 = arith.index_cast %parallel_loop3A_1605 : i32 to index
      %parallel_loop3A_1608 = arith.index_cast %parallel_loop3A_1606 : i32 to index
      %parallel_loop3A_1609 = arith.index_cast %parallel_loop3A_1547 : i32 to index
      %parallel_loop3A_1610 = arith.constant 48 : index
      %parallel_loop3A_1611 = tpu.vector_load %arg8[%parallel_loop3A_1607, %parallel_loop3A_1608, %parallel_loop3A_1609, %parallel_loop3A_1610] {strides = array<i32>} : memref<2x2x128x128xf32, #tpu.memory_space<vmem>>, vector<16xf32>,
      %parallel_loop3A_1612 = arith.subf %parallel_loop3A_1604, %parallel_loop3A_1611 : vector<16xf32>
      %parallel_loop3A_1613 = arith.mulf %parallel_loop3A_1612, %parallel_loop3A_1612 : vector<16xf32>
      %parallel_loop3A_1614 = arith.addf %parallel_loop3A_1597, %parallel_loop3A_1613 : vector<16xf32>
      %parallel_loop3A_1615 = arith.constant 1 : i32
      %parallel_loop3A_1616 = arith.constant 0 : i32
      %parallel_loop3A_1617 = arith.index_cast %parallel_loop3A_1615 : i32 to index
      %parallel_loop3A_1618 = arith.index_cast %parallel_loop3A_1616 : i32 to index
      %parallel_loop3A_1619 = arith.index_cast %parallel_loop3A_1547 : i32 to index
      %parallel_loop3A_1620 = arith.constant 64 : index
      %parallel_loop3A_1621 = tpu.vector_load %arg8[%parallel_loop3A_1617, %parallel_loop3A_1618, %parallel_loop3A_1619, %parallel_loop3A_1620] {strides = array<i32>} : memref<2x2x128x128xf32, #tpu.memory_space<vmem>>, vector<16xf32>,
      %parallel_loop3A_1622 = arith.constant 1 : i32
      %parallel_loop3A_1623 = arith.constant 1 : i32
      %parallel_loop3A_1624 = arith.index_cast %parallel_loop3A_1622 : i32 to index
      %parallel_loop3A_1625 = arith.index_cast %parallel_loop3A_1623 : i32 to index
      %parallel_loop3A_1626 = arith.index_cast %parallel_loop3A_1547 : i32 to index
      %parallel_loop3A_1627 = arith.constant 64 : index
      %parallel_loop3A_1628 = tpu.vector_load %arg8[%parallel_loop3A_1624, %parallel_loop3A_1625, %parallel_loop3A_1626, %parallel_loop3A_1627] {strides = array<i32>} : memref<2x2x128x128xf32, #tpu.memory_space<vmem>>, vector<16xf32>,
      %parallel_loop3A_1629 = arith.subf %parallel_loop3A_1621, %parallel_loop3A_1628 : vector<16xf32>
      %parallel_loop3A_1630 = arith.mulf %parallel_loop3A_1629, %parallel_loop3A_1629 : vector<16xf32>
      %parallel_loop3A_1631 = arith.addf %parallel_loop3A_1614, %parallel_loop3A_1630 : vector<16xf32>
      %parallel_loop3A_1632 = arith.constant 1 : i32
      %parallel_loop3A_1633 = arith.constant 0 : i32
      %parallel_loop3A_1634 = arith.index_cast %parallel_loop3A_1632 : i32 to index
      %parallel_loop3A_1635 = arith.index_cast %parallel_loop3A_1633 : i32 to index
      %parallel_loop3A_1636 = arith.index_cast %parallel_loop3A_1547 : i32 to index
      %parallel_loop3A_1637 = arith.constant 80 : index
      %parallel_loop3A_1638 = tpu.vector_load %arg8[%parallel_loop3A_1634, %parallel_loop3A_1635, %parallel_loop3A_1636, %parallel_loop3A_1637] {strides = array<i32>} : memref<2x2x128x128xf32, #tpu.memory_space<vmem>>, vector<16xf32>,
      %parallel_loop3A_1639 = arith.constant 1 : i32
      %parallel_loop3A_1640 = arith.constant 1 : i32
      %parallel_loop3A_1641 = arith.index_cast %parallel_loop3A_1639 : i32 to index
      %parallel_loop3A_1642 = arith.index_cast %parallel_loop3A_1640 : i32 to index
      %parallel_loop3A_1643 = arith.index_cast %parallel_loop3A_1547 : i32 to index
      %parallel_loop3A_1644 = arith.constant 80 : index
      %parallel_loop3A_1645 = tpu.vector_load %arg8[%parallel_loop3A_1641, %parallel_loop3A_1642, %parallel_loop3A_1643, %parallel_loop3A_1644] {strides = array<i32>} : memref<2x2x128x128xf32, #tpu.memory_space<vmem>>, vector<16xf32>,
      %parallel_loop3A_1646 = arith.subf %parallel_loop3A_1638, %parallel_loop3A_1645 : vector<16xf32>
      %parallel_loop3A_1647 = arith.mulf %parallel_loop3A_1646, %parallel_loop3A_1646 : vector<16xf32>
      %parallel_loop3A_1648 = arith.addf %parallel_loop3A_1631, %parallel_loop3A_1647 : vector<16xf32>
      %parallel_loop3A_1649 = arith.constant 1 : i32
      %parallel_loop3A_1650 = arith.constant 0 : i32
      %parallel_loop3A_1651 = arith.index_cast %parallel_loop3A_1649 : i32 to index
      %parallel_loop3A_1652 = arith.index_cast %parallel_loop3A_1650 : i32 to index
      %parallel_loop3A_1653 = arith.index_cast %parallel_loop3A_1547 : i32 to index
      %parallel_loop3A_1654 = arith.constant 96 : index
      %parallel_loop3A_1655 = tpu.vector_load %arg8[%parallel_loop3A_1651, %parallel_loop3A_1652, %parallel_loop3A_1653, %parallel_loop3A_1654] {strides = array<i32>} : memref<2x2x128x128xf32, #tpu.memory_space<vmem>>, vector<16xf32>,
      %parallel_loop3A_1656 = arith.constant 1 : i32
      %parallel_loop3A_1657 = arith.constant 1 : i32
      %parallel_loop3A_1658 = arith.index_cast %parallel_loop3A_1656 : i32 to index
      %parallel_loop3A_1659 = arith.index_cast %parallel_loop3A_1657 : i32 to index
      %parallel_loop3A_1660 = arith.index_cast %parallel_loop3A_1547 : i32 to index
      %parallel_loop3A_1661 = arith.constant 96 : index
      %parallel_loop3A_1662 = tpu.vector_load %arg8[%parallel_loop3A_1658, %parallel_loop3A_1659, %parallel_loop3A_1660, %parallel_loop3A_1661] {strides = array<i32>} : memref<2x2x128x128xf32, #tpu.memory_space<vmem>>, vector<16xf32>,
      %parallel_loop3A_1663 = arith.subf %parallel_loop3A_1655, %parallel_loop3A_1662 : vector<16xf32>
      %parallel_loop3A_1664 = arith.mulf %parallel_loop3A_1663, %parallel_loop3A_1663 : vector<16xf32>
      %parallel_loop3A_1665 = arith.addf %parallel_loop3A_1648, %parallel_loop3A_1664 : vector<16xf32>
      %parallel_loop3A_1666 = arith.constant 1 : i32
      %parallel_loop3A_1667 = arith.constant 0 : i32
      %parallel_loop3A_1668 = arith.index_cast %parallel_loop3A_1666 : i32 to index
      %parallel_loop3A_1669 = arith.index_cast %parallel_loop3A_1667 : i32 to index
      %parallel_loop3A_1670 = arith.index_cast %parallel_loop3A_1547 : i32 to index
      %parallel_loop3A_1671 = arith.constant 112 : index
      %parallel_loop3A_1672 = tpu.vector_load %arg8[%parallel_loop3A_1668, %parallel_loop3A_1669, %parallel_loop3A_1670, %parallel_loop3A_1671] {strides = array<i32>} : memref<2x2x128x128xf32, #tpu.memory_space<vmem>>, vector<16xf32>,
      %parallel_loop3A_1673 = arith.constant 1 : i32
      %parallel_loop3A_1674 = arith.constant 1 : i32
      %parallel_loop3A_1675 = arith.index_cast %parallel_loop3A_1673 : i32 to index
      %parallel_loop3A_1676 = arith.index_cast %parallel_loop3A_1674 : i32 to index
      %parallel_loop3A_1677 = arith.index_cast %parallel_loop3A_1547 : i32 to index
      %parallel_loop3A_1678 = arith.constant 112 : index
      %parallel_loop3A_1679 = tpu.vector_load %arg8[%parallel_loop3A_1675, %parallel_loop3A_1676, %parallel_loop3A_1677, %parallel_loop3A_1678] {strides = array<i32>} : memref<2x2x128x128xf32, #tpu.memory_space<vmem>>, vector<16xf32>,
      %parallel_loop3A_1680 = arith.subf %parallel_loop3A_1672, %parallel_loop3A_1679 : vector<16xf32>
      %parallel_loop3A_1681 = arith.mulf %parallel_loop3A_1680, %parallel_loop3A_1680 : vector<16xf32>
      %parallel_loop3A_1682 = arith.addf %parallel_loop3A_1665, %parallel_loop3A_1681 : vector<16xf32>
      %parallel_loop3A_1683 = arith.constant 12 : i32
      %parallel_loop3A_1684 = arith.addi %parallel_loop3A_1273, %parallel_loop3A_1683 : i32
      %parallel_loop3A_1685 = arith.constant 1 : i32
      %parallel_loop3A_1686 = arith.constant 0 : i32
      %parallel_loop3A_1687 = arith.index_cast %parallel_loop3A_1685 : i32 to index
      %parallel_loop3A_1688 = arith.index_cast %parallel_loop3A_1686 : i32 to index
      %parallel_loop3A_1689 = arith.index_cast %parallel_loop3A_1684 : i32 to index
      %parallel_loop3A_1690 = arith.constant 0 : index
      %parallel_loop3A_1691 = tpu.vector_load %arg8[%parallel_loop3A_1687, %parallel_loop3A_1688, %parallel_loop3A_1689, %parallel_loop3A_1690] {strides = array<i32>} : memref<2x2x128x128xf32, #tpu.memory_space<vmem>>, vector<16xf32>,
      %parallel_loop3A_1692 = arith.constant 1 : i32
      %parallel_loop3A_1693 = arith.constant 1 : i32
      %parallel_loop3A_1694 = arith.index_cast %parallel_loop3A_1692 : i32 to index
      %parallel_loop3A_1695 = arith.index_cast %parallel_loop3A_1693 : i32 to index
      %parallel_loop3A_1696 = arith.index_cast %parallel_loop3A_1684 : i32 to index
      %parallel_loop3A_1697 = arith.constant 0 : index
      %parallel_loop3A_1698 = tpu.vector_load %arg8[%parallel_loop3A_1694, %parallel_loop3A_1695, %parallel_loop3A_1696, %parallel_loop3A_1697] {strides = array<i32>} : memref<2x2x128x128xf32, #tpu.memory_space<vmem>>, vector<16xf32>,
      %parallel_loop3A_1699 = arith.subf %parallel_loop3A_1691, %parallel_loop3A_1698 : vector<16xf32>
      %parallel_loop3A_1700 = arith.mulf %parallel_loop3A_1699, %parallel_loop3A_1699 : vector<16xf32>
      %parallel_loop3A_1701 = arith.constant 1 : i32
      %parallel_loop3A_1702 = arith.constant 0 : i32
      %parallel_loop3A_1703 = arith.index_cast %parallel_loop3A_1701 : i32 to index
      %parallel_loop3A_1704 = arith.index_cast %parallel_loop3A_1702 : i32 to index
      %parallel_loop3A_1705 = arith.index_cast %parallel_loop3A_1684 : i32 to index
      %parallel_loop3A_1706 = arith.constant 16 : index
      %parallel_loop3A_1707 = tpu.vector_load %arg8[%parallel_loop3A_1703, %parallel_loop3A_1704, %parallel_loop3A_1705, %parallel_loop3A_1706] {strides = array<i32>} : memref<2x2x128x128xf32, #tpu.memory_space<vmem>>, vector<16xf32>,
      %parallel_loop3A_1708 = arith.constant 1 : i32
      %parallel_loop3A_1709 = arith.constant 1 : i32
      %parallel_loop3A_1710 = arith.index_cast %parallel_loop3A_1708 : i32 to index
      %parallel_loop3A_1711 = arith.index_cast %parallel_loop3A_1709 : i32 to index
      %parallel_loop3A_1712 = arith.index_cast %parallel_loop3A_1684 : i32 to index
      %parallel_loop3A_1713 = arith.constant 16 : index
      %parallel_loop3A_1714 = tpu.vector_load %arg8[%parallel_loop3A_1710, %parallel_loop3A_1711, %parallel_loop3A_1712, %parallel_loop3A_1713] {strides = array<i32>} : memref<2x2x128x128xf32, #tpu.memory_space<vmem>>, vector<16xf32>,
      %parallel_loop3A_1715 = arith.subf %parallel_loop3A_1707, %parallel_loop3A_1714 : vector<16xf32>
      %parallel_loop3A_1716 = arith.mulf %parallel_loop3A_1715, %parallel_loop3A_1715 : vector<16xf32>
      %parallel_loop3A_1717 = arith.addf %parallel_loop3A_1700, %parallel_loop3A_1716 : vector<16xf32>
      %parallel_loop3A_1718 = arith.constant 1 : i32
      %parallel_loop3A_1719 = arith.constant 0 : i32
      %parallel_loop3A_1720 = arith.index_cast %parallel_loop3A_1718 : i32 to index
      %parallel_loop3A_1721 = arith.index_cast %parallel_loop3A_1719 : i32 to index
      %parallel_loop3A_1722 = arith.index_cast %parallel_loop3A_1684 : i32 to index
      %parallel_loop3A_1723 = arith.constant 32 : index
      %parallel_loop3A_1724 = tpu.vector_load %arg8[%parallel_loop3A_1720, %parallel_loop3A_1721, %parallel_loop3A_1722, %parallel_loop3A_1723] {strides = array<i32>} : memref<2x2x128x128xf32, #tpu.memory_space<vmem>>, vector<16xf32>,
      %parallel_loop3A_1725 = arith.constant 1 : i32
      %parallel_loop3A_1726 = arith.constant 1 : i32
      %parallel_loop3A_1727 = arith.index_cast %parallel_loop3A_1725 : i32 to index
      %parallel_loop3A_1728 = arith.index_cast %parallel_loop3A_1726 : i32 to index
      %parallel_loop3A_1729 = arith.index_cast %parallel_loop3A_1684 : i32 to index
      %parallel_loop3A_1730 = arith.constant 32 : index
      %parallel_loop3A_1731 = tpu.vector_load %arg8[%parallel_loop3A_1727, %parallel_loop3A_1728, %parallel_loop3A_1729, %parallel_loop3A_1730] {strides = array<i32>} : memref<2x2x128x128xf32, #tpu.memory_space<vmem>>, vector<16xf32>,
      %parallel_loop3A_1732 = arith.subf %parallel_loop3A_1724, %parallel_loop3A_1731 : vector<16xf32>
      %parallel_loop3A_1733 = arith.mulf %parallel_loop3A_1732, %parallel_loop3A_1732 : vector<16xf32>
      %parallel_loop3A_1734 = arith.addf %parallel_loop3A_1717, %parallel_loop3A_1733 : vector<16xf32>
      %parallel_loop3A_1735 = arith.constant 1 : i32
      %parallel_loop3A_1736 = arith.constant 0 : i32
      %parallel_loop3A_1737 = arith.index_cast %parallel_loop3A_1735 : i32 to index
      %parallel_loop3A_1738 = arith.index_cast %parallel_loop3A_1736 : i32 to index
      %parallel_loop3A_1739 = arith.index_cast %parallel_loop3A_1684 : i32 to index
      %parallel_loop3A_1740 = arith.constant 48 : index
      %parallel_loop3A_1741 = tpu.vector_load %arg8[%parallel_loop3A_1737, %parallel_loop3A_1738, %parallel_loop3A_1739, %parallel_loop3A_1740] {strides = array<i32>} : memref<2x2x128x128xf32, #tpu.memory_space<vmem>>, vector<16xf32>,
      %parallel_loop3A_1742 = arith.constant 1 : i32
      %parallel_loop3A_1743 = arith.constant 1 : i32
      %parallel_loop3A_1744 = arith.index_cast %parallel_loop3A_1742 : i32 to index
      %parallel_loop3A_1745 = arith.index_cast %parallel_loop3A_1743 : i32 to index
      %parallel_loop3A_1746 = arith.index_cast %parallel_loop3A_1684 : i32 to index
      %parallel_loop3A_1747 = arith.constant 48 : index
      %parallel_loop3A_1748 = tpu.vector_load %arg8[%parallel_loop3A_1744, %parallel_loop3A_1745, %parallel_loop3A_1746, %parallel_loop3A_1747] {strides = array<i32>} : memref<2x2x128x128xf32, #tpu.memory_space<vmem>>, vector<16xf32>,
      %parallel_loop3A_1749 = arith.subf %parallel_loop3A_1741, %parallel_loop3A_1748 : vector<16xf32>
      %parallel_loop3A_1750 = arith.mulf %parallel_loop3A_1749, %parallel_loop3A_1749 : vector<16xf32>
      %parallel_loop3A_1751 = arith.addf %parallel_loop3A_1734, %parallel_loop3A_1750 : vector<16xf32>
      %parallel_loop3A_1752 = arith.constant 1 : i32
      %parallel_loop3A_1753 = arith.constant 0 : i32
      %parallel_loop3A_1754 = arith.index_cast %parallel_loop3A_1752 : i32 to index
      %parallel_loop3A_1755 = arith.index_cast %parallel_loop3A_1753 : i32 to index
      %parallel_loop3A_1756 = arith.index_cast %parallel_loop3A_1684 : i32 to index
      %parallel_loop3A_1757 = arith.constant 64 : index
      %parallel_loop3A_1758 = tpu.vector_load %arg8[%parallel_loop3A_1754, %parallel_loop3A_1755, %parallel_loop3A_1756, %parallel_loop3A_1757] {strides = array<i32>} : memref<2x2x128x128xf32, #tpu.memory_space<vmem>>, vector<16xf32>,
      %parallel_loop3A_1759 = arith.constant 1 : i32
      %parallel_loop3A_1760 = arith.constant 1 : i32
      %parallel_loop3A_1761 = arith.index_cast %parallel_loop3A_1759 : i32 to index
      %parallel_loop3A_1762 = arith.index_cast %parallel_loop3A_1760 : i32 to index
      %parallel_loop3A_1763 = arith.index_cast %parallel_loop3A_1684 : i32 to index
      %parallel_loop3A_1764 = arith.constant 64 : index
      %parallel_loop3A_1765 = tpu.vector_load %arg8[%parallel_loop3A_1761, %parallel_loop3A_1762, %parallel_loop3A_1763, %parallel_loop3A_1764] {strides = array<i32>} : memref<2x2x128x128xf32, #tpu.memory_space<vmem>>, vector<16xf32>,
      %parallel_loop3A_1766 = arith.subf %parallel_loop3A_1758, %parallel_loop3A_1765 : vector<16xf32>
      %parallel_loop3A_1767 = arith.mulf %parallel_loop3A_1766, %parallel_loop3A_1766 : vector<16xf32>
      %parallel_loop3A_1768 = arith.addf %parallel_loop3A_1751, %parallel_loop3A_1767 : vector<16xf32>
      %parallel_loop3A_1769 = arith.constant 1 : i32
      %parallel_loop3A_1770 = arith.constant 0 : i32
      %parallel_loop3A_1771 = arith.index_cast %parallel_loop3A_1769 : i32 to index
      %parallel_loop3A_1772 = arith.index_cast %parallel_loop3A_1770 : i32 to index
      %parallel_loop3A_1773 = arith.index_cast %parallel_loop3A_1684 : i32 to index
      %parallel_loop3A_1774 = arith.constant 80 : index
      %parallel_loop3A_1775 = tpu.vector_load %arg8[%parallel_loop3A_1771, %parallel_loop3A_1772, %parallel_loop3A_1773, %parallel_loop3A_1774] {strides = array<i32>} : memref<2x2x128x128xf32, #tpu.memory_space<vmem>>, vector<16xf32>,
      %parallel_loop3A_1776 = arith.constant 1 : i32
      %parallel_loop3A_1777 = arith.constant 1 : i32
      %parallel_loop3A_1778 = arith.index_cast %parallel_loop3A_1776 : i32 to index
      %parallel_loop3A_1779 = arith.index_cast %parallel_loop3A_1777 : i32 to index
      %parallel_loop3A_1780 = arith.index_cast %parallel_loop3A_1684 : i32 to index
      %parallel_loop3A_1781 = arith.constant 80 : index
      %parallel_loop3A_1782 = tpu.vector_load %arg8[%parallel_loop3A_1778, %parallel_loop3A_1779, %parallel_loop3A_1780, %parallel_loop3A_1781] {strides = array<i32>} : memref<2x2x128x128xf32, #tpu.memory_space<vmem>>, vector<16xf32>,
      %parallel_loop3A_1783 = arith.subf %parallel_loop3A_1775, %parallel_loop3A_1782 : vector<16xf32>
      %parallel_loop3A_1784 = arith.mulf %parallel_loop3A_1783, %parallel_loop3A_1783 : vector<16xf32>
      %parallel_loop3A_1785 = arith.addf %parallel_loop3A_1768, %parallel_loop3A_1784 : vector<16xf32>
      %parallel_loop3A_1786 = arith.constant 1 : i32
      %parallel_loop3A_1787 = arith.constant 0 : i32
      %parallel_loop3A_1788 = arith.index_cast %parallel_loop3A_1786 : i32 to index
      %parallel_loop3A_1789 = arith.index_cast %parallel_loop3A_1787 : i32 to index
      %parallel_loop3A_1790 = arith.index_cast %parallel_loop3A_1684 : i32 to index
      %parallel_loop3A_1791 = arith.constant 96 : index
      %parallel_loop3A_1792 = tpu.vector_load %arg8[%parallel_loop3A_1788, %parallel_loop3A_1789, %parallel_loop3A_1790, %parallel_loop3A_1791] {strides = array<i32>} : memref<2x2x128x128xf32, #tpu.memory_space<vmem>>, vector<16xf32>,
      %parallel_loop3A_1793 = arith.constant 1 : i32
      %parallel_loop3A_1794 = arith.constant 1 : i32
      %parallel_loop3A_1795 = arith.index_cast %parallel_loop3A_1793 : i32 to index
      %parallel_loop3A_1796 = arith.index_cast %parallel_loop3A_1794 : i32 to index
      %parallel_loop3A_1797 = arith.index_cast %parallel_loop3A_1684 : i32 to index
      %parallel_loop3A_1798 = arith.constant 96 : index
      %parallel_loop3A_1799 = tpu.vector_load %arg8[%parallel_loop3A_1795, %parallel_loop3A_1796, %parallel_loop3A_1797, %parallel_loop3A_1798] {strides = array<i32>} : memref<2x2x128x128xf32, #tpu.memory_space<vmem>>, vector<16xf32>,
      %parallel_loop3A_1800 = arith.subf %parallel_loop3A_1792, %parallel_loop3A_1799 : vector<16xf32>
      %parallel_loop3A_1801 = arith.mulf %parallel_loop3A_1800, %parallel_loop3A_1800 : vector<16xf32>
      %parallel_loop3A_1802 = arith.addf %parallel_loop3A_1785, %parallel_loop3A_1801 : vector<16xf32>
      %parallel_loop3A_1803 = arith.constant 1 : i32
      %parallel_loop3A_1804 = arith.constant 0 : i32
      %parallel_loop3A_1805 = arith.index_cast %parallel_loop3A_1803 : i32 to index
      %parallel_loop3A_1806 = arith.index_cast %parallel_loop3A_1804 : i32 to index
      %parallel_loop3A_1807 = arith.index_cast %parallel_loop3A_1684 : i32 to index
      %parallel_loop3A_1808 = arith.constant 112 : index
      %parallel_loop3A_1809 = tpu.vector_load %arg8[%parallel_loop3A_1805, %parallel_loop3A_1806, %parallel_loop3A_1807, %parallel_loop3A_1808] {strides = array<i32>} : memref<2x2x128x128xf32, #tpu.memory_space<vmem>>, vector<16xf32>,
      %parallel_loop3A_1810 = arith.constant 1 : i32
      %parallel_loop3A_1811 = arith.constant 1 : i32
      %parallel_loop3A_1812 = arith.index_cast %parallel_loop3A_1810 : i32 to index
      %parallel_loop3A_1813 = arith.index_cast %parallel_loop3A_1811 : i32 to index
      %parallel_loop3A_1814 = arith.index_cast %parallel_loop3A_1684 : i32 to index
      %parallel_loop3A_1815 = arith.constant 112 : index
      %parallel_loop3A_1816 = tpu.vector_load %arg8[%parallel_loop3A_1812, %parallel_loop3A_1813, %parallel_loop3A_1814, %parallel_loop3A_1815] {strides = array<i32>} : memref<2x2x128x128xf32, #tpu.memory_space<vmem>>, vector<16xf32>,
      %parallel_loop3A_1817 = arith.subf %parallel_loop3A_1809, %parallel_loop3A_1816 : vector<16xf32>
      %parallel_loop3A_1818 = arith.mulf %parallel_loop3A_1817, %parallel_loop3A_1817 : vector<16xf32>
      %parallel_loop3A_1819 = arith.addf %parallel_loop3A_1802, %parallel_loop3A_1818 : vector<16xf32>
      %parallel_loop3A_1820 = arith.select %ne3A_46, %parallel_loop3A_1682, %parallel_loop3A_1408 : vector<16xi1>, vector<16xf32>
      %parallel_loop3A_1821 = arith.select %ne3A_46, %parallel_loop3A_1408, %parallel_loop3A_1682 : vector<16xi1>, vector<16xf32>
      %parallel_loop3A_1822 = vector.shape_cast %xor3A_33 : vector<16xi32> to vector<16x1xi32>
      %parallel_loop3A_1823 = vector.shape_cast %parallel_loop3A_1822 : vector<16x1xi32> to vector<16xi32>
      %parallel_loop3A_1824 = tpu.dynamic_gather %parallel_loop3A_1821[%parallel_loop3A_1823] in [0] : vector<16xf32>, vector<16xi32> -> vector<16xf32>
      %parallel_loop3A_1825 = arith.addf %parallel_loop3A_1820, %parallel_loop3A_1824 : vector<16xf32>
      %parallel_loop3A_1826 = arith.select %ne3A_46, %parallel_loop3A_1819, %parallel_loop3A_1545 : vector<16xi1>, vector<16xf32>
      %parallel_loop3A_1827 = arith.select %ne3A_46, %parallel_loop3A_1545, %parallel_loop3A_1819 : vector<16xi1>, vector<16xf32>
      %parallel_loop3A_1828 = vector.shape_cast %xor3A_33 : vector<16xi32> to vector<16x1xi32>
      %parallel_loop3A_1829 = vector.shape_cast %parallel_loop3A_1828 : vector<16x1xi32> to vector<16xi32>
      %parallel_loop3A_1830 = tpu.dynamic_gather %parallel_loop3A_1827[%parallel_loop3A_1829] in [0] : vector<16xf32>, vector<16xi32> -> vector<16xf32>
      %parallel_loop3A_1831 = arith.addf %parallel_loop3A_1826, %parallel_loop3A_1830 : vector<16xf32>
      %parallel_loop3A_1832 = arith.select %ne3A_52, %parallel_loop3A_1831, %parallel_loop3A_1825 : vector<16xi1>, vector<16xf32>
      %parallel_loop3A_1833 = arith.select %ne3A_52, %parallel_loop3A_1825, %parallel_loop3A_1831 : vector<16xi1>, vector<16xf32>
      %parallel_loop3A_1834 = vector.shape_cast %xor3A_36 : vector<16xi32> to vector<16x1xi32>
      %parallel_loop3A_1835 = vector.shape_cast %parallel_loop3A_1834 : vector<16x1xi32> to vector<16xi32>
      %parallel_loop3A_1836 = tpu.dynamic_gather %parallel_loop3A_1833[%parallel_loop3A_1835] in [0] : vector<16xf32>, vector<16xi32> -> vector<16xf32>
      %parallel_loop3A_1837 = arith.addf %parallel_loop3A_1832, %parallel_loop3A_1836 : vector<16xf32>
      %parallel_loop3A_1838 = vector.shape_cast %xor3A_39 : vector<16xi32> to vector<16x1xi32>
      %parallel_loop3A_1839 = vector.shape_cast %parallel_loop3A_1838 : vector<16x1xi32> to vector<16xi32>
      %parallel_loop3A_1840 = tpu.dynamic_gather %parallel_loop3A_1837[%parallel_loop3A_1839] in [0] : vector<16xf32>, vector<16xi32> -> vector<16xf32>
      %parallel_loop3A_1841 = arith.addf %parallel_loop3A_1837, %parallel_loop3A_1840 : vector<16xf32>
      %parallel_loop3A_1842 = vector.shape_cast %xor3A_42 : vector<16xi32> to vector<16x1xi32>
      %parallel_loop3A_1843 = vector.shape_cast %parallel_loop3A_1842 : vector<16x1xi32> to vector<16xi32>
      %parallel_loop3A_1844 = tpu.dynamic_gather %parallel_loop3A_1841[%parallel_loop3A_1843] in [0] : vector<16xf32>, vector<16xi32> -> vector<16xf32>
      %parallel_loop3A_1845 = arith.addf %parallel_loop3A_1841, %parallel_loop3A_1844 : vector<16xf32>
      %parallel_loop3A_1846 = arith.constant 16 : i32
      %parallel_loop3A_1847 = arith.muli %parallel_loop3A_1268, %parallel_loop3A_1846 : i32
      %parallel_loop3A_1848 = arith.constant 128 : i32
      %parallel_loop3A_1849 = arith.addi %parallel_loop3A_1848, %parallel_loop3A_1847 : i32
      %parallel_loop3A_1850 = arith.addi %parallel_loop3A_1849, %parallel_loop3A_1270 : i32
      %parallel_loop3A_1851 = vector.broadcast %parallel_loop3A_1850 : i32 to vector<16xi32>
      %parallel_loop3A_1852 = arith.addi %parallel_loop3A_1851, %and3A_67 : vector<16xi32>
      %parallel_loop3A_1853 = vector.broadcast %parallel_loop3A_1270 : i32 to vector<16xi32>
      %parallel_loop3A_1854 = arith.cmpi eq, %and3A_70, %parallel_loop3A_1853 : vector<16xi32>
      tpu.vector_store_idx %arg9[%parallel_loop3A_1852], %parallel_loop3A_1845 masked %parallel_loop3A_1854 : memref<512xf32, #tpu.memory_space<vmem>>[vector<16xi32>], vector<16xf32>, vector<16xi1>
    } {sc.loop_unroll_factor = 1 : i64, sc.parallel_access}
    %get3A_478 = arith.constant 128 : index
    %get3A_479 = tpu.vector_load %arg9[%get3A_478] {strides = array<i32>} : memref<512xf32, #tpu.memory_space<vmem>>, vector<16xf32>,
    %bitcast_convert_type3A_480 = tpu.bitcast %get3A_479 : vector<16xf32> -> vector<16xi32>
    %shift_right_logical3A_481 = arith.constant 1 : i32
    %shift_right_logical3A_482 = vector.broadcast %shift_right_logical3A_481 : i32 to vector<16xi32>
    %shift_right_logical3A_483 = arith.shrui %bitcast_convert_type3A_480, %shift_right_logical3A_482 : vector<16xi32>
    %sub3A_484 = arith.constant 1597463007 : i32
    %sub3A_485 = vector.broadcast %sub3A_484 : i32 to vector<16xi32>
    %sub3A_486 = arith.subi %sub3A_485, %shift_right_logical3A_483 : vector<16xi32>
    %bitcast_convert_type3A_487 = tpu.bitcast %sub3A_486 : vector<16xi32> -> vector<16xf32>
    %mul3A_488 = arith.constant 5.000000e-01 : f32
    %mul3A_489 = vector.broadcast %mul3A_488 : f32 to vector<16xf32>
    %mul3A_490 = arith.mulf %get3A_479, %mul3A_489 : vector<16xf32>
    %mul3A_491 = arith.mulf %mul3A_490, %bitcast_convert_type3A_487 : vector<16xf32>
    %mul3A_492 = arith.mulf %mul3A_491, %bitcast_convert_type3A_487 : vector<16xf32>
    %sub3A_493 = arith.constant 1.500000e+00 : f32
    %sub3A_494 = vector.broadcast %sub3A_493 : f32 to vector<16xf32>
    %sub3A_495 = arith.subf %sub3A_494, %mul3A_492 : vector<16xf32>
    %mul3A_496 = arith.mulf %bitcast_convert_type3A_487, %sub3A_495 : vector<16xf32>
    %mul3A_497 = arith.mulf %mul3A_490, %mul3A_496 : vector<16xf32>
    %mul3A_498 = arith.mulf %mul3A_497, %mul3A_496 : vector<16xf32>
    %sub3A_499 = arith.constant 1.500000e+00 : f32
    %sub3A_500 = vector.broadcast %sub3A_499 : f32 to vector<16xf32>
    %sub3A_501 = arith.subf %sub3A_500, %mul3A_498 : vector<16xf32>
    %mul3A_502 = arith.mulf %mul3A_496, %sub3A_501 : vector<16xf32>
    %mul3A_503 = arith.mulf %get3A_479, %mul3A_502 : vector<16xf32>
    %sub3A_504 = arith.subf %gather3A_132, %mul3A_503 : vector<16xf32>
    %swap3A_505 = arith.constant 128 : index
    %swap3A_506 = tpu.vector_load %arg9[%swap3A_505] {strides = array<i32>} : memref<512xf32, #tpu.memory_space<vmem>>, vector<16xf32>,
    tpu.vector_store %arg9[%swap3A_505], %sub3A_504 {strides = array<i32>} : memref<512xf32, #tpu.memory_space<vmem>>, vector<16xf32>,
    %get3A_507 = arith.constant 144 : index
    %get3A_508 = tpu.vector_load %arg9[%get3A_507] {strides = array<i32>} : memref<512xf32, #tpu.memory_space<vmem>>, vector<16xf32>,
    %bitcast_convert_type3A_509 = tpu.bitcast %get3A_508 : vector<16xf32> -> vector<16xi32>
    %shift_right_logical3A_510 = arith.constant 1 : i32
    %shift_right_logical3A_511 = vector.broadcast %shift_right_logical3A_510 : i32 to vector<16xi32>
    %shift_right_logical3A_512 = arith.shrui %bitcast_convert_type3A_509, %shift_right_logical3A_511 : vector<16xi32>
    %sub3A_513 = arith.constant 1597463007 : i32
    %sub3A_514 = vector.broadcast %sub3A_513 : i32 to vector<16xi32>
    %sub3A_515 = arith.subi %sub3A_514, %shift_right_logical3A_512 : vector<16xi32>
    %bitcast_convert_type3A_516 = tpu.bitcast %sub3A_515 : vector<16xi32> -> vector<16xf32>
    %mul3A_517 = arith.constant 5.000000e-01 : f32
    %mul3A_518 = vector.broadcast %mul3A_517 : f32 to vector<16xf32>
    %mul3A_519 = arith.mulf %get3A_508, %mul3A_518 : vector<16xf32>
    %mul3A_520 = arith.mulf %mul3A_519, %bitcast_convert_type3A_516 : vector<16xf32>
    %mul3A_521 = arith.mulf %mul3A_520, %bitcast_convert_type3A_516 : vector<16xf32>
    %sub3A_522 = arith.constant 1.500000e+00 : f32
    %sub3A_523 = vector.broadcast %sub3A_522 : f32 to vector<16xf32>
    %sub3A_524 = arith.subf %sub3A_523, %mul3A_521 : vector<16xf32>
    %mul3A_525 = arith.mulf %bitcast_convert_type3A_516, %sub3A_524 : vector<16xf32>
    %mul3A_526 = arith.mulf %mul3A_519, %mul3A_525 : vector<16xf32>
    %mul3A_527 = arith.mulf %mul3A_526, %mul3A_525 : vector<16xf32>
    %sub3A_528 = arith.constant 1.500000e+00 : f32
    %sub3A_529 = vector.broadcast %sub3A_528 : f32 to vector<16xf32>
    %sub3A_530 = arith.subf %sub3A_529, %mul3A_527 : vector<16xf32>
    %mul3A_531 = arith.mulf %mul3A_525, %sub3A_530 : vector<16xf32>
    %mul3A_532 = arith.mulf %get3A_508, %mul3A_531 : vector<16xf32>
    %sub3A_533 = arith.subf %gather3A_132, %mul3A_532 : vector<16xf32>
    %swap3A_534 = arith.constant 144 : index
    %swap3A_535 = tpu.vector_load %arg9[%swap3A_534] {strides = array<i32>} : memref<512xf32, #tpu.memory_space<vmem>>, vector<16xf32>,
    tpu.vector_store %arg9[%swap3A_534], %sub3A_533 {strides = array<i32>} : memref<512xf32, #tpu.memory_space<vmem>>, vector<16xf32>,
    %get3A_536 = arith.constant 160 : index
    %get3A_537 = tpu.vector_load %arg9[%get3A_536] {strides = array<i32>} : memref<512xf32, #tpu.memory_space<vmem>>, vector<16xf32>,
    %bitcast_convert_type3A_538 = tpu.bitcast %get3A_537 : vector<16xf32> -> vector<16xi32>
    %shift_right_logical3A_539 = arith.constant 1 : i32
    %shift_right_logical3A_540 = vector.broadcast %shift_right_logical3A_539 : i32 to vector<16xi32>
    %shift_right_logical3A_541 = arith.shrui %bitcast_convert_type3A_538, %shift_right_logical3A_540 : vector<16xi32>
    %sub3A_542 = arith.constant 1597463007 : i32
    %sub3A_543 = vector.broadcast %sub3A_542 : i32 to vector<16xi32>
    %sub3A_544 = arith.subi %sub3A_543, %shift_right_logical3A_541 : vector<16xi32>
    %bitcast_convert_type3A_545 = tpu.bitcast %sub3A_544 : vector<16xi32> -> vector<16xf32>
    %mul3A_546 = arith.constant 5.000000e-01 : f32
    %mul3A_547 = vector.broadcast %mul3A_546 : f32 to vector<16xf32>
    %mul3A_548 = arith.mulf %get3A_537, %mul3A_547 : vector<16xf32>
    %mul3A_549 = arith.mulf %mul3A_548, %bitcast_convert_type3A_545 : vector<16xf32>
    %mul3A_550 = arith.mulf %mul3A_549, %bitcast_convert_type3A_545 : vector<16xf32>
    %sub3A_551 = arith.constant 1.500000e+00 : f32
    %sub3A_552 = vector.broadcast %sub3A_551 : f32 to vector<16xf32>
    %sub3A_553 = arith.subf %sub3A_552, %mul3A_550 : vector<16xf32>
    %mul3A_554 = arith.mulf %bitcast_convert_type3A_545, %sub3A_553 : vector<16xf32>
    %mul3A_555 = arith.mulf %mul3A_548, %mul3A_554 : vector<16xf32>
    %mul3A_556 = arith.mulf %mul3A_555, %mul3A_554 : vector<16xf32>
    %sub3A_557 = arith.constant 1.500000e+00 : f32
    %sub3A_558 = vector.broadcast %sub3A_557 : f32 to vector<16xf32>
    %sub3A_559 = arith.subf %sub3A_558, %mul3A_556 : vector<16xf32>
    %mul3A_560 = arith.mulf %mul3A_554, %sub3A_559 : vector<16xf32>
    %mul3A_561 = arith.mulf %get3A_537, %mul3A_560 : vector<16xf32>
    %sub3A_562 = arith.subf %gather3A_132, %mul3A_561 : vector<16xf32>
    %swap3A_563 = arith.constant 160 : index
    %swap3A_564 = tpu.vector_load %arg9[%swap3A_563] {strides = array<i32>} : memref<512xf32, #tpu.memory_space<vmem>>, vector<16xf32>,
    tpu.vector_store %arg9[%swap3A_563], %sub3A_562 {strides = array<i32>} : memref<512xf32, #tpu.memory_space<vmem>>, vector<16xf32>,
    %get3A_565 = arith.constant 176 : index
    %get3A_566 = tpu.vector_load %arg9[%get3A_565] {strides = array<i32>} : memref<512xf32, #tpu.memory_space<vmem>>, vector<16xf32>,
    %bitcast_convert_type3A_567 = tpu.bitcast %get3A_566 : vector<16xf32> -> vector<16xi32>
    %shift_right_logical3A_568 = arith.constant 1 : i32
    %shift_right_logical3A_569 = vector.broadcast %shift_right_logical3A_568 : i32 to vector<16xi32>
    %shift_right_logical3A_570 = arith.shrui %bitcast_convert_type3A_567, %shift_right_logical3A_569 : vector<16xi32>
    %sub3A_571 = arith.constant 1597463007 : i32
    %sub3A_572 = vector.broadcast %sub3A_571 : i32 to vector<16xi32>
    %sub3A_573 = arith.subi %sub3A_572, %shift_right_logical3A_570 : vector<16xi32>
    %bitcast_convert_type3A_574 = tpu.bitcast %sub3A_573 : vector<16xi32> -> vector<16xf32>
    %mul3A_575 = arith.constant 5.000000e-01 : f32
    %mul3A_576 = vector.broadcast %mul3A_575 : f32 to vector<16xf32>
    %mul3A_577 = arith.mulf %get3A_566, %mul3A_576 : vector<16xf32>
    %mul3A_578 = arith.mulf %mul3A_577, %bitcast_convert_type3A_574 : vector<16xf32>
    %mul3A_579 = arith.mulf %mul3A_578, %bitcast_convert_type3A_574 : vector<16xf32>
    %sub3A_580 = arith.constant 1.500000e+00 : f32
    %sub3A_581 = vector.broadcast %sub3A_580 : f32 to vector<16xf32>
    %sub3A_582 = arith.subf %sub3A_581, %mul3A_579 : vector<16xf32>
    %mul3A_583 = arith.mulf %bitcast_convert_type3A_574, %sub3A_582 : vector<16xf32>
    %mul3A_584 = arith.mulf %mul3A_577, %mul3A_583 : vector<16xf32>
    %mul3A_585 = arith.mulf %mul3A_584, %mul3A_583 : vector<16xf32>
    %sub3A_586 = arith.constant 1.500000e+00 : f32
    %sub3A_587 = vector.broadcast %sub3A_586 : f32 to vector<16xf32>
    %sub3A_588 = arith.subf %sub3A_587, %mul3A_585 : vector<16xf32>
    %mul3A_589 = arith.mulf %mul3A_583, %sub3A_588 : vector<16xf32>
    %mul3A_590 = arith.mulf %get3A_566, %mul3A_589 : vector<16xf32>
    %sub3A_591 = arith.subf %gather3A_132, %mul3A_590 : vector<16xf32>
    %swap3A_592 = arith.constant 176 : index
    %swap3A_593 = tpu.vector_load %arg9[%swap3A_592] {strides = array<i32>} : memref<512xf32, #tpu.memory_space<vmem>>, vector<16xf32>,
    tpu.vector_store %arg9[%swap3A_592], %sub3A_591 {strides = array<i32>} : memref<512xf32, #tpu.memory_space<vmem>>, vector<16xf32>,
    %get3A_594 = arith.constant 192 : index
    %get3A_595 = tpu.vector_load %arg9[%get3A_594] {strides = array<i32>} : memref<512xf32, #tpu.memory_space<vmem>>, vector<16xf32>,
    %bitcast_convert_type3A_596 = tpu.bitcast %get3A_595 : vector<16xf32> -> vector<16xi32>
    %shift_right_logical3A_597 = arith.constant 1 : i32
    %shift_right_logical3A_598 = vector.broadcast %shift_right_logical3A_597 : i32 to vector<16xi32>
    %shift_right_logical3A_599 = arith.shrui %bitcast_convert_type3A_596, %shift_right_logical3A_598 : vector<16xi32>
    %sub3A_600 = arith.constant 1597463007 : i32
    %sub3A_601 = vector.broadcast %sub3A_600 : i32 to vector<16xi32>
    %sub3A_602 = arith.subi %sub3A_601, %shift_right_logical3A_599 : vector<16xi32>
    %bitcast_convert_type3A_603 = tpu.bitcast %sub3A_602 : vector<16xi32> -> vector<16xf32>
    %mul3A_604 = arith.constant 5.000000e-01 : f32
    %mul3A_605 = vector.broadcast %mul3A_604 : f32 to vector<16xf32>
    %mul3A_606 = arith.mulf %get3A_595, %mul3A_605 : vector<16xf32>
    %mul3A_607 = arith.mulf %mul3A_606, %bitcast_convert_type3A_603 : vector<16xf32>
    %mul3A_608 = arith.mulf %mul3A_607, %bitcast_convert_type3A_603 : vector<16xf32>
    %sub3A_609 = arith.constant 1.500000e+00 : f32
    %sub3A_610 = vector.broadcast %sub3A_609 : f32 to vector<16xf32>
    %sub3A_611 = arith.subf %sub3A_610, %mul3A_608 : vector<16xf32>
    %mul3A_612 = arith.mulf %bitcast_convert_type3A_603, %sub3A_611 : vector<16xf32>
    %mul3A_613 = arith.mulf %mul3A_606, %mul3A_612 : vector<16xf32>
    %mul3A_614 = arith.mulf %mul3A_613, %mul3A_612 : vector<16xf32>
    %sub3A_615 = arith.constant 1.500000e+00 : f32
    %sub3A_616 = vector.broadcast %sub3A_615 : f32 to vector<16xf32>
    %sub3A_617 = arith.subf %sub3A_616, %mul3A_614 : vector<16xf32>
    %mul3A_618 = arith.mulf %mul3A_612, %sub3A_617 : vector<16xf32>
    %mul3A_619 = arith.mulf %get3A_595, %mul3A_618 : vector<16xf32>
    %sub3A_620 = arith.subf %gather3A_132, %mul3A_619 : vector<16xf32>
    %swap3A_621 = arith.constant 192 : index
    %swap3A_622 = tpu.vector_load %arg9[%swap3A_621] {strides = array<i32>} : memref<512xf32, #tpu.memory_space<vmem>>, vector<16xf32>,
    tpu.vector_store %arg9[%swap3A_621], %sub3A_620 {strides = array<i32>} : memref<512xf32, #tpu.memory_space<vmem>>, vector<16xf32>,
    %get3A_623 = arith.constant 208 : index
    %get3A_624 = tpu.vector_load %arg9[%get3A_623] {strides = array<i32>} : memref<512xf32, #tpu.memory_space<vmem>>, vector<16xf32>,
    %bitcast_convert_type3A_625 = tpu.bitcast %get3A_624 : vector<16xf32> -> vector<16xi32>
    %shift_right_logical3A_626 = arith.constant 1 : i32
    %shift_right_logical3A_627 = vector.broadcast %shift_right_logical3A_626 : i32 to vector<16xi32>
    %shift_right_logical3A_628 = arith.shrui %bitcast_convert_type3A_625, %shift_right_logical3A_627 : vector<16xi32>
    %sub3A_629 = arith.constant 1597463007 : i32
    %sub3A_630 = vector.broadcast %sub3A_629 : i32 to vector<16xi32>
    %sub3A_631 = arith.subi %sub3A_630, %shift_right_logical3A_628 : vector<16xi32>
    %bitcast_convert_type3A_632 = tpu.bitcast %sub3A_631 : vector<16xi32> -> vector<16xf32>
    %mul3A_633 = arith.constant 5.000000e-01 : f32
    %mul3A_634 = vector.broadcast %mul3A_633 : f32 to vector<16xf32>
    %mul3A_635 = arith.mulf %get3A_624, %mul3A_634 : vector<16xf32>
    %mul3A_636 = arith.mulf %mul3A_635, %bitcast_convert_type3A_632 : vector<16xf32>
    %mul3A_637 = arith.mulf %mul3A_636, %bitcast_convert_type3A_632 : vector<16xf32>
    %sub3A_638 = arith.constant 1.500000e+00 : f32
    %sub3A_639 = vector.broadcast %sub3A_638 : f32 to vector<16xf32>
    %sub3A_640 = arith.subf %sub3A_639, %mul3A_637 : vector<16xf32>
    %mul3A_641 = arith.mulf %bitcast_convert_type3A_632, %sub3A_640 : vector<16xf32>
    %mul3A_642 = arith.mulf %mul3A_635, %mul3A_641 : vector<16xf32>
    %mul3A_643 = arith.mulf %mul3A_642, %mul3A_641 : vector<16xf32>
    %sub3A_644 = arith.constant 1.500000e+00 : f32
    %sub3A_645 = vector.broadcast %sub3A_644 : f32 to vector<16xf32>
    %sub3A_646 = arith.subf %sub3A_645, %mul3A_643 : vector<16xf32>
    %mul3A_647 = arith.mulf %mul3A_641, %sub3A_646 : vector<16xf32>
    %mul3A_648 = arith.mulf %get3A_624, %mul3A_647 : vector<16xf32>
    %sub3A_649 = arith.subf %gather3A_132, %mul3A_648 : vector<16xf32>
    %swap3A_650 = arith.constant 208 : index
    %swap3A_651 = tpu.vector_load %arg9[%swap3A_650] {strides = array<i32>} : memref<512xf32, #tpu.memory_space<vmem>>, vector<16xf32>,
    tpu.vector_store %arg9[%swap3A_650], %sub3A_649 {strides = array<i32>} : memref<512xf32, #tpu.memory_space<vmem>>, vector<16xf32>,
    %get3A_652 = arith.constant 224 : index
    %get3A_653 = tpu.vector_load %arg9[%get3A_652] {strides = array<i32>} : memref<512xf32, #tpu.memory_space<vmem>>, vector<16xf32>,
    %bitcast_convert_type3A_654 = tpu.bitcast %get3A_653 : vector<16xf32> -> vector<16xi32>
    %shift_right_logical3A_655 = arith.constant 1 : i32
    %shift_right_logical3A_656 = vector.broadcast %shift_right_logical3A_655 : i32 to vector<16xi32>
    %shift_right_logical3A_657 = arith.shrui %bitcast_convert_type3A_654, %shift_right_logical3A_656 : vector<16xi32>
    %sub3A_658 = arith.constant 1597463007 : i32
    %sub3A_659 = vector.broadcast %sub3A_658 : i32 to vector<16xi32>
    %sub3A_660 = arith.subi %sub3A_659, %shift_right_logical3A_657 : vector<16xi32>
    %bitcast_convert_type3A_661 = tpu.bitcast %sub3A_660 : vector<16xi32> -> vector<16xf32>
    %mul3A_662 = arith.constant 5.000000e-01 : f32
    %mul3A_663 = vector.broadcast %mul3A_662 : f32 to vector<16xf32>
    %mul3A_664 = arith.mulf %get3A_653, %mul3A_663 : vector<16xf32>
    %mul3A_665 = arith.mulf %mul3A_664, %bitcast_convert_type3A_661 : vector<16xf32>
    %mul3A_666 = arith.mulf %mul3A_665, %bitcast_convert_type3A_661 : vector<16xf32>
    %sub3A_667 = arith.constant 1.500000e+00 : f32
    %sub3A_668 = vector.broadcast %sub3A_667 : f32 to vector<16xf32>
    %sub3A_669 = arith.subf %sub3A_668, %mul3A_666 : vector<16xf32>
    %mul3A_670 = arith.mulf %bitcast_convert_type3A_661, %sub3A_669 : vector<16xf32>
    %mul3A_671 = arith.mulf %mul3A_664, %mul3A_670 : vector<16xf32>
    %mul3A_672 = arith.mulf %mul3A_671, %mul3A_670 : vector<16xf32>
    %sub3A_673 = arith.constant 1.500000e+00 : f32
    %sub3A_674 = vector.broadcast %sub3A_673 : f32 to vector<16xf32>
    %sub3A_675 = arith.subf %sub3A_674, %mul3A_672 : vector<16xf32>
    %mul3A_676 = arith.mulf %mul3A_670, %sub3A_675 : vector<16xf32>
    %mul3A_677 = arith.mulf %get3A_653, %mul3A_676 : vector<16xf32>
    %sub3A_678 = arith.subf %gather3A_132, %mul3A_677 : vector<16xf32>
    %swap3A_679 = arith.constant 224 : index
    %swap3A_680 = tpu.vector_load %arg9[%swap3A_679] {strides = array<i32>} : memref<512xf32, #tpu.memory_space<vmem>>, vector<16xf32>,
    tpu.vector_store %arg9[%swap3A_679], %sub3A_678 {strides = array<i32>} : memref<512xf32, #tpu.memory_space<vmem>>, vector<16xf32>,
    %get3A_681 = arith.constant 240 : index
    %get3A_682 = tpu.vector_load %arg9[%get3A_681] {strides = array<i32>} : memref<512xf32, #tpu.memory_space<vmem>>, vector<16xf32>,
    %bitcast_convert_type3A_683 = tpu.bitcast %get3A_682 : vector<16xf32> -> vector<16xi32>
    %shift_right_logical3A_684 = arith.constant 1 : i32
    %shift_right_logical3A_685 = vector.broadcast %shift_right_logical3A_684 : i32 to vector<16xi32>
    %shift_right_logical3A_686 = arith.shrui %bitcast_convert_type3A_683, %shift_right_logical3A_685 : vector<16xi32>
    %sub3A_687 = arith.constant 1597463007 : i32
    %sub3A_688 = vector.broadcast %sub3A_687 : i32 to vector<16xi32>
    %sub3A_689 = arith.subi %sub3A_688, %shift_right_logical3A_686 : vector<16xi32>
    %bitcast_convert_type3A_690 = tpu.bitcast %sub3A_689 : vector<16xi32> -> vector<16xf32>
    %mul3A_691 = arith.constant 5.000000e-01 : f32
    %mul3A_692 = vector.broadcast %mul3A_691 : f32 to vector<16xf32>
    %mul3A_693 = arith.mulf %get3A_682, %mul3A_692 : vector<16xf32>
    %mul3A_694 = arith.mulf %mul3A_693, %bitcast_convert_type3A_690 : vector<16xf32>
    %mul3A_695 = arith.mulf %mul3A_694, %bitcast_convert_type3A_690 : vector<16xf32>
    %sub3A_696 = arith.constant 1.500000e+00 : f32
    %sub3A_697 = vector.broadcast %sub3A_696 : f32 to vector<16xf32>
    %sub3A_698 = arith.subf %sub3A_697, %mul3A_695 : vector<16xf32>
    %mul3A_699 = arith.mulf %bitcast_convert_type3A_690, %sub3A_698 : vector<16xf32>
    %mul3A_700 = arith.mulf %mul3A_693, %mul3A_699 : vector<16xf32>
    %mul3A_701 = arith.mulf %mul3A_700, %mul3A_699 : vector<16xf32>
    %sub3A_702 = arith.constant 1.500000e+00 : f32
    %sub3A_703 = vector.broadcast %sub3A_702 : f32 to vector<16xf32>
    %sub3A_704 = arith.subf %sub3A_703, %mul3A_701 : vector<16xf32>
    %mul3A_705 = arith.mulf %mul3A_699, %sub3A_704 : vector<16xf32>
    %mul3A_706 = arith.mulf %get3A_682, %mul3A_705 : vector<16xf32>
    %sub3A_707 = arith.subf %gather3A_132, %mul3A_706 : vector<16xf32>
    %swap3A_708 = arith.constant 240 : index
    %swap3A_709 = tpu.vector_load %arg9[%swap3A_708] {strides = array<i32>} : memref<512xf32, #tpu.memory_space<vmem>>, vector<16xf32>,
    tpu.vector_store %arg9[%swap3A_708], %sub3A_707 {strides = array<i32>} : memref<512xf32, #tpu.memory_space<vmem>>, vector<16xf32>,
    %dma_start3A_710 = arith.constant 0 : i32
    %dma_start3A_711 = arith.constant 3 : i32
    %dma_start3A_712 = arith.constant 1 : i32
    %dma_start3A_713 = arith.constant 0 : i32
    %dma_start3A_714 = arith.constant 0 : i32
    %dma_start3A_715 = arith.constant 0 : i32
    %dma_start3A_716 = tpu.memref_slice %arg8[%dma_start3A_712, %dma_start3A_713, %dma_start3A_714, %dma_start3A_715] : memref<2x2x128x128xf32, #tpu.memory_space<vmem>> -> memref<1x1x128x128xf32, #tpu.memory_space<vmem>>
    %dma_start3A_717 = tpu.memref_squeeze %dma_start3A_716 : memref<1x1x128x128xf32, #tpu.memory_space<vmem>> -> memref<128x128xf32, #tpu.memory_space<vmem>>
    %dma_start3A_718 = arith.constant 0 : i32
    %dma_start3A_719 = tpu.memref_slice %arg7[%dma_start3A_710, %dma_start3A_711, %dma_start3A_718] : memref<2x4x128xi32, #tpu.memory_space<vmem>> -> memref<1x1x128xi32, #tpu.memory_space<vmem>>
    %dma_start3A_720 = tpu.memref_squeeze %dma_start3A_719 : memref<1x1x128xi32, #tpu.memory_space<vmem>> -> memref<128xi32, #tpu.memory_space<vmem>>
    %dma_start3A_721 = arith.constant 0 : i32
    %dma_start3A_722 = arith.constant 0 : i32
    %dma_start3A_723 = tpu.memref_slice %arg2[%dma_start3A_721, %dma_start3A_722] : memref<100000x128xf32, #tpu.memory_space<hbm>> -> memref<100000x128xf32, #tpu.memory_space<hbm>>
    tpu.enqueue_indirect_dma source(%dma_start3A_723 : memref<100000x128xf32, #tpu.memory_space<hbm>>) target(%dma_start3A_717 : memref<128x128xf32, #tpu.memory_space<vmem>>) offsets(%dma_start3A_720 : memref<128xi32, #tpu.memory_space<vmem>>) semaphore(%arg12 : memref<!tpu.dma_semaphore, #tpu.memory_space<semaphore_mem>>)
    %dma_start3A_724 = arith.constant 1 : i32
    %dma_start3A_725 = arith.constant 3 : i32
    %dma_start3A_726 = arith.constant 1 : i32
    %dma_start3A_727 = arith.constant 1 : i32
    %dma_start3A_728 = arith.constant 0 : i32
    %dma_start3A_729 = arith.constant 0 : i32
    %dma_start3A_730 = tpu.memref_slice %arg8[%dma_start3A_726, %dma_start3A_727, %dma_start3A_728, %dma_start3A_729] : memref<2x2x128x128xf32, #tpu.memory_space<vmem>> -> memref<1x1x128x128xf32, #tpu.memory_space<vmem>>
    %dma_start3A_731 = tpu.memref_squeeze %dma_start3A_730 : memref<1x1x128x128xf32, #tpu.memory_space<vmem>> -> memref<128x128xf32, #tpu.memory_space<vmem>>
    %dma_start3A_732 = arith.constant 0 : i32
    %dma_start3A_733 = tpu.memref_slice %arg7[%dma_start3A_724, %dma_start3A_725, %dma_start3A_732] : memref<2x4x128xi32, #tpu.memory_space<vmem>> -> memref<1x1x128xi32, #tpu.memory_space<vmem>>
    %dma_start3A_734 = tpu.memref_squeeze %dma_start3A_733 : memref<1x1x128xi32, #tpu.memory_space<vmem>> -> memref<128xi32, #tpu.memory_space<vmem>>
    %dma_start3A_735 = arith.constant 0 : i32
    %dma_start3A_736 = arith.constant 0 : i32
    %dma_start3A_737 = tpu.memref_slice %arg2[%dma_start3A_735, %dma_start3A_736] : memref<100000x128xf32, #tpu.memory_space<hbm>> -> memref<100000x128xf32, #tpu.memory_space<hbm>>
    tpu.enqueue_indirect_dma source(%dma_start3A_737 : memref<100000x128xf32, #tpu.memory_space<hbm>>) target(%dma_start3A_731 : memref<128x128xf32, #tpu.memory_space<vmem>>) offsets(%dma_start3A_734 : memref<128xi32, #tpu.memory_space<vmem>>) semaphore(%arg12 : memref<!tpu.dma_semaphore, #tpu.memory_space<semaphore_mem>>)
    %dma_wait3A_738 = arith.constant 0 : i32
    %dma_wait3A_739 = arith.constant 2 : i32
    %dma_wait3A_740 = arith.constant 0 : i32
    %dma_wait3A_741 = arith.constant 0 : i32
    %dma_wait3A_742 = arith.constant 0 : i32
    %dma_wait3A_743 = arith.constant 0 : i32
    %dma_wait3A_744 = tpu.memref_slice %arg8[%dma_wait3A_740, %dma_wait3A_741, %dma_wait3A_742, %dma_wait3A_743] : memref<2x2x128x128xf32, #tpu.memory_space<vmem>> -> memref<1x1x128x128xf32, #tpu.memory_space<vmem>>
    %dma_wait3A_745 = tpu.memref_squeeze %dma_wait3A_744 : memref<1x1x128x128xf32, #tpu.memory_space<vmem>> -> memref<128x128xf32, #tpu.memory_space<vmem>>
    %dma_wait3A_746 = arith.constant 0 : i32
    %dma_wait3A_747 = tpu.memref_slice %arg7[%dma_wait3A_738, %dma_wait3A_739, %dma_wait3A_746] : memref<2x4x128xi32, #tpu.memory_space<vmem>> -> memref<1x1x128xi32, #tpu.memory_space<vmem>>
    %dma_wait3A_748 = tpu.memref_squeeze %dma_wait3A_747 : memref<1x1x128xi32, #tpu.memory_space<vmem>> -> memref<128xi32, #tpu.memory_space<vmem>>
    %dma_wait3A_749 = arith.constant 0 : i32
    %dma_wait3A_750 = arith.constant 0 : i32
    %dma_wait3A_751 = tpu.memref_slice %arg2[%dma_wait3A_749, %dma_wait3A_750] : memref<100000x128xf32, #tpu.memory_space<hbm>> -> memref<100000x128xf32, #tpu.memory_space<hbm>>
    tpu.wait_indirect_dma semaphore(%arg11 : memref<!tpu.dma_semaphore, #tpu.memory_space<semaphore_mem>>) src(%dma_wait3A_751 : memref<100000x128xf32, #tpu.memory_space<hbm>>) dst(%dma_wait3A_745 : memref<128x128xf32, #tpu.memory_space<vmem>>)
    %dma_wait3A_752 = arith.constant 1 : i32
    %dma_wait3A_753 = arith.constant 2 : i32
    %dma_wait3A_754 = arith.constant 0 : i32
    %dma_wait3A_755 = arith.constant 1 : i32
    %dma_wait3A_756 = arith.constant 0 : i32
    %dma_wait3A_757 = arith.constant 0 : i32
    %dma_wait3A_758 = tpu.memref_slice %arg8[%dma_wait3A_754, %dma_wait3A_755, %dma_wait3A_756, %dma_wait3A_757] : memref<2x2x128x128xf32, #tpu.memory_space<vmem>> -> memref<1x1x128x128xf32, #tpu.memory_space<vmem>>
    %dma_wait3A_759 = tpu.memref_squeeze %dma_wait3A_758 : memref<1x1x128x128xf32, #tpu.memory_space<vmem>> -> memref<128x128xf32, #tpu.memory_space<vmem>>
    %dma_wait3A_760 = arith.constant 0 : i32
    %dma_wait3A_761 = tpu.memref_slice %arg7[%dma_wait3A_752, %dma_wait3A_753, %dma_wait3A_760] : memref<2x4x128xi32, #tpu.memory_space<vmem>> -> memref<1x1x128xi32, #tpu.memory_space<vmem>>
    %dma_wait3A_762 = tpu.memref_squeeze %dma_wait3A_761 : memref<1x1x128xi32, #tpu.memory_space<vmem>> -> memref<128xi32, #tpu.memory_space<vmem>>
    %dma_wait3A_763 = arith.constant 0 : i32
    %dma_wait3A_764 = arith.constant 0 : i32
    %dma_wait3A_765 = tpu.memref_slice %arg2[%dma_wait3A_763, %dma_wait3A_764] : memref<100000x128xf32, #tpu.memory_space<hbm>> -> memref<100000x128xf32, #tpu.memory_space<hbm>>
    tpu.wait_indirect_dma semaphore(%arg11 : memref<!tpu.dma_semaphore, #tpu.memory_space<semaphore_mem>>) src(%dma_wait3A_765 : memref<100000x128xf32, #tpu.memory_space<hbm>>) dst(%dma_wait3A_759 : memref<128x128xf32, #tpu.memory_space<vmem>>)
    %parallel_loop3A_766 = arith.constant 0 : i32
    %parallel_loop3A_767 = arith.constant 32 : i32
    %parallel_loop3A_768 = arith.constant 1 : i32
    scf.for %parallel_loop3A_1266 = %parallel_loop3A_766 to %parallel_loop3A_767 step %parallel_loop3A_768  : i32 {
      %parallel_loop3A_1267 = arith.constant 2 : i32
      %parallel_loop3A_1268 = arith.shrsi %parallel_loop3A_1266, %parallel_loop3A_1267 : i32
      %parallel_loop3A_1269 = arith.constant 3 : i32
      %parallel_loop3A_1270 = arith.andi %parallel_loop3A_1266, %parallel_loop3A_1269 : i32
      %parallel_loop3A_1271 = arith.constant 16 : i32
      %parallel_loop3A_1272 = arith.muli %parallel_loop3A_1268, %parallel_loop3A_1271 : i32
      %parallel_loop3A_1273 = arith.addi %parallel_loop3A_1272, %parallel_loop3A_1270 : i32
      %parallel_loop3A_1274 = arith.constant 0 : i32
      %parallel_loop3A_1275 = arith.constant 0 : i32
      %parallel_loop3A_1276 = arith.index_cast %parallel_loop3A_1274 : i32 to index
      %parallel_loop3A_1277 = arith.index_cast %parallel_loop3A_1275 : i32 to index
      %parallel_loop3A_1278 = arith.index_cast %parallel_loop3A_1273 : i32 to index
      %parallel_loop3A_1279 = arith.constant 0 : index
      %parallel_loop3A_1280 = tpu.vector_load %arg8[%parallel_loop3A_1276, %parallel_loop3A_1277, %parallel_loop3A_1278, %parallel_loop3A_1279] {strides = array<i32>} : memref<2x2x128x128xf32, #tpu.memory_space<vmem>>, vector<16xf32>,
      %parallel_loop3A_1281 = arith.constant 0 : i32
      %parallel_loop3A_1282 = arith.constant 1 : i32
      %parallel_loop3A_1283 = arith.index_cast %parallel_loop3A_1281 : i32 to index
      %parallel_loop3A_1284 = arith.index_cast %parallel_loop3A_1282 : i32 to index
      %parallel_loop3A_1285 = arith.index_cast %parallel_loop3A_1273 : i32 to index
      %parallel_loop3A_1286 = arith.constant 0 : index
      %parallel_loop3A_1287 = tpu.vector_load %arg8[%parallel_loop3A_1283, %parallel_loop3A_1284, %parallel_loop3A_1285, %parallel_loop3A_1286] {strides = array<i32>} : memref<2x2x128x128xf32, #tpu.memory_space<vmem>>, vector<16xf32>,
      %parallel_loop3A_1288 = arith.subf %parallel_loop3A_1280, %parallel_loop3A_1287 : vector<16xf32>
      %parallel_loop3A_1289 = arith.mulf %parallel_loop3A_1288, %parallel_loop3A_1288 : vector<16xf32>
      %parallel_loop3A_1290 = arith.constant 0 : i32
      %parallel_loop3A_1291 = arith.constant 0 : i32
      %parallel_loop3A_1292 = arith.index_cast %parallel_loop3A_1290 : i32 to index
      %parallel_loop3A_1293 = arith.index_cast %parallel_loop3A_1291 : i32 to index
      %parallel_loop3A_1294 = arith.index_cast %parallel_loop3A_1273 : i32 to index
      %parallel_loop3A_1295 = arith.constant 16 : index
      %parallel_loop3A_1296 = tpu.vector_load %arg8[%parallel_loop3A_1292, %parallel_loop3A_1293, %parallel_loop3A_1294, %parallel_loop3A_1295] {strides = array<i32>} : memref<2x2x128x128xf32, #tpu.memory_space<vmem>>, vector<16xf32>,
      %parallel_loop3A_1297 = arith.constant 0 : i32
      %parallel_loop3A_1298 = arith.constant 1 : i32
      %parallel_loop3A_1299 = arith.index_cast %parallel_loop3A_1297 : i32 to index
      %parallel_loop3A_1300 = arith.index_cast %parallel_loop3A_1298 : i32 to index
      %parallel_loop3A_1301 = arith.index_cast %parallel_loop3A_1273 : i32 to index
      %parallel_loop3A_1302 = arith.constant 16 : index
      %parallel_loop3A_1303 = tpu.vector_load %arg8[%parallel_loop3A_1299, %parallel_loop3A_1300, %parallel_loop3A_1301, %parallel_loop3A_1302] {strides = array<i32>} : memref<2x2x128x128xf32, #tpu.memory_space<vmem>>, vector<16xf32>,
      %parallel_loop3A_1304 = arith.subf %parallel_loop3A_1296, %parallel_loop3A_1303 : vector<16xf32>
      %parallel_loop3A_1305 = arith.mulf %parallel_loop3A_1304, %parallel_loop3A_1304 : vector<16xf32>
      %parallel_loop3A_1306 = arith.addf %parallel_loop3A_1289, %parallel_loop3A_1305 : vector<16xf32>
      %parallel_loop3A_1307 = arith.constant 0 : i32
      %parallel_loop3A_1308 = arith.constant 0 : i32
      %parallel_loop3A_1309 = arith.index_cast %parallel_loop3A_1307 : i32 to index
      %parallel_loop3A_1310 = arith.index_cast %parallel_loop3A_1308 : i32 to index
      %parallel_loop3A_1311 = arith.index_cast %parallel_loop3A_1273 : i32 to index
      %parallel_loop3A_1312 = arith.constant 32 : index
      %parallel_loop3A_1313 = tpu.vector_load %arg8[%parallel_loop3A_1309, %parallel_loop3A_1310, %parallel_loop3A_1311, %parallel_loop3A_1312] {strides = array<i32>} : memref<2x2x128x128xf32, #tpu.memory_space<vmem>>, vector<16xf32>,
      %parallel_loop3A_1314 = arith.constant 0 : i32
      %parallel_loop3A_1315 = arith.constant 1 : i32
      %parallel_loop3A_1316 = arith.index_cast %parallel_loop3A_1314 : i32 to index
      %parallel_loop3A_1317 = arith.index_cast %parallel_loop3A_1315 : i32 to index
      %parallel_loop3A_1318 = arith.index_cast %parallel_loop3A_1273 : i32 to index
      %parallel_loop3A_1319 = arith.constant 32 : index
      %parallel_loop3A_1320 = tpu.vector_load %arg8[%parallel_loop3A_1316, %parallel_loop3A_1317, %parallel_loop3A_1318, %parallel_loop3A_1319] {strides = array<i32>} : memref<2x2x128x128xf32, #tpu.memory_space<vmem>>, vector<16xf32>,
      %parallel_loop3A_1321 = arith.subf %parallel_loop3A_1313, %parallel_loop3A_1320 : vector<16xf32>
      %parallel_loop3A_1322 = arith.mulf %parallel_loop3A_1321, %parallel_loop3A_1321 : vector<16xf32>
      %parallel_loop3A_1323 = arith.addf %parallel_loop3A_1306, %parallel_loop3A_1322 : vector<16xf32>
      %parallel_loop3A_1324 = arith.constant 0 : i32
      %parallel_loop3A_1325 = arith.constant 0 : i32
      %parallel_loop3A_1326 = arith.index_cast %parallel_loop3A_1324 : i32 to index
      %parallel_loop3A_1327 = arith.index_cast %parallel_loop3A_1325 : i32 to index
      %parallel_loop3A_1328 = arith.index_cast %parallel_loop3A_1273 : i32 to index
      %parallel_loop3A_1329 = arith.constant 48 : index
      %parallel_loop3A_1330 = tpu.vector_load %arg8[%parallel_loop3A_1326, %parallel_loop3A_1327, %parallel_loop3A_1328, %parallel_loop3A_1329] {strides = array<i32>} : memref<2x2x128x128xf32, #tpu.memory_space<vmem>>, vector<16xf32>,
      %parallel_loop3A_1331 = arith.constant 0 : i32
      %parallel_loop3A_1332 = arith.constant 1 : i32
      %parallel_loop3A_1333 = arith.index_cast %parallel_loop3A_1331 : i32 to index
      %parallel_loop3A_1334 = arith.index_cast %parallel_loop3A_1332 : i32 to index
      %parallel_loop3A_1335 = arith.index_cast %parallel_loop3A_1273 : i32 to index
      %parallel_loop3A_1336 = arith.constant 48 : index
      %parallel_loop3A_1337 = tpu.vector_load %arg8[%parallel_loop3A_1333, %parallel_loop3A_1334, %parallel_loop3A_1335, %parallel_loop3A_1336] {strides = array<i32>} : memref<2x2x128x128xf32, #tpu.memory_space<vmem>>, vector<16xf32>,
      %parallel_loop3A_1338 = arith.subf %parallel_loop3A_1330, %parallel_loop3A_1337 : vector<16xf32>
      %parallel_loop3A_1339 = arith.mulf %parallel_loop3A_1338, %parallel_loop3A_1338 : vector<16xf32>
      %parallel_loop3A_1340 = arith.addf %parallel_loop3A_1323, %parallel_loop3A_1339 : vector<16xf32>
      %parallel_loop3A_1341 = arith.constant 0 : i32
      %parallel_loop3A_1342 = arith.constant 0 : i32
      %parallel_loop3A_1343 = arith.index_cast %parallel_loop3A_1341 : i32 to index
      %parallel_loop3A_1344 = arith.index_cast %parallel_loop3A_1342 : i32 to index
      %parallel_loop3A_1345 = arith.index_cast %parallel_loop3A_1273 : i32 to index
      %parallel_loop3A_1346 = arith.constant 64 : index
      %parallel_loop3A_1347 = tpu.vector_load %arg8[%parallel_loop3A_1343, %parallel_loop3A_1344, %parallel_loop3A_1345, %parallel_loop3A_1346] {strides = array<i32>} : memref<2x2x128x128xf32, #tpu.memory_space<vmem>>, vector<16xf32>,
      %parallel_loop3A_1348 = arith.constant 0 : i32
      %parallel_loop3A_1349 = arith.constant 1 : i32
      %parallel_loop3A_1350 = arith.index_cast %parallel_loop3A_1348 : i32 to index
      %parallel_loop3A_1351 = arith.index_cast %parallel_loop3A_1349 : i32 to index
      %parallel_loop3A_1352 = arith.index_cast %parallel_loop3A_1273 : i32 to index
      %parallel_loop3A_1353 = arith.constant 64 : index
      %parallel_loop3A_1354 = tpu.vector_load %arg8[%parallel_loop3A_1350, %parallel_loop3A_1351, %parallel_loop3A_1352, %parallel_loop3A_1353] {strides = array<i32>} : memref<2x2x128x128xf32, #tpu.memory_space<vmem>>, vector<16xf32>,
      %parallel_loop3A_1355 = arith.subf %parallel_loop3A_1347, %parallel_loop3A_1354 : vector<16xf32>
      %parallel_loop3A_1356 = arith.mulf %parallel_loop3A_1355, %parallel_loop3A_1355 : vector<16xf32>
      %parallel_loop3A_1357 = arith.addf %parallel_loop3A_1340, %parallel_loop3A_1356 : vector<16xf32>
      %parallel_loop3A_1358 = arith.constant 0 : i32
      %parallel_loop3A_1359 = arith.constant 0 : i32
      %parallel_loop3A_1360 = arith.index_cast %parallel_loop3A_1358 : i32 to index
      %parallel_loop3A_1361 = arith.index_cast %parallel_loop3A_1359 : i32 to index
      %parallel_loop3A_1362 = arith.index_cast %parallel_loop3A_1273 : i32 to index
      %parallel_loop3A_1363 = arith.constant 80 : index
      %parallel_loop3A_1364 = tpu.vector_load %arg8[%parallel_loop3A_1360, %parallel_loop3A_1361, %parallel_loop3A_1362, %parallel_loop3A_1363] {strides = array<i32>} : memref<2x2x128x128xf32, #tpu.memory_space<vmem>>, vector<16xf32>,
      %parallel_loop3A_1365 = arith.constant 0 : i32
      %parallel_loop3A_1366 = arith.constant 1 : i32
      %parallel_loop3A_1367 = arith.index_cast %parallel_loop3A_1365 : i32 to index
      %parallel_loop3A_1368 = arith.index_cast %parallel_loop3A_1366 : i32 to index
      %parallel_loop3A_1369 = arith.index_cast %parallel_loop3A_1273 : i32 to index
      %parallel_loop3A_1370 = arith.constant 80 : index
      %parallel_loop3A_1371 = tpu.vector_load %arg8[%parallel_loop3A_1367, %parallel_loop3A_1368, %parallel_loop3A_1369, %parallel_loop3A_1370] {strides = array<i32>} : memref<2x2x128x128xf32, #tpu.memory_space<vmem>>, vector<16xf32>,
      %parallel_loop3A_1372 = arith.subf %parallel_loop3A_1364, %parallel_loop3A_1371 : vector<16xf32>
      %parallel_loop3A_1373 = arith.mulf %parallel_loop3A_1372, %parallel_loop3A_1372 : vector<16xf32>
      %parallel_loop3A_1374 = arith.addf %parallel_loop3A_1357, %parallel_loop3A_1373 : vector<16xf32>
      %parallel_loop3A_1375 = arith.constant 0 : i32
      %parallel_loop3A_1376 = arith.constant 0 : i32
      %parallel_loop3A_1377 = arith.index_cast %parallel_loop3A_1375 : i32 to index
      %parallel_loop3A_1378 = arith.index_cast %parallel_loop3A_1376 : i32 to index
      %parallel_loop3A_1379 = arith.index_cast %parallel_loop3A_1273 : i32 to index
      %parallel_loop3A_1380 = arith.constant 96 : index
      %parallel_loop3A_1381 = tpu.vector_load %arg8[%parallel_loop3A_1377, %parallel_loop3A_1378, %parallel_loop3A_1379, %parallel_loop3A_1380] {strides = array<i32>} : memref<2x2x128x128xf32, #tpu.memory_space<vmem>>, vector<16xf32>,
      %parallel_loop3A_1382 = arith.constant 0 : i32
      %parallel_loop3A_1383 = arith.constant 1 : i32
      %parallel_loop3A_1384 = arith.index_cast %parallel_loop3A_1382 : i32 to index
      %parallel_loop3A_1385 = arith.index_cast %parallel_loop3A_1383 : i32 to index
      %parallel_loop3A_1386 = arith.index_cast %parallel_loop3A_1273 : i32 to index
      %parallel_loop3A_1387 = arith.constant 96 : index
      %parallel_loop3A_1388 = tpu.vector_load %arg8[%parallel_loop3A_1384, %parallel_loop3A_1385, %parallel_loop3A_1386, %parallel_loop3A_1387] {strides = array<i32>} : memref<2x2x128x128xf32, #tpu.memory_space<vmem>>, vector<16xf32>,
      %parallel_loop3A_1389 = arith.subf %parallel_loop3A_1381, %parallel_loop3A_1388 : vector<16xf32>
      %parallel_loop3A_1390 = arith.mulf %parallel_loop3A_1389, %parallel_loop3A_1389 : vector<16xf32>
      %parallel_loop3A_1391 = arith.addf %parallel_loop3A_1374, %parallel_loop3A_1390 : vector<16xf32>
      %parallel_loop3A_1392 = arith.constant 0 : i32
      %parallel_loop3A_1393 = arith.constant 0 : i32
      %parallel_loop3A_1394 = arith.index_cast %parallel_loop3A_1392 : i32 to index
      %parallel_loop3A_1395 = arith.index_cast %parallel_loop3A_1393 : i32 to index
      %parallel_loop3A_1396 = arith.index_cast %parallel_loop3A_1273 : i32 to index
      %parallel_loop3A_1397 = arith.constant 112 : index
      %parallel_loop3A_1398 = tpu.vector_load %arg8[%parallel_loop3A_1394, %parallel_loop3A_1395, %parallel_loop3A_1396, %parallel_loop3A_1397] {strides = array<i32>} : memref<2x2x128x128xf32, #tpu.memory_space<vmem>>, vector<16xf32>,
      %parallel_loop3A_1399 = arith.constant 0 : i32
      %parallel_loop3A_1400 = arith.constant 1 : i32
      %parallel_loop3A_1401 = arith.index_cast %parallel_loop3A_1399 : i32 to index
      %parallel_loop3A_1402 = arith.index_cast %parallel_loop3A_1400 : i32 to index
      %parallel_loop3A_1403 = arith.index_cast %parallel_loop3A_1273 : i32 to index
      %parallel_loop3A_1404 = arith.constant 112 : index
      %parallel_loop3A_1405 = tpu.vector_load %arg8[%parallel_loop3A_1401, %parallel_loop3A_1402, %parallel_loop3A_1403, %parallel_loop3A_1404] {strides = array<i32>} : memref<2x2x128x128xf32, #tpu.memory_space<vmem>>, vector<16xf32>,
      %parallel_loop3A_1406 = arith.subf %parallel_loop3A_1398, %parallel_loop3A_1405 : vector<16xf32>
      %parallel_loop3A_1407 = arith.mulf %parallel_loop3A_1406, %parallel_loop3A_1406 : vector<16xf32>
      %parallel_loop3A_1408 = arith.addf %parallel_loop3A_1391, %parallel_loop3A_1407 : vector<16xf32>
      %parallel_loop3A_1409 = arith.constant 4 : i32
      %parallel_loop3A_1410 = arith.addi %parallel_loop3A_1273, %parallel_loop3A_1409 : i32
      %parallel_loop3A_1411 = arith.constant 0 : i32
      %parallel_loop3A_1412 = arith.constant 0 : i32
      %parallel_loop3A_1413 = arith.index_cast %parallel_loop3A_1411 : i32 to index
      %parallel_loop3A_1414 = arith.index_cast %parallel_loop3A_1412 : i32 to index
      %parallel_loop3A_1415 = arith.index_cast %parallel_loop3A_1410 : i32 to index
      %parallel_loop3A_1416 = arith.constant 0 : index
      %parallel_loop3A_1417 = tpu.vector_load %arg8[%parallel_loop3A_1413, %parallel_loop3A_1414, %parallel_loop3A_1415, %parallel_loop3A_1416] {strides = array<i32>} : memref<2x2x128x128xf32, #tpu.memory_space<vmem>>, vector<16xf32>,
      %parallel_loop3A_1418 = arith.constant 0 : i32
      %parallel_loop3A_1419 = arith.constant 1 : i32
      %parallel_loop3A_1420 = arith.index_cast %parallel_loop3A_1418 : i32 to index
      %parallel_loop3A_1421 = arith.index_cast %parallel_loop3A_1419 : i32 to index
      %parallel_loop3A_1422 = arith.index_cast %parallel_loop3A_1410 : i32 to index
      %parallel_loop3A_1423 = arith.constant 0 : index
      %parallel_loop3A_1424 = tpu.vector_load %arg8[%parallel_loop3A_1420, %parallel_loop3A_1421, %parallel_loop3A_1422, %parallel_loop3A_1423] {strides = array<i32>} : memref<2x2x128x128xf32, #tpu.memory_space<vmem>>, vector<16xf32>,
      %parallel_loop3A_1425 = arith.subf %parallel_loop3A_1417, %parallel_loop3A_1424 : vector<16xf32>
      %parallel_loop3A_1426 = arith.mulf %parallel_loop3A_1425, %parallel_loop3A_1425 : vector<16xf32>
      %parallel_loop3A_1427 = arith.constant 0 : i32
      %parallel_loop3A_1428 = arith.constant 0 : i32
      %parallel_loop3A_1429 = arith.index_cast %parallel_loop3A_1427 : i32 to index
      %parallel_loop3A_1430 = arith.index_cast %parallel_loop3A_1428 : i32 to index
      %parallel_loop3A_1431 = arith.index_cast %parallel_loop3A_1410 : i32 to index
      %parallel_loop3A_1432 = arith.constant 16 : index
      %parallel_loop3A_1433 = tpu.vector_load %arg8[%parallel_loop3A_1429, %parallel_loop3A_1430, %parallel_loop3A_1431, %parallel_loop3A_1432] {strides = array<i32>} : memref<2x2x128x128xf32, #tpu.memory_space<vmem>>, vector<16xf32>,
      %parallel_loop3A_1434 = arith.constant 0 : i32
      %parallel_loop3A_1435 = arith.constant 1 : i32
      %parallel_loop3A_1436 = arith.index_cast %parallel_loop3A_1434 : i32 to index
      %parallel_loop3A_1437 = arith.index_cast %parallel_loop3A_1435 : i32 to index
      %parallel_loop3A_1438 = arith.index_cast %parallel_loop3A_1410 : i32 to index
      %parallel_loop3A_1439 = arith.constant 16 : index
      %parallel_loop3A_1440 = tpu.vector_load %arg8[%parallel_loop3A_1436, %parallel_loop3A_1437, %parallel_loop3A_1438, %parallel_loop3A_1439] {strides = array<i32>} : memref<2x2x128x128xf32, #tpu.memory_space<vmem>>, vector<16xf32>,
      %parallel_loop3A_1441 = arith.subf %parallel_loop3A_1433, %parallel_loop3A_1440 : vector<16xf32>
      %parallel_loop3A_1442 = arith.mulf %parallel_loop3A_1441, %parallel_loop3A_1441 : vector<16xf32>
      %parallel_loop3A_1443 = arith.addf %parallel_loop3A_1426, %parallel_loop3A_1442 : vector<16xf32>
      %parallel_loop3A_1444 = arith.constant 0 : i32
      %parallel_loop3A_1445 = arith.constant 0 : i32
      %parallel_loop3A_1446 = arith.index_cast %parallel_loop3A_1444 : i32 to index
      %parallel_loop3A_1447 = arith.index_cast %parallel_loop3A_1445 : i32 to index
      %parallel_loop3A_1448 = arith.index_cast %parallel_loop3A_1410 : i32 to index
      %parallel_loop3A_1449 = arith.constant 32 : index
      %parallel_loop3A_1450 = tpu.vector_load %arg8[%parallel_loop3A_1446, %parallel_loop3A_1447, %parallel_loop3A_1448, %parallel_loop3A_1449] {strides = array<i32>} : memref<2x2x128x128xf32, #tpu.memory_space<vmem>>, vector<16xf32>,
      %parallel_loop3A_1451 = arith.constant 0 : i32
      %parallel_loop3A_1452 = arith.constant 1 : i32
      %parallel_loop3A_1453 = arith.index_cast %parallel_loop3A_1451 : i32 to index
      %parallel_loop3A_1454 = arith.index_cast %parallel_loop3A_1452 : i32 to index
      %parallel_loop3A_1455 = arith.index_cast %parallel_loop3A_1410 : i32 to index
      %parallel_loop3A_1456 = arith.constant 32 : index
      %parallel_loop3A_1457 = tpu.vector_load %arg8[%parallel_loop3A_1453, %parallel_loop3A_1454, %parallel_loop3A_1455, %parallel_loop3A_1456] {strides = array<i32>} : memref<2x2x128x128xf32, #tpu.memory_space<vmem>>, vector<16xf32>,
      %parallel_loop3A_1458 = arith.subf %parallel_loop3A_1450, %parallel_loop3A_1457 : vector<16xf32>
      %parallel_loop3A_1459 = arith.mulf %parallel_loop3A_1458, %parallel_loop3A_1458 : vector<16xf32>
      %parallel_loop3A_1460 = arith.addf %parallel_loop3A_1443, %parallel_loop3A_1459 : vector<16xf32>
      %parallel_loop3A_1461 = arith.constant 0 : i32
      %parallel_loop3A_1462 = arith.constant 0 : i32
      %parallel_loop3A_1463 = arith.index_cast %parallel_loop3A_1461 : i32 to index
      %parallel_loop3A_1464 = arith.index_cast %parallel_loop3A_1462 : i32 to index
      %parallel_loop3A_1465 = arith.index_cast %parallel_loop3A_1410 : i32 to index
      %parallel_loop3A_1466 = arith.constant 48 : index
      %parallel_loop3A_1467 = tpu.vector_load %arg8[%parallel_loop3A_1463, %parallel_loop3A_1464, %parallel_loop3A_1465, %parallel_loop3A_1466] {strides = array<i32>} : memref<2x2x128x128xf32, #tpu.memory_space<vmem>>, vector<16xf32>,
      %parallel_loop3A_1468 = arith.constant 0 : i32
      %parallel_loop3A_1469 = arith.constant 1 : i32
      %parallel_loop3A_1470 = arith.index_cast %parallel_loop3A_1468 : i32 to index
      %parallel_loop3A_1471 = arith.index_cast %parallel_loop3A_1469 : i32 to index
      %parallel_loop3A_1472 = arith.index_cast %parallel_loop3A_1410 : i32 to index
      %parallel_loop3A_1473 = arith.constant 48 : index
      %parallel_loop3A_1474 = tpu.vector_load %arg8[%parallel_loop3A_1470, %parallel_loop3A_1471, %parallel_loop3A_1472, %parallel_loop3A_1473] {strides = array<i32>} : memref<2x2x128x128xf32, #tpu.memory_space<vmem>>, vector<16xf32>,
      %parallel_loop3A_1475 = arith.subf %parallel_loop3A_1467, %parallel_loop3A_1474 : vector<16xf32>
      %parallel_loop3A_1476 = arith.mulf %parallel_loop3A_1475, %parallel_loop3A_1475 : vector<16xf32>
      %parallel_loop3A_1477 = arith.addf %parallel_loop3A_1460, %parallel_loop3A_1476 : vector<16xf32>
      %parallel_loop3A_1478 = arith.constant 0 : i32
      %parallel_loop3A_1479 = arith.constant 0 : i32
      %parallel_loop3A_1480 = arith.index_cast %parallel_loop3A_1478 : i32 to index
      %parallel_loop3A_1481 = arith.index_cast %parallel_loop3A_1479 : i32 to index
      %parallel_loop3A_1482 = arith.index_cast %parallel_loop3A_1410 : i32 to index
      %parallel_loop3A_1483 = arith.constant 64 : index
      %parallel_loop3A_1484 = tpu.vector_load %arg8[%parallel_loop3A_1480, %parallel_loop3A_1481, %parallel_loop3A_1482, %parallel_loop3A_1483] {strides = array<i32>} : memref<2x2x128x128xf32, #tpu.memory_space<vmem>>, vector<16xf32>,
      %parallel_loop3A_1485 = arith.constant 0 : i32
      %parallel_loop3A_1486 = arith.constant 1 : i32
      %parallel_loop3A_1487 = arith.index_cast %parallel_loop3A_1485 : i32 to index
      %parallel_loop3A_1488 = arith.index_cast %parallel_loop3A_1486 : i32 to index
      %parallel_loop3A_1489 = arith.index_cast %parallel_loop3A_1410 : i32 to index
      %parallel_loop3A_1490 = arith.constant 64 : index
      %parallel_loop3A_1491 = tpu.vector_load %arg8[%parallel_loop3A_1487, %parallel_loop3A_1488, %parallel_loop3A_1489, %parallel_loop3A_1490] {strides = array<i32>} : memref<2x2x128x128xf32, #tpu.memory_space<vmem>>, vector<16xf32>,
      %parallel_loop3A_1492 = arith.subf %parallel_loop3A_1484, %parallel_loop3A_1491 : vector<16xf32>
      %parallel_loop3A_1493 = arith.mulf %parallel_loop3A_1492, %parallel_loop3A_1492 : vector<16xf32>
      %parallel_loop3A_1494 = arith.addf %parallel_loop3A_1477, %parallel_loop3A_1493 : vector<16xf32>
      %parallel_loop3A_1495 = arith.constant 0 : i32
      %parallel_loop3A_1496 = arith.constant 0 : i32
      %parallel_loop3A_1497 = arith.index_cast %parallel_loop3A_1495 : i32 to index
      %parallel_loop3A_1498 = arith.index_cast %parallel_loop3A_1496 : i32 to index
      %parallel_loop3A_1499 = arith.index_cast %parallel_loop3A_1410 : i32 to index
      %parallel_loop3A_1500 = arith.constant 80 : index
      %parallel_loop3A_1501 = tpu.vector_load %arg8[%parallel_loop3A_1497, %parallel_loop3A_1498, %parallel_loop3A_1499, %parallel_loop3A_1500] {strides = array<i32>} : memref<2x2x128x128xf32, #tpu.memory_space<vmem>>, vector<16xf32>,
      %parallel_loop3A_1502 = arith.constant 0 : i32
      %parallel_loop3A_1503 = arith.constant 1 : i32
      %parallel_loop3A_1504 = arith.index_cast %parallel_loop3A_1502 : i32 to index
      %parallel_loop3A_1505 = arith.index_cast %parallel_loop3A_1503 : i32 to index
      %parallel_loop3A_1506 = arith.index_cast %parallel_loop3A_1410 : i32 to index
      %parallel_loop3A_1507 = arith.constant 80 : index
      %parallel_loop3A_1508 = tpu.vector_load %arg8[%parallel_loop3A_1504, %parallel_loop3A_1505, %parallel_loop3A_1506, %parallel_loop3A_1507] {strides = array<i32>} : memref<2x2x128x128xf32, #tpu.memory_space<vmem>>, vector<16xf32>,
      %parallel_loop3A_1509 = arith.subf %parallel_loop3A_1501, %parallel_loop3A_1508 : vector<16xf32>
      %parallel_loop3A_1510 = arith.mulf %parallel_loop3A_1509, %parallel_loop3A_1509 : vector<16xf32>
      %parallel_loop3A_1511 = arith.addf %parallel_loop3A_1494, %parallel_loop3A_1510 : vector<16xf32>
      %parallel_loop3A_1512 = arith.constant 0 : i32
      %parallel_loop3A_1513 = arith.constant 0 : i32
      %parallel_loop3A_1514 = arith.index_cast %parallel_loop3A_1512 : i32 to index
      %parallel_loop3A_1515 = arith.index_cast %parallel_loop3A_1513 : i32 to index
      %parallel_loop3A_1516 = arith.index_cast %parallel_loop3A_1410 : i32 to index
      %parallel_loop3A_1517 = arith.constant 96 : index
      %parallel_loop3A_1518 = tpu.vector_load %arg8[%parallel_loop3A_1514, %parallel_loop3A_1515, %parallel_loop3A_1516, %parallel_loop3A_1517] {strides = array<i32>} : memref<2x2x128x128xf32, #tpu.memory_space<vmem>>, vector<16xf32>,
      %parallel_loop3A_1519 = arith.constant 0 : i32
      %parallel_loop3A_1520 = arith.constant 1 : i32
      %parallel_loop3A_1521 = arith.index_cast %parallel_loop3A_1519 : i32 to index
      %parallel_loop3A_1522 = arith.index_cast %parallel_loop3A_1520 : i32 to index
      %parallel_loop3A_1523 = arith.index_cast %parallel_loop3A_1410 : i32 to index
      %parallel_loop3A_1524 = arith.constant 96 : index
      %parallel_loop3A_1525 = tpu.vector_load %arg8[%parallel_loop3A_1521, %parallel_loop3A_1522, %parallel_loop3A_1523, %parallel_loop3A_1524] {strides = array<i32>} : memref<2x2x128x128xf32, #tpu.memory_space<vmem>>, vector<16xf32>,
      %parallel_loop3A_1526 = arith.subf %parallel_loop3A_1518, %parallel_loop3A_1525 : vector<16xf32>
      %parallel_loop3A_1527 = arith.mulf %parallel_loop3A_1526, %parallel_loop3A_1526 : vector<16xf32>
      %parallel_loop3A_1528 = arith.addf %parallel_loop3A_1511, %parallel_loop3A_1527 : vector<16xf32>
      %parallel_loop3A_1529 = arith.constant 0 : i32
      %parallel_loop3A_1530 = arith.constant 0 : i32
      %parallel_loop3A_1531 = arith.index_cast %parallel_loop3A_1529 : i32 to index
      %parallel_loop3A_1532 = arith.index_cast %parallel_loop3A_1530 : i32 to index
      %parallel_loop3A_1533 = arith.index_cast %parallel_loop3A_1410 : i32 to index
      %parallel_loop3A_1534 = arith.constant 112 : index
      %parallel_loop3A_1535 = tpu.vector_load %arg8[%parallel_loop3A_1531, %parallel_loop3A_1532, %parallel_loop3A_1533, %parallel_loop3A_1534] {strides = array<i32>} : memref<2x2x128x128xf32, #tpu.memory_space<vmem>>, vector<16xf32>,
      %parallel_loop3A_1536 = arith.constant 0 : i32
      %parallel_loop3A_1537 = arith.constant 1 : i32
      %parallel_loop3A_1538 = arith.index_cast %parallel_loop3A_1536 : i32 to index
      %parallel_loop3A_1539 = arith.index_cast %parallel_loop3A_1537 : i32 to index
      %parallel_loop3A_1540 = arith.index_cast %parallel_loop3A_1410 : i32 to index
      %parallel_loop3A_1541 = arith.constant 112 : index
      %parallel_loop3A_1542 = tpu.vector_load %arg8[%parallel_loop3A_1538, %parallel_loop3A_1539, %parallel_loop3A_1540, %parallel_loop3A_1541] {strides = array<i32>} : memref<2x2x128x128xf32, #tpu.memory_space<vmem>>, vector<16xf32>,
      %parallel_loop3A_1543 = arith.subf %parallel_loop3A_1535, %parallel_loop3A_1542 : vector<16xf32>
      %parallel_loop3A_1544 = arith.mulf %parallel_loop3A_1543, %parallel_loop3A_1543 : vector<16xf32>
      %parallel_loop3A_1545 = arith.addf %parallel_loop3A_1528, %parallel_loop3A_1544 : vector<16xf32>
      %parallel_loop3A_1546 = arith.constant 8 : i32
      %parallel_loop3A_1547 = arith.addi %parallel_loop3A_1273, %parallel_loop3A_1546 : i32
      %parallel_loop3A_1548 = arith.constant 0 : i32
      %parallel_loop3A_1549 = arith.constant 0 : i32
      %parallel_loop3A_1550 = arith.index_cast %parallel_loop3A_1548 : i32 to index
      %parallel_loop3A_1551 = arith.index_cast %parallel_loop3A_1549 : i32 to index
      %parallel_loop3A_1552 = arith.index_cast %parallel_loop3A_1547 : i32 to index
      %parallel_loop3A_1553 = arith.constant 0 : index
      %parallel_loop3A_1554 = tpu.vector_load %arg8[%parallel_loop3A_1550, %parallel_loop3A_1551, %parallel_loop3A_1552, %parallel_loop3A_1553] {strides = array<i32>} : memref<2x2x128x128xf32, #tpu.memory_space<vmem>>, vector<16xf32>,
      %parallel_loop3A_1555 = arith.constant 0 : i32
      %parallel_loop3A_1556 = arith.constant 1 : i32
      %parallel_loop3A_1557 = arith.index_cast %parallel_loop3A_1555 : i32 to index
      %parallel_loop3A_1558 = arith.index_cast %parallel_loop3A_1556 : i32 to index
      %parallel_loop3A_1559 = arith.index_cast %parallel_loop3A_1547 : i32 to index
      %parallel_loop3A_1560 = arith.constant 0 : index
      %parallel_loop3A_1561 = tpu.vector_load %arg8[%parallel_loop3A_1557, %parallel_loop3A_1558, %parallel_loop3A_1559, %parallel_loop3A_1560] {strides = array<i32>} : memref<2x2x128x128xf32, #tpu.memory_space<vmem>>, vector<16xf32>,
      %parallel_loop3A_1562 = arith.subf %parallel_loop3A_1554, %parallel_loop3A_1561 : vector<16xf32>
      %parallel_loop3A_1563 = arith.mulf %parallel_loop3A_1562, %parallel_loop3A_1562 : vector<16xf32>
      %parallel_loop3A_1564 = arith.constant 0 : i32
      %parallel_loop3A_1565 = arith.constant 0 : i32
      %parallel_loop3A_1566 = arith.index_cast %parallel_loop3A_1564 : i32 to index
      %parallel_loop3A_1567 = arith.index_cast %parallel_loop3A_1565 : i32 to index
      %parallel_loop3A_1568 = arith.index_cast %parallel_loop3A_1547 : i32 to index
      %parallel_loop3A_1569 = arith.constant 16 : index
      %parallel_loop3A_1570 = tpu.vector_load %arg8[%parallel_loop3A_1566, %parallel_loop3A_1567, %parallel_loop3A_1568, %parallel_loop3A_1569] {strides = array<i32>} : memref<2x2x128x128xf32, #tpu.memory_space<vmem>>, vector<16xf32>,
      %parallel_loop3A_1571 = arith.constant 0 : i32
      %parallel_loop3A_1572 = arith.constant 1 : i32
      %parallel_loop3A_1573 = arith.index_cast %parallel_loop3A_1571 : i32 to index
      %parallel_loop3A_1574 = arith.index_cast %parallel_loop3A_1572 : i32 to index
      %parallel_loop3A_1575 = arith.index_cast %parallel_loop3A_1547 : i32 to index
      %parallel_loop3A_1576 = arith.constant 16 : index
      %parallel_loop3A_1577 = tpu.vector_load %arg8[%parallel_loop3A_1573, %parallel_loop3A_1574, %parallel_loop3A_1575, %parallel_loop3A_1576] {strides = array<i32>} : memref<2x2x128x128xf32, #tpu.memory_space<vmem>>, vector<16xf32>,
      %parallel_loop3A_1578 = arith.subf %parallel_loop3A_1570, %parallel_loop3A_1577 : vector<16xf32>
      %parallel_loop3A_1579 = arith.mulf %parallel_loop3A_1578, %parallel_loop3A_1578 : vector<16xf32>
      %parallel_loop3A_1580 = arith.addf %parallel_loop3A_1563, %parallel_loop3A_1579 : vector<16xf32>
      %parallel_loop3A_1581 = arith.constant 0 : i32
      %parallel_loop3A_1582 = arith.constant 0 : i32
      %parallel_loop3A_1583 = arith.index_cast %parallel_loop3A_1581 : i32 to index
      %parallel_loop3A_1584 = arith.index_cast %parallel_loop3A_1582 : i32 to index
      %parallel_loop3A_1585 = arith.index_cast %parallel_loop3A_1547 : i32 to index
      %parallel_loop3A_1586 = arith.constant 32 : index
      %parallel_loop3A_1587 = tpu.vector_load %arg8[%parallel_loop3A_1583, %parallel_loop3A_1584, %parallel_loop3A_1585, %parallel_loop3A_1586] {strides = array<i32>} : memref<2x2x128x128xf32, #tpu.memory_space<vmem>>, vector<16xf32>,
      %parallel_loop3A_1588 = arith.constant 0 : i32
      %parallel_loop3A_1589 = arith.constant 1 : i32
      %parallel_loop3A_1590 = arith.index_cast %parallel_loop3A_1588 : i32 to index
      %parallel_loop3A_1591 = arith.index_cast %parallel_loop3A_1589 : i32 to index
      %parallel_loop3A_1592 = arith.index_cast %parallel_loop3A_1547 : i32 to index
      %parallel_loop3A_1593 = arith.constant 32 : index
      %parallel_loop3A_1594 = tpu.vector_load %arg8[%parallel_loop3A_1590, %parallel_loop3A_1591, %parallel_loop3A_1592, %parallel_loop3A_1593] {strides = array<i32>} : memref<2x2x128x128xf32, #tpu.memory_space<vmem>>, vector<16xf32>,
      %parallel_loop3A_1595 = arith.subf %parallel_loop3A_1587, %parallel_loop3A_1594 : vector<16xf32>
      %parallel_loop3A_1596 = arith.mulf %parallel_loop3A_1595, %parallel_loop3A_1595 : vector<16xf32>
      %parallel_loop3A_1597 = arith.addf %parallel_loop3A_1580, %parallel_loop3A_1596 : vector<16xf32>
      %parallel_loop3A_1598 = arith.constant 0 : i32
      %parallel_loop3A_1599 = arith.constant 0 : i32
      %parallel_loop3A_1600 = arith.index_cast %parallel_loop3A_1598 : i32 to index
      %parallel_loop3A_1601 = arith.index_cast %parallel_loop3A_1599 : i32 to index
      %parallel_loop3A_1602 = arith.index_cast %parallel_loop3A_1547 : i32 to index
      %parallel_loop3A_1603 = arith.constant 48 : index
      %parallel_loop3A_1604 = tpu.vector_load %arg8[%parallel_loop3A_1600, %parallel_loop3A_1601, %parallel_loop3A_1602, %parallel_loop3A_1603] {strides = array<i32>} : memref<2x2x128x128xf32, #tpu.memory_space<vmem>>, vector<16xf32>,
      %parallel_loop3A_1605 = arith.constant 0 : i32
      %parallel_loop3A_1606 = arith.constant 1 : i32
      %parallel_loop3A_1607 = arith.index_cast %parallel_loop3A_1605 : i32 to index
      %parallel_loop3A_1608 = arith.index_cast %parallel_loop3A_1606 : i32 to index
      %parallel_loop3A_1609 = arith.index_cast %parallel_loop3A_1547 : i32 to index
      %parallel_loop3A_1610 = arith.constant 48 : index
      %parallel_loop3A_1611 = tpu.vector_load %arg8[%parallel_loop3A_1607, %parallel_loop3A_1608, %parallel_loop3A_1609, %parallel_loop3A_1610] {strides = array<i32>} : memref<2x2x128x128xf32, #tpu.memory_space<vmem>>, vector<16xf32>,
      %parallel_loop3A_1612 = arith.subf %parallel_loop3A_1604, %parallel_loop3A_1611 : vector<16xf32>
      %parallel_loop3A_1613 = arith.mulf %parallel_loop3A_1612, %parallel_loop3A_1612 : vector<16xf32>
      %parallel_loop3A_1614 = arith.addf %parallel_loop3A_1597, %parallel_loop3A_1613 : vector<16xf32>
      %parallel_loop3A_1615 = arith.constant 0 : i32
      %parallel_loop3A_1616 = arith.constant 0 : i32
      %parallel_loop3A_1617 = arith.index_cast %parallel_loop3A_1615 : i32 to index
      %parallel_loop3A_1618 = arith.index_cast %parallel_loop3A_1616 : i32 to index
      %parallel_loop3A_1619 = arith.index_cast %parallel_loop3A_1547 : i32 to index
      %parallel_loop3A_1620 = arith.constant 64 : index
      %parallel_loop3A_1621 = tpu.vector_load %arg8[%parallel_loop3A_1617, %parallel_loop3A_1618, %parallel_loop3A_1619, %parallel_loop3A_1620] {strides = array<i32>} : memref<2x2x128x128xf32, #tpu.memory_space<vmem>>, vector<16xf32>,
      %parallel_loop3A_1622 = arith.constant 0 : i32
      %parallel_loop3A_1623 = arith.constant 1 : i32
      %parallel_loop3A_1624 = arith.index_cast %parallel_loop3A_1622 : i32 to index
      %parallel_loop3A_1625 = arith.index_cast %parallel_loop3A_1623 : i32 to index
      %parallel_loop3A_1626 = arith.index_cast %parallel_loop3A_1547 : i32 to index
      %parallel_loop3A_1627 = arith.constant 64 : index
      %parallel_loop3A_1628 = tpu.vector_load %arg8[%parallel_loop3A_1624, %parallel_loop3A_1625, %parallel_loop3A_1626, %parallel_loop3A_1627] {strides = array<i32>} : memref<2x2x128x128xf32, #tpu.memory_space<vmem>>, vector<16xf32>,
      %parallel_loop3A_1629 = arith.subf %parallel_loop3A_1621, %parallel_loop3A_1628 : vector<16xf32>
      %parallel_loop3A_1630 = arith.mulf %parallel_loop3A_1629, %parallel_loop3A_1629 : vector<16xf32>
      %parallel_loop3A_1631 = arith.addf %parallel_loop3A_1614, %parallel_loop3A_1630 : vector<16xf32>
      %parallel_loop3A_1632 = arith.constant 0 : i32
      %parallel_loop3A_1633 = arith.constant 0 : i32
      %parallel_loop3A_1634 = arith.index_cast %parallel_loop3A_1632 : i32 to index
      %parallel_loop3A_1635 = arith.index_cast %parallel_loop3A_1633 : i32 to index
      %parallel_loop3A_1636 = arith.index_cast %parallel_loop3A_1547 : i32 to index
      %parallel_loop3A_1637 = arith.constant 80 : index
      %parallel_loop3A_1638 = tpu.vector_load %arg8[%parallel_loop3A_1634, %parallel_loop3A_1635, %parallel_loop3A_1636, %parallel_loop3A_1637] {strides = array<i32>} : memref<2x2x128x128xf32, #tpu.memory_space<vmem>>, vector<16xf32>,
      %parallel_loop3A_1639 = arith.constant 0 : i32
      %parallel_loop3A_1640 = arith.constant 1 : i32
      %parallel_loop3A_1641 = arith.index_cast %parallel_loop3A_1639 : i32 to index
      %parallel_loop3A_1642 = arith.index_cast %parallel_loop3A_1640 : i32 to index
      %parallel_loop3A_1643 = arith.index_cast %parallel_loop3A_1547 : i32 to index
      %parallel_loop3A_1644 = arith.constant 80 : index
      %parallel_loop3A_1645 = tpu.vector_load %arg8[%parallel_loop3A_1641, %parallel_loop3A_1642, %parallel_loop3A_1643, %parallel_loop3A_1644] {strides = array<i32>} : memref<2x2x128x128xf32, #tpu.memory_space<vmem>>, vector<16xf32>,
      %parallel_loop3A_1646 = arith.subf %parallel_loop3A_1638, %parallel_loop3A_1645 : vector<16xf32>
      %parallel_loop3A_1647 = arith.mulf %parallel_loop3A_1646, %parallel_loop3A_1646 : vector<16xf32>
      %parallel_loop3A_1648 = arith.addf %parallel_loop3A_1631, %parallel_loop3A_1647 : vector<16xf32>
      %parallel_loop3A_1649 = arith.constant 0 : i32
      %parallel_loop3A_1650 = arith.constant 0 : i32
      %parallel_loop3A_1651 = arith.index_cast %parallel_loop3A_1649 : i32 to index
      %parallel_loop3A_1652 = arith.index_cast %parallel_loop3A_1650 : i32 to index
      %parallel_loop3A_1653 = arith.index_cast %parallel_loop3A_1547 : i32 to index
      %parallel_loop3A_1654 = arith.constant 96 : index
      %parallel_loop3A_1655 = tpu.vector_load %arg8[%parallel_loop3A_1651, %parallel_loop3A_1652, %parallel_loop3A_1653, %parallel_loop3A_1654] {strides = array<i32>} : memref<2x2x128x128xf32, #tpu.memory_space<vmem>>, vector<16xf32>,
      %parallel_loop3A_1656 = arith.constant 0 : i32
      %parallel_loop3A_1657 = arith.constant 1 : i32
      %parallel_loop3A_1658 = arith.index_cast %parallel_loop3A_1656 : i32 to index
      %parallel_loop3A_1659 = arith.index_cast %parallel_loop3A_1657 : i32 to index
      %parallel_loop3A_1660 = arith.index_cast %parallel_loop3A_1547 : i32 to index
      %parallel_loop3A_1661 = arith.constant 96 : index
      %parallel_loop3A_1662 = tpu.vector_load %arg8[%parallel_loop3A_1658, %parallel_loop3A_1659, %parallel_loop3A_1660, %parallel_loop3A_1661] {strides = array<i32>} : memref<2x2x128x128xf32, #tpu.memory_space<vmem>>, vector<16xf32>,
      %parallel_loop3A_1663 = arith.subf %parallel_loop3A_1655, %parallel_loop3A_1662 : vector<16xf32>
      %parallel_loop3A_1664 = arith.mulf %parallel_loop3A_1663, %parallel_loop3A_1663 : vector<16xf32>
      %parallel_loop3A_1665 = arith.addf %parallel_loop3A_1648, %parallel_loop3A_1664 : vector<16xf32>
      %parallel_loop3A_1666 = arith.constant 0 : i32
      %parallel_loop3A_1667 = arith.constant 0 : i32
      %parallel_loop3A_1668 = arith.index_cast %parallel_loop3A_1666 : i32 to index
      %parallel_loop3A_1669 = arith.index_cast %parallel_loop3A_1667 : i32 to index
      %parallel_loop3A_1670 = arith.index_cast %parallel_loop3A_1547 : i32 to index
      %parallel_loop3A_1671 = arith.constant 112 : index
      %parallel_loop3A_1672 = tpu.vector_load %arg8[%parallel_loop3A_1668, %parallel_loop3A_1669, %parallel_loop3A_1670, %parallel_loop3A_1671] {strides = array<i32>} : memref<2x2x128x128xf32, #tpu.memory_space<vmem>>, vector<16xf32>,
      %parallel_loop3A_1673 = arith.constant 0 : i32
      %parallel_loop3A_1674 = arith.constant 1 : i32
      %parallel_loop3A_1675 = arith.index_cast %parallel_loop3A_1673 : i32 to index
      %parallel_loop3A_1676 = arith.index_cast %parallel_loop3A_1674 : i32 to index
      %parallel_loop3A_1677 = arith.index_cast %parallel_loop3A_1547 : i32 to index
      %parallel_loop3A_1678 = arith.constant 112 : index
      %parallel_loop3A_1679 = tpu.vector_load %arg8[%parallel_loop3A_1675, %parallel_loop3A_1676, %parallel_loop3A_1677, %parallel_loop3A_1678] {strides = array<i32>} : memref<2x2x128x128xf32, #tpu.memory_space<vmem>>, vector<16xf32>,
      %parallel_loop3A_1680 = arith.subf %parallel_loop3A_1672, %parallel_loop3A_1679 : vector<16xf32>
      %parallel_loop3A_1681 = arith.mulf %parallel_loop3A_1680, %parallel_loop3A_1680 : vector<16xf32>
      %parallel_loop3A_1682 = arith.addf %parallel_loop3A_1665, %parallel_loop3A_1681 : vector<16xf32>
      %parallel_loop3A_1683 = arith.constant 12 : i32
      %parallel_loop3A_1684 = arith.addi %parallel_loop3A_1273, %parallel_loop3A_1683 : i32
      %parallel_loop3A_1685 = arith.constant 0 : i32
      %parallel_loop3A_1686 = arith.constant 0 : i32
      %parallel_loop3A_1687 = arith.index_cast %parallel_loop3A_1685 : i32 to index
      %parallel_loop3A_1688 = arith.index_cast %parallel_loop3A_1686 : i32 to index
      %parallel_loop3A_1689 = arith.index_cast %parallel_loop3A_1684 : i32 to index
      %parallel_loop3A_1690 = arith.constant 0 : index
      %parallel_loop3A_1691 = tpu.vector_load %arg8[%parallel_loop3A_1687, %parallel_loop3A_1688, %parallel_loop3A_1689, %parallel_loop3A_1690] {strides = array<i32>} : memref<2x2x128x128xf32, #tpu.memory_space<vmem>>, vector<16xf32>,
      %parallel_loop3A_1692 = arith.constant 0 : i32
      %parallel_loop3A_1693 = arith.constant 1 : i32
      %parallel_loop3A_1694 = arith.index_cast %parallel_loop3A_1692 : i32 to index
      %parallel_loop3A_1695 = arith.index_cast %parallel_loop3A_1693 : i32 to index
      %parallel_loop3A_1696 = arith.index_cast %parallel_loop3A_1684 : i32 to index
      %parallel_loop3A_1697 = arith.constant 0 : index
      %parallel_loop3A_1698 = tpu.vector_load %arg8[%parallel_loop3A_1694, %parallel_loop3A_1695, %parallel_loop3A_1696, %parallel_loop3A_1697] {strides = array<i32>} : memref<2x2x128x128xf32, #tpu.memory_space<vmem>>, vector<16xf32>,
      %parallel_loop3A_1699 = arith.subf %parallel_loop3A_1691, %parallel_loop3A_1698 : vector<16xf32>
      %parallel_loop3A_1700 = arith.mulf %parallel_loop3A_1699, %parallel_loop3A_1699 : vector<16xf32>
      %parallel_loop3A_1701 = arith.constant 0 : i32
      %parallel_loop3A_1702 = arith.constant 0 : i32
      %parallel_loop3A_1703 = arith.index_cast %parallel_loop3A_1701 : i32 to index
      %parallel_loop3A_1704 = arith.index_cast %parallel_loop3A_1702 : i32 to index
      %parallel_loop3A_1705 = arith.index_cast %parallel_loop3A_1684 : i32 to index
      %parallel_loop3A_1706 = arith.constant 16 : index
      %parallel_loop3A_1707 = tpu.vector_load %arg8[%parallel_loop3A_1703, %parallel_loop3A_1704, %parallel_loop3A_1705, %parallel_loop3A_1706] {strides = array<i32>} : memref<2x2x128x128xf32, #tpu.memory_space<vmem>>, vector<16xf32>,
      %parallel_loop3A_1708 = arith.constant 0 : i32
      %parallel_loop3A_1709 = arith.constant 1 : i32
      %parallel_loop3A_1710 = arith.index_cast %parallel_loop3A_1708 : i32 to index
      %parallel_loop3A_1711 = arith.index_cast %parallel_loop3A_1709 : i32 to index
      %parallel_loop3A_1712 = arith.index_cast %parallel_loop3A_1684 : i32 to index
      %parallel_loop3A_1713 = arith.constant 16 : index
      %parallel_loop3A_1714 = tpu.vector_load %arg8[%parallel_loop3A_1710, %parallel_loop3A_1711, %parallel_loop3A_1712, %parallel_loop3A_1713] {strides = array<i32>} : memref<2x2x128x128xf32, #tpu.memory_space<vmem>>, vector<16xf32>,
      %parallel_loop3A_1715 = arith.subf %parallel_loop3A_1707, %parallel_loop3A_1714 : vector<16xf32>
      %parallel_loop3A_1716 = arith.mulf %parallel_loop3A_1715, %parallel_loop3A_1715 : vector<16xf32>
      %parallel_loop3A_1717 = arith.addf %parallel_loop3A_1700, %parallel_loop3A_1716 : vector<16xf32>
      %parallel_loop3A_1718 = arith.constant 0 : i32
      %parallel_loop3A_1719 = arith.constant 0 : i32
      %parallel_loop3A_1720 = arith.index_cast %parallel_loop3A_1718 : i32 to index
      %parallel_loop3A_1721 = arith.index_cast %parallel_loop3A_1719 : i32 to index
      %parallel_loop3A_1722 = arith.index_cast %parallel_loop3A_1684 : i32 to index
      %parallel_loop3A_1723 = arith.constant 32 : index
      %parallel_loop3A_1724 = tpu.vector_load %arg8[%parallel_loop3A_1720, %parallel_loop3A_1721, %parallel_loop3A_1722, %parallel_loop3A_1723] {strides = array<i32>} : memref<2x2x128x128xf32, #tpu.memory_space<vmem>>, vector<16xf32>,
      %parallel_loop3A_1725 = arith.constant 0 : i32
      %parallel_loop3A_1726 = arith.constant 1 : i32
      %parallel_loop3A_1727 = arith.index_cast %parallel_loop3A_1725 : i32 to index
      %parallel_loop3A_1728 = arith.index_cast %parallel_loop3A_1726 : i32 to index
      %parallel_loop3A_1729 = arith.index_cast %parallel_loop3A_1684 : i32 to index
      %parallel_loop3A_1730 = arith.constant 32 : index
      %parallel_loop3A_1731 = tpu.vector_load %arg8[%parallel_loop3A_1727, %parallel_loop3A_1728, %parallel_loop3A_1729, %parallel_loop3A_1730] {strides = array<i32>} : memref<2x2x128x128xf32, #tpu.memory_space<vmem>>, vector<16xf32>,
      %parallel_loop3A_1732 = arith.subf %parallel_loop3A_1724, %parallel_loop3A_1731 : vector<16xf32>
      %parallel_loop3A_1733 = arith.mulf %parallel_loop3A_1732, %parallel_loop3A_1732 : vector<16xf32>
      %parallel_loop3A_1734 = arith.addf %parallel_loop3A_1717, %parallel_loop3A_1733 : vector<16xf32>
      %parallel_loop3A_1735 = arith.constant 0 : i32
      %parallel_loop3A_1736 = arith.constant 0 : i32
      %parallel_loop3A_1737 = arith.index_cast %parallel_loop3A_1735 : i32 to index
      %parallel_loop3A_1738 = arith.index_cast %parallel_loop3A_1736 : i32 to index
      %parallel_loop3A_1739 = arith.index_cast %parallel_loop3A_1684 : i32 to index
      %parallel_loop3A_1740 = arith.constant 48 : index
      %parallel_loop3A_1741 = tpu.vector_load %arg8[%parallel_loop3A_1737, %parallel_loop3A_1738, %parallel_loop3A_1739, %parallel_loop3A_1740] {strides = array<i32>} : memref<2x2x128x128xf32, #tpu.memory_space<vmem>>, vector<16xf32>,
      %parallel_loop3A_1742 = arith.constant 0 : i32
      %parallel_loop3A_1743 = arith.constant 1 : i32
      %parallel_loop3A_1744 = arith.index_cast %parallel_loop3A_1742 : i32 to index
      %parallel_loop3A_1745 = arith.index_cast %parallel_loop3A_1743 : i32 to index
      %parallel_loop3A_1746 = arith.index_cast %parallel_loop3A_1684 : i32 to index
      %parallel_loop3A_1747 = arith.constant 48 : index
      %parallel_loop3A_1748 = tpu.vector_load %arg8[%parallel_loop3A_1744, %parallel_loop3A_1745, %parallel_loop3A_1746, %parallel_loop3A_1747] {strides = array<i32>} : memref<2x2x128x128xf32, #tpu.memory_space<vmem>>, vector<16xf32>,
      %parallel_loop3A_1749 = arith.subf %parallel_loop3A_1741, %parallel_loop3A_1748 : vector<16xf32>
      %parallel_loop3A_1750 = arith.mulf %parallel_loop3A_1749, %parallel_loop3A_1749 : vector<16xf32>
      %parallel_loop3A_1751 = arith.addf %parallel_loop3A_1734, %parallel_loop3A_1750 : vector<16xf32>
      %parallel_loop3A_1752 = arith.constant 0 : i32
      %parallel_loop3A_1753 = arith.constant 0 : i32
      %parallel_loop3A_1754 = arith.index_cast %parallel_loop3A_1752 : i32 to index
      %parallel_loop3A_1755 = arith.index_cast %parallel_loop3A_1753 : i32 to index
      %parallel_loop3A_1756 = arith.index_cast %parallel_loop3A_1684 : i32 to index
      %parallel_loop3A_1757 = arith.constant 64 : index
      %parallel_loop3A_1758 = tpu.vector_load %arg8[%parallel_loop3A_1754, %parallel_loop3A_1755, %parallel_loop3A_1756, %parallel_loop3A_1757] {strides = array<i32>} : memref<2x2x128x128xf32, #tpu.memory_space<vmem>>, vector<16xf32>,
      %parallel_loop3A_1759 = arith.constant 0 : i32
      %parallel_loop3A_1760 = arith.constant 1 : i32
      %parallel_loop3A_1761 = arith.index_cast %parallel_loop3A_1759 : i32 to index
      %parallel_loop3A_1762 = arith.index_cast %parallel_loop3A_1760 : i32 to index
      %parallel_loop3A_1763 = arith.index_cast %parallel_loop3A_1684 : i32 to index
      %parallel_loop3A_1764 = arith.constant 64 : index
      %parallel_loop3A_1765 = tpu.vector_load %arg8[%parallel_loop3A_1761, %parallel_loop3A_1762, %parallel_loop3A_1763, %parallel_loop3A_1764] {strides = array<i32>} : memref<2x2x128x128xf32, #tpu.memory_space<vmem>>, vector<16xf32>,
      %parallel_loop3A_1766 = arith.subf %parallel_loop3A_1758, %parallel_loop3A_1765 : vector<16xf32>
      %parallel_loop3A_1767 = arith.mulf %parallel_loop3A_1766, %parallel_loop3A_1766 : vector<16xf32>
      %parallel_loop3A_1768 = arith.addf %parallel_loop3A_1751, %parallel_loop3A_1767 : vector<16xf32>
      %parallel_loop3A_1769 = arith.constant 0 : i32
      %parallel_loop3A_1770 = arith.constant 0 : i32
      %parallel_loop3A_1771 = arith.index_cast %parallel_loop3A_1769 : i32 to index
      %parallel_loop3A_1772 = arith.index_cast %parallel_loop3A_1770 : i32 to index
      %parallel_loop3A_1773 = arith.index_cast %parallel_loop3A_1684 : i32 to index
      %parallel_loop3A_1774 = arith.constant 80 : index
      %parallel_loop3A_1775 = tpu.vector_load %arg8[%parallel_loop3A_1771, %parallel_loop3A_1772, %parallel_loop3A_1773, %parallel_loop3A_1774] {strides = array<i32>} : memref<2x2x128x128xf32, #tpu.memory_space<vmem>>, vector<16xf32>,
      %parallel_loop3A_1776 = arith.constant 0 : i32
      %parallel_loop3A_1777 = arith.constant 1 : i32
      %parallel_loop3A_1778 = arith.index_cast %parallel_loop3A_1776 : i32 to index
      %parallel_loop3A_1779 = arith.index_cast %parallel_loop3A_1777 : i32 to index
      %parallel_loop3A_1780 = arith.index_cast %parallel_loop3A_1684 : i32 to index
      %parallel_loop3A_1781 = arith.constant 80 : index
      %parallel_loop3A_1782 = tpu.vector_load %arg8[%parallel_loop3A_1778, %parallel_loop3A_1779, %parallel_loop3A_1780, %parallel_loop3A_1781] {strides = array<i32>} : memref<2x2x128x128xf32, #tpu.memory_space<vmem>>, vector<16xf32>,
      %parallel_loop3A_1783 = arith.subf %parallel_loop3A_1775, %parallel_loop3A_1782 : vector<16xf32>
      %parallel_loop3A_1784 = arith.mulf %parallel_loop3A_1783, %parallel_loop3A_1783 : vector<16xf32>
      %parallel_loop3A_1785 = arith.addf %parallel_loop3A_1768, %parallel_loop3A_1784 : vector<16xf32>
      %parallel_loop3A_1786 = arith.constant 0 : i32
      %parallel_loop3A_1787 = arith.constant 0 : i32
      %parallel_loop3A_1788 = arith.index_cast %parallel_loop3A_1786 : i32 to index
      %parallel_loop3A_1789 = arith.index_cast %parallel_loop3A_1787 : i32 to index
      %parallel_loop3A_1790 = arith.index_cast %parallel_loop3A_1684 : i32 to index
      %parallel_loop3A_1791 = arith.constant 96 : index
      %parallel_loop3A_1792 = tpu.vector_load %arg8[%parallel_loop3A_1788, %parallel_loop3A_1789, %parallel_loop3A_1790, %parallel_loop3A_1791] {strides = array<i32>} : memref<2x2x128x128xf32, #tpu.memory_space<vmem>>, vector<16xf32>,
      %parallel_loop3A_1793 = arith.constant 0 : i32
      %parallel_loop3A_1794 = arith.constant 1 : i32
      %parallel_loop3A_1795 = arith.index_cast %parallel_loop3A_1793 : i32 to index
      %parallel_loop3A_1796 = arith.index_cast %parallel_loop3A_1794 : i32 to index
      %parallel_loop3A_1797 = arith.index_cast %parallel_loop3A_1684 : i32 to index
      %parallel_loop3A_1798 = arith.constant 96 : index
      %parallel_loop3A_1799 = tpu.vector_load %arg8[%parallel_loop3A_1795, %parallel_loop3A_1796, %parallel_loop3A_1797, %parallel_loop3A_1798] {strides = array<i32>} : memref<2x2x128x128xf32, #tpu.memory_space<vmem>>, vector<16xf32>,
      %parallel_loop3A_1800 = arith.subf %parallel_loop3A_1792, %parallel_loop3A_1799 : vector<16xf32>
      %parallel_loop3A_1801 = arith.mulf %parallel_loop3A_1800, %parallel_loop3A_1800 : vector<16xf32>
      %parallel_loop3A_1802 = arith.addf %parallel_loop3A_1785, %parallel_loop3A_1801 : vector<16xf32>
      %parallel_loop3A_1803 = arith.constant 0 : i32
      %parallel_loop3A_1804 = arith.constant 0 : i32
      %parallel_loop3A_1805 = arith.index_cast %parallel_loop3A_1803 : i32 to index
      %parallel_loop3A_1806 = arith.index_cast %parallel_loop3A_1804 : i32 to index
      %parallel_loop3A_1807 = arith.index_cast %parallel_loop3A_1684 : i32 to index
      %parallel_loop3A_1808 = arith.constant 112 : index
      %parallel_loop3A_1809 = tpu.vector_load %arg8[%parallel_loop3A_1805, %parallel_loop3A_1806, %parallel_loop3A_1807, %parallel_loop3A_1808] {strides = array<i32>} : memref<2x2x128x128xf32, #tpu.memory_space<vmem>>, vector<16xf32>,
      %parallel_loop3A_1810 = arith.constant 0 : i32
      %parallel_loop3A_1811 = arith.constant 1 : i32
      %parallel_loop3A_1812 = arith.index_cast %parallel_loop3A_1810 : i32 to index
      %parallel_loop3A_1813 = arith.index_cast %parallel_loop3A_1811 : i32 to index
      %parallel_loop3A_1814 = arith.index_cast %parallel_loop3A_1684 : i32 to index
      %parallel_loop3A_1815 = arith.constant 112 : index
      %parallel_loop3A_1816 = tpu.vector_load %arg8[%parallel_loop3A_1812, %parallel_loop3A_1813, %parallel_loop3A_1814, %parallel_loop3A_1815] {strides = array<i32>} : memref<2x2x128x128xf32, #tpu.memory_space<vmem>>, vector<16xf32>,
      %parallel_loop3A_1817 = arith.subf %parallel_loop3A_1809, %parallel_loop3A_1816 : vector<16xf32>
      %parallel_loop3A_1818 = arith.mulf %parallel_loop3A_1817, %parallel_loop3A_1817 : vector<16xf32>
      %parallel_loop3A_1819 = arith.addf %parallel_loop3A_1802, %parallel_loop3A_1818 : vector<16xf32>
      %parallel_loop3A_1820 = arith.select %ne3A_46, %parallel_loop3A_1682, %parallel_loop3A_1408 : vector<16xi1>, vector<16xf32>
      %parallel_loop3A_1821 = arith.select %ne3A_46, %parallel_loop3A_1408, %parallel_loop3A_1682 : vector<16xi1>, vector<16xf32>
      %parallel_loop3A_1822 = vector.shape_cast %xor3A_33 : vector<16xi32> to vector<16x1xi32>
      %parallel_loop3A_1823 = vector.shape_cast %parallel_loop3A_1822 : vector<16x1xi32> to vector<16xi32>
      %parallel_loop3A_1824 = tpu.dynamic_gather %parallel_loop3A_1821[%parallel_loop3A_1823] in [0] : vector<16xf32>, vector<16xi32> -> vector<16xf32>
      %parallel_loop3A_1825 = arith.addf %parallel_loop3A_1820, %parallel_loop3A_1824 : vector<16xf32>
      %parallel_loop3A_1826 = arith.select %ne3A_46, %parallel_loop3A_1819, %parallel_loop3A_1545 : vector<16xi1>, vector<16xf32>
      %parallel_loop3A_1827 = arith.select %ne3A_46, %parallel_loop3A_1545, %parallel_loop3A_1819 : vector<16xi1>, vector<16xf32>
      %parallel_loop3A_1828 = vector.shape_cast %xor3A_33 : vector<16xi32> to vector<16x1xi32>
      %parallel_loop3A_1829 = vector.shape_cast %parallel_loop3A_1828 : vector<16x1xi32> to vector<16xi32>
      %parallel_loop3A_1830 = tpu.dynamic_gather %parallel_loop3A_1827[%parallel_loop3A_1829] in [0] : vector<16xf32>, vector<16xi32> -> vector<16xf32>
      %parallel_loop3A_1831 = arith.addf %parallel_loop3A_1826, %parallel_loop3A_1830 : vector<16xf32>
      %parallel_loop3A_1832 = arith.select %ne3A_52, %parallel_loop3A_1831, %parallel_loop3A_1825 : vector<16xi1>, vector<16xf32>
      %parallel_loop3A_1833 = arith.select %ne3A_52, %parallel_loop3A_1825, %parallel_loop3A_1831 : vector<16xi1>, vector<16xf32>
      %parallel_loop3A_1834 = vector.shape_cast %xor3A_36 : vector<16xi32> to vector<16x1xi32>
      %parallel_loop3A_1835 = vector.shape_cast %parallel_loop3A_1834 : vector<16x1xi32> to vector<16xi32>
      %parallel_loop3A_1836 = tpu.dynamic_gather %parallel_loop3A_1833[%parallel_loop3A_1835] in [0] : vector<16xf32>, vector<16xi32> -> vector<16xf32>
      %parallel_loop3A_1837 = arith.addf %parallel_loop3A_1832, %parallel_loop3A_1836 : vector<16xf32>
      %parallel_loop3A_1838 = vector.shape_cast %xor3A_39 : vector<16xi32> to vector<16x1xi32>
      %parallel_loop3A_1839 = vector.shape_cast %parallel_loop3A_1838 : vector<16x1xi32> to vector<16xi32>
      %parallel_loop3A_1840 = tpu.dynamic_gather %parallel_loop3A_1837[%parallel_loop3A_1839] in [0] : vector<16xf32>, vector<16xi32> -> vector<16xf32>
      %parallel_loop3A_1841 = arith.addf %parallel_loop3A_1837, %parallel_loop3A_1840 : vector<16xf32>
      %parallel_loop3A_1842 = vector.shape_cast %xor3A_42 : vector<16xi32> to vector<16x1xi32>
      %parallel_loop3A_1843 = vector.shape_cast %parallel_loop3A_1842 : vector<16x1xi32> to vector<16xi32>
      %parallel_loop3A_1844 = tpu.dynamic_gather %parallel_loop3A_1841[%parallel_loop3A_1843] in [0] : vector<16xf32>, vector<16xi32> -> vector<16xf32>
      %parallel_loop3A_1845 = arith.addf %parallel_loop3A_1841, %parallel_loop3A_1844 : vector<16xf32>
      %parallel_loop3A_1846 = arith.constant 16 : i32
      %parallel_loop3A_1847 = arith.muli %parallel_loop3A_1268, %parallel_loop3A_1846 : i32
      %parallel_loop3A_1848 = arith.constant 256 : i32
      %parallel_loop3A_1849 = arith.addi %parallel_loop3A_1848, %parallel_loop3A_1847 : i32
      %parallel_loop3A_1850 = arith.addi %parallel_loop3A_1849, %parallel_loop3A_1270 : i32
      %parallel_loop3A_1851 = vector.broadcast %parallel_loop3A_1850 : i32 to vector<16xi32>
      %parallel_loop3A_1852 = arith.addi %parallel_loop3A_1851, %and3A_67 : vector<16xi32>
      %parallel_loop3A_1853 = vector.broadcast %parallel_loop3A_1270 : i32 to vector<16xi32>
      %parallel_loop3A_1854 = arith.cmpi eq, %and3A_70, %parallel_loop3A_1853 : vector<16xi32>
      tpu.vector_store_idx %arg9[%parallel_loop3A_1852], %parallel_loop3A_1845 masked %parallel_loop3A_1854 : memref<512xf32, #tpu.memory_space<vmem>>[vector<16xi32>], vector<16xf32>, vector<16xi1>
    } {sc.loop_unroll_factor = 1 : i64, sc.parallel_access}
    %get3A_769 = arith.constant 256 : index
    %get3A_770 = tpu.vector_load %arg9[%get3A_769] {strides = array<i32>} : memref<512xf32, #tpu.memory_space<vmem>>, vector<16xf32>,
    %bitcast_convert_type3A_771 = tpu.bitcast %get3A_770 : vector<16xf32> -> vector<16xi32>
    %shift_right_logical3A_772 = arith.constant 1 : i32
    %shift_right_logical3A_773 = vector.broadcast %shift_right_logical3A_772 : i32 to vector<16xi32>
    %shift_right_logical3A_774 = arith.shrui %bitcast_convert_type3A_771, %shift_right_logical3A_773 : vector<16xi32>
    %sub3A_775 = arith.constant 1597463007 : i32
    %sub3A_776 = vector.broadcast %sub3A_775 : i32 to vector<16xi32>
    %sub3A_777 = arith.subi %sub3A_776, %shift_right_logical3A_774 : vector<16xi32>
    %bitcast_convert_type3A_778 = tpu.bitcast %sub3A_777 : vector<16xi32> -> vector<16xf32>
    %mul3A_779 = arith.constant 5.000000e-01 : f32
    %mul3A_780 = vector.broadcast %mul3A_779 : f32 to vector<16xf32>
    %mul3A_781 = arith.mulf %get3A_770, %mul3A_780 : vector<16xf32>
    %mul3A_782 = arith.mulf %mul3A_781, %bitcast_convert_type3A_778 : vector<16xf32>
    %mul3A_783 = arith.mulf %mul3A_782, %bitcast_convert_type3A_778 : vector<16xf32>
    %sub3A_784 = arith.constant 1.500000e+00 : f32
    %sub3A_785 = vector.broadcast %sub3A_784 : f32 to vector<16xf32>
    %sub3A_786 = arith.subf %sub3A_785, %mul3A_783 : vector<16xf32>
    %mul3A_787 = arith.mulf %bitcast_convert_type3A_778, %sub3A_786 : vector<16xf32>
    %mul3A_788 = arith.mulf %mul3A_781, %mul3A_787 : vector<16xf32>
    %mul3A_789 = arith.mulf %mul3A_788, %mul3A_787 : vector<16xf32>
    %sub3A_790 = arith.constant 1.500000e+00 : f32
    %sub3A_791 = vector.broadcast %sub3A_790 : f32 to vector<16xf32>
    %sub3A_792 = arith.subf %sub3A_791, %mul3A_789 : vector<16xf32>
    %mul3A_793 = arith.mulf %mul3A_787, %sub3A_792 : vector<16xf32>
    %mul3A_794 = arith.mulf %get3A_770, %mul3A_793 : vector<16xf32>
    %sub3A_795 = arith.subf %gather3A_132, %mul3A_794 : vector<16xf32>
    %swap3A_796 = arith.constant 256 : index
    %swap3A_797 = tpu.vector_load %arg9[%swap3A_796] {strides = array<i32>} : memref<512xf32, #tpu.memory_space<vmem>>, vector<16xf32>,
    tpu.vector_store %arg9[%swap3A_796], %sub3A_795 {strides = array<i32>} : memref<512xf32, #tpu.memory_space<vmem>>, vector<16xf32>,
    %get3A_798 = arith.constant 272 : index
    %get3A_799 = tpu.vector_load %arg9[%get3A_798] {strides = array<i32>} : memref<512xf32, #tpu.memory_space<vmem>>, vector<16xf32>,
    %bitcast_convert_type3A_800 = tpu.bitcast %get3A_799 : vector<16xf32> -> vector<16xi32>
    %shift_right_logical3A_801 = arith.constant 1 : i32
    %shift_right_logical3A_802 = vector.broadcast %shift_right_logical3A_801 : i32 to vector<16xi32>
    %shift_right_logical3A_803 = arith.shrui %bitcast_convert_type3A_800, %shift_right_logical3A_802 : vector<16xi32>
    %sub3A_804 = arith.constant 1597463007 : i32
    %sub3A_805 = vector.broadcast %sub3A_804 : i32 to vector<16xi32>
    %sub3A_806 = arith.subi %sub3A_805, %shift_right_logical3A_803 : vector<16xi32>
    %bitcast_convert_type3A_807 = tpu.bitcast %sub3A_806 : vector<16xi32> -> vector<16xf32>
    %mul3A_808 = arith.constant 5.000000e-01 : f32
    %mul3A_809 = vector.broadcast %mul3A_808 : f32 to vector<16xf32>
    %mul3A_810 = arith.mulf %get3A_799, %mul3A_809 : vector<16xf32>
    %mul3A_811 = arith.mulf %mul3A_810, %bitcast_convert_type3A_807 : vector<16xf32>
    %mul3A_812 = arith.mulf %mul3A_811, %bitcast_convert_type3A_807 : vector<16xf32>
    %sub3A_813 = arith.constant 1.500000e+00 : f32
    %sub3A_814 = vector.broadcast %sub3A_813 : f32 to vector<16xf32>
    %sub3A_815 = arith.subf %sub3A_814, %mul3A_812 : vector<16xf32>
    %mul3A_816 = arith.mulf %bitcast_convert_type3A_807, %sub3A_815 : vector<16xf32>
    %mul3A_817 = arith.mulf %mul3A_810, %mul3A_816 : vector<16xf32>
    %mul3A_818 = arith.mulf %mul3A_817, %mul3A_816 : vector<16xf32>
    %sub3A_819 = arith.constant 1.500000e+00 : f32
    %sub3A_820 = vector.broadcast %sub3A_819 : f32 to vector<16xf32>
    %sub3A_821 = arith.subf %sub3A_820, %mul3A_818 : vector<16xf32>
    %mul3A_822 = arith.mulf %mul3A_816, %sub3A_821 : vector<16xf32>
    %mul3A_823 = arith.mulf %get3A_799, %mul3A_822 : vector<16xf32>
    %sub3A_824 = arith.subf %gather3A_132, %mul3A_823 : vector<16xf32>
    %swap3A_825 = arith.constant 272 : index
    %swap3A_826 = tpu.vector_load %arg9[%swap3A_825] {strides = array<i32>} : memref<512xf32, #tpu.memory_space<vmem>>, vector<16xf32>,
    tpu.vector_store %arg9[%swap3A_825], %sub3A_824 {strides = array<i32>} : memref<512xf32, #tpu.memory_space<vmem>>, vector<16xf32>,
    %get3A_827 = arith.constant 288 : index
    %get3A_828 = tpu.vector_load %arg9[%get3A_827] {strides = array<i32>} : memref<512xf32, #tpu.memory_space<vmem>>, vector<16xf32>,
    %bitcast_convert_type3A_829 = tpu.bitcast %get3A_828 : vector<16xf32> -> vector<16xi32>
    %shift_right_logical3A_830 = arith.constant 1 : i32
    %shift_right_logical3A_831 = vector.broadcast %shift_right_logical3A_830 : i32 to vector<16xi32>
    %shift_right_logical3A_832 = arith.shrui %bitcast_convert_type3A_829, %shift_right_logical3A_831 : vector<16xi32>
    %sub3A_833 = arith.constant 1597463007 : i32
    %sub3A_834 = vector.broadcast %sub3A_833 : i32 to vector<16xi32>
    %sub3A_835 = arith.subi %sub3A_834, %shift_right_logical3A_832 : vector<16xi32>
    %bitcast_convert_type3A_836 = tpu.bitcast %sub3A_835 : vector<16xi32> -> vector<16xf32>
    %mul3A_837 = arith.constant 5.000000e-01 : f32
    %mul3A_838 = vector.broadcast %mul3A_837 : f32 to vector<16xf32>
    %mul3A_839 = arith.mulf %get3A_828, %mul3A_838 : vector<16xf32>
    %mul3A_840 = arith.mulf %mul3A_839, %bitcast_convert_type3A_836 : vector<16xf32>
    %mul3A_841 = arith.mulf %mul3A_840, %bitcast_convert_type3A_836 : vector<16xf32>
    %sub3A_842 = arith.constant 1.500000e+00 : f32
    %sub3A_843 = vector.broadcast %sub3A_842 : f32 to vector<16xf32>
    %sub3A_844 = arith.subf %sub3A_843, %mul3A_841 : vector<16xf32>
    %mul3A_845 = arith.mulf %bitcast_convert_type3A_836, %sub3A_844 : vector<16xf32>
    %mul3A_846 = arith.mulf %mul3A_839, %mul3A_845 : vector<16xf32>
    %mul3A_847 = arith.mulf %mul3A_846, %mul3A_845 : vector<16xf32>
    %sub3A_848 = arith.constant 1.500000e+00 : f32
    %sub3A_849 = vector.broadcast %sub3A_848 : f32 to vector<16xf32>
    %sub3A_850 = arith.subf %sub3A_849, %mul3A_847 : vector<16xf32>
    %mul3A_851 = arith.mulf %mul3A_845, %sub3A_850 : vector<16xf32>
    %mul3A_852 = arith.mulf %get3A_828, %mul3A_851 : vector<16xf32>
    %sub3A_853 = arith.subf %gather3A_132, %mul3A_852 : vector<16xf32>
    %swap3A_854 = arith.constant 288 : index
    %swap3A_855 = tpu.vector_load %arg9[%swap3A_854] {strides = array<i32>} : memref<512xf32, #tpu.memory_space<vmem>>, vector<16xf32>,
    tpu.vector_store %arg9[%swap3A_854], %sub3A_853 {strides = array<i32>} : memref<512xf32, #tpu.memory_space<vmem>>, vector<16xf32>,
    %get3A_856 = arith.constant 304 : index
    %get3A_857 = tpu.vector_load %arg9[%get3A_856] {strides = array<i32>} : memref<512xf32, #tpu.memory_space<vmem>>, vector<16xf32>,
    %bitcast_convert_type3A_858 = tpu.bitcast %get3A_857 : vector<16xf32> -> vector<16xi32>
    %shift_right_logical3A_859 = arith.constant 1 : i32
    %shift_right_logical3A_860 = vector.broadcast %shift_right_logical3A_859 : i32 to vector<16xi32>
    %shift_right_logical3A_861 = arith.shrui %bitcast_convert_type3A_858, %shift_right_logical3A_860 : vector<16xi32>
    %sub3A_862 = arith.constant 1597463007 : i32
    %sub3A_863 = vector.broadcast %sub3A_862 : i32 to vector<16xi32>
    %sub3A_864 = arith.subi %sub3A_863, %shift_right_logical3A_861 : vector<16xi32>
    %bitcast_convert_type3A_865 = tpu.bitcast %sub3A_864 : vector<16xi32> -> vector<16xf32>
    %mul3A_866 = arith.constant 5.000000e-01 : f32
    %mul3A_867 = vector.broadcast %mul3A_866 : f32 to vector<16xf32>
    %mul3A_868 = arith.mulf %get3A_857, %mul3A_867 : vector<16xf32>
    %mul3A_869 = arith.mulf %mul3A_868, %bitcast_convert_type3A_865 : vector<16xf32>
    %mul3A_870 = arith.mulf %mul3A_869, %bitcast_convert_type3A_865 : vector<16xf32>
    %sub3A_871 = arith.constant 1.500000e+00 : f32
    %sub3A_872 = vector.broadcast %sub3A_871 : f32 to vector<16xf32>
    %sub3A_873 = arith.subf %sub3A_872, %mul3A_870 : vector<16xf32>
    %mul3A_874 = arith.mulf %bitcast_convert_type3A_865, %sub3A_873 : vector<16xf32>
    %mul3A_875 = arith.mulf %mul3A_868, %mul3A_874 : vector<16xf32>
    %mul3A_876 = arith.mulf %mul3A_875, %mul3A_874 : vector<16xf32>
    %sub3A_877 = arith.constant 1.500000e+00 : f32
    %sub3A_878 = vector.broadcast %sub3A_877 : f32 to vector<16xf32>
    %sub3A_879 = arith.subf %sub3A_878, %mul3A_876 : vector<16xf32>
    %mul3A_880 = arith.mulf %mul3A_874, %sub3A_879 : vector<16xf32>
    %mul3A_881 = arith.mulf %get3A_857, %mul3A_880 : vector<16xf32>
    %sub3A_882 = arith.subf %gather3A_132, %mul3A_881 : vector<16xf32>
    %swap3A_883 = arith.constant 304 : index
    %swap3A_884 = tpu.vector_load %arg9[%swap3A_883] {strides = array<i32>} : memref<512xf32, #tpu.memory_space<vmem>>, vector<16xf32>,
    tpu.vector_store %arg9[%swap3A_883], %sub3A_882 {strides = array<i32>} : memref<512xf32, #tpu.memory_space<vmem>>, vector<16xf32>,
    %get3A_885 = arith.constant 320 : index
    %get3A_886 = tpu.vector_load %arg9[%get3A_885] {strides = array<i32>} : memref<512xf32, #tpu.memory_space<vmem>>, vector<16xf32>,
    %bitcast_convert_type3A_887 = tpu.bitcast %get3A_886 : vector<16xf32> -> vector<16xi32>
    %shift_right_logical3A_888 = arith.constant 1 : i32
    %shift_right_logical3A_889 = vector.broadcast %shift_right_logical3A_888 : i32 to vector<16xi32>
    %shift_right_logical3A_890 = arith.shrui %bitcast_convert_type3A_887, %shift_right_logical3A_889 : vector<16xi32>
    %sub3A_891 = arith.constant 1597463007 : i32
    %sub3A_892 = vector.broadcast %sub3A_891 : i32 to vector<16xi32>
    %sub3A_893 = arith.subi %sub3A_892, %shift_right_logical3A_890 : vector<16xi32>
    %bitcast_convert_type3A_894 = tpu.bitcast %sub3A_893 : vector<16xi32> -> vector<16xf32>
    %mul3A_895 = arith.constant 5.000000e-01 : f32
    %mul3A_896 = vector.broadcast %mul3A_895 : f32 to vector<16xf32>
    %mul3A_897 = arith.mulf %get3A_886, %mul3A_896 : vector<16xf32>
    %mul3A_898 = arith.mulf %mul3A_897, %bitcast_convert_type3A_894 : vector<16xf32>
    %mul3A_899 = arith.mulf %mul3A_898, %bitcast_convert_type3A_894 : vector<16xf32>
    %sub3A_900 = arith.constant 1.500000e+00 : f32
    %sub3A_901 = vector.broadcast %sub3A_900 : f32 to vector<16xf32>
    %sub3A_902 = arith.subf %sub3A_901, %mul3A_899 : vector<16xf32>
    %mul3A_903 = arith.mulf %bitcast_convert_type3A_894, %sub3A_902 : vector<16xf32>
    %mul3A_904 = arith.mulf %mul3A_897, %mul3A_903 : vector<16xf32>
    %mul3A_905 = arith.mulf %mul3A_904, %mul3A_903 : vector<16xf32>
    %sub3A_906 = arith.constant 1.500000e+00 : f32
    %sub3A_907 = vector.broadcast %sub3A_906 : f32 to vector<16xf32>
    %sub3A_908 = arith.subf %sub3A_907, %mul3A_905 : vector<16xf32>
    %mul3A_909 = arith.mulf %mul3A_903, %sub3A_908 : vector<16xf32>
    %mul3A_910 = arith.mulf %get3A_886, %mul3A_909 : vector<16xf32>
    %sub3A_911 = arith.subf %gather3A_132, %mul3A_910 : vector<16xf32>
    %swap3A_912 = arith.constant 320 : index
    %swap3A_913 = tpu.vector_load %arg9[%swap3A_912] {strides = array<i32>} : memref<512xf32, #tpu.memory_space<vmem>>, vector<16xf32>,
    tpu.vector_store %arg9[%swap3A_912], %sub3A_911 {strides = array<i32>} : memref<512xf32, #tpu.memory_space<vmem>>, vector<16xf32>,
    %get3A_914 = arith.constant 336 : index
    %get3A_915 = tpu.vector_load %arg9[%get3A_914] {strides = array<i32>} : memref<512xf32, #tpu.memory_space<vmem>>, vector<16xf32>,
    %bitcast_convert_type3A_916 = tpu.bitcast %get3A_915 : vector<16xf32> -> vector<16xi32>
    %shift_right_logical3A_917 = arith.constant 1 : i32
    %shift_right_logical3A_918 = vector.broadcast %shift_right_logical3A_917 : i32 to vector<16xi32>
    %shift_right_logical3A_919 = arith.shrui %bitcast_convert_type3A_916, %shift_right_logical3A_918 : vector<16xi32>
    %sub3A_920 = arith.constant 1597463007 : i32
    %sub3A_921 = vector.broadcast %sub3A_920 : i32 to vector<16xi32>
    %sub3A_922 = arith.subi %sub3A_921, %shift_right_logical3A_919 : vector<16xi32>
    %bitcast_convert_type3A_923 = tpu.bitcast %sub3A_922 : vector<16xi32> -> vector<16xf32>
    %mul3A_924 = arith.constant 5.000000e-01 : f32
    %mul3A_925 = vector.broadcast %mul3A_924 : f32 to vector<16xf32>
    %mul3A_926 = arith.mulf %get3A_915, %mul3A_925 : vector<16xf32>
    %mul3A_927 = arith.mulf %mul3A_926, %bitcast_convert_type3A_923 : vector<16xf32>
    %mul3A_928 = arith.mulf %mul3A_927, %bitcast_convert_type3A_923 : vector<16xf32>
    %sub3A_929 = arith.constant 1.500000e+00 : f32
    %sub3A_930 = vector.broadcast %sub3A_929 : f32 to vector<16xf32>
    %sub3A_931 = arith.subf %sub3A_930, %mul3A_928 : vector<16xf32>
    %mul3A_932 = arith.mulf %bitcast_convert_type3A_923, %sub3A_931 : vector<16xf32>
    %mul3A_933 = arith.mulf %mul3A_926, %mul3A_932 : vector<16xf32>
    %mul3A_934 = arith.mulf %mul3A_933, %mul3A_932 : vector<16xf32>
    %sub3A_935 = arith.constant 1.500000e+00 : f32
    %sub3A_936 = vector.broadcast %sub3A_935 : f32 to vector<16xf32>
    %sub3A_937 = arith.subf %sub3A_936, %mul3A_934 : vector<16xf32>
    %mul3A_938 = arith.mulf %mul3A_932, %sub3A_937 : vector<16xf32>
    %mul3A_939 = arith.mulf %get3A_915, %mul3A_938 : vector<16xf32>
    %sub3A_940 = arith.subf %gather3A_132, %mul3A_939 : vector<16xf32>
    %swap3A_941 = arith.constant 336 : index
    %swap3A_942 = tpu.vector_load %arg9[%swap3A_941] {strides = array<i32>} : memref<512xf32, #tpu.memory_space<vmem>>, vector<16xf32>,
    tpu.vector_store %arg9[%swap3A_941], %sub3A_940 {strides = array<i32>} : memref<512xf32, #tpu.memory_space<vmem>>, vector<16xf32>,
    %get3A_943 = arith.constant 352 : index
    %get3A_944 = tpu.vector_load %arg9[%get3A_943] {strides = array<i32>} : memref<512xf32, #tpu.memory_space<vmem>>, vector<16xf32>,
    %bitcast_convert_type3A_945 = tpu.bitcast %get3A_944 : vector<16xf32> -> vector<16xi32>
    %shift_right_logical3A_946 = arith.constant 1 : i32
    %shift_right_logical3A_947 = vector.broadcast %shift_right_logical3A_946 : i32 to vector<16xi32>
    %shift_right_logical3A_948 = arith.shrui %bitcast_convert_type3A_945, %shift_right_logical3A_947 : vector<16xi32>
    %sub3A_949 = arith.constant 1597463007 : i32
    %sub3A_950 = vector.broadcast %sub3A_949 : i32 to vector<16xi32>
    %sub3A_951 = arith.subi %sub3A_950, %shift_right_logical3A_948 : vector<16xi32>
    %bitcast_convert_type3A_952 = tpu.bitcast %sub3A_951 : vector<16xi32> -> vector<16xf32>
    %mul3A_953 = arith.constant 5.000000e-01 : f32
    %mul3A_954 = vector.broadcast %mul3A_953 : f32 to vector<16xf32>
    %mul3A_955 = arith.mulf %get3A_944, %mul3A_954 : vector<16xf32>
    %mul3A_956 = arith.mulf %mul3A_955, %bitcast_convert_type3A_952 : vector<16xf32>
    %mul3A_957 = arith.mulf %mul3A_956, %bitcast_convert_type3A_952 : vector<16xf32>
    %sub3A_958 = arith.constant 1.500000e+00 : f32
    %sub3A_959 = vector.broadcast %sub3A_958 : f32 to vector<16xf32>
    %sub3A_960 = arith.subf %sub3A_959, %mul3A_957 : vector<16xf32>
    %mul3A_961 = arith.mulf %bitcast_convert_type3A_952, %sub3A_960 : vector<16xf32>
    %mul3A_962 = arith.mulf %mul3A_955, %mul3A_961 : vector<16xf32>
    %mul3A_963 = arith.mulf %mul3A_962, %mul3A_961 : vector<16xf32>
    %sub3A_964 = arith.constant 1.500000e+00 : f32
    %sub3A_965 = vector.broadcast %sub3A_964 : f32 to vector<16xf32>
    %sub3A_966 = arith.subf %sub3A_965, %mul3A_963 : vector<16xf32>
    %mul3A_967 = arith.mulf %mul3A_961, %sub3A_966 : vector<16xf32>
    %mul3A_968 = arith.mulf %get3A_944, %mul3A_967 : vector<16xf32>
    %sub3A_969 = arith.subf %gather3A_132, %mul3A_968 : vector<16xf32>
    %swap3A_970 = arith.constant 352 : index
    %swap3A_971 = tpu.vector_load %arg9[%swap3A_970] {strides = array<i32>} : memref<512xf32, #tpu.memory_space<vmem>>, vector<16xf32>,
    tpu.vector_store %arg9[%swap3A_970], %sub3A_969 {strides = array<i32>} : memref<512xf32, #tpu.memory_space<vmem>>, vector<16xf32>,
    %get3A_972 = arith.constant 368 : index
    %get3A_973 = tpu.vector_load %arg9[%get3A_972] {strides = array<i32>} : memref<512xf32, #tpu.memory_space<vmem>>, vector<16xf32>,
    %bitcast_convert_type3A_974 = tpu.bitcast %get3A_973 : vector<16xf32> -> vector<16xi32>
    %shift_right_logical3A_975 = arith.constant 1 : i32
    %shift_right_logical3A_976 = vector.broadcast %shift_right_logical3A_975 : i32 to vector<16xi32>
    %shift_right_logical3A_977 = arith.shrui %bitcast_convert_type3A_974, %shift_right_logical3A_976 : vector<16xi32>
    %sub3A_978 = arith.constant 1597463007 : i32
    %sub3A_979 = vector.broadcast %sub3A_978 : i32 to vector<16xi32>
    %sub3A_980 = arith.subi %sub3A_979, %shift_right_logical3A_977 : vector<16xi32>
    %bitcast_convert_type3A_981 = tpu.bitcast %sub3A_980 : vector<16xi32> -> vector<16xf32>
    %mul3A_982 = arith.constant 5.000000e-01 : f32
    %mul3A_983 = vector.broadcast %mul3A_982 : f32 to vector<16xf32>
    %mul3A_984 = arith.mulf %get3A_973, %mul3A_983 : vector<16xf32>
    %mul3A_985 = arith.mulf %mul3A_984, %bitcast_convert_type3A_981 : vector<16xf32>
    %mul3A_986 = arith.mulf %mul3A_985, %bitcast_convert_type3A_981 : vector<16xf32>
    %sub3A_987 = arith.constant 1.500000e+00 : f32
    %sub3A_988 = vector.broadcast %sub3A_987 : f32 to vector<16xf32>
    %sub3A_989 = arith.subf %sub3A_988, %mul3A_986 : vector<16xf32>
    %mul3A_990 = arith.mulf %bitcast_convert_type3A_981, %sub3A_989 : vector<16xf32>
    %mul3A_991 = arith.mulf %mul3A_984, %mul3A_990 : vector<16xf32>
    %mul3A_992 = arith.mulf %mul3A_991, %mul3A_990 : vector<16xf32>
    %sub3A_993 = arith.constant 1.500000e+00 : f32
    %sub3A_994 = vector.broadcast %sub3A_993 : f32 to vector<16xf32>
    %sub3A_995 = arith.subf %sub3A_994, %mul3A_992 : vector<16xf32>
    %mul3A_996 = arith.mulf %mul3A_990, %sub3A_995 : vector<16xf32>
    %mul3A_997 = arith.mulf %get3A_973, %mul3A_996 : vector<16xf32>
    %sub3A_998 = arith.subf %gather3A_132, %mul3A_997 : vector<16xf32>
    %swap3A_999 = arith.constant 368 : index
    %swap3A_1000 = tpu.vector_load %arg9[%swap3A_999] {strides = array<i32>} : memref<512xf32, #tpu.memory_space<vmem>>, vector<16xf32>,
    tpu.vector_store %arg9[%swap3A_999], %sub3A_998 {strides = array<i32>} : memref<512xf32, #tpu.memory_space<vmem>>, vector<16xf32>,
    %dma_wait3A_1001 = arith.constant 0 : i32
    %dma_wait3A_1002 = arith.constant 3 : i32
    %dma_wait3A_1003 = arith.constant 1 : i32
    %dma_wait3A_1004 = arith.constant 0 : i32
    %dma_wait3A_1005 = arith.constant 0 : i32
    %dma_wait3A_1006 = arith.constant 0 : i32
    %dma_wait3A_1007 = tpu.memref_slice %arg8[%dma_wait3A_1003, %dma_wait3A_1004, %dma_wait3A_1005, %dma_wait3A_1006] : memref<2x2x128x128xf32, #tpu.memory_space<vmem>> -> memref<1x1x128x128xf32, #tpu.memory_space<vmem>>
    %dma_wait3A_1008 = tpu.memref_squeeze %dma_wait3A_1007 : memref<1x1x128x128xf32, #tpu.memory_space<vmem>> -> memref<128x128xf32, #tpu.memory_space<vmem>>
    %dma_wait3A_1009 = arith.constant 0 : i32
    %dma_wait3A_1010 = tpu.memref_slice %arg7[%dma_wait3A_1001, %dma_wait3A_1002, %dma_wait3A_1009] : memref<2x4x128xi32, #tpu.memory_space<vmem>> -> memref<1x1x128xi32, #tpu.memory_space<vmem>>
    %dma_wait3A_1011 = tpu.memref_squeeze %dma_wait3A_1010 : memref<1x1x128xi32, #tpu.memory_space<vmem>> -> memref<128xi32, #tpu.memory_space<vmem>>
    %dma_wait3A_1012 = arith.constant 0 : i32
    %dma_wait3A_1013 = arith.constant 0 : i32
    %dma_wait3A_1014 = tpu.memref_slice %arg2[%dma_wait3A_1012, %dma_wait3A_1013] : memref<100000x128xf32, #tpu.memory_space<hbm>> -> memref<100000x128xf32, #tpu.memory_space<hbm>>
    tpu.wait_indirect_dma semaphore(%arg12 : memref<!tpu.dma_semaphore, #tpu.memory_space<semaphore_mem>>) src(%dma_wait3A_1014 : memref<100000x128xf32, #tpu.memory_space<hbm>>) dst(%dma_wait3A_1008 : memref<128x128xf32, #tpu.memory_space<vmem>>)
    %dma_wait3A_1015 = arith.constant 1 : i32
    %dma_wait3A_1016 = arith.constant 3 : i32
    %dma_wait3A_1017 = arith.constant 1 : i32
    %dma_wait3A_1018 = arith.constant 1 : i32
    %dma_wait3A_1019 = arith.constant 0 : i32
    %dma_wait3A_1020 = arith.constant 0 : i32
    %dma_wait3A_1021 = tpu.memref_slice %arg8[%dma_wait3A_1017, %dma_wait3A_1018, %dma_wait3A_1019, %dma_wait3A_1020] : memref<2x2x128x128xf32, #tpu.memory_space<vmem>> -> memref<1x1x128x128xf32, #tpu.memory_space<vmem>>
    %dma_wait3A_1022 = tpu.memref_squeeze %dma_wait3A_1021 : memref<1x1x128x128xf32, #tpu.memory_space<vmem>> -> memref<128x128xf32, #tpu.memory_space<vmem>>
    %dma_wait3A_1023 = arith.constant 0 : i32
    %dma_wait3A_1024 = tpu.memref_slice %arg7[%dma_wait3A_1015, %dma_wait3A_1016, %dma_wait3A_1023] : memref<2x4x128xi32, #tpu.memory_space<vmem>> -> memref<1x1x128xi32, #tpu.memory_space<vmem>>
    %dma_wait3A_1025 = tpu.memref_squeeze %dma_wait3A_1024 : memref<1x1x128xi32, #tpu.memory_space<vmem>> -> memref<128xi32, #tpu.memory_space<vmem>>
    %dma_wait3A_1026 = arith.constant 0 : i32
    %dma_wait3A_1027 = arith.constant 0 : i32
    %dma_wait3A_1028 = tpu.memref_slice %arg2[%dma_wait3A_1026, %dma_wait3A_1027] : memref<100000x128xf32, #tpu.memory_space<hbm>> -> memref<100000x128xf32, #tpu.memory_space<hbm>>
    tpu.wait_indirect_dma semaphore(%arg12 : memref<!tpu.dma_semaphore, #tpu.memory_space<semaphore_mem>>) src(%dma_wait3A_1028 : memref<100000x128xf32, #tpu.memory_space<hbm>>) dst(%dma_wait3A_1022 : memref<128x128xf32, #tpu.memory_space<vmem>>)
    %parallel_loop3A_1029 = arith.constant 0 : i32
    %parallel_loop3A_1030 = arith.constant 32 : i32
    %parallel_loop3A_1031 = arith.constant 1 : i32
    scf.for %parallel_loop3A_1266 = %parallel_loop3A_1029 to %parallel_loop3A_1030 step %parallel_loop3A_1031  : i32 {
      %parallel_loop3A_1267 = arith.constant 2 : i32
      %parallel_loop3A_1268 = arith.shrsi %parallel_loop3A_1266, %parallel_loop3A_1267 : i32
      %parallel_loop3A_1269 = arith.constant 3 : i32
      %parallel_loop3A_1270 = arith.andi %parallel_loop3A_1266, %parallel_loop3A_1269 : i32
      %parallel_loop3A_1271 = arith.constant 16 : i32
      %parallel_loop3A_1272 = arith.muli %parallel_loop3A_1268, %parallel_loop3A_1271 : i32
      %parallel_loop3A_1273 = arith.addi %parallel_loop3A_1272, %parallel_loop3A_1270 : i32
      %parallel_loop3A_1274 = arith.constant 1 : i32
      %parallel_loop3A_1275 = arith.constant 0 : i32
      %parallel_loop3A_1276 = arith.index_cast %parallel_loop3A_1274 : i32 to index
      %parallel_loop3A_1277 = arith.index_cast %parallel_loop3A_1275 : i32 to index
      %parallel_loop3A_1278 = arith.index_cast %parallel_loop3A_1273 : i32 to index
      %parallel_loop3A_1279 = arith.constant 0 : index
      %parallel_loop3A_1280 = tpu.vector_load %arg8[%parallel_loop3A_1276, %parallel_loop3A_1277, %parallel_loop3A_1278, %parallel_loop3A_1279] {strides = array<i32>} : memref<2x2x128x128xf32, #tpu.memory_space<vmem>>, vector<16xf32>,
      %parallel_loop3A_1281 = arith.constant 1 : i32
      %parallel_loop3A_1282 = arith.constant 1 : i32
      %parallel_loop3A_1283 = arith.index_cast %parallel_loop3A_1281 : i32 to index
      %parallel_loop3A_1284 = arith.index_cast %parallel_loop3A_1282 : i32 to index
      %parallel_loop3A_1285 = arith.index_cast %parallel_loop3A_1273 : i32 to index
      %parallel_loop3A_1286 = arith.constant 0 : index
      %parallel_loop3A_1287 = tpu.vector_load %arg8[%parallel_loop3A_1283, %parallel_loop3A_1284, %parallel_loop3A_1285, %parallel_loop3A_1286] {strides = array<i32>} : memref<2x2x128x128xf32, #tpu.memory_space<vmem>>, vector<16xf32>,
      %parallel_loop3A_1288 = arith.subf %parallel_loop3A_1280, %parallel_loop3A_1287 : vector<16xf32>
      %parallel_loop3A_1289 = arith.mulf %parallel_loop3A_1288, %parallel_loop3A_1288 : vector<16xf32>
      %parallel_loop3A_1290 = arith.constant 1 : i32
      %parallel_loop3A_1291 = arith.constant 0 : i32
      %parallel_loop3A_1292 = arith.index_cast %parallel_loop3A_1290 : i32 to index
      %parallel_loop3A_1293 = arith.index_cast %parallel_loop3A_1291 : i32 to index
      %parallel_loop3A_1294 = arith.index_cast %parallel_loop3A_1273 : i32 to index
      %parallel_loop3A_1295 = arith.constant 16 : index
      %parallel_loop3A_1296 = tpu.vector_load %arg8[%parallel_loop3A_1292, %parallel_loop3A_1293, %parallel_loop3A_1294, %parallel_loop3A_1295] {strides = array<i32>} : memref<2x2x128x128xf32, #tpu.memory_space<vmem>>, vector<16xf32>,
      %parallel_loop3A_1297 = arith.constant 1 : i32
      %parallel_loop3A_1298 = arith.constant 1 : i32
      %parallel_loop3A_1299 = arith.index_cast %parallel_loop3A_1297 : i32 to index
      %parallel_loop3A_1300 = arith.index_cast %parallel_loop3A_1298 : i32 to index
      %parallel_loop3A_1301 = arith.index_cast %parallel_loop3A_1273 : i32 to index
      %parallel_loop3A_1302 = arith.constant 16 : index
      %parallel_loop3A_1303 = tpu.vector_load %arg8[%parallel_loop3A_1299, %parallel_loop3A_1300, %parallel_loop3A_1301, %parallel_loop3A_1302] {strides = array<i32>} : memref<2x2x128x128xf32, #tpu.memory_space<vmem>>, vector<16xf32>,
      %parallel_loop3A_1304 = arith.subf %parallel_loop3A_1296, %parallel_loop3A_1303 : vector<16xf32>
      %parallel_loop3A_1305 = arith.mulf %parallel_loop3A_1304, %parallel_loop3A_1304 : vector<16xf32>
      %parallel_loop3A_1306 = arith.addf %parallel_loop3A_1289, %parallel_loop3A_1305 : vector<16xf32>
      %parallel_loop3A_1307 = arith.constant 1 : i32
      %parallel_loop3A_1308 = arith.constant 0 : i32
      %parallel_loop3A_1309 = arith.index_cast %parallel_loop3A_1307 : i32 to index
      %parallel_loop3A_1310 = arith.index_cast %parallel_loop3A_1308 : i32 to index
      %parallel_loop3A_1311 = arith.index_cast %parallel_loop3A_1273 : i32 to index
      %parallel_loop3A_1312 = arith.constant 32 : index
      %parallel_loop3A_1313 = tpu.vector_load %arg8[%parallel_loop3A_1309, %parallel_loop3A_1310, %parallel_loop3A_1311, %parallel_loop3A_1312] {strides = array<i32>} : memref<2x2x128x128xf32, #tpu.memory_space<vmem>>, vector<16xf32>,
      %parallel_loop3A_1314 = arith.constant 1 : i32
      %parallel_loop3A_1315 = arith.constant 1 : i32
      %parallel_loop3A_1316 = arith.index_cast %parallel_loop3A_1314 : i32 to index
      %parallel_loop3A_1317 = arith.index_cast %parallel_loop3A_1315 : i32 to index
      %parallel_loop3A_1318 = arith.index_cast %parallel_loop3A_1273 : i32 to index
      %parallel_loop3A_1319 = arith.constant 32 : index
      %parallel_loop3A_1320 = tpu.vector_load %arg8[%parallel_loop3A_1316, %parallel_loop3A_1317, %parallel_loop3A_1318, %parallel_loop3A_1319] {strides = array<i32>} : memref<2x2x128x128xf32, #tpu.memory_space<vmem>>, vector<16xf32>,
      %parallel_loop3A_1321 = arith.subf %parallel_loop3A_1313, %parallel_loop3A_1320 : vector<16xf32>
      %parallel_loop3A_1322 = arith.mulf %parallel_loop3A_1321, %parallel_loop3A_1321 : vector<16xf32>
      %parallel_loop3A_1323 = arith.addf %parallel_loop3A_1306, %parallel_loop3A_1322 : vector<16xf32>
      %parallel_loop3A_1324 = arith.constant 1 : i32
      %parallel_loop3A_1325 = arith.constant 0 : i32
      %parallel_loop3A_1326 = arith.index_cast %parallel_loop3A_1324 : i32 to index
      %parallel_loop3A_1327 = arith.index_cast %parallel_loop3A_1325 : i32 to index
      %parallel_loop3A_1328 = arith.index_cast %parallel_loop3A_1273 : i32 to index
      %parallel_loop3A_1329 = arith.constant 48 : index
      %parallel_loop3A_1330 = tpu.vector_load %arg8[%parallel_loop3A_1326, %parallel_loop3A_1327, %parallel_loop3A_1328, %parallel_loop3A_1329] {strides = array<i32>} : memref<2x2x128x128xf32, #tpu.memory_space<vmem>>, vector<16xf32>,
      %parallel_loop3A_1331 = arith.constant 1 : i32
      %parallel_loop3A_1332 = arith.constant 1 : i32
      %parallel_loop3A_1333 = arith.index_cast %parallel_loop3A_1331 : i32 to index
      %parallel_loop3A_1334 = arith.index_cast %parallel_loop3A_1332 : i32 to index
      %parallel_loop3A_1335 = arith.index_cast %parallel_loop3A_1273 : i32 to index
      %parallel_loop3A_1336 = arith.constant 48 : index
      %parallel_loop3A_1337 = tpu.vector_load %arg8[%parallel_loop3A_1333, %parallel_loop3A_1334, %parallel_loop3A_1335, %parallel_loop3A_1336] {strides = array<i32>} : memref<2x2x128x128xf32, #tpu.memory_space<vmem>>, vector<16xf32>,
      %parallel_loop3A_1338 = arith.subf %parallel_loop3A_1330, %parallel_loop3A_1337 : vector<16xf32>
      %parallel_loop3A_1339 = arith.mulf %parallel_loop3A_1338, %parallel_loop3A_1338 : vector<16xf32>
      %parallel_loop3A_1340 = arith.addf %parallel_loop3A_1323, %parallel_loop3A_1339 : vector<16xf32>
      %parallel_loop3A_1341 = arith.constant 1 : i32
      %parallel_loop3A_1342 = arith.constant 0 : i32
      %parallel_loop3A_1343 = arith.index_cast %parallel_loop3A_1341 : i32 to index
      %parallel_loop3A_1344 = arith.index_cast %parallel_loop3A_1342 : i32 to index
      %parallel_loop3A_1345 = arith.index_cast %parallel_loop3A_1273 : i32 to index
      %parallel_loop3A_1346 = arith.constant 64 : index
      %parallel_loop3A_1347 = tpu.vector_load %arg8[%parallel_loop3A_1343, %parallel_loop3A_1344, %parallel_loop3A_1345, %parallel_loop3A_1346] {strides = array<i32>} : memref<2x2x128x128xf32, #tpu.memory_space<vmem>>, vector<16xf32>,
      %parallel_loop3A_1348 = arith.constant 1 : i32
      %parallel_loop3A_1349 = arith.constant 1 : i32
      %parallel_loop3A_1350 = arith.index_cast %parallel_loop3A_1348 : i32 to index
      %parallel_loop3A_1351 = arith.index_cast %parallel_loop3A_1349 : i32 to index
      %parallel_loop3A_1352 = arith.index_cast %parallel_loop3A_1273 : i32 to index
      %parallel_loop3A_1353 = arith.constant 64 : index
      %parallel_loop3A_1354 = tpu.vector_load %arg8[%parallel_loop3A_1350, %parallel_loop3A_1351, %parallel_loop3A_1352, %parallel_loop3A_1353] {strides = array<i32>} : memref<2x2x128x128xf32, #tpu.memory_space<vmem>>, vector<16xf32>,
      %parallel_loop3A_1355 = arith.subf %parallel_loop3A_1347, %parallel_loop3A_1354 : vector<16xf32>
      %parallel_loop3A_1356 = arith.mulf %parallel_loop3A_1355, %parallel_loop3A_1355 : vector<16xf32>
      %parallel_loop3A_1357 = arith.addf %parallel_loop3A_1340, %parallel_loop3A_1356 : vector<16xf32>
      %parallel_loop3A_1358 = arith.constant 1 : i32
      %parallel_loop3A_1359 = arith.constant 0 : i32
      %parallel_loop3A_1360 = arith.index_cast %parallel_loop3A_1358 : i32 to index
      %parallel_loop3A_1361 = arith.index_cast %parallel_loop3A_1359 : i32 to index
      %parallel_loop3A_1362 = arith.index_cast %parallel_loop3A_1273 : i32 to index
      %parallel_loop3A_1363 = arith.constant 80 : index
      %parallel_loop3A_1364 = tpu.vector_load %arg8[%parallel_loop3A_1360, %parallel_loop3A_1361, %parallel_loop3A_1362, %parallel_loop3A_1363] {strides = array<i32>} : memref<2x2x128x128xf32, #tpu.memory_space<vmem>>, vector<16xf32>,
      %parallel_loop3A_1365 = arith.constant 1 : i32
      %parallel_loop3A_1366 = arith.constant 1 : i32
      %parallel_loop3A_1367 = arith.index_cast %parallel_loop3A_1365 : i32 to index
      %parallel_loop3A_1368 = arith.index_cast %parallel_loop3A_1366 : i32 to index
      %parallel_loop3A_1369 = arith.index_cast %parallel_loop3A_1273 : i32 to index
      %parallel_loop3A_1370 = arith.constant 80 : index
      %parallel_loop3A_1371 = tpu.vector_load %arg8[%parallel_loop3A_1367, %parallel_loop3A_1368, %parallel_loop3A_1369, %parallel_loop3A_1370] {strides = array<i32>} : memref<2x2x128x128xf32, #tpu.memory_space<vmem>>, vector<16xf32>,
      %parallel_loop3A_1372 = arith.subf %parallel_loop3A_1364, %parallel_loop3A_1371 : vector<16xf32>
      %parallel_loop3A_1373 = arith.mulf %parallel_loop3A_1372, %parallel_loop3A_1372 : vector<16xf32>
      %parallel_loop3A_1374 = arith.addf %parallel_loop3A_1357, %parallel_loop3A_1373 : vector<16xf32>
      %parallel_loop3A_1375 = arith.constant 1 : i32
      %parallel_loop3A_1376 = arith.constant 0 : i32
      %parallel_loop3A_1377 = arith.index_cast %parallel_loop3A_1375 : i32 to index
      %parallel_loop3A_1378 = arith.index_cast %parallel_loop3A_1376 : i32 to index
      %parallel_loop3A_1379 = arith.index_cast %parallel_loop3A_1273 : i32 to index
      %parallel_loop3A_1380 = arith.constant 96 : index
      %parallel_loop3A_1381 = tpu.vector_load %arg8[%parallel_loop3A_1377, %parallel_loop3A_1378, %parallel_loop3A_1379, %parallel_loop3A_1380] {strides = array<i32>} : memref<2x2x128x128xf32, #tpu.memory_space<vmem>>, vector<16xf32>,
      %parallel_loop3A_1382 = arith.constant 1 : i32
      %parallel_loop3A_1383 = arith.constant 1 : i32
      %parallel_loop3A_1384 = arith.index_cast %parallel_loop3A_1382 : i32 to index
      %parallel_loop3A_1385 = arith.index_cast %parallel_loop3A_1383 : i32 to index
      %parallel_loop3A_1386 = arith.index_cast %parallel_loop3A_1273 : i32 to index
      %parallel_loop3A_1387 = arith.constant 96 : index
      %parallel_loop3A_1388 = tpu.vector_load %arg8[%parallel_loop3A_1384, %parallel_loop3A_1385, %parallel_loop3A_1386, %parallel_loop3A_1387] {strides = array<i32>} : memref<2x2x128x128xf32, #tpu.memory_space<vmem>>, vector<16xf32>,
      %parallel_loop3A_1389 = arith.subf %parallel_loop3A_1381, %parallel_loop3A_1388 : vector<16xf32>
      %parallel_loop3A_1390 = arith.mulf %parallel_loop3A_1389, %parallel_loop3A_1389 : vector<16xf32>
      %parallel_loop3A_1391 = arith.addf %parallel_loop3A_1374, %parallel_loop3A_1390 : vector<16xf32>
      %parallel_loop3A_1392 = arith.constant 1 : i32
      %parallel_loop3A_1393 = arith.constant 0 : i32
      %parallel_loop3A_1394 = arith.index_cast %parallel_loop3A_1392 : i32 to index
      %parallel_loop3A_1395 = arith.index_cast %parallel_loop3A_1393 : i32 to index
      %parallel_loop3A_1396 = arith.index_cast %parallel_loop3A_1273 : i32 to index
      %parallel_loop3A_1397 = arith.constant 112 : index
      %parallel_loop3A_1398 = tpu.vector_load %arg8[%parallel_loop3A_1394, %parallel_loop3A_1395, %parallel_loop3A_1396, %parallel_loop3A_1397] {strides = array<i32>} : memref<2x2x128x128xf32, #tpu.memory_space<vmem>>, vector<16xf32>,
      %parallel_loop3A_1399 = arith.constant 1 : i32
      %parallel_loop3A_1400 = arith.constant 1 : i32
      %parallel_loop3A_1401 = arith.index_cast %parallel_loop3A_1399 : i32 to index
      %parallel_loop3A_1402 = arith.index_cast %parallel_loop3A_1400 : i32 to index
      %parallel_loop3A_1403 = arith.index_cast %parallel_loop3A_1273 : i32 to index
      %parallel_loop3A_1404 = arith.constant 112 : index
      %parallel_loop3A_1405 = tpu.vector_load %arg8[%parallel_loop3A_1401, %parallel_loop3A_1402, %parallel_loop3A_1403, %parallel_loop3A_1404] {strides = array<i32>} : memref<2x2x128x128xf32, #tpu.memory_space<vmem>>, vector<16xf32>,
      %parallel_loop3A_1406 = arith.subf %parallel_loop3A_1398, %parallel_loop3A_1405 : vector<16xf32>
      %parallel_loop3A_1407 = arith.mulf %parallel_loop3A_1406, %parallel_loop3A_1406 : vector<16xf32>
      %parallel_loop3A_1408 = arith.addf %parallel_loop3A_1391, %parallel_loop3A_1407 : vector<16xf32>
      %parallel_loop3A_1409 = arith.constant 4 : i32
      %parallel_loop3A_1410 = arith.addi %parallel_loop3A_1273, %parallel_loop3A_1409 : i32
      %parallel_loop3A_1411 = arith.constant 1 : i32
      %parallel_loop3A_1412 = arith.constant 0 : i32
      %parallel_loop3A_1413 = arith.index_cast %parallel_loop3A_1411 : i32 to index
      %parallel_loop3A_1414 = arith.index_cast %parallel_loop3A_1412 : i32 to index
      %parallel_loop3A_1415 = arith.index_cast %parallel_loop3A_1410 : i32 to index
      %parallel_loop3A_1416 = arith.constant 0 : index
      %parallel_loop3A_1417 = tpu.vector_load %arg8[%parallel_loop3A_1413, %parallel_loop3A_1414, %parallel_loop3A_1415, %parallel_loop3A_1416] {strides = array<i32>} : memref<2x2x128x128xf32, #tpu.memory_space<vmem>>, vector<16xf32>,
      %parallel_loop3A_1418 = arith.constant 1 : i32
      %parallel_loop3A_1419 = arith.constant 1 : i32
      %parallel_loop3A_1420 = arith.index_cast %parallel_loop3A_1418 : i32 to index
      %parallel_loop3A_1421 = arith.index_cast %parallel_loop3A_1419 : i32 to index
      %parallel_loop3A_1422 = arith.index_cast %parallel_loop3A_1410 : i32 to index
      %parallel_loop3A_1423 = arith.constant 0 : index
      %parallel_loop3A_1424 = tpu.vector_load %arg8[%parallel_loop3A_1420, %parallel_loop3A_1421, %parallel_loop3A_1422, %parallel_loop3A_1423] {strides = array<i32>} : memref<2x2x128x128xf32, #tpu.memory_space<vmem>>, vector<16xf32>,
      %parallel_loop3A_1425 = arith.subf %parallel_loop3A_1417, %parallel_loop3A_1424 : vector<16xf32>
      %parallel_loop3A_1426 = arith.mulf %parallel_loop3A_1425, %parallel_loop3A_1425 : vector<16xf32>
      %parallel_loop3A_1427 = arith.constant 1 : i32
      %parallel_loop3A_1428 = arith.constant 0 : i32
      %parallel_loop3A_1429 = arith.index_cast %parallel_loop3A_1427 : i32 to index
      %parallel_loop3A_1430 = arith.index_cast %parallel_loop3A_1428 : i32 to index
      %parallel_loop3A_1431 = arith.index_cast %parallel_loop3A_1410 : i32 to index
      %parallel_loop3A_1432 = arith.constant 16 : index
      %parallel_loop3A_1433 = tpu.vector_load %arg8[%parallel_loop3A_1429, %parallel_loop3A_1430, %parallel_loop3A_1431, %parallel_loop3A_1432] {strides = array<i32>} : memref<2x2x128x128xf32, #tpu.memory_space<vmem>>, vector<16xf32>,
      %parallel_loop3A_1434 = arith.constant 1 : i32
      %parallel_loop3A_1435 = arith.constant 1 : i32
      %parallel_loop3A_1436 = arith.index_cast %parallel_loop3A_1434 : i32 to index
      %parallel_loop3A_1437 = arith.index_cast %parallel_loop3A_1435 : i32 to index
      %parallel_loop3A_1438 = arith.index_cast %parallel_loop3A_1410 : i32 to index
      %parallel_loop3A_1439 = arith.constant 16 : index
      %parallel_loop3A_1440 = tpu.vector_load %arg8[%parallel_loop3A_1436, %parallel_loop3A_1437, %parallel_loop3A_1438, %parallel_loop3A_1439] {strides = array<i32>} : memref<2x2x128x128xf32, #tpu.memory_space<vmem>>, vector<16xf32>,
      %parallel_loop3A_1441 = arith.subf %parallel_loop3A_1433, %parallel_loop3A_1440 : vector<16xf32>
      %parallel_loop3A_1442 = arith.mulf %parallel_loop3A_1441, %parallel_loop3A_1441 : vector<16xf32>
      %parallel_loop3A_1443 = arith.addf %parallel_loop3A_1426, %parallel_loop3A_1442 : vector<16xf32>
      %parallel_loop3A_1444 = arith.constant 1 : i32
      %parallel_loop3A_1445 = arith.constant 0 : i32
      %parallel_loop3A_1446 = arith.index_cast %parallel_loop3A_1444 : i32 to index
      %parallel_loop3A_1447 = arith.index_cast %parallel_loop3A_1445 : i32 to index
      %parallel_loop3A_1448 = arith.index_cast %parallel_loop3A_1410 : i32 to index
      %parallel_loop3A_1449 = arith.constant 32 : index
      %parallel_loop3A_1450 = tpu.vector_load %arg8[%parallel_loop3A_1446, %parallel_loop3A_1447, %parallel_loop3A_1448, %parallel_loop3A_1449] {strides = array<i32>} : memref<2x2x128x128xf32, #tpu.memory_space<vmem>>, vector<16xf32>,
      %parallel_loop3A_1451 = arith.constant 1 : i32
      %parallel_loop3A_1452 = arith.constant 1 : i32
      %parallel_loop3A_1453 = arith.index_cast %parallel_loop3A_1451 : i32 to index
      %parallel_loop3A_1454 = arith.index_cast %parallel_loop3A_1452 : i32 to index
      %parallel_loop3A_1455 = arith.index_cast %parallel_loop3A_1410 : i32 to index
      %parallel_loop3A_1456 = arith.constant 32 : index
      %parallel_loop3A_1457 = tpu.vector_load %arg8[%parallel_loop3A_1453, %parallel_loop3A_1454, %parallel_loop3A_1455, %parallel_loop3A_1456] {strides = array<i32>} : memref<2x2x128x128xf32, #tpu.memory_space<vmem>>, vector<16xf32>,
      %parallel_loop3A_1458 = arith.subf %parallel_loop3A_1450, %parallel_loop3A_1457 : vector<16xf32>
      %parallel_loop3A_1459 = arith.mulf %parallel_loop3A_1458, %parallel_loop3A_1458 : vector<16xf32>
      %parallel_loop3A_1460 = arith.addf %parallel_loop3A_1443, %parallel_loop3A_1459 : vector<16xf32>
      %parallel_loop3A_1461 = arith.constant 1 : i32
      %parallel_loop3A_1462 = arith.constant 0 : i32
      %parallel_loop3A_1463 = arith.index_cast %parallel_loop3A_1461 : i32 to index
      %parallel_loop3A_1464 = arith.index_cast %parallel_loop3A_1462 : i32 to index
      %parallel_loop3A_1465 = arith.index_cast %parallel_loop3A_1410 : i32 to index
      %parallel_loop3A_1466 = arith.constant 48 : index
      %parallel_loop3A_1467 = tpu.vector_load %arg8[%parallel_loop3A_1463, %parallel_loop3A_1464, %parallel_loop3A_1465, %parallel_loop3A_1466] {strides = array<i32>} : memref<2x2x128x128xf32, #tpu.memory_space<vmem>>, vector<16xf32>,
      %parallel_loop3A_1468 = arith.constant 1 : i32
      %parallel_loop3A_1469 = arith.constant 1 : i32
      %parallel_loop3A_1470 = arith.index_cast %parallel_loop3A_1468 : i32 to index
      %parallel_loop3A_1471 = arith.index_cast %parallel_loop3A_1469 : i32 to index
      %parallel_loop3A_1472 = arith.index_cast %parallel_loop3A_1410 : i32 to index
      %parallel_loop3A_1473 = arith.constant 48 : index
      %parallel_loop3A_1474 = tpu.vector_load %arg8[%parallel_loop3A_1470, %parallel_loop3A_1471, %parallel_loop3A_1472, %parallel_loop3A_1473] {strides = array<i32>} : memref<2x2x128x128xf32, #tpu.memory_space<vmem>>, vector<16xf32>,
      %parallel_loop3A_1475 = arith.subf %parallel_loop3A_1467, %parallel_loop3A_1474 : vector<16xf32>
      %parallel_loop3A_1476 = arith.mulf %parallel_loop3A_1475, %parallel_loop3A_1475 : vector<16xf32>
      %parallel_loop3A_1477 = arith.addf %parallel_loop3A_1460, %parallel_loop3A_1476 : vector<16xf32>
      %parallel_loop3A_1478 = arith.constant 1 : i32
      %parallel_loop3A_1479 = arith.constant 0 : i32
      %parallel_loop3A_1480 = arith.index_cast %parallel_loop3A_1478 : i32 to index
      %parallel_loop3A_1481 = arith.index_cast %parallel_loop3A_1479 : i32 to index
      %parallel_loop3A_1482 = arith.index_cast %parallel_loop3A_1410 : i32 to index
      %parallel_loop3A_1483 = arith.constant 64 : index
      %parallel_loop3A_1484 = tpu.vector_load %arg8[%parallel_loop3A_1480, %parallel_loop3A_1481, %parallel_loop3A_1482, %parallel_loop3A_1483] {strides = array<i32>} : memref<2x2x128x128xf32, #tpu.memory_space<vmem>>, vector<16xf32>,
      %parallel_loop3A_1485 = arith.constant 1 : i32
      %parallel_loop3A_1486 = arith.constant 1 : i32
      %parallel_loop3A_1487 = arith.index_cast %parallel_loop3A_1485 : i32 to index
      %parallel_loop3A_1488 = arith.index_cast %parallel_loop3A_1486 : i32 to index
      %parallel_loop3A_1489 = arith.index_cast %parallel_loop3A_1410 : i32 to index
      %parallel_loop3A_1490 = arith.constant 64 : index
      %parallel_loop3A_1491 = tpu.vector_load %arg8[%parallel_loop3A_1487, %parallel_loop3A_1488, %parallel_loop3A_1489, %parallel_loop3A_1490] {strides = array<i32>} : memref<2x2x128x128xf32, #tpu.memory_space<vmem>>, vector<16xf32>,
      %parallel_loop3A_1492 = arith.subf %parallel_loop3A_1484, %parallel_loop3A_1491 : vector<16xf32>
      %parallel_loop3A_1493 = arith.mulf %parallel_loop3A_1492, %parallel_loop3A_1492 : vector<16xf32>
      %parallel_loop3A_1494 = arith.addf %parallel_loop3A_1477, %parallel_loop3A_1493 : vector<16xf32>
      %parallel_loop3A_1495 = arith.constant 1 : i32
      %parallel_loop3A_1496 = arith.constant 0 : i32
      %parallel_loop3A_1497 = arith.index_cast %parallel_loop3A_1495 : i32 to index
      %parallel_loop3A_1498 = arith.index_cast %parallel_loop3A_1496 : i32 to index
      %parallel_loop3A_1499 = arith.index_cast %parallel_loop3A_1410 : i32 to index
      %parallel_loop3A_1500 = arith.constant 80 : index
      %parallel_loop3A_1501 = tpu.vector_load %arg8[%parallel_loop3A_1497, %parallel_loop3A_1498, %parallel_loop3A_1499, %parallel_loop3A_1500] {strides = array<i32>} : memref<2x2x128x128xf32, #tpu.memory_space<vmem>>, vector<16xf32>,
      %parallel_loop3A_1502 = arith.constant 1 : i32
      %parallel_loop3A_1503 = arith.constant 1 : i32
      %parallel_loop3A_1504 = arith.index_cast %parallel_loop3A_1502 : i32 to index
      %parallel_loop3A_1505 = arith.index_cast %parallel_loop3A_1503 : i32 to index
      %parallel_loop3A_1506 = arith.index_cast %parallel_loop3A_1410 : i32 to index
      %parallel_loop3A_1507 = arith.constant 80 : index
      %parallel_loop3A_1508 = tpu.vector_load %arg8[%parallel_loop3A_1504, %parallel_loop3A_1505, %parallel_loop3A_1506, %parallel_loop3A_1507] {strides = array<i32>} : memref<2x2x128x128xf32, #tpu.memory_space<vmem>>, vector<16xf32>,
      %parallel_loop3A_1509 = arith.subf %parallel_loop3A_1501, %parallel_loop3A_1508 : vector<16xf32>
      %parallel_loop3A_1510 = arith.mulf %parallel_loop3A_1509, %parallel_loop3A_1509 : vector<16xf32>
      %parallel_loop3A_1511 = arith.addf %parallel_loop3A_1494, %parallel_loop3A_1510 : vector<16xf32>
      %parallel_loop3A_1512 = arith.constant 1 : i32
      %parallel_loop3A_1513 = arith.constant 0 : i32
      %parallel_loop3A_1514 = arith.index_cast %parallel_loop3A_1512 : i32 to index
      %parallel_loop3A_1515 = arith.index_cast %parallel_loop3A_1513 : i32 to index
      %parallel_loop3A_1516 = arith.index_cast %parallel_loop3A_1410 : i32 to index
      %parallel_loop3A_1517 = arith.constant 96 : index
      %parallel_loop3A_1518 = tpu.vector_load %arg8[%parallel_loop3A_1514, %parallel_loop3A_1515, %parallel_loop3A_1516, %parallel_loop3A_1517] {strides = array<i32>} : memref<2x2x128x128xf32, #tpu.memory_space<vmem>>, vector<16xf32>,
      %parallel_loop3A_1519 = arith.constant 1 : i32
      %parallel_loop3A_1520 = arith.constant 1 : i32
      %parallel_loop3A_1521 = arith.index_cast %parallel_loop3A_1519 : i32 to index
      %parallel_loop3A_1522 = arith.index_cast %parallel_loop3A_1520 : i32 to index
      %parallel_loop3A_1523 = arith.index_cast %parallel_loop3A_1410 : i32 to index
      %parallel_loop3A_1524 = arith.constant 96 : index
      %parallel_loop3A_1525 = tpu.vector_load %arg8[%parallel_loop3A_1521, %parallel_loop3A_1522, %parallel_loop3A_1523, %parallel_loop3A_1524] {strides = array<i32>} : memref<2x2x128x128xf32, #tpu.memory_space<vmem>>, vector<16xf32>,
      %parallel_loop3A_1526 = arith.subf %parallel_loop3A_1518, %parallel_loop3A_1525 : vector<16xf32>
      %parallel_loop3A_1527 = arith.mulf %parallel_loop3A_1526, %parallel_loop3A_1526 : vector<16xf32>
      %parallel_loop3A_1528 = arith.addf %parallel_loop3A_1511, %parallel_loop3A_1527 : vector<16xf32>
      %parallel_loop3A_1529 = arith.constant 1 : i32
      %parallel_loop3A_1530 = arith.constant 0 : i32
      %parallel_loop3A_1531 = arith.index_cast %parallel_loop3A_1529 : i32 to index
      %parallel_loop3A_1532 = arith.index_cast %parallel_loop3A_1530 : i32 to index
      %parallel_loop3A_1533 = arith.index_cast %parallel_loop3A_1410 : i32 to index
      %parallel_loop3A_1534 = arith.constant 112 : index
      %parallel_loop3A_1535 = tpu.vector_load %arg8[%parallel_loop3A_1531, %parallel_loop3A_1532, %parallel_loop3A_1533, %parallel_loop3A_1534] {strides = array<i32>} : memref<2x2x128x128xf32, #tpu.memory_space<vmem>>, vector<16xf32>,
      %parallel_loop3A_1536 = arith.constant 1 : i32
      %parallel_loop3A_1537 = arith.constant 1 : i32
      %parallel_loop3A_1538 = arith.index_cast %parallel_loop3A_1536 : i32 to index
      %parallel_loop3A_1539 = arith.index_cast %parallel_loop3A_1537 : i32 to index
      %parallel_loop3A_1540 = arith.index_cast %parallel_loop3A_1410 : i32 to index
      %parallel_loop3A_1541 = arith.constant 112 : index
      %parallel_loop3A_1542 = tpu.vector_load %arg8[%parallel_loop3A_1538, %parallel_loop3A_1539, %parallel_loop3A_1540, %parallel_loop3A_1541] {strides = array<i32>} : memref<2x2x128x128xf32, #tpu.memory_space<vmem>>, vector<16xf32>,
      %parallel_loop3A_1543 = arith.subf %parallel_loop3A_1535, %parallel_loop3A_1542 : vector<16xf32>
      %parallel_loop3A_1544 = arith.mulf %parallel_loop3A_1543, %parallel_loop3A_1543 : vector<16xf32>
      %parallel_loop3A_1545 = arith.addf %parallel_loop3A_1528, %parallel_loop3A_1544 : vector<16xf32>
      %parallel_loop3A_1546 = arith.constant 8 : i32
      %parallel_loop3A_1547 = arith.addi %parallel_loop3A_1273, %parallel_loop3A_1546 : i32
      %parallel_loop3A_1548 = arith.constant 1 : i32
      %parallel_loop3A_1549 = arith.constant 0 : i32
      %parallel_loop3A_1550 = arith.index_cast %parallel_loop3A_1548 : i32 to index
      %parallel_loop3A_1551 = arith.index_cast %parallel_loop3A_1549 : i32 to index
      %parallel_loop3A_1552 = arith.index_cast %parallel_loop3A_1547 : i32 to index
      %parallel_loop3A_1553 = arith.constant 0 : index
      %parallel_loop3A_1554 = tpu.vector_load %arg8[%parallel_loop3A_1550, %parallel_loop3A_1551, %parallel_loop3A_1552, %parallel_loop3A_1553] {strides = array<i32>} : memref<2x2x128x128xf32, #tpu.memory_space<vmem>>, vector<16xf32>,
      %parallel_loop3A_1555 = arith.constant 1 : i32
      %parallel_loop3A_1556 = arith.constant 1 : i32
      %parallel_loop3A_1557 = arith.index_cast %parallel_loop3A_1555 : i32 to index
      %parallel_loop3A_1558 = arith.index_cast %parallel_loop3A_1556 : i32 to index
      %parallel_loop3A_1559 = arith.index_cast %parallel_loop3A_1547 : i32 to index
      %parallel_loop3A_1560 = arith.constant 0 : index
      %parallel_loop3A_1561 = tpu.vector_load %arg8[%parallel_loop3A_1557, %parallel_loop3A_1558, %parallel_loop3A_1559, %parallel_loop3A_1560] {strides = array<i32>} : memref<2x2x128x128xf32, #tpu.memory_space<vmem>>, vector<16xf32>,
      %parallel_loop3A_1562 = arith.subf %parallel_loop3A_1554, %parallel_loop3A_1561 : vector<16xf32>
      %parallel_loop3A_1563 = arith.mulf %parallel_loop3A_1562, %parallel_loop3A_1562 : vector<16xf32>
      %parallel_loop3A_1564 = arith.constant 1 : i32
      %parallel_loop3A_1565 = arith.constant 0 : i32
      %parallel_loop3A_1566 = arith.index_cast %parallel_loop3A_1564 : i32 to index
      %parallel_loop3A_1567 = arith.index_cast %parallel_loop3A_1565 : i32 to index
      %parallel_loop3A_1568 = arith.index_cast %parallel_loop3A_1547 : i32 to index
      %parallel_loop3A_1569 = arith.constant 16 : index
      %parallel_loop3A_1570 = tpu.vector_load %arg8[%parallel_loop3A_1566, %parallel_loop3A_1567, %parallel_loop3A_1568, %parallel_loop3A_1569] {strides = array<i32>} : memref<2x2x128x128xf32, #tpu.memory_space<vmem>>, vector<16xf32>,
      %parallel_loop3A_1571 = arith.constant 1 : i32
      %parallel_loop3A_1572 = arith.constant 1 : i32
      %parallel_loop3A_1573 = arith.index_cast %parallel_loop3A_1571 : i32 to index
      %parallel_loop3A_1574 = arith.index_cast %parallel_loop3A_1572 : i32 to index
      %parallel_loop3A_1575 = arith.index_cast %parallel_loop3A_1547 : i32 to index
      %parallel_loop3A_1576 = arith.constant 16 : index
      %parallel_loop3A_1577 = tpu.vector_load %arg8[%parallel_loop3A_1573, %parallel_loop3A_1574, %parallel_loop3A_1575, %parallel_loop3A_1576] {strides = array<i32>} : memref<2x2x128x128xf32, #tpu.memory_space<vmem>>, vector<16xf32>,
      %parallel_loop3A_1578 = arith.subf %parallel_loop3A_1570, %parallel_loop3A_1577 : vector<16xf32>
      %parallel_loop3A_1579 = arith.mulf %parallel_loop3A_1578, %parallel_loop3A_1578 : vector<16xf32>
      %parallel_loop3A_1580 = arith.addf %parallel_loop3A_1563, %parallel_loop3A_1579 : vector<16xf32>
      %parallel_loop3A_1581 = arith.constant 1 : i32
      %parallel_loop3A_1582 = arith.constant 0 : i32
      %parallel_loop3A_1583 = arith.index_cast %parallel_loop3A_1581 : i32 to index
      %parallel_loop3A_1584 = arith.index_cast %parallel_loop3A_1582 : i32 to index
      %parallel_loop3A_1585 = arith.index_cast %parallel_loop3A_1547 : i32 to index
      %parallel_loop3A_1586 = arith.constant 32 : index
      %parallel_loop3A_1587 = tpu.vector_load %arg8[%parallel_loop3A_1583, %parallel_loop3A_1584, %parallel_loop3A_1585, %parallel_loop3A_1586] {strides = array<i32>} : memref<2x2x128x128xf32, #tpu.memory_space<vmem>>, vector<16xf32>,
      %parallel_loop3A_1588 = arith.constant 1 : i32
      %parallel_loop3A_1589 = arith.constant 1 : i32
      %parallel_loop3A_1590 = arith.index_cast %parallel_loop3A_1588 : i32 to index
      %parallel_loop3A_1591 = arith.index_cast %parallel_loop3A_1589 : i32 to index
      %parallel_loop3A_1592 = arith.index_cast %parallel_loop3A_1547 : i32 to index
      %parallel_loop3A_1593 = arith.constant 32 : index
      %parallel_loop3A_1594 = tpu.vector_load %arg8[%parallel_loop3A_1590, %parallel_loop3A_1591, %parallel_loop3A_1592, %parallel_loop3A_1593] {strides = array<i32>} : memref<2x2x128x128xf32, #tpu.memory_space<vmem>>, vector<16xf32>,
      %parallel_loop3A_1595 = arith.subf %parallel_loop3A_1587, %parallel_loop3A_1594 : vector<16xf32>
      %parallel_loop3A_1596 = arith.mulf %parallel_loop3A_1595, %parallel_loop3A_1595 : vector<16xf32>
      %parallel_loop3A_1597 = arith.addf %parallel_loop3A_1580, %parallel_loop3A_1596 : vector<16xf32>
      %parallel_loop3A_1598 = arith.constant 1 : i32
      %parallel_loop3A_1599 = arith.constant 0 : i32
      %parallel_loop3A_1600 = arith.index_cast %parallel_loop3A_1598 : i32 to index
      %parallel_loop3A_1601 = arith.index_cast %parallel_loop3A_1599 : i32 to index
      %parallel_loop3A_1602 = arith.index_cast %parallel_loop3A_1547 : i32 to index
      %parallel_loop3A_1603 = arith.constant 48 : index
      %parallel_loop3A_1604 = tpu.vector_load %arg8[%parallel_loop3A_1600, %parallel_loop3A_1601, %parallel_loop3A_1602, %parallel_loop3A_1603] {strides = array<i32>} : memref<2x2x128x128xf32, #tpu.memory_space<vmem>>, vector<16xf32>,
      %parallel_loop3A_1605 = arith.constant 1 : i32
      %parallel_loop3A_1606 = arith.constant 1 : i32
      %parallel_loop3A_1607 = arith.index_cast %parallel_loop3A_1605 : i32 to index
      %parallel_loop3A_1608 = arith.index_cast %parallel_loop3A_1606 : i32 to index
      %parallel_loop3A_1609 = arith.index_cast %parallel_loop3A_1547 : i32 to index
      %parallel_loop3A_1610 = arith.constant 48 : index
      %parallel_loop3A_1611 = tpu.vector_load %arg8[%parallel_loop3A_1607, %parallel_loop3A_1608, %parallel_loop3A_1609, %parallel_loop3A_1610] {strides = array<i32>} : memref<2x2x128x128xf32, #tpu.memory_space<vmem>>, vector<16xf32>,
      %parallel_loop3A_1612 = arith.subf %parallel_loop3A_1604, %parallel_loop3A_1611 : vector<16xf32>
      %parallel_loop3A_1613 = arith.mulf %parallel_loop3A_1612, %parallel_loop3A_1612 : vector<16xf32>
      %parallel_loop3A_1614 = arith.addf %parallel_loop3A_1597, %parallel_loop3A_1613 : vector<16xf32>
      %parallel_loop3A_1615 = arith.constant 1 : i32
      %parallel_loop3A_1616 = arith.constant 0 : i32
      %parallel_loop3A_1617 = arith.index_cast %parallel_loop3A_1615 : i32 to index
      %parallel_loop3A_1618 = arith.index_cast %parallel_loop3A_1616 : i32 to index
      %parallel_loop3A_1619 = arith.index_cast %parallel_loop3A_1547 : i32 to index
      %parallel_loop3A_1620 = arith.constant 64 : index
      %parallel_loop3A_1621 = tpu.vector_load %arg8[%parallel_loop3A_1617, %parallel_loop3A_1618, %parallel_loop3A_1619, %parallel_loop3A_1620] {strides = array<i32>} : memref<2x2x128x128xf32, #tpu.memory_space<vmem>>, vector<16xf32>,
      %parallel_loop3A_1622 = arith.constant 1 : i32
      %parallel_loop3A_1623 = arith.constant 1 : i32
      %parallel_loop3A_1624 = arith.index_cast %parallel_loop3A_1622 : i32 to index
      %parallel_loop3A_1625 = arith.index_cast %parallel_loop3A_1623 : i32 to index
      %parallel_loop3A_1626 = arith.index_cast %parallel_loop3A_1547 : i32 to index
      %parallel_loop3A_1627 = arith.constant 64 : index
      %parallel_loop3A_1628 = tpu.vector_load %arg8[%parallel_loop3A_1624, %parallel_loop3A_1625, %parallel_loop3A_1626, %parallel_loop3A_1627] {strides = array<i32>} : memref<2x2x128x128xf32, #tpu.memory_space<vmem>>, vector<16xf32>,
      %parallel_loop3A_1629 = arith.subf %parallel_loop3A_1621, %parallel_loop3A_1628 : vector<16xf32>
      %parallel_loop3A_1630 = arith.mulf %parallel_loop3A_1629, %parallel_loop3A_1629 : vector<16xf32>
      %parallel_loop3A_1631 = arith.addf %parallel_loop3A_1614, %parallel_loop3A_1630 : vector<16xf32>
      %parallel_loop3A_1632 = arith.constant 1 : i32
      %parallel_loop3A_1633 = arith.constant 0 : i32
      %parallel_loop3A_1634 = arith.index_cast %parallel_loop3A_1632 : i32 to index
      %parallel_loop3A_1635 = arith.index_cast %parallel_loop3A_1633 : i32 to index
      %parallel_loop3A_1636 = arith.index_cast %parallel_loop3A_1547 : i32 to index
      %parallel_loop3A_1637 = arith.constant 80 : index
      %parallel_loop3A_1638 = tpu.vector_load %arg8[%parallel_loop3A_1634, %parallel_loop3A_1635, %parallel_loop3A_1636, %parallel_loop3A_1637] {strides = array<i32>} : memref<2x2x128x128xf32, #tpu.memory_space<vmem>>, vector<16xf32>,
      %parallel_loop3A_1639 = arith.constant 1 : i32
      %parallel_loop3A_1640 = arith.constant 1 : i32
      %parallel_loop3A_1641 = arith.index_cast %parallel_loop3A_1639 : i32 to index
      %parallel_loop3A_1642 = arith.index_cast %parallel_loop3A_1640 : i32 to index
      %parallel_loop3A_1643 = arith.index_cast %parallel_loop3A_1547 : i32 to index
      %parallel_loop3A_1644 = arith.constant 80 : index
      %parallel_loop3A_1645 = tpu.vector_load %arg8[%parallel_loop3A_1641, %parallel_loop3A_1642, %parallel_loop3A_1643, %parallel_loop3A_1644] {strides = array<i32>} : memref<2x2x128x128xf32, #tpu.memory_space<vmem>>, vector<16xf32>,
      %parallel_loop3A_1646 = arith.subf %parallel_loop3A_1638, %parallel_loop3A_1645 : vector<16xf32>
      %parallel_loop3A_1647 = arith.mulf %parallel_loop3A_1646, %parallel_loop3A_1646 : vector<16xf32>
      %parallel_loop3A_1648 = arith.addf %parallel_loop3A_1631, %parallel_loop3A_1647 : vector<16xf32>
      %parallel_loop3A_1649 = arith.constant 1 : i32
      %parallel_loop3A_1650 = arith.constant 0 : i32
      %parallel_loop3A_1651 = arith.index_cast %parallel_loop3A_1649 : i32 to index
      %parallel_loop3A_1652 = arith.index_cast %parallel_loop3A_1650 : i32 to index
      %parallel_loop3A_1653 = arith.index_cast %parallel_loop3A_1547 : i32 to index
      %parallel_loop3A_1654 = arith.constant 96 : index
      %parallel_loop3A_1655 = tpu.vector_load %arg8[%parallel_loop3A_1651, %parallel_loop3A_1652, %parallel_loop3A_1653, %parallel_loop3A_1654] {strides = array<i32>} : memref<2x2x128x128xf32, #tpu.memory_space<vmem>>, vector<16xf32>,
      %parallel_loop3A_1656 = arith.constant 1 : i32
      %parallel_loop3A_1657 = arith.constant 1 : i32
      %parallel_loop3A_1658 = arith.index_cast %parallel_loop3A_1656 : i32 to index
      %parallel_loop3A_1659 = arith.index_cast %parallel_loop3A_1657 : i32 to index
      %parallel_loop3A_1660 = arith.index_cast %parallel_loop3A_1547 : i32 to index
      %parallel_loop3A_1661 = arith.constant 96 : index
      %parallel_loop3A_1662 = tpu.vector_load %arg8[%parallel_loop3A_1658, %parallel_loop3A_1659, %parallel_loop3A_1660, %parallel_loop3A_1661] {strides = array<i32>} : memref<2x2x128x128xf32, #tpu.memory_space<vmem>>, vector<16xf32>,
      %parallel_loop3A_1663 = arith.subf %parallel_loop3A_1655, %parallel_loop3A_1662 : vector<16xf32>
      %parallel_loop3A_1664 = arith.mulf %parallel_loop3A_1663, %parallel_loop3A_1663 : vector<16xf32>
      %parallel_loop3A_1665 = arith.addf %parallel_loop3A_1648, %parallel_loop3A_1664 : vector<16xf32>
      %parallel_loop3A_1666 = arith.constant 1 : i32
      %parallel_loop3A_1667 = arith.constant 0 : i32
      %parallel_loop3A_1668 = arith.index_cast %parallel_loop3A_1666 : i32 to index
      %parallel_loop3A_1669 = arith.index_cast %parallel_loop3A_1667 : i32 to index
      %parallel_loop3A_1670 = arith.index_cast %parallel_loop3A_1547 : i32 to index
      %parallel_loop3A_1671 = arith.constant 112 : index
      %parallel_loop3A_1672 = tpu.vector_load %arg8[%parallel_loop3A_1668, %parallel_loop3A_1669, %parallel_loop3A_1670, %parallel_loop3A_1671] {strides = array<i32>} : memref<2x2x128x128xf32, #tpu.memory_space<vmem>>, vector<16xf32>,
      %parallel_loop3A_1673 = arith.constant 1 : i32
      %parallel_loop3A_1674 = arith.constant 1 : i32
      %parallel_loop3A_1675 = arith.index_cast %parallel_loop3A_1673 : i32 to index
      %parallel_loop3A_1676 = arith.index_cast %parallel_loop3A_1674 : i32 to index
      %parallel_loop3A_1677 = arith.index_cast %parallel_loop3A_1547 : i32 to index
      %parallel_loop3A_1678 = arith.constant 112 : index
      %parallel_loop3A_1679 = tpu.vector_load %arg8[%parallel_loop3A_1675, %parallel_loop3A_1676, %parallel_loop3A_1677, %parallel_loop3A_1678] {strides = array<i32>} : memref<2x2x128x128xf32, #tpu.memory_space<vmem>>, vector<16xf32>,
      %parallel_loop3A_1680 = arith.subf %parallel_loop3A_1672, %parallel_loop3A_1679 : vector<16xf32>
      %parallel_loop3A_1681 = arith.mulf %parallel_loop3A_1680, %parallel_loop3A_1680 : vector<16xf32>
      %parallel_loop3A_1682 = arith.addf %parallel_loop3A_1665, %parallel_loop3A_1681 : vector<16xf32>
      %parallel_loop3A_1683 = arith.constant 12 : i32
      %parallel_loop3A_1684 = arith.addi %parallel_loop3A_1273, %parallel_loop3A_1683 : i32
      %parallel_loop3A_1685 = arith.constant 1 : i32
      %parallel_loop3A_1686 = arith.constant 0 : i32
      %parallel_loop3A_1687 = arith.index_cast %parallel_loop3A_1685 : i32 to index
      %parallel_loop3A_1688 = arith.index_cast %parallel_loop3A_1686 : i32 to index
      %parallel_loop3A_1689 = arith.index_cast %parallel_loop3A_1684 : i32 to index
      %parallel_loop3A_1690 = arith.constant 0 : index
      %parallel_loop3A_1691 = tpu.vector_load %arg8[%parallel_loop3A_1687, %parallel_loop3A_1688, %parallel_loop3A_1689, %parallel_loop3A_1690] {strides = array<i32>} : memref<2x2x128x128xf32, #tpu.memory_space<vmem>>, vector<16xf32>,
      %parallel_loop3A_1692 = arith.constant 1 : i32
      %parallel_loop3A_1693 = arith.constant 1 : i32
      %parallel_loop3A_1694 = arith.index_cast %parallel_loop3A_1692 : i32 to index
      %parallel_loop3A_1695 = arith.index_cast %parallel_loop3A_1693 : i32 to index
      %parallel_loop3A_1696 = arith.index_cast %parallel_loop3A_1684 : i32 to index
      %parallel_loop3A_1697 = arith.constant 0 : index
      %parallel_loop3A_1698 = tpu.vector_load %arg8[%parallel_loop3A_1694, %parallel_loop3A_1695, %parallel_loop3A_1696, %parallel_loop3A_1697] {strides = array<i32>} : memref<2x2x128x128xf32, #tpu.memory_space<vmem>>, vector<16xf32>,
      %parallel_loop3A_1699 = arith.subf %parallel_loop3A_1691, %parallel_loop3A_1698 : vector<16xf32>
      %parallel_loop3A_1700 = arith.mulf %parallel_loop3A_1699, %parallel_loop3A_1699 : vector<16xf32>
      %parallel_loop3A_1701 = arith.constant 1 : i32
      %parallel_loop3A_1702 = arith.constant 0 : i32
      %parallel_loop3A_1703 = arith.index_cast %parallel_loop3A_1701 : i32 to index
      %parallel_loop3A_1704 = arith.index_cast %parallel_loop3A_1702 : i32 to index
      %parallel_loop3A_1705 = arith.index_cast %parallel_loop3A_1684 : i32 to index
      %parallel_loop3A_1706 = arith.constant 16 : index
      %parallel_loop3A_1707 = tpu.vector_load %arg8[%parallel_loop3A_1703, %parallel_loop3A_1704, %parallel_loop3A_1705, %parallel_loop3A_1706] {strides = array<i32>} : memref<2x2x128x128xf32, #tpu.memory_space<vmem>>, vector<16xf32>,
      %parallel_loop3A_1708 = arith.constant 1 : i32
      %parallel_loop3A_1709 = arith.constant 1 : i32
      %parallel_loop3A_1710 = arith.index_cast %parallel_loop3A_1708 : i32 to index
      %parallel_loop3A_1711 = arith.index_cast %parallel_loop3A_1709 : i32 to index
      %parallel_loop3A_1712 = arith.index_cast %parallel_loop3A_1684 : i32 to index
      %parallel_loop3A_1713 = arith.constant 16 : index
      %parallel_loop3A_1714 = tpu.vector_load %arg8[%parallel_loop3A_1710, %parallel_loop3A_1711, %parallel_loop3A_1712, %parallel_loop3A_1713] {strides = array<i32>} : memref<2x2x128x128xf32, #tpu.memory_space<vmem>>, vector<16xf32>,
      %parallel_loop3A_1715 = arith.subf %parallel_loop3A_1707, %parallel_loop3A_1714 : vector<16xf32>
      %parallel_loop3A_1716 = arith.mulf %parallel_loop3A_1715, %parallel_loop3A_1715 : vector<16xf32>
      %parallel_loop3A_1717 = arith.addf %parallel_loop3A_1700, %parallel_loop3A_1716 : vector<16xf32>
      %parallel_loop3A_1718 = arith.constant 1 : i32
      %parallel_loop3A_1719 = arith.constant 0 : i32
      %parallel_loop3A_1720 = arith.index_cast %parallel_loop3A_1718 : i32 to index
      %parallel_loop3A_1721 = arith.index_cast %parallel_loop3A_1719 : i32 to index
      %parallel_loop3A_1722 = arith.index_cast %parallel_loop3A_1684 : i32 to index
      %parallel_loop3A_1723 = arith.constant 32 : index
      %parallel_loop3A_1724 = tpu.vector_load %arg8[%parallel_loop3A_1720, %parallel_loop3A_1721, %parallel_loop3A_1722, %parallel_loop3A_1723] {strides = array<i32>} : memref<2x2x128x128xf32, #tpu.memory_space<vmem>>, vector<16xf32>,
      %parallel_loop3A_1725 = arith.constant 1 : i32
      %parallel_loop3A_1726 = arith.constant 1 : i32
      %parallel_loop3A_1727 = arith.index_cast %parallel_loop3A_1725 : i32 to index
      %parallel_loop3A_1728 = arith.index_cast %parallel_loop3A_1726 : i32 to index
      %parallel_loop3A_1729 = arith.index_cast %parallel_loop3A_1684 : i32 to index
      %parallel_loop3A_1730 = arith.constant 32 : index
      %parallel_loop3A_1731 = tpu.vector_load %arg8[%parallel_loop3A_1727, %parallel_loop3A_1728, %parallel_loop3A_1729, %parallel_loop3A_1730] {strides = array<i32>} : memref<2x2x128x128xf32, #tpu.memory_space<vmem>>, vector<16xf32>,
      %parallel_loop3A_1732 = arith.subf %parallel_loop3A_1724, %parallel_loop3A_1731 : vector<16xf32>
      %parallel_loop3A_1733 = arith.mulf %parallel_loop3A_1732, %parallel_loop3A_1732 : vector<16xf32>
      %parallel_loop3A_1734 = arith.addf %parallel_loop3A_1717, %parallel_loop3A_1733 : vector<16xf32>
      %parallel_loop3A_1735 = arith.constant 1 : i32
      %parallel_loop3A_1736 = arith.constant 0 : i32
      %parallel_loop3A_1737 = arith.index_cast %parallel_loop3A_1735 : i32 to index
      %parallel_loop3A_1738 = arith.index_cast %parallel_loop3A_1736 : i32 to index
      %parallel_loop3A_1739 = arith.index_cast %parallel_loop3A_1684 : i32 to index
      %parallel_loop3A_1740 = arith.constant 48 : index
      %parallel_loop3A_1741 = tpu.vector_load %arg8[%parallel_loop3A_1737, %parallel_loop3A_1738, %parallel_loop3A_1739, %parallel_loop3A_1740] {strides = array<i32>} : memref<2x2x128x128xf32, #tpu.memory_space<vmem>>, vector<16xf32>,
      %parallel_loop3A_1742 = arith.constant 1 : i32
      %parallel_loop3A_1743 = arith.constant 1 : i32
      %parallel_loop3A_1744 = arith.index_cast %parallel_loop3A_1742 : i32 to index
      %parallel_loop3A_1745 = arith.index_cast %parallel_loop3A_1743 : i32 to index
      %parallel_loop3A_1746 = arith.index_cast %parallel_loop3A_1684 : i32 to index
      %parallel_loop3A_1747 = arith.constant 48 : index
      %parallel_loop3A_1748 = tpu.vector_load %arg8[%parallel_loop3A_1744, %parallel_loop3A_1745, %parallel_loop3A_1746, %parallel_loop3A_1747] {strides = array<i32>} : memref<2x2x128x128xf32, #tpu.memory_space<vmem>>, vector<16xf32>,
      %parallel_loop3A_1749 = arith.subf %parallel_loop3A_1741, %parallel_loop3A_1748 : vector<16xf32>
      %parallel_loop3A_1750 = arith.mulf %parallel_loop3A_1749, %parallel_loop3A_1749 : vector<16xf32>
      %parallel_loop3A_1751 = arith.addf %parallel_loop3A_1734, %parallel_loop3A_1750 : vector<16xf32>
      %parallel_loop3A_1752 = arith.constant 1 : i32
      %parallel_loop3A_1753 = arith.constant 0 : i32
      %parallel_loop3A_1754 = arith.index_cast %parallel_loop3A_1752 : i32 to index
      %parallel_loop3A_1755 = arith.index_cast %parallel_loop3A_1753 : i32 to index
      %parallel_loop3A_1756 = arith.index_cast %parallel_loop3A_1684 : i32 to index
      %parallel_loop3A_1757 = arith.constant 64 : index
      %parallel_loop3A_1758 = tpu.vector_load %arg8[%parallel_loop3A_1754, %parallel_loop3A_1755, %parallel_loop3A_1756, %parallel_loop3A_1757] {strides = array<i32>} : memref<2x2x128x128xf32, #tpu.memory_space<vmem>>, vector<16xf32>,
      %parallel_loop3A_1759 = arith.constant 1 : i32
      %parallel_loop3A_1760 = arith.constant 1 : i32
      %parallel_loop3A_1761 = arith.index_cast %parallel_loop3A_1759 : i32 to index
      %parallel_loop3A_1762 = arith.index_cast %parallel_loop3A_1760 : i32 to index
      %parallel_loop3A_1763 = arith.index_cast %parallel_loop3A_1684 : i32 to index
      %parallel_loop3A_1764 = arith.constant 64 : index
      %parallel_loop3A_1765 = tpu.vector_load %arg8[%parallel_loop3A_1761, %parallel_loop3A_1762, %parallel_loop3A_1763, %parallel_loop3A_1764] {strides = array<i32>} : memref<2x2x128x128xf32, #tpu.memory_space<vmem>>, vector<16xf32>,
      %parallel_loop3A_1766 = arith.subf %parallel_loop3A_1758, %parallel_loop3A_1765 : vector<16xf32>
      %parallel_loop3A_1767 = arith.mulf %parallel_loop3A_1766, %parallel_loop3A_1766 : vector<16xf32>
      %parallel_loop3A_1768 = arith.addf %parallel_loop3A_1751, %parallel_loop3A_1767 : vector<16xf32>
      %parallel_loop3A_1769 = arith.constant 1 : i32
      %parallel_loop3A_1770 = arith.constant 0 : i32
      %parallel_loop3A_1771 = arith.index_cast %parallel_loop3A_1769 : i32 to index
      %parallel_loop3A_1772 = arith.index_cast %parallel_loop3A_1770 : i32 to index
      %parallel_loop3A_1773 = arith.index_cast %parallel_loop3A_1684 : i32 to index
      %parallel_loop3A_1774 = arith.constant 80 : index
      %parallel_loop3A_1775 = tpu.vector_load %arg8[%parallel_loop3A_1771, %parallel_loop3A_1772, %parallel_loop3A_1773, %parallel_loop3A_1774] {strides = array<i32>} : memref<2x2x128x128xf32, #tpu.memory_space<vmem>>, vector<16xf32>,
      %parallel_loop3A_1776 = arith.constant 1 : i32
      %parallel_loop3A_1777 = arith.constant 1 : i32
      %parallel_loop3A_1778 = arith.index_cast %parallel_loop3A_1776 : i32 to index
      %parallel_loop3A_1779 = arith.index_cast %parallel_loop3A_1777 : i32 to index
      %parallel_loop3A_1780 = arith.index_cast %parallel_loop3A_1684 : i32 to index
      %parallel_loop3A_1781 = arith.constant 80 : index
      %parallel_loop3A_1782 = tpu.vector_load %arg8[%parallel_loop3A_1778, %parallel_loop3A_1779, %parallel_loop3A_1780, %parallel_loop3A_1781] {strides = array<i32>} : memref<2x2x128x128xf32, #tpu.memory_space<vmem>>, vector<16xf32>,
      %parallel_loop3A_1783 = arith.subf %parallel_loop3A_1775, %parallel_loop3A_1782 : vector<16xf32>
      %parallel_loop3A_1784 = arith.mulf %parallel_loop3A_1783, %parallel_loop3A_1783 : vector<16xf32>
      %parallel_loop3A_1785 = arith.addf %parallel_loop3A_1768, %parallel_loop3A_1784 : vector<16xf32>
      %parallel_loop3A_1786 = arith.constant 1 : i32
      %parallel_loop3A_1787 = arith.constant 0 : i32
      %parallel_loop3A_1788 = arith.index_cast %parallel_loop3A_1786 : i32 to index
      %parallel_loop3A_1789 = arith.index_cast %parallel_loop3A_1787 : i32 to index
      %parallel_loop3A_1790 = arith.index_cast %parallel_loop3A_1684 : i32 to index
      %parallel_loop3A_1791 = arith.constant 96 : index
      %parallel_loop3A_1792 = tpu.vector_load %arg8[%parallel_loop3A_1788, %parallel_loop3A_1789, %parallel_loop3A_1790, %parallel_loop3A_1791] {strides = array<i32>} : memref<2x2x128x128xf32, #tpu.memory_space<vmem>>, vector<16xf32>,
      %parallel_loop3A_1793 = arith.constant 1 : i32
      %parallel_loop3A_1794 = arith.constant 1 : i32
      %parallel_loop3A_1795 = arith.index_cast %parallel_loop3A_1793 : i32 to index
      %parallel_loop3A_1796 = arith.index_cast %parallel_loop3A_1794 : i32 to index
      %parallel_loop3A_1797 = arith.index_cast %parallel_loop3A_1684 : i32 to index
      %parallel_loop3A_1798 = arith.constant 96 : index
      %parallel_loop3A_1799 = tpu.vector_load %arg8[%parallel_loop3A_1795, %parallel_loop3A_1796, %parallel_loop3A_1797, %parallel_loop3A_1798] {strides = array<i32>} : memref<2x2x128x128xf32, #tpu.memory_space<vmem>>, vector<16xf32>,
      %parallel_loop3A_1800 = arith.subf %parallel_loop3A_1792, %parallel_loop3A_1799 : vector<16xf32>
      %parallel_loop3A_1801 = arith.mulf %parallel_loop3A_1800, %parallel_loop3A_1800 : vector<16xf32>
      %parallel_loop3A_1802 = arith.addf %parallel_loop3A_1785, %parallel_loop3A_1801 : vector<16xf32>
      %parallel_loop3A_1803 = arith.constant 1 : i32
      %parallel_loop3A_1804 = arith.constant 0 : i32
      %parallel_loop3A_1805 = arith.index_cast %parallel_loop3A_1803 : i32 to index
      %parallel_loop3A_1806 = arith.index_cast %parallel_loop3A_1804 : i32 to index
      %parallel_loop3A_1807 = arith.index_cast %parallel_loop3A_1684 : i32 to index
      %parallel_loop3A_1808 = arith.constant 112 : index
      %parallel_loop3A_1809 = tpu.vector_load %arg8[%parallel_loop3A_1805, %parallel_loop3A_1806, %parallel_loop3A_1807, %parallel_loop3A_1808] {strides = array<i32>} : memref<2x2x128x128xf32, #tpu.memory_space<vmem>>, vector<16xf32>,
      %parallel_loop3A_1810 = arith.constant 1 : i32
      %parallel_loop3A_1811 = arith.constant 1 : i32
      %parallel_loop3A_1812 = arith.index_cast %parallel_loop3A_1810 : i32 to index
      %parallel_loop3A_1813 = arith.index_cast %parallel_loop3A_1811 : i32 to index
      %parallel_loop3A_1814 = arith.index_cast %parallel_loop3A_1684 : i32 to index
      %parallel_loop3A_1815 = arith.constant 112 : index
      %parallel_loop3A_1816 = tpu.vector_load %arg8[%parallel_loop3A_1812, %parallel_loop3A_1813, %parallel_loop3A_1814, %parallel_loop3A_1815] {strides = array<i32>} : memref<2x2x128x128xf32, #tpu.memory_space<vmem>>, vector<16xf32>,
      %parallel_loop3A_1817 = arith.subf %parallel_loop3A_1809, %parallel_loop3A_1816 : vector<16xf32>
      %parallel_loop3A_1818 = arith.mulf %parallel_loop3A_1817, %parallel_loop3A_1817 : vector<16xf32>
      %parallel_loop3A_1819 = arith.addf %parallel_loop3A_1802, %parallel_loop3A_1818 : vector<16xf32>
      %parallel_loop3A_1820 = arith.select %ne3A_46, %parallel_loop3A_1682, %parallel_loop3A_1408 : vector<16xi1>, vector<16xf32>
      %parallel_loop3A_1821 = arith.select %ne3A_46, %parallel_loop3A_1408, %parallel_loop3A_1682 : vector<16xi1>, vector<16xf32>
      %parallel_loop3A_1822 = vector.shape_cast %xor3A_33 : vector<16xi32> to vector<16x1xi32>
      %parallel_loop3A_1823 = vector.shape_cast %parallel_loop3A_1822 : vector<16x1xi32> to vector<16xi32>
      %parallel_loop3A_1824 = tpu.dynamic_gather %parallel_loop3A_1821[%parallel_loop3A_1823] in [0] : vector<16xf32>, vector<16xi32> -> vector<16xf32>
      %parallel_loop3A_1825 = arith.addf %parallel_loop3A_1820, %parallel_loop3A_1824 : vector<16xf32>
      %parallel_loop3A_1826 = arith.select %ne3A_46, %parallel_loop3A_1819, %parallel_loop3A_1545 : vector<16xi1>, vector<16xf32>
      %parallel_loop3A_1827 = arith.select %ne3A_46, %parallel_loop3A_1545, %parallel_loop3A_1819 : vector<16xi1>, vector<16xf32>
      %parallel_loop3A_1828 = vector.shape_cast %xor3A_33 : vector<16xi32> to vector<16x1xi32>
      %parallel_loop3A_1829 = vector.shape_cast %parallel_loop3A_1828 : vector<16x1xi32> to vector<16xi32>
      %parallel_loop3A_1830 = tpu.dynamic_gather %parallel_loop3A_1827[%parallel_loop3A_1829] in [0] : vector<16xf32>, vector<16xi32> -> vector<16xf32>
      %parallel_loop3A_1831 = arith.addf %parallel_loop3A_1826, %parallel_loop3A_1830 : vector<16xf32>
      %parallel_loop3A_1832 = arith.select %ne3A_52, %parallel_loop3A_1831, %parallel_loop3A_1825 : vector<16xi1>, vector<16xf32>
      %parallel_loop3A_1833 = arith.select %ne3A_52, %parallel_loop3A_1825, %parallel_loop3A_1831 : vector<16xi1>, vector<16xf32>
      %parallel_loop3A_1834 = vector.shape_cast %xor3A_36 : vector<16xi32> to vector<16x1xi32>
      %parallel_loop3A_1835 = vector.shape_cast %parallel_loop3A_1834 : vector<16x1xi32> to vector<16xi32>
      %parallel_loop3A_1836 = tpu.dynamic_gather %parallel_loop3A_1833[%parallel_loop3A_1835] in [0] : vector<16xf32>, vector<16xi32> -> vector<16xf32>
      %parallel_loop3A_1837 = arith.addf %parallel_loop3A_1832, %parallel_loop3A_1836 : vector<16xf32>
      %parallel_loop3A_1838 = vector.shape_cast %xor3A_39 : vector<16xi32> to vector<16x1xi32>
      %parallel_loop3A_1839 = vector.shape_cast %parallel_loop3A_1838 : vector<16x1xi32> to vector<16xi32>
      %parallel_loop3A_1840 = tpu.dynamic_gather %parallel_loop3A_1837[%parallel_loop3A_1839] in [0] : vector<16xf32>, vector<16xi32> -> vector<16xf32>
      %parallel_loop3A_1841 = arith.addf %parallel_loop3A_1837, %parallel_loop3A_1840 : vector<16xf32>
      %parallel_loop3A_1842 = vector.shape_cast %xor3A_42 : vector<16xi32> to vector<16x1xi32>
      %parallel_loop3A_1843 = vector.shape_cast %parallel_loop3A_1842 : vector<16x1xi32> to vector<16xi32>
      %parallel_loop3A_1844 = tpu.dynamic_gather %parallel_loop3A_1841[%parallel_loop3A_1843] in [0] : vector<16xf32>, vector<16xi32> -> vector<16xf32>
      %parallel_loop3A_1845 = arith.addf %parallel_loop3A_1841, %parallel_loop3A_1844 : vector<16xf32>
      %parallel_loop3A_1846 = arith.constant 16 : i32
      %parallel_loop3A_1847 = arith.muli %parallel_loop3A_1268, %parallel_loop3A_1846 : i32
      %parallel_loop3A_1848 = arith.constant 384 : i32
      %parallel_loop3A_1849 = arith.addi %parallel_loop3A_1848, %parallel_loop3A_1847 : i32
      %parallel_loop3A_1850 = arith.addi %parallel_loop3A_1849, %parallel_loop3A_1270 : i32
      %parallel_loop3A_1851 = vector.broadcast %parallel_loop3A_1850 : i32 to vector<16xi32>
      %parallel_loop3A_1852 = arith.addi %parallel_loop3A_1851, %and3A_67 : vector<16xi32>
      %parallel_loop3A_1853 = vector.broadcast %parallel_loop3A_1270 : i32 to vector<16xi32>
      %parallel_loop3A_1854 = arith.cmpi eq, %and3A_70, %parallel_loop3A_1853 : vector<16xi32>
      tpu.vector_store_idx %arg9[%parallel_loop3A_1852], %parallel_loop3A_1845 masked %parallel_loop3A_1854 : memref<512xf32, #tpu.memory_space<vmem>>[vector<16xi32>], vector<16xf32>, vector<16xi1>
    } {sc.loop_unroll_factor = 1 : i64, sc.parallel_access}
    %get3A_1032 = arith.constant 384 : index
    %get3A_1033 = tpu.vector_load %arg9[%get3A_1032] {strides = array<i32>} : memref<512xf32, #tpu.memory_space<vmem>>, vector<16xf32>,
    %bitcast_convert_type3A_1034 = tpu.bitcast %get3A_1033 : vector<16xf32> -> vector<16xi32>
    %shift_right_logical3A_1035 = arith.constant 1 : i32
    %shift_right_logical3A_1036 = vector.broadcast %shift_right_logical3A_1035 : i32 to vector<16xi32>
    %shift_right_logical3A_1037 = arith.shrui %bitcast_convert_type3A_1034, %shift_right_logical3A_1036 : vector<16xi32>
    %sub3A_1038 = arith.constant 1597463007 : i32
    %sub3A_1039 = vector.broadcast %sub3A_1038 : i32 to vector<16xi32>
    %sub3A_1040 = arith.subi %sub3A_1039, %shift_right_logical3A_1037 : vector<16xi32>
    %bitcast_convert_type3A_1041 = tpu.bitcast %sub3A_1040 : vector<16xi32> -> vector<16xf32>
    %mul3A_1042 = arith.constant 5.000000e-01 : f32
    %mul3A_1043 = vector.broadcast %mul3A_1042 : f32 to vector<16xf32>
    %mul3A_1044 = arith.mulf %get3A_1033, %mul3A_1043 : vector<16xf32>
    %mul3A_1045 = arith.mulf %mul3A_1044, %bitcast_convert_type3A_1041 : vector<16xf32>
    %mul3A_1046 = arith.mulf %mul3A_1045, %bitcast_convert_type3A_1041 : vector<16xf32>
    %sub3A_1047 = arith.constant 1.500000e+00 : f32
    %sub3A_1048 = vector.broadcast %sub3A_1047 : f32 to vector<16xf32>
    %sub3A_1049 = arith.subf %sub3A_1048, %mul3A_1046 : vector<16xf32>
    %mul3A_1050 = arith.mulf %bitcast_convert_type3A_1041, %sub3A_1049 : vector<16xf32>
    %mul3A_1051 = arith.mulf %mul3A_1044, %mul3A_1050 : vector<16xf32>
    %mul3A_1052 = arith.mulf %mul3A_1051, %mul3A_1050 : vector<16xf32>
    %sub3A_1053 = arith.constant 1.500000e+00 : f32
    %sub3A_1054 = vector.broadcast %sub3A_1053 : f32 to vector<16xf32>
    %sub3A_1055 = arith.subf %sub3A_1054, %mul3A_1052 : vector<16xf32>
    %mul3A_1056 = arith.mulf %mul3A_1050, %sub3A_1055 : vector<16xf32>
    %mul3A_1057 = arith.mulf %get3A_1033, %mul3A_1056 : vector<16xf32>
    %sub3A_1058 = arith.subf %gather3A_132, %mul3A_1057 : vector<16xf32>
    %swap3A_1059 = arith.constant 384 : index
    %swap3A_1060 = tpu.vector_load %arg9[%swap3A_1059] {strides = array<i32>} : memref<512xf32, #tpu.memory_space<vmem>>, vector<16xf32>,
    tpu.vector_store %arg9[%swap3A_1059], %sub3A_1058 {strides = array<i32>} : memref<512xf32, #tpu.memory_space<vmem>>, vector<16xf32>,
    %get3A_1061 = arith.constant 400 : index
    %get3A_1062 = tpu.vector_load %arg9[%get3A_1061] {strides = array<i32>} : memref<512xf32, #tpu.memory_space<vmem>>, vector<16xf32>,
    %bitcast_convert_type3A_1063 = tpu.bitcast %get3A_1062 : vector<16xf32> -> vector<16xi32>
    %shift_right_logical3A_1064 = arith.constant 1 : i32
    %shift_right_logical3A_1065 = vector.broadcast %shift_right_logical3A_1064 : i32 to vector<16xi32>
    %shift_right_logical3A_1066 = arith.shrui %bitcast_convert_type3A_1063, %shift_right_logical3A_1065 : vector<16xi32>
    %sub3A_1067 = arith.constant 1597463007 : i32
    %sub3A_1068 = vector.broadcast %sub3A_1067 : i32 to vector<16xi32>
    %sub3A_1069 = arith.subi %sub3A_1068, %shift_right_logical3A_1066 : vector<16xi32>
    %bitcast_convert_type3A_1070 = tpu.bitcast %sub3A_1069 : vector<16xi32> -> vector<16xf32>
    %mul3A_1071 = arith.constant 5.000000e-01 : f32
    %mul3A_1072 = vector.broadcast %mul3A_1071 : f32 to vector<16xf32>
    %mul3A_1073 = arith.mulf %get3A_1062, %mul3A_1072 : vector<16xf32>
    %mul3A_1074 = arith.mulf %mul3A_1073, %bitcast_convert_type3A_1070 : vector<16xf32>
    %mul3A_1075 = arith.mulf %mul3A_1074, %bitcast_convert_type3A_1070 : vector<16xf32>
    %sub3A_1076 = arith.constant 1.500000e+00 : f32
    %sub3A_1077 = vector.broadcast %sub3A_1076 : f32 to vector<16xf32>
    %sub3A_1078 = arith.subf %sub3A_1077, %mul3A_1075 : vector<16xf32>
    %mul3A_1079 = arith.mulf %bitcast_convert_type3A_1070, %sub3A_1078 : vector<16xf32>
    %mul3A_1080 = arith.mulf %mul3A_1073, %mul3A_1079 : vector<16xf32>
    %mul3A_1081 = arith.mulf %mul3A_1080, %mul3A_1079 : vector<16xf32>
    %sub3A_1082 = arith.constant 1.500000e+00 : f32
    %sub3A_1083 = vector.broadcast %sub3A_1082 : f32 to vector<16xf32>
    %sub3A_1084 = arith.subf %sub3A_1083, %mul3A_1081 : vector<16xf32>
    %mul3A_1085 = arith.mulf %mul3A_1079, %sub3A_1084 : vector<16xf32>
    %mul3A_1086 = arith.mulf %get3A_1062, %mul3A_1085 : vector<16xf32>
    %sub3A_1087 = arith.subf %gather3A_132, %mul3A_1086 : vector<16xf32>
    %swap3A_1088 = arith.constant 400 : index
    %swap3A_1089 = tpu.vector_load %arg9[%swap3A_1088] {strides = array<i32>} : memref<512xf32, #tpu.memory_space<vmem>>, vector<16xf32>,
    tpu.vector_store %arg9[%swap3A_1088], %sub3A_1087 {strides = array<i32>} : memref<512xf32, #tpu.memory_space<vmem>>, vector<16xf32>,
    %get3A_1090 = arith.constant 416 : index
    %get3A_1091 = tpu.vector_load %arg9[%get3A_1090] {strides = array<i32>} : memref<512xf32, #tpu.memory_space<vmem>>, vector<16xf32>,
    %bitcast_convert_type3A_1092 = tpu.bitcast %get3A_1091 : vector<16xf32> -> vector<16xi32>
    %shift_right_logical3A_1093 = arith.constant 1 : i32
    %shift_right_logical3A_1094 = vector.broadcast %shift_right_logical3A_1093 : i32 to vector<16xi32>
    %shift_right_logical3A_1095 = arith.shrui %bitcast_convert_type3A_1092, %shift_right_logical3A_1094 : vector<16xi32>
    %sub3A_1096 = arith.constant 1597463007 : i32
    %sub3A_1097 = vector.broadcast %sub3A_1096 : i32 to vector<16xi32>
    %sub3A_1098 = arith.subi %sub3A_1097, %shift_right_logical3A_1095 : vector<16xi32>
    %bitcast_convert_type3A_1099 = tpu.bitcast %sub3A_1098 : vector<16xi32> -> vector<16xf32>
    %mul3A_1100 = arith.constant 5.000000e-01 : f32
    %mul3A_1101 = vector.broadcast %mul3A_1100 : f32 to vector<16xf32>
    %mul3A_1102 = arith.mulf %get3A_1091, %mul3A_1101 : vector<16xf32>
    %mul3A_1103 = arith.mulf %mul3A_1102, %bitcast_convert_type3A_1099 : vector<16xf32>
    %mul3A_1104 = arith.mulf %mul3A_1103, %bitcast_convert_type3A_1099 : vector<16xf32>
    %sub3A_1105 = arith.constant 1.500000e+00 : f32
    %sub3A_1106 = vector.broadcast %sub3A_1105 : f32 to vector<16xf32>
    %sub3A_1107 = arith.subf %sub3A_1106, %mul3A_1104 : vector<16xf32>
    %mul3A_1108 = arith.mulf %bitcast_convert_type3A_1099, %sub3A_1107 : vector<16xf32>
    %mul3A_1109 = arith.mulf %mul3A_1102, %mul3A_1108 : vector<16xf32>
    %mul3A_1110 = arith.mulf %mul3A_1109, %mul3A_1108 : vector<16xf32>
    %sub3A_1111 = arith.constant 1.500000e+00 : f32
    %sub3A_1112 = vector.broadcast %sub3A_1111 : f32 to vector<16xf32>
    %sub3A_1113 = arith.subf %sub3A_1112, %mul3A_1110 : vector<16xf32>
    %mul3A_1114 = arith.mulf %mul3A_1108, %sub3A_1113 : vector<16xf32>
    %mul3A_1115 = arith.mulf %get3A_1091, %mul3A_1114 : vector<16xf32>
    %sub3A_1116 = arith.subf %gather3A_132, %mul3A_1115 : vector<16xf32>
    %swap3A_1117 = arith.constant 416 : index
    %swap3A_1118 = tpu.vector_load %arg9[%swap3A_1117] {strides = array<i32>} : memref<512xf32, #tpu.memory_space<vmem>>, vector<16xf32>,
    tpu.vector_store %arg9[%swap3A_1117], %sub3A_1116 {strides = array<i32>} : memref<512xf32, #tpu.memory_space<vmem>>, vector<16xf32>,
    %get3A_1119 = arith.constant 432 : index
    %get3A_1120 = tpu.vector_load %arg9[%get3A_1119] {strides = array<i32>} : memref<512xf32, #tpu.memory_space<vmem>>, vector<16xf32>,
    %bitcast_convert_type3A_1121 = tpu.bitcast %get3A_1120 : vector<16xf32> -> vector<16xi32>
    %shift_right_logical3A_1122 = arith.constant 1 : i32
    %shift_right_logical3A_1123 = vector.broadcast %shift_right_logical3A_1122 : i32 to vector<16xi32>
    %shift_right_logical3A_1124 = arith.shrui %bitcast_convert_type3A_1121, %shift_right_logical3A_1123 : vector<16xi32>
    %sub3A_1125 = arith.constant 1597463007 : i32
    %sub3A_1126 = vector.broadcast %sub3A_1125 : i32 to vector<16xi32>
    %sub3A_1127 = arith.subi %sub3A_1126, %shift_right_logical3A_1124 : vector<16xi32>
    %bitcast_convert_type3A_1128 = tpu.bitcast %sub3A_1127 : vector<16xi32> -> vector<16xf32>
    %mul3A_1129 = arith.constant 5.000000e-01 : f32
    %mul3A_1130 = vector.broadcast %mul3A_1129 : f32 to vector<16xf32>
    %mul3A_1131 = arith.mulf %get3A_1120, %mul3A_1130 : vector<16xf32>
    %mul3A_1132 = arith.mulf %mul3A_1131, %bitcast_convert_type3A_1128 : vector<16xf32>
    %mul3A_1133 = arith.mulf %mul3A_1132, %bitcast_convert_type3A_1128 : vector<16xf32>
    %sub3A_1134 = arith.constant 1.500000e+00 : f32
    %sub3A_1135 = vector.broadcast %sub3A_1134 : f32 to vector<16xf32>
    %sub3A_1136 = arith.subf %sub3A_1135, %mul3A_1133 : vector<16xf32>
    %mul3A_1137 = arith.mulf %bitcast_convert_type3A_1128, %sub3A_1136 : vector<16xf32>
    %mul3A_1138 = arith.mulf %mul3A_1131, %mul3A_1137 : vector<16xf32>
    %mul3A_1139 = arith.mulf %mul3A_1138, %mul3A_1137 : vector<16xf32>
    %sub3A_1140 = arith.constant 1.500000e+00 : f32
    %sub3A_1141 = vector.broadcast %sub3A_1140 : f32 to vector<16xf32>
    %sub3A_1142 = arith.subf %sub3A_1141, %mul3A_1139 : vector<16xf32>
    %mul3A_1143 = arith.mulf %mul3A_1137, %sub3A_1142 : vector<16xf32>
    %mul3A_1144 = arith.mulf %get3A_1120, %mul3A_1143 : vector<16xf32>
    %sub3A_1145 = arith.subf %gather3A_132, %mul3A_1144 : vector<16xf32>
    %swap3A_1146 = arith.constant 432 : index
    %swap3A_1147 = tpu.vector_load %arg9[%swap3A_1146] {strides = array<i32>} : memref<512xf32, #tpu.memory_space<vmem>>, vector<16xf32>,
    tpu.vector_store %arg9[%swap3A_1146], %sub3A_1145 {strides = array<i32>} : memref<512xf32, #tpu.memory_space<vmem>>, vector<16xf32>,
    %get3A_1148 = arith.constant 448 : index
    %get3A_1149 = tpu.vector_load %arg9[%get3A_1148] {strides = array<i32>} : memref<512xf32, #tpu.memory_space<vmem>>, vector<16xf32>,
    %bitcast_convert_type3A_1150 = tpu.bitcast %get3A_1149 : vector<16xf32> -> vector<16xi32>
    %shift_right_logical3A_1151 = arith.constant 1 : i32
    %shift_right_logical3A_1152 = vector.broadcast %shift_right_logical3A_1151 : i32 to vector<16xi32>
    %shift_right_logical3A_1153 = arith.shrui %bitcast_convert_type3A_1150, %shift_right_logical3A_1152 : vector<16xi32>
    %sub3A_1154 = arith.constant 1597463007 : i32
    %sub3A_1155 = vector.broadcast %sub3A_1154 : i32 to vector<16xi32>
    %sub3A_1156 = arith.subi %sub3A_1155, %shift_right_logical3A_1153 : vector<16xi32>
    %bitcast_convert_type3A_1157 = tpu.bitcast %sub3A_1156 : vector<16xi32> -> vector<16xf32>
    %mul3A_1158 = arith.constant 5.000000e-01 : f32
    %mul3A_1159 = vector.broadcast %mul3A_1158 : f32 to vector<16xf32>
    %mul3A_1160 = arith.mulf %get3A_1149, %mul3A_1159 : vector<16xf32>
    %mul3A_1161 = arith.mulf %mul3A_1160, %bitcast_convert_type3A_1157 : vector<16xf32>
    %mul3A_1162 = arith.mulf %mul3A_1161, %bitcast_convert_type3A_1157 : vector<16xf32>
    %sub3A_1163 = arith.constant 1.500000e+00 : f32
    %sub3A_1164 = vector.broadcast %sub3A_1163 : f32 to vector<16xf32>
    %sub3A_1165 = arith.subf %sub3A_1164, %mul3A_1162 : vector<16xf32>
    %mul3A_1166 = arith.mulf %bitcast_convert_type3A_1157, %sub3A_1165 : vector<16xf32>
    %mul3A_1167 = arith.mulf %mul3A_1160, %mul3A_1166 : vector<16xf32>
    %mul3A_1168 = arith.mulf %mul3A_1167, %mul3A_1166 : vector<16xf32>
    %sub3A_1169 = arith.constant 1.500000e+00 : f32
    %sub3A_1170 = vector.broadcast %sub3A_1169 : f32 to vector<16xf32>
    %sub3A_1171 = arith.subf %sub3A_1170, %mul3A_1168 : vector<16xf32>
    %mul3A_1172 = arith.mulf %mul3A_1166, %sub3A_1171 : vector<16xf32>
    %mul3A_1173 = arith.mulf %get3A_1149, %mul3A_1172 : vector<16xf32>
    %sub3A_1174 = arith.subf %gather3A_132, %mul3A_1173 : vector<16xf32>
    %swap3A_1175 = arith.constant 448 : index
    %swap3A_1176 = tpu.vector_load %arg9[%swap3A_1175] {strides = array<i32>} : memref<512xf32, #tpu.memory_space<vmem>>, vector<16xf32>,
    tpu.vector_store %arg9[%swap3A_1175], %sub3A_1174 {strides = array<i32>} : memref<512xf32, #tpu.memory_space<vmem>>, vector<16xf32>,
    %get3A_1177 = arith.constant 464 : index
    %get3A_1178 = tpu.vector_load %arg9[%get3A_1177] {strides = array<i32>} : memref<512xf32, #tpu.memory_space<vmem>>, vector<16xf32>,
    %bitcast_convert_type3A_1179 = tpu.bitcast %get3A_1178 : vector<16xf32> -> vector<16xi32>
    %shift_right_logical3A_1180 = arith.constant 1 : i32
    %shift_right_logical3A_1181 = vector.broadcast %shift_right_logical3A_1180 : i32 to vector<16xi32>
    %shift_right_logical3A_1182 = arith.shrui %bitcast_convert_type3A_1179, %shift_right_logical3A_1181 : vector<16xi32>
    %sub3A_1183 = arith.constant 1597463007 : i32
    %sub3A_1184 = vector.broadcast %sub3A_1183 : i32 to vector<16xi32>
    %sub3A_1185 = arith.subi %sub3A_1184, %shift_right_logical3A_1182 : vector<16xi32>
    %bitcast_convert_type3A_1186 = tpu.bitcast %sub3A_1185 : vector<16xi32> -> vector<16xf32>
    %mul3A_1187 = arith.constant 5.000000e-01 : f32
    %mul3A_1188 = vector.broadcast %mul3A_1187 : f32 to vector<16xf32>
    %mul3A_1189 = arith.mulf %get3A_1178, %mul3A_1188 : vector<16xf32>
    %mul3A_1190 = arith.mulf %mul3A_1189, %bitcast_convert_type3A_1186 : vector<16xf32>
    %mul3A_1191 = arith.mulf %mul3A_1190, %bitcast_convert_type3A_1186 : vector<16xf32>
    %sub3A_1192 = arith.constant 1.500000e+00 : f32
    %sub3A_1193 = vector.broadcast %sub3A_1192 : f32 to vector<16xf32>
    %sub3A_1194 = arith.subf %sub3A_1193, %mul3A_1191 : vector<16xf32>
    %mul3A_1195 = arith.mulf %bitcast_convert_type3A_1186, %sub3A_1194 : vector<16xf32>
    %mul3A_1196 = arith.mulf %mul3A_1189, %mul3A_1195 : vector<16xf32>
    %mul3A_1197 = arith.mulf %mul3A_1196, %mul3A_1195 : vector<16xf32>
    %sub3A_1198 = arith.constant 1.500000e+00 : f32
    %sub3A_1199 = vector.broadcast %sub3A_1198 : f32 to vector<16xf32>
    %sub3A_1200 = arith.subf %sub3A_1199, %mul3A_1197 : vector<16xf32>
    %mul3A_1201 = arith.mulf %mul3A_1195, %sub3A_1200 : vector<16xf32>
    %mul3A_1202 = arith.mulf %get3A_1178, %mul3A_1201 : vector<16xf32>
    %sub3A_1203 = arith.subf %gather3A_132, %mul3A_1202 : vector<16xf32>
    %swap3A_1204 = arith.constant 464 : index
    %swap3A_1205 = tpu.vector_load %arg9[%swap3A_1204] {strides = array<i32>} : memref<512xf32, #tpu.memory_space<vmem>>, vector<16xf32>,
    tpu.vector_store %arg9[%swap3A_1204], %sub3A_1203 {strides = array<i32>} : memref<512xf32, #tpu.memory_space<vmem>>, vector<16xf32>,
    %get3A_1206 = arith.constant 480 : index
    %get3A_1207 = tpu.vector_load %arg9[%get3A_1206] {strides = array<i32>} : memref<512xf32, #tpu.memory_space<vmem>>, vector<16xf32>,
    %bitcast_convert_type3A_1208 = tpu.bitcast %get3A_1207 : vector<16xf32> -> vector<16xi32>
    %shift_right_logical3A_1209 = arith.constant 1 : i32
    %shift_right_logical3A_1210 = vector.broadcast %shift_right_logical3A_1209 : i32 to vector<16xi32>
    %shift_right_logical3A_1211 = arith.shrui %bitcast_convert_type3A_1208, %shift_right_logical3A_1210 : vector<16xi32>
    %sub3A_1212 = arith.constant 1597463007 : i32
    %sub3A_1213 = vector.broadcast %sub3A_1212 : i32 to vector<16xi32>
    %sub3A_1214 = arith.subi %sub3A_1213, %shift_right_logical3A_1211 : vector<16xi32>
    %bitcast_convert_type3A_1215 = tpu.bitcast %sub3A_1214 : vector<16xi32> -> vector<16xf32>
    %mul3A_1216 = arith.constant 5.000000e-01 : f32
    %mul3A_1217 = vector.broadcast %mul3A_1216 : f32 to vector<16xf32>
    %mul3A_1218 = arith.mulf %get3A_1207, %mul3A_1217 : vector<16xf32>
    %mul3A_1219 = arith.mulf %mul3A_1218, %bitcast_convert_type3A_1215 : vector<16xf32>
    %mul3A_1220 = arith.mulf %mul3A_1219, %bitcast_convert_type3A_1215 : vector<16xf32>
    %sub3A_1221 = arith.constant 1.500000e+00 : f32
    %sub3A_1222 = vector.broadcast %sub3A_1221 : f32 to vector<16xf32>
    %sub3A_1223 = arith.subf %sub3A_1222, %mul3A_1220 : vector<16xf32>
    %mul3A_1224 = arith.mulf %bitcast_convert_type3A_1215, %sub3A_1223 : vector<16xf32>
    %mul3A_1225 = arith.mulf %mul3A_1218, %mul3A_1224 : vector<16xf32>
    %mul3A_1226 = arith.mulf %mul3A_1225, %mul3A_1224 : vector<16xf32>
    %sub3A_1227 = arith.constant 1.500000e+00 : f32
    %sub3A_1228 = vector.broadcast %sub3A_1227 : f32 to vector<16xf32>
    %sub3A_1229 = arith.subf %sub3A_1228, %mul3A_1226 : vector<16xf32>
    %mul3A_1230 = arith.mulf %mul3A_1224, %sub3A_1229 : vector<16xf32>
    %mul3A_1231 = arith.mulf %get3A_1207, %mul3A_1230 : vector<16xf32>
    %sub3A_1232 = arith.subf %gather3A_132, %mul3A_1231 : vector<16xf32>
    %swap3A_1233 = arith.constant 480 : index
    %swap3A_1234 = tpu.vector_load %arg9[%swap3A_1233] {strides = array<i32>} : memref<512xf32, #tpu.memory_space<vmem>>, vector<16xf32>,
    tpu.vector_store %arg9[%swap3A_1233], %sub3A_1232 {strides = array<i32>} : memref<512xf32, #tpu.memory_space<vmem>>, vector<16xf32>,
    %get3A_1235 = arith.constant 496 : index
    %get3A_1236 = tpu.vector_load %arg9[%get3A_1235] {strides = array<i32>} : memref<512xf32, #tpu.memory_space<vmem>>, vector<16xf32>,
    %bitcast_convert_type3A_1237 = tpu.bitcast %get3A_1236 : vector<16xf32> -> vector<16xi32>
    %shift_right_logical3A_1238 = arith.constant 1 : i32
    %shift_right_logical3A_1239 = vector.broadcast %shift_right_logical3A_1238 : i32 to vector<16xi32>
    %shift_right_logical3A_1240 = arith.shrui %bitcast_convert_type3A_1237, %shift_right_logical3A_1239 : vector<16xi32>
    %sub3A_1241 = arith.constant 1597463007 : i32
    %sub3A_1242 = vector.broadcast %sub3A_1241 : i32 to vector<16xi32>
    %sub3A_1243 = arith.subi %sub3A_1242, %shift_right_logical3A_1240 : vector<16xi32>
    %bitcast_convert_type3A_1244 = tpu.bitcast %sub3A_1243 : vector<16xi32> -> vector<16xf32>
    %mul3A_1245 = arith.constant 5.000000e-01 : f32
    %mul3A_1246 = vector.broadcast %mul3A_1245 : f32 to vector<16xf32>
    %mul3A_1247 = arith.mulf %get3A_1236, %mul3A_1246 : vector<16xf32>
    %mul3A_1248 = arith.mulf %mul3A_1247, %bitcast_convert_type3A_1244 : vector<16xf32>
    %mul3A_1249 = arith.mulf %mul3A_1248, %bitcast_convert_type3A_1244 : vector<16xf32>
    %sub3A_1250 = arith.constant 1.500000e+00 : f32
    %sub3A_1251 = vector.broadcast %sub3A_1250 : f32 to vector<16xf32>
    %sub3A_1252 = arith.subf %sub3A_1251, %mul3A_1249 : vector<16xf32>
    %mul3A_1253 = arith.mulf %bitcast_convert_type3A_1244, %sub3A_1252 : vector<16xf32>
    %mul3A_1254 = arith.mulf %mul3A_1247, %mul3A_1253 : vector<16xf32>
    %mul3A_1255 = arith.mulf %mul3A_1254, %mul3A_1253 : vector<16xf32>
    %sub3A_1256 = arith.constant 1.500000e+00 : f32
    %sub3A_1257 = vector.broadcast %sub3A_1256 : f32 to vector<16xf32>
    %sub3A_1258 = arith.subf %sub3A_1257, %mul3A_1255 : vector<16xf32>
    %mul3A_1259 = arith.mulf %mul3A_1253, %sub3A_1258 : vector<16xf32>
    %mul3A_1260 = arith.mulf %get3A_1236, %mul3A_1259 : vector<16xf32>
    %sub3A_1261 = arith.subf %gather3A_132, %mul3A_1260 : vector<16xf32>
    %swap3A_1262 = arith.constant 496 : index
    %swap3A_1263 = tpu.vector_load %arg9[%swap3A_1262] {strides = array<i32>} : memref<512xf32, #tpu.memory_space<vmem>>, vector<16xf32>,
    tpu.vector_store %arg9[%swap3A_1262], %sub3A_1261 {strides = array<i32>} : memref<512xf32, #tpu.memory_space<vmem>>, vector<16xf32>,
    %mul3A_1264 = arith.constant 512 : i32
    %mul3A_1265 = arith.muli %add3A, %mul3A_1264 : i32
    "tpu.region"() ({
      %run_scoped3A = tpu.sem_alloc : memref<!tpu.dma_semaphore, #tpu.memory_space<semaphore_mem>>
      %dma_start3A_1266 = tpu.memref_slice %arg6[%mul3A_1265] : memref<16384xf32, #tpu.memory_space<hbm>> -> memref<512xf32, #tpu.memory_space<hbm>>
      %dma_start3A_1267 = tpu.memref_slice %arg6[%mul3A_1265] : memref<16384xf32, #tpu.memory_space<hbm>> -> memref<512xf32, #tpu.memory_space<hbm>>
      tpu.enqueue_dma source(%arg9 : memref<512xf32, #tpu.memory_space<vmem>>) target(%dma_start3A_1267 : memref<512xf32, #tpu.memory_space<hbm>>) target_semaphore(%run_scoped3A : memref<!tpu.dma_semaphore, #tpu.memory_space<semaphore_mem>>)
      %dma_wait3A_1268 = tpu.memref_slice %arg6[%mul3A_1265] : memref<16384xf32, #tpu.memory_space<hbm>> -> memref<512xf32, #tpu.memory_space<hbm>>
      %dma_wait3A_1269 = tpu.memref_slice %arg6[%mul3A_1265] : memref<16384xf32, #tpu.memory_space<hbm>> -> memref<512xf32, #tpu.memory_space<hbm>>
      tpu.wait_dma2 semaphore(%run_scoped3A : memref<!tpu.dma_semaphore, #tpu.memory_space<semaphore_mem>>) src(%arg9 : memref<512xf32, #tpu.memory_space<vmem>>) dst(%dma_wait3A_1269 : memref<512xf32, #tpu.memory_space<hbm>>)
      tpu.yield
    }) : () -> ()
    return
  }
}

</mosaic_0001>

<sc_bundles>
// kernel: _shallow_sc.3.cloned.1.call-start
scs
__scs_entry_jumppad:
0x0: {  	(pc) =	sbr.rel $0x88, $3  }
0x1: {  	(tag) =	ssettag $0x0;
	lr =	simm.s32 $0x1  }
0x2: {  	[smem:$0x3F9D] =	sst lr;
	_ =	strace $0xD0000000  }
0x3: {  	_ = 	snop  }
0x4: {  	_ = 	snop  }
0x5: {  	_ = 	snop  }
0x6: {  	_ = 	snop  }
0x7: {  	_ = 	snop  }
__scs_overlays_trampoline_lowered:
0x8: {  	[smem:$0x3FAC] =	sst s0  }
0x9: {  	[smem:$0x3FAD] =	sst s1  }
0xa: {  	[smem:$0x3FAE] =	sst s2  }
0xb: {  	[smem:$0x3FAF] =	sst s3  }
0xc: {  	[smem:$0x3FB0] =	sst s4  }
0xd: {  	[smem:$0x3FB1] =	sst s5  }
0xe: {  	[smem:$0x3FB2] =	sst s6  }
0xf: {  	[smem:$0x3FB3] =	sst s7  }
0x10: {  	[smem:$0x3FB4] =	sst s8  }
0x11: {  	[smem:$0x3FB5] =	sst s9;
	s0 =	simm.s32 @!p0 $0x0  }
0x12: {  	s1 =	sld [smem:$0x3F9B];
	s0 =	simm.s32 @p0 $0x1  }
0x13: {  	[smem:$0x3FB6] =	sst s0;
	s0 =	simm.s32 @!p1 $0x0  }
0x14: {  	s2 =	sld [smem:$0x3F9A];
	s0 =	simm.s32 @p1 $0x1  }
0x15: {  	[smem:$0x3FB7] =	sst s0;
	s0 =	simm.s32 @!p2 $0x0  }
0x16: {  	s3 =	sld [smem:$0x3FDB];
	s0 =	simm.s32 @p2 $0x1  }
0x17: {  	s4 =	simm.s32 $0x1BF5;
	[smem:$0x3FB9] =	sst s0  }
0x18: {  	s0 =	sld [smem:$0x3F9C];
	_ =	swait.ge [sflag:s4], $0x0  }
0x19: {  	s7 =	sld [smem:$0x3F9D]  }
0x1a: {  	s8 =	sadd.s32 $0xFFFFE003, lr  }
0x1b: {  	s9 =	sadd.s32 $0xFFFFFEF7, lr;
	s5 =	simm.s32 $0xFFFFFFFF;
	p2 =	slt.u32 s8, $0xFFFFF086  }
0x1c: {  	p1 =	slt.u32 s9, $0xF7A;
	s5 =	simm.s32 @!p2 $0x0  }
0x1d: {  	s5 =	simm.s32 @p1 $0x1;
	p0 =	seq.s32 s7, s2  }
0x1e: {  	s7 =	smul.u32 @!p0 $0xF7A, s2;
	p2 =	seq.s32 @!p0 s5, $0x0  }
0x1f: {  	s9 =	smul.u32 $0xF7A, s1;
	s8 =	simm.s32 @!p0 $0x1BF5;
	p2 =	por !p2, p0  }
0x20: {  	[sflag:s8] =	ssyncset.s32 @!p0 $0xFFFFF086;
	s6 =	sadd.s32 @!p0 s3, s7;
	s7 =	simm.s32 @!p0 $0x108  }
0x21: {  	s3 =	sadd.s32 s3, s9;
	s6 =	sadd.s32 @!p0 $0x88, s6;
	s7 =	simm.s32 @p2 $0x1082  }
0x22: {  	[simem:s7], [sflag:s8] =	dma.local @!p0 [hbm:s6], $0xF7A  }
0x23: {  	s9 =	sor.u32 $0xD0000000, s2;
	s6 =	simm.s32 $0x108;
	_ =	swait.ge @!p0 [sflag:s8], $0x0  }
0x24: {  	s3 =	sadd.s32 $0x88, s3;
	s6 =	simm.s32 @!p1 $0x1082;
	[sflag:s4] =	ssyncset.s32 $0xFFFFF086  }
0x25: {  	[simem:s6], [sflag:s4] =	dma.local [hbm:s3], $0xF7A  }
0x26: {  	[smem:$0x3F9D] =	sst s1;
	(tag) =	ssettag s2;
	_ =	strace s9  }
0x27: {  	s1 =	sld [smem:$0x3FAD]  }
0x28: {  	s2 =	sld [smem:$0x3FAE]  }
0x29: {  	s4 =	sld [smem:$0x3FB0]  }
0x2a: {  	p0 =	seq.s32 s5, $0x0;
	s5 =	sld [smem:$0x3FB1]  }
0x2b: {  	s6 =	sld [smem:$0x3FB2]  }
0x2c: {  	s7 =	sld [smem:$0x3FB3]  }
0x2d: {  	s3 =	simm.s32 $0x108;
	s8 =	sld [smem:$0x3FB4]  }
0x2e: {  	s3 =	simm.s32 @!p0 $0x1082;
	s9 =	sld [smem:$0x3FB5]  }
0x2f: {  	lr =	sadd.s32 s0, s3;
	s0 =	sld [smem:$0x3FAC]  }
0x30: {  	s3 =	sld [smem:$0x3FAF]  }
0x31: {  	[smem:$0x3FB8] =	sst s10  }
0x32: {  	s10 =	sld [smem:$0x3FB6];
	_ =	sdelay $0x3  }
0x33: {  	p0 =	seq.s32 s10, $0x1;
	s10 =	sld [smem:$0x3FB8];
	_ =	sdelay $0x3  }
0x34: {  	[smem:$0x3FB8] =	sst s10  }
0x35: {  	s10 =	sld [smem:$0x3FB7];
	_ =	sdelay $0x3  }
0x36: {  	p1 =	seq.s32 s10, $0x1;
	s10 =	sld [smem:$0x3FB8];
	_ =	sdelay $0x3  }
0x37: {  	[smem:$0x3FB8] =	sst s10  }
0x38: {  	s10 =	sld [smem:$0x3FB9]  }
0x39: {  	_ = 	snop;
	(pc) =	sbr.ind lr, $3  }
0x3a: {  	_ = 	snop  }
0x3b: {  	_ = 	snop  }
0x3c: {  	p2 =	seq.s32 s10, $0x1;
	s10 =	sld [smem:$0x3FB8]  }
0x3d: {  	_ =	shalt  }
0x3e: {  	_ =	shalt  }
0x3f: {  	_ =	shalt  }
0x40: {  	_ =	shalt  }
0x41: {  	_ =	shalt  }
0x42: {  	_ =	shalt  }
0x43: {  	_ =	shalt  }
0x44: {  	_ =	shalt  }
0x45: {  	_ =	shalt  }
0x46: {  	_ =	shalt  }
0x47: {  	_ =	shalt  }
0x48: {  	_ =	shalt  }
0x49: {  	_ =	shalt  }
0x4a: {  	_ =	shalt  }
0x4b: {  	_ =	shalt  }
0x4c: {  	_ =	shalt  }
0x4d: {  	_ =	shalt  }
0x4e: {  	_ =	shalt  }
0x4f: {  	_ =	shalt  }
0x50: {  	_ =	shalt  }
0x51: {  	_ =	shalt  }
0x52: {  	_ =	shalt  }
0x53: {  	_ =	shalt  }
0x54: {  	_ =	shalt  }
0x55: {  	_ =	shalt  }
0x56: {  	_ =	shalt  }
0x57: {  	_ =	shalt  }
0x58: {  	_ =	shalt  }
0x59: {  	_ =	shalt  }
0x5a: {  	_ =	shalt  }
0x5b: {  	_ =	shalt  }
0x5c: {  	_ =	shalt  }
0x5d: {  	_ =	shalt  }
0x5e: {  	_ =	shalt  }
0x5f: {  	_ =	shalt  }
0x60: {  	_ =	shalt  }
0x61: {  	_ =	shalt  }
0x62: {  	_ =	shalt  }
0x63: {  	_ =	shalt  }
0x64: {  	_ =	shalt  }
0x65: {  	_ =	shalt  }
0x66: {  	_ =	shalt  }
0x67: {  	_ =	shalt  }
0x68: {  	_ =	shalt  }
0x69: {  	_ =	shalt  }
0x6a: {  	_ =	shalt  }
0x6b: {  	_ =	shalt  }
0x6c: {  	_ =	shalt  }
0x6d: {  	_ =	shalt  }
0x6e: {  	_ =	shalt  }
0x6f: {  	_ =	shalt  }
0x70: {  	_ =	shalt  }
0x71: {  	_ =	shalt  }
0x72: {  	_ =	shalt  }
0x73: {  	_ =	shalt  }
0x74: {  	_ =	shalt  }
0x75: {  	_ =	shalt  }
0x76: {  	_ =	shalt  }
0x77: {  	_ =	shalt  }
0x78: {  	_ =	shalt  }
0x79: {  	_ =	shalt  }
0x7a: {  	_ =	shalt  }
0x7b: {  	_ =	shalt  }
0x7c: {  	_ =	shalt  }
0x7d: {  	_ =	shalt  }
0x7e: {  	_ =	shalt  }
0x7f: {  	_ =	shalt  }
0x80: {  	_ =	shalt  }
0x81: {  	_ =	shalt  }
0x82: {  	_ =	shalt  }
0x83: {  	_ =	shalt  }
0x84: {  	_ =	shalt  }
0x85: {  	_ =	shalt  }
0x86: {  	_ =	shalt  }
0x87: {  	_ =	shalt  }
.Lfunc_end0:
.L_simem_size_0:
called_computation_lowered:
.L_overlay_start_0:
0x88: {  	s2 =	sld [smem:$0x3FD9]  }
0x89: {  	s3 =	sld [smem:$0x3FFE];
	_ =	sdelay $0x1  }
0x8a: {  	s1 =	srdreg.scid  }
0x8b: {  	s0 =	sand.u32 $0x1, s1  }
0x8c: {  	s18 =	sshll.u32 s0, $0xA;
	s2 =	sadd.s32 s3, s2  }
0x8d: {  	s2 =	sadd.s32 s2, s18  }
0x8e: {  	[smem:$0x3FC4] =	sst s2  }
0x8f: {  	_ = 	snop  }
0x90: {  	s2 =	sld [smem:$0x3FC9]  }
0x91: {  	s19 =	sld [smem:$0x3FC8]  }
0x92: {  	s4 =	sld [smem:$0x3FC7]  }
0x93: {  	s5 =	sld [smem:$0x3FC6]  }
0x94: {  	s6 =	sld [smem:$0x3FD0];
	(tm) =	ssettm $0x1  }
0x95: {  	s7 =	sld [smem:$0x3FFB];
	_ =	sdelay $0x3  }
0x96: {  	_ =	strace s7  }
0x97: {  	s7 =	sld [smem:$0x3FFC];
	_ =	sdelay $0x3  }
0x98: {  	_ =	strace s7  }
0x99: {  	s7 =	sld [smem:$0x3FFD];
	_ =	sdelay $0x3  }
0x9a: {  	_ =	strace s7  }
0x9b: {  	_ =	strace $0x8FFFFFFF  }
0x9c: {  	s20 =	sld [smem:$0x3FDB];
	_ =	sdelay $0x1  }
0x9d: {  	s8 =	simm.s32 $_scs_section_size  }
0x9e: {  	s9 =	simm.s32 $_size__tile_overlayer_lowered;
	s10 =	simm.s32 $_tile_overlayer_lowered  }
0x9f: {  	s23 =	simm.s32 $0x1BFF;
	s22 =	sshll.u32 s10, $0x1;
	s7 =	sadd.s32 s8, s20  }
0xa0: {  	s11 =	simm.s32 $0x0;
	s21 =	sshll.u32 s9, $0x1;
	s9 =	sadd.s32 s22, s7  }
0xa1: {  	[timem:s11], [sflag:s23] =	dma.local [hbm:s9], s21  }
0xa2: {  	_ =	swait.ge [sflag:s23], s21  }
0xa3: {  	s8 =	ssub.s32 $0x0, s21;
	[sflag:s23] =	ssyncset.done $0x0  }
0xa4: {  	[sflag:s23] =	ssyncadd.s32 s8;
	_ =	sdelay $0x1  }
0xa5: {  	s24 =	simm.s32 $0x1B8B  }
0xa6: {  	_ =	swait.ge [sflag:s24], $0x1  }
0xa7: {  	[sflag:s24] =	ssyncset.done $0x0  }
0xa8: {  	s25 =	simm.s32 $0x1B8E;
	[sflag:s24] =	ssyncadd.s32 $0xFFFFFFFF  }
0xa9: {  	s26 =	simm.s32 $execute0_lowered;
	[smem:$0x3FD2] =	sst s25  }
0xaa: {  	s8 =	sshll.u32 s26, $0x1;
	_ =	strace $0x80000046;
	[dreg:$0x1] =	wrdreg $0xFFFFFFFF  }
0xab: {  	s28 =	simm.s32 $_size_execute0_lowered;
	s7 =	sadd.s32 s7, s8;
	[dreg:$0x0] =	wrdreg $0x0  }
0xac: {  	s8 =	sshll.u32 s28, $0x1;
	[dreg:$0x2] =	wrdreg s7  }
0xad: {  	[dreg:$0x3] =	wrdreg s8  }
0xae: {  	[dreg:$0x4] =	wrdreg $0xC0  }
0xaf: {  	_ =	task [dreg:s11], $0x5FFFF  }
0xb0: {  	[dreg:$0x1] =	wrdreg $0xFFFFFFFF  }
0xb1: {  	[dreg:$0x0] =	wrdreg $0x60  }
0xb2: {  	[dreg:$0x2] =	wrdreg s2  }
0xb3: {  	[dreg:$0x3] =	wrdreg s19  }
0xb4: {  	[dreg:$0x4] =	wrdreg s4  }
0xb5: {  	[dreg:$0x5] =	wrdreg s5  }
0xb6: {  	[dreg:$0x6] =	wrdreg s6  }
0xb7: {  	[dreg:$0x7] =	wrdreg $0x9  }
0xb8: {  	_ =	task.clear_ibuf [dreg:s11], $0x8FFFF;
	_ =	strace $0x90000046  }
0xb9: {  	s29 =	simm.s32 $0x9;
	_ =	strace $0x80000048  }
0xba: {  	_ =	swait.ge [sflag:s29], $0x1  }
0xbb: {  	[sflag:s29] =	ssyncadd.s32 $0xFFFFFFFF  }
0xbc: {  	_ =	strace $0x90000048  }
0xbd: {  	_ =	sfence  }
0xbe: {  	s30 =	sld [smem:$0x0];
	_ =	sdelay $0x2  }
0xbf: {  	s31 =	sshll.u32 s1, $0xD;
	s1 =	sshrl.u32 s1, $0x2  }
0xc0: {  	s3 =	sand.u32 $0x4000, s31;
	s1 =	sadd.s32 s1, s30  }
0xc1: {  	s0 =	sor.u32 s3, s0;
	s1 =	sshll.u32 s1, $0x11  }
0xc2: {  	s0 =	sor.u32 s1, s0  }
0xc3: {  	s0 =	sadd.s32 $0x8F2B, s0  }
0xc4: {  	[sflag:s0] =	ssyncadd.remote.s32 $0x1  }
0xc5: {  	_ =	sfence.sel $0xFFFF  }
0xc6: {  	[dreg:$0x0] =	wrdreg $0xFFFFFFFF;
	(pc) =	sbr.abs _section_cstart, $3  }
0xc7: {  	[dreg:$0x1] =	wrdreg $0xFFFFFFFF  }
0xc8: {  	_ =	task.clear_ibuf [dreg:s11], $0x2FFFF;
	_ =	strace $0x9FFFFFFF  }
0xc9: {  	(tm) =	ssettm $0x7FFFFFFF  }
tec
execute0_lowered:
.L_overlay_start_1:
0x0: {  	(tag) =	ssettag $0x1  }
0x1: {  	s0 =	rddreg [dreg:$0x0]  }
0x2: {  	s1 =	rddreg [dreg:$0x1];
	v0 =	vimm.s32 $0xFEDCBA98  }
0x3: {  	s4 =	rddreg [dreg:$0x2];
	v1 =	vimm.s32 $0x76543210;
	v0 =	vunpack.c.l.s4.s8 v0  }
0x4: {  	s2 =	rddreg [dreg:$0x3];
	v1 =	vunpack.c.l.s4.s8 v1  }
0x5: {  	s5 =	rddreg [dreg:$0x4];
	s3 =	simm.s32 $0x0;
	v2 =	vimm.s32 $0xBA98FEDC;
	v0 =	vunpack.c.0.s8.s32 v0  }
0x6: {  	s6 =	srdreg.scid;
	v3 =	vimm.s32 $0x32107654;
	s9 =	stileid.u32;
	s11 =	simm.s32 $0x1;
	v2 =	vunpack.c.l.s4.s8 v2;
	v1 =	vunpack.c.0.s8.s32 v1  }
0x7: {  	v6 =	vimm.s32 $0x67452301;
	s12 =	simm.s32 $0x80;
	s13 =	simm.s32 $0x400;
	s14 =	simm.s32 $0x4400;
	v3 =	vunpack.c.l.s4.s8 v3;
	v0 =	vand.u32 $0xF, v0  }
0x8: {  	s15 =	simm.s32 $0x2;
	s16 =	simm.s32 $0x8400;
	s17 =	simm.s32 $0x280;
	v0 =	vcombine.low v0, v1;
	v1 =	vunpack.c.0.s8.s32 v2;
	v2 =	vimm.s32 $0xDCFE98BA  }
0x9: {  	s18 =	simm.s32 $0xC400;
	s19 =	simm.s32 $0x10400;
	s20 =	simm.s32 $0x100;
	v3 =	vunpack.c.0.s8.s32 v3;
	v4 =	vunpack.c.l.s4.s8 v2;
	v2 =	vimm.s32 $0x54761032  }
0xa: {  	s21 =	simm.s32 $0x300;
	s22 =	simm.s32 $0x180;
	s23 =	simm.s32 $0x380;
	v5 =	vunpack.c.l.s4.s8 v2;
	v2 =	vimm.s32 $0xEFCDAB89  }
0xb: {  	s24 =	simm.s32 $0x3;
	s25 =	simm.s32 $0x0;
	s6 =	sand.u32 $0x1, s6;
	v6 =	vunpack.c.l.s4.s8 v6;
	v1 =	vcombine.low v3, v1;
	v3 =	vunpack.c.l.s4.s8 v2  }
0xc: {  	vm0 =	vcmask $0x2F20;
	[smem:$0x7FF] =	sst s3;
	s9 =	sshll.u32 s9, $0x7;
	s7 =	ssub.s32 $0x2, s6;
	v4 =	vunpack.c.0.s8.s32 v4;
	v5 =	vunpack.c.0.s8.s32 v5  }
0xd: {  	vm1 =	vcmask $0xF00;
	_ =	strace $0x80000047;
	s6 =	sshll.u32 s6, $0x6;
	s8 =	sshrl.u32 s7, $0x1;
	v6 =	vunpack.c.0.s8.s32 v6;
	v7 =	vunpack.c.0.s8.s32 v3  }
0xe: {  	vm0 =	vmor vm1, vm0;
	s31 =	sor.u32 s6, s9;
	s10 =	sadd.s32 s5, s6;
	s8 =	ssub.s32 s7, s8;
	v3 =	vcombine.low v5, v4;
	v5 =	vlaneseq.u32  }
0xf: {  	vm1 =	vmmov $0xff;
	s5 =	sadd.s32 s1, s31;
	s6 =	sadd.s32 s4, s31;
	s7 =	sadd.s32 s9, s10;
	v4 =	vcombine.low v6, v7;
	v6 =	vshrl.u32 v5, $0x2  }
0x10: {  	s9 =	simm.s32 $0x200;
	s10 =	simm.s32 $0x10600;
	s8 =	smax.u32 s8, $0x1;
	v2 =	vimm.s32 $0x0;
	v5 =	vand.u32 $0x3, v5;
	v6 =	vmul.u32 $0x4, v6  }
.LBB2_1:
0x11: {  	[tilespmem:s3], [sflag:$0x1] =	stream.linear.gather [hbm4b:s5+s3], $0x200, $0x38;
	[tilespmem:$0x10680] =	vst v63  }
0x12: {  	_ = 	snop  }
0x13: {  	[tilespmem:s9], [sflag:$0x1] =	stream.linear.gather [hbm4b:s6+s3], $0x200, $0x38;
	[tilespmem:$0x10680] =	vst v63  }
0x14: {  	_ = 	snop  }
0x15: {  	[tilespmem:s10], [sflag:$0x2] =	stream.linear.gather [hbm4b:s2+s3], $0x1, $0x38;
	[tilespmem:$0x10680] =	vst v63  }
0x16: {  	_ =	swait.ge [sflag:s11], $0x200  }
0x17: {  	[sflag:s11] =	ssyncset.done $0x0  }
0x18: {  	[sflag:s11] =	ssyncadd.s32 $0xFFFFFE00  }
0x19: {  	_ =	swait.ge [sflag:s11], $0x200  }
0x1a: {  	[sflag:s11] =	ssyncset.done $0x0  }
0x1b: {  	[sflag:s11] =	ssyncadd.s32 $0xFFFFFE00  }
0x1c: {  	[tilespmem:s13], [sflag:$0x1] =	stream.indirect.gather [hbm4b:s0+s12], $0x80, s3, s12, $0xb8;
	[tilespmem:$0x10680] =	vst v63  }
0x1d: {  	_ = 	snop  }
0x1e: {  	[tilespmem:s14], [sflag:$0x1] =	stream.indirect.gather [hbm4b:s0+s12], $0x80, s9, s12, $0xb8;
	[tilespmem:$0x10680] =	vst v63  }
0x1f: {  	_ =	swait.ge [sflag:s15], $0x1  }
0x20: {  	[sflag:s15] =	ssyncset.done $0x0  }
0x21: {  	[sflag:s15] =	ssyncadd.s32 $0xFFFFFFFF  }
0x22: {  	v7 =	vld [tilespmem:$0x10600];
	[tilespmem:s16], [sflag:$0x2] =	stream.indirect.gather [hbm4b:s0+s12], $0x80, s12, s12, $0xb8  }
0x23: {  	_ = 	snop  }
0x24: {  	[tilespmem:s18], [sflag:$0x2] =	stream.indirect.gather [hbm4b:s0+s12], $0x80, s17, s12, $0xb8;
	[tilespmem:$0x10680] =	vst v63  }
0x25: {  	_ =	swait.ge [sflag:s11], $0x4000  }
0x26: {  	[sflag:s11] =	ssyncset.done $0x0  }
0x27: {  	[sflag:s11] =	ssyncadd.s32 $0xFFFFC000  }
0x28: {  	s26 =	sand.u32 $0x3, s3;
	s1 =	sand.u32 $0x70, s3;
	_ =	swait.ge [sflag:s11], $0x4000  }
0x29: {  	s28 =	sor.u32 s26, s1;
	[sflag:s11] =	ssyncset.done $0x0  }
0x2a: {  	s29 =	sshll.u32 s28, $0x7;
	[sflag:s11] =	ssyncadd.s32 $0xFFFFC000  }
0x2b: {  	v8 =	vld [tilespmem:s29+$0x470]  }
0x2c: {  	v9 =	vld [tilespmem:s29+$0x4470]  }
0x2d: {  	v10 =	vld [tilespmem:s29+$0x670]  }
0x2e: {  	v11 =	vld [tilespmem:s29+$0x4670]  }
0x2f: {  	v12 =	vld [tilespmem:s29+$0x870]  }
0x30: {  	v13 =	vld [tilespmem:s29+$0x4870]  }
0x31: {  	v15 =	vld [tilespmem:s29+$0xA70]  }
0x32: {  	v17 =	vld [tilespmem:s29+$0x4A70]  }
0x33: {  	v18 =	vld [tilespmem:s29+$0x460]  }
0x34: {  	v20 =	vld [tilespmem:s29+$0x4460]  }
0x35: {  	v21 =	vld [tilespmem:s29+$0x660]  }
0x36: {  	v22 =	vld [tilespmem:s29+$0x4660]  }
0x37: {  	v23 =	vld [tilespmem:s29+$0x860]  }
0x38: {  	v26 =	vld [tilespmem:s29+$0x4860]  }
0x39: {  	v27 =	vld [tilespmem:s29+$0xA60]  }
0x3a: {  	v33 =	vld [tilespmem:s29+$0x4A60]  }
0x3b: {  	v34 =	vld [tilespmem:s29+$0x450]  }
0x3c: {  	v35 =	vld [tilespmem:s29+$0x4450]  }
0x3d: {  	v36 =	vld [tilespmem:s29+$0x650]  }
0x3e: {  	v37 =	vld [tilespmem:s29+$0x4650]  }
0x3f: {  	v38 =	vld [tilespmem:s29+$0x850]  }
0x40: {  	v39 =	vld [tilespmem:s29+$0x4850]  }
0x41: {  	v40 =	vld [tilespmem:s29+$0xA50]  }
0x42: {  	v41 =	vld [tilespmem:s29+$0x4A50]  }
0x43: {  	v42 =	vld [tilespmem:s29+$0x440]  }
0x44: {  	v43 =	vld [tilespmem:s29+$0x4440]  }
0x45: {  	v44 =	vld [tilespmem:s29+$0x640]  }
0x46: {  	v45 =	vld [tilespmem:s29+$0x4640]  }
0x47: {  	v46 =	vld [tilespmem:s29+$0x840]  }
0x48: {  	v47 =	vld [tilespmem:s29+$0x4840]  }
0x49: {  	v48 =	vld [tilespmem:s29+$0xA40]  }
0x4a: {  	v49 =	vld [tilespmem:s29+$0x4A40]  }
0x4b: {  	v50 =	vld [tilespmem:s29+$0x430]  }
0x4c: {  	v51 =	vld [tilespmem:s29+$0x4430]  }
0x4d: {  	v52 =	vld [tilespmem:s29+$0x630]  }
0x4e: {  	v53 =	vld [tilespmem:s29+$0x4630]  }
0x4f: {  	v54 =	vld [tilespmem:s29+$0x830]  }
0x50: {  	v55 =	vld [tilespmem:s29+$0x4830]  }
0x51: {  	v56 =	vld [tilespmem:s29+$0xA30]  }
0x52: {  	v57 =	vld [tilespmem:s29+$0x4A30]  }
0x53: {  	v58 =	vld [tilespmem:s29+$0x420]  }
0x54: {  	v59 =	vld [tilespmem:s29+$0x4420]  }
0x55: {  	v60 =	vld [tilespmem:s29+$0x620]  }
0x56: {  	v61 =	vld [tilespmem:s29+$0x4620]  }
0x57: {  	v14 =	vld [tilespmem:s29+$0x820]  }
0x58: {  	v16 =	vld [tilespmem:s29+$0x4820]  }
0x59: {  	v29 =	vld [tilespmem:s29+$0x400]  }
0x5a: {  	v30 =	vld [tilespmem:s29+$0x4400]  }
0x5b: {  	v28 =	vld [tilespmem:s29+$0x410];
	v31 =	vsub.f32 v8, v9;
	v32 =	vsub.f32 v10, v11  }
0x5c: {  	v19 =	vld [tilespmem:s29+$0x4410];
	v9 =	vsub.f32 v12, v13;
	v8 =	vsub.f32 v15, v17  }
0x5d: {  	v24 =	vsub.f32 v18, v20;
	v15 =	vld [tilespmem:s29+$0x600];
	v25 =	vsub.f32 v21, v22  }
0x5e: {  	v21 =	vld [tilespmem:s29+$0x4600];
	v11 =	vsub.f32 v23, v26;
	v10 =	vsub.f32 v27, v33  }
0x5f: {  	v35 =	vsub.f32 v34, v35;
	v17 =	vld [tilespmem:s29+$0x610];
	v36 =	vsub.f32 v36, v37  }
0x60: {  	v22 =	vld [tilespmem:s29+$0x4610];
	v13 =	vsub.f32 v38, v39;
	v12 =	vsub.f32 v40, v41  }
0x61: {  	v39 =	vsub.f32 v42, v43;
	v38 =	vsub.f32 v44, v45;
	v23 =	vld [tilespmem:s29+$0x800]  }
0x62: {  	v33 =	vld [tilespmem:s29+$0x4800];
	v20 =	vsub.f32 v46, v47;
	v18 =	vsub.f32 v48, v49  }
0x63: {  	v41 =	vsub.f32 v50, v51;
	v42 =	vsub.f32 v52, v53;
	v34 =	vld [tilespmem:s29+$0x810]  }
0x64: {  	v37 =	vld [tilespmem:s29+$0x4810];
	v26 =	vsub.f32 v54, v55;
	v27 =	vsub.f32 v56, v57  }
0x65: {  	s30 =	simm.s32 $0x1;
	s31 =	simm.s32 $0x0;
	v7 =	vperm.xlane v7, v2;
	v43 =	vsub.f32 v58, v59;
	v44 =	vsub.f32 v60, v61;
	v40 =	vld [tilespmem:s29+$0xA00]  }
.LBB2_2:
0x66: {  	p0 =	sne.s32 s30, $0x1F;
	v29 =	vsub.f32 v29, v30;
	v30 =	vmul.f32 v31, v31;
	v31 =	vmul.f32 v32, v32;
	v32 =	vld [tilespmem:s29+$0x4A00]  }
0x67: {  	v19 =	vsub.f32 v28, v19;
	v28 =	vmul.f32 v24, v24;
	v45 =	vmul.f32 v25, v25;
	s31 =	sadd.s32 $0x4, s31;
	v24 =	vld [tilespmem:s29+$0xA10]  }
0x68: {  	s4 =	sand.u32 $0x3, s30;
	v35 =	vmul.f32 v35, v35;
	v21 =	vsub.f32 v15, v21;
	v36 =	vmul.f32 v36, v36;
	s1 =	sand.u32 $0x70, s31;
	v25 =	vld [tilespmem:s29+$0x4A10]  }
0x69: {  	v39 =	vmul.f32 v39, v39;
	v22 =	vsub.f32 v17, v22;
	v38 =	vmul.f32 v38, v38;
	s1 =	sor.u32 s4, s1;
	v46 =	vld [tilespmem:s29+$0xA20]  }
0x6a: {  	v41 =	vmul.f32 v41, v41;
	v42 =	vmul.f32 v42, v42;
	v23 =	vsub.f32 v23, v33;
	v33 =	vld [tilespmem:s29+$0x4A20];
	s29 =	sshll.u32 s1, $0x7  }
0x6b: {  	v43 =	vmul.f32 v43, v43;
	v44 =	vmul.f32 v44, v44;
	v34 =	vsub.f32 v34, v37;
	v15 =	vld [tilespmem:s29+$0x470]  }
0x6c: {  	v29 =	vmul.f32 v29, v29;
	v37 =	vmul.f32 v19, v19;
	v32 =	vsub.f32 v40, v32;
	v17 =	vld [tilespmem:s29+$0x4470]  }
0x6d: {  	v47 =	vmul.f32 v22, v22;
	v40 =	vmul.f32 v21, v21;
	v19 =	vld [tilespmem:s29+$0x670];
	v24 =	vsub.f32 v24, v25  }
0x6e: {  	v14 =	vsub.f32 v14, v16;
	v34 =	vmul.f32 v34, v34;
	v25 =	vmul.f32 v23, v23;
	v21 =	vld [tilespmem:s29+$0x4670]  }
0x6f: {  	v16 =	vmul.f32 v32, v32;
	v22 =	vld [tilespmem:s29+$0x870];
	v32 =	vmul.f32 v24, v24;
	v33 =	vsub.f32 v46, v33  }
0x70: {  	v14 =	vmul.f32 v14, v14;
	v29 =	vadd.f32 v37, v29;
	v37 =	vadd.f32 v47, v40;
	v23 =	vld [tilespmem:s29+$0x4870]  }
0x71: {  	v34 =	vadd.f32 v34, v25;
	v24 =	vld [tilespmem:s29+$0xA70];
	v16 =	vadd.f32 v32, v16;
	v32 =	vmul.f32 v33, v33  }
0x72: {  	v29 =	vadd.f32 v43, v29;
	v33 =	vadd.f32 v44, v37;
	v37 =	vmul.f32 v26, v26;
	v25 =	vld [tilespmem:s29+$0x4A70]  }
0x73: {  	v14 =	vadd.f32 v14, v34;
	v26 =	vld [tilespmem:s29+$0x460];
	v16 =	vadd.f32 v32, v16;
	v32 =	vmul.f32 v27, v27  }
0x74: {  	v29 =	vadd.f32 v41, v29;
	v34 =	vmul.f32 v20, v20;
	v33 =	vadd.f32 v42, v33;
	v27 =	vld [tilespmem:s29+$0x4460]  }
0x75: {  	v18 =	vmul.f32 v18, v18;
	v14 =	vadd.f32 v37, v14;
	v20 =	vld [tilespmem:s29+$0x660];
	v16 =	vadd.f32 v32, v16  }
0x76: {  	v13 =	vmul.f32 v13, v13;
	v29 =	vadd.f32 v39, v29;
	v32 =	vadd.f32 v38, v33;
	v37 =	vld [tilespmem:s29+$0x4660]  }
0x77: {  	v12 =	vmul.f32 v12, v12;
	v14 =	vadd.f32 v34, v14;
	v33 =	vld [tilespmem:s29+$0x860];
	v16 =	vadd.f32 v18, v16  }
0x78: {  	v11 =	vmul.f32 v11, v11;
	v29 =	vadd.f32 v35, v29;
	v32 =	vadd.f32 v36, v32;
	v18 =	vld [tilespmem:s29+$0x4860]  }
0x79: {  	v10 =	vmul.f32 v10, v10;
	v13 =	vadd.f32 v13, v14;
	v34 =	vld [tilespmem:s29+$0xA60];
	v12 =	vadd.f32 v12, v16  }
0x7a: {  	v9 =	vmul.f32 v9, v9;
	v14 =	vadd.f32 v28, v29;
	v16 =	vadd.f32 v45, v32;
	v35 =	vld [tilespmem:s29+$0x4A60]  }
0x7b: {  	v8 =	vmul.f32 v8, v8;
	v11 =	vadd.f32 v11, v13;
	v36 =	vld [tilespmem:s29+$0x450];
	v10 =	vadd.f32 v10, v12  }
0x7c: {  	v13 =	vadd.f32 v30, v14;
	v14 =	vadd.f32 v31, v16;
	v12 =	vld [tilespmem:s29+$0x4450]  }
0x7d: {  	v9 =	vadd.f32 v9, v11;
	v38 =	vld [tilespmem:s29+$0x650];
	v8 =	vadd.f32 v8, v10  }
0x7e: {  	v39 =	vld [tilespmem:s29+$0x4650]  }
0x7f: {  	v10 =	vsel vm1, v9, v13;
	v40 =	vld [tilespmem:s29+$0x850];
	v11 =	vsel vm1, v8, v14  }
0x80: {  	v10 =	vperm.xlane v10, v0;
	v41 =	vld [tilespmem:s29+$0x4850];
	v11 =	vperm.xlane v11, v0  }
0x81: {  	v9 =	vsel vm1, v13, v9;
	v8 =	vsel vm1, v14, v8;
	v42 =	vld [tilespmem:s29+$0xA50]  }
0x82: {  	v9 =	vadd.f32 v10, v9;
	v43 =	vld [tilespmem:s29+$0x4A50];
	v8 =	vadd.f32 v8, v11  }
0x83: {  	v44 =	vld [tilespmem:s29+$0x440]  }
0x84: {  	v45 =	vld [tilespmem:s29+$0x4440];
	v10 =	vsel vm0, v8, v9  }
0x85: {  	v46 =	vld [tilespmem:s29+$0x640];
	v10 =	vperm.xlane v10, v1  }
0x86: {  	v8 =	vsel vm0, v9, v8;
	v47 =	vld [tilespmem:s29+$0x4640]  }
0x87: {  	v48 =	vld [tilespmem:s29+$0x840];
	v8 =	vadd.f32 v8, v10  }
0x88: {  	v49 =	vld [tilespmem:s29+$0x4840]  }
0x89: {  	v50 =	vld [tilespmem:s29+$0xA40];
	v9 =	vperm.xlane v8, v3  }
0x8a: {  	v10 =	vmov s26;
	s26 =	smov.u32 s4;
	v51 =	vld [tilespmem:s29+$0x4A40]  }
0x8b: {  	vm2 =	veq.s32 v10, v5;
	v52 =	vld [tilespmem:s29+$0x430];
	v8 =	vadd.f32 v8, v9  }
0x8c: {  	v9 =	vor.u32 s28, v6;
	s28 =	smov.u32 s1;
	v53 =	vld [tilespmem:s29+$0x4430]  }
0x8d: {  	v54 =	vld [tilespmem:s29+$0x630];
	v10 =	vperm.xlane v8, v4  }
0x8e: {  	v55 =	vld [tilespmem:s29+$0x4630]  }
0x8f: {  	v56 =	vld [tilespmem:s29+$0x830];
	v8 =	vadd.f32 v8, v10  }
0x90: {  	v57 =	vld [tilespmem:s29+$0x4830]  }
0x91: {  	v58 =	vld [tilespmem:s29+$0xA30];
	[tilespmem:v9+s19+$0x0] =	vst.idx.msk vm2, v8  }
0x92: {  	v59 =	vld [tilespmem:s29+$0x4A30]  }
0x93: {  	v60 =	vld [tilespmem:s29+$0x420]  }
0x94: {  	v61 =	vld [tilespmem:s29+$0x4420]  }
0x95: {  	v62 =	vld [tilespmem:s29+$0x620]  }
0x96: {  	v63 =	vld [tilespmem:s29+$0x4620]  }
0x97: {  	v14 =	vld [tilespmem:s29+$0x820]  }
0x98: {  	v16 =	vld [tilespmem:s29+$0x4820]  }
0x99: {  	v29 =	vld [tilespmem:s29+$0x400]  }
0x9a: {  	v30 =	vld [tilespmem:s29+$0x4400]  }
0x9b: {  	v32 =	vsub.f32 v19, v21;
	v31 =	vsub.f32 v15, v17;
	v28 =	vld [tilespmem:s29+$0x410]  }
0x9c: {  	v9 =	vsub.f32 v22, v23;
	v8 =	vsub.f32 v24, v25;
	v19 =	vld [tilespmem:s29+$0x4410]  }
0x9d: {  	v24 =	vsub.f32 v26, v27;
	v25 =	vsub.f32 v20, v37;
	v15 =	vld [tilespmem:s29+$0x600]  }
0x9e: {  	v11 =	vsub.f32 v33, v18;
	v10 =	vsub.f32 v34, v35;
	v21 =	vld [tilespmem:s29+$0x4600]  }
0x9f: {  	v35 =	vsub.f32 v36, v12;
	v36 =	vsub.f32 v38, v39;
	v17 =	vld [tilespmem:s29+$0x610]  }
0xa0: {  	v13 =	vsub.f32 v40, v41;
	v12 =	vsub.f32 v42, v43;
	v22 =	vld [tilespmem:s29+$0x4610]  }
.Ltmp0:
0xa1: {  	v39 =	vsub.f32 v44, v45;
	v38 =	vsub.f32 v46, v47;
	v23 =	vld [tilespmem:s29+$0x800];
	(pc) =	sbr.rel @p0 .LBB2_2-.Ltmp0, $4  }
0xa2: {  	v18 =	vsub.f32 v50, v51;
	v20 =	vsub.f32 v48, v49;
	v33 =	vld [tilespmem:s29+$0x4800]  }
0xa3: {  	v41 =	vsub.f32 v52, v53;
	v42 =	vsub.f32 v54, v55;
	v34 =	vld [tilespmem:s29+$0x810]  }
0xa4: {  	v26 =	vsub.f32 v56, v57;
	v27 =	vsub.f32 v58, v59;
	v37 =	vld [tilespmem:s29+$0x4810]  }
0xa5: {  	s30 =	sadd.s32 $0x1, s30;
	v43 =	vsub.f32 v60, v61;
	v44 =	vsub.f32 v62, v63;
	v40 =	vld [tilespmem:s29+$0xA00]  }
0xa6: {  	v29 =	vsub.f32 v29, v30;
	v30 =	vmul.f32 v31, v31  }
0xa7: {  	v31 =	vmul.f32 v32, v32;
	v59 =	vld [tilespmem:s29+$0x4A00];
	v24 =	vmul.f32 v24, v24  }
0xa8: {  	v19 =	vsub.f32 v28, v19;
	v25 =	vmul.f32 v25, v25;
	v28 =	vld [tilespmem:s29+$0xA10];
	v35 =	vmul.f32 v35, v35  }
0xa9: {  	v15 =	vsub.f32 v15, v21;
	v21 =	vmul.f32 v36, v36;
	v60 =	vld [tilespmem:s29+$0x4A10];
	v39 =	vmul.f32 v39, v39  }
0xaa: {  	v17 =	vsub.f32 v17, v22;
	v22 =	vmul.f32 v38, v38;
	v61 =	vld [tilespmem:s29+$0xA20];
	v41 =	vmul.f32 v41, v41  }
0xab: {  	v42 =	vmul.f32 v42, v42;
	v62 =	vld [tilespmem:s29+$0x4A20];
	v43 =	vmul.f32 v43, v43  }
0xac: {  	v23 =	vsub.f32 v23, v33;
	v44 =	vmul.f32 v44, v44;
	v29 =	vmul.f32 v29, v29  }
0xad: {  	v19 =	vmul.f32 v19, v19;
	v15 =	vmul.f32 v15, v15;
	v34 =	vsub.f32 v34, v37  }
0xae: {  	v17 =	vmul.f32 v17, v17;
	v32 =	vsub.f32 v40, v59;
	v28 =	vsub.f32 v28, v60  }
0xaf: {  	v14 =	vsub.f32 v14, v16;
	v23 =	vmul.f32 v23, v23;
	v34 =	vmul.f32 v34, v34  }
0xb0: {  	v63 =	vsub.f32 v61, v62;
	v16 =	vmul.f32 v32, v32;
	v28 =	vmul.f32 v28, v28  }
0xb1: {  	v14 =	vmul.f32 v14, v14;
	v19 =	vadd.f32 v19, v29;
	v15 =	vadd.f32 v17, v15  }
0xb2: {  	v17 =	vadd.f32 v34, v23;
	v23 =	vmul.f32 v63, v63;
	v16 =	vadd.f32 v28, v16  }
0xb3: {  	v26 =	vmul.f32 v26, v26;
	v19 =	vadd.f32 v43, v19;
	v15 =	vadd.f32 v44, v15  }
0xb4: {  	v14 =	vadd.f32 v14, v17;
	v17 =	vmul.f32 v27, v27;
	v16 =	vadd.f32 v23, v16  }
0xb5: {  	v20 =	vmul.f32 v20, v20;
	v19 =	vadd.f32 v41, v19;
	v15 =	vadd.f32 v42, v15  }
0xb6: {  	v14 =	vadd.f32 v26, v14;
	v16 =	vadd.f32 v17, v16;
	v17 =	vmul.f32 v18, v18  }
0xb7: {  	v13 =	vmul.f32 v13, v13;
	v15 =	vadd.f32 v22, v15;
	v18 =	vadd.f32 v39, v19  }
0xb8: {  	v12 =	vmul.f32 v12, v12;
	v14 =	vadd.f32 v20, v14;
	v16 =	vadd.f32 v17, v16  }
0xb9: {  	v11 =	vmul.f32 v11, v11;
	v15 =	vadd.f32 v21, v15;
	v17 =	vadd.f32 v35, v18  }
0xba: {  	v10 =	vmul.f32 v10, v10;
	v13 =	vadd.f32 v13, v14;
	v12 =	vadd.f32 v12, v16  }
0xbb: {  	v9 =	vmul.f32 v9, v9;
	v15 =	vadd.f32 v25, v15;
	v14 =	vadd.f32 v24, v17  }
0xbc: {  	v8 =	vmul.f32 v8, v8;
	v11 =	vadd.f32 v11, v13;
	v10 =	vadd.f32 v10, v12  }
0xbd: {  	v13 =	vadd.f32 v31, v15;
	v12 =	vadd.f32 v30, v14  }
0xbe: {  	v9 =	vadd.f32 v9, v11;
	v8 =	vadd.f32 v8, v10;
	_ =	sdelay $0x1  }
0xbf: {  	v10 =	vsel vm1, v9, v12;
	v11 =	vsel vm1, v8, v13  }
0xc0: {  	v10 =	vperm.xlane v10, v0;
	v11 =	vperm.xlane v11, v0  }
0xc1: {  	v9 =	vsel vm1, v12, v9;
	v8 =	vsel vm1, v13, v8  }
0xc2: {  	v9 =	vadd.f32 v10, v9;
	v8 =	vadd.f32 v8, v11;
	_ =	sdelay $0x1  }
0xc3: {  	v10 =	vsel vm0, v8, v9  }
0xc4: {  	v10 =	vperm.xlane v10, v1  }
0xc5: {  	v8 =	vsel vm0, v9, v8  }
0xc6: {  	v8 =	vadd.f32 v8, v10;
	_ =	sdelay $0x1  }
0xc7: {  	v9 =	vperm.xlane v8, v3  }
0xc8: {  	v10 =	vmov s26  }
0xc9: {  	vm2 =	veq.s32 v10, v5;
	v8 =	vadd.f32 v8, v9  }
0xca: {  	v9 =	vor.u32 s28, v6  }
0xcb: {  	v10 =	vperm.xlane v8, v4;
	_ =	sdelay $0x1  }
0xcc: {  	v8 =	vadd.f32 v8, v10;
	_ =	sdelay $0x1  }
0xcd: {  	[tilespmem:v9+s19+$0x0] =	vst.idx.msk vm2, v8  }
0xce: {  	v8 =	vld [tilespmem:$0x10400]  }
0xcf: {  	v9 =	vld [tilespmem:$0x10410];
	_ =	sdelay $0x3  }
0xd0: {  	v10 =	vshrl.u32 v8, $0x1;
	v11 =	vmul.f32 $5.000000000e-01, v8  }
0xd1: {  	v12 =	vshrl.u32 v9, $0x1;
	v13 =	vmul.f32 $5.000000000e-01, v9;
	v10 =	vsub.s32 $0x5F3759DF, v10  }
0xd2: {  	v12 =	vsub.s32 $0x5F3759DF, v12;
	v14 =	vmul.f32 v10, v11  }
0xd3: {  	v15 =	vmul.f32 v12, v13  }
0xd4: {  	v16 =	vld [tilespmem:$0x10420];
	v14 =	vmul.f32 v10, v14  }
0xd5: {  	v22 =	vld [tilespmem:$0x10450];
	v15 =	vmul.f32 v12, v15  }
0xd6: {  	v14 =	vsub.f32 $1.500000000e+00, v14  }
0xd7: {  	v15 =	vsub.f32 $1.500000000e+00, v15  }
0xd8: {  	v10 =	vmul.f32 v10, v14  }
0xd9: {  	v17 =	vmul.f32 $5.000000000e-01, v16;
	v12 =	vmul.f32 v12, v15;
	v14 =	vld [tilespmem:$0x10430]  }
0xda: {  	v23 =	vshrl.u32 v22, $0x1;
	v24 =	vmul.f32 $5.000000000e-01, v22;
	v11 =	vmul.f32 v10, v11  }
0xdb: {  	v23 =	vsub.s32 $0x5F3759DF, v23;
	v15 =	vshrl.u32 v16, $0x1;
	v13 =	vmul.f32 v12, v13  }
0xdc: {  	v25 =	vmul.f32 v23, v24;
	v15 =	vsub.s32 $0x5F3759DF, v15;
	v11 =	vmul.f32 v11, v10  }
0xdd: {  	v18 =	vmul.f32 v15, v17;
	v13 =	vmul.f32 v13, v12  }
0xde: {  	v19 =	vshrl.u32 v14, $0x1;
	v20 =	vmul.f32 $5.000000000e-01, v14;
	v11 =	vsub.f32 $1.500000000e+00, v11  }
0xdf: {  	v18 =	vmul.f32 v15, v18;
	v13 =	vsub.f32 $1.500000000e+00, v13;
	v19 =	vsub.s32 $0x5F3759DF, v19  }
0xe0: {  	v21 =	vld [tilespmem:$0x10440];
	v10 =	vmul.f32 v11, v10;
	v11 =	vmul.f32 v19, v20  }
0xe1: {  	v25 =	vmul.f32 v23, v25;
	v12 =	vmul.f32 v13, v12;
	v13 =	vsub.f32 $1.500000000e+00, v18  }
0xe2: {  	v8 =	vmul.f32 v10, v8;
	v10 =	vmul.f32 v19, v11;
	v11 =	vld [tilespmem:$0x10460]  }
0xe3: {  	v9 =	vmul.f32 v12, v9;
	v12 =	vmul.f32 v15, v13;
	v13 =	vld [tilespmem:$0x10470]  }
0xe4: {  	v25 =	vsub.f32 $1.500000000e+00, v25;
	v10 =	vsub.f32 $1.500000000e+00, v10  }
0xe5: {  	v18 =	vmul.f32 $5.000000000e-01, v21;
	v15 =	vshrl.u32 v21, $0x1  }
0xe6: {  	v23 =	vmul.f32 v23, v25;
	v15 =	vsub.s32 $0x5F3759DF, v15;
	v10 =	vmul.f32 v19, v10  }
0xe7: {  	v19 =	vmul.f32 v15, v18;
	v26 =	vshrl.u32 v11, $0x1;
	v27 =	vmul.f32 $5.000000000e-01, v11  }
0xe8: {  	v28 =	vshrl.u32 v13, $0x1;
	v29 =	vmul.f32 $5.000000000e-01, v13;
	v26 =	vsub.s32 $0x5F3759DF, v26  }
0xe9: {  	v19 =	vmul.f32 v15, v19;
	v28 =	vsub.s32 $0x5F3759DF, v28;
	v30 =	vmul.f32 v26, v27  }
0xea: {  	v31 =	vmul.f32 v28, v29  }
0xeb: {  	v24 =	vmul.f32 v23, v24;
	v19 =	vsub.f32 $1.500000000e+00, v19;
	v30 =	vmul.f32 v26, v30  }
0xec: {  	v17 =	vmul.f32 v12, v17;
	v31 =	vmul.f32 v28, v31  }
0xed: {  	v24 =	vmul.f32 v24, v23;
	v15 =	vmul.f32 v15, v19;
	v19 =	vsub.f32 $1.500000000e+00, v30  }
0xee: {  	v17 =	vmul.f32 v17, v12;
	v20 =	vmul.f32 v10, v20;
	v25 =	vsub.f32 $1.500000000e+00, v31  }
0xef: {  	v18 =	vmul.f32 v15, v18;
	v19 =	vmul.f32 v26, v19  }
0xf0: {  	v8 =	vsub.f32 v7, v8;
	v20 =	vmul.f32 v20, v10;
	v25 =	vmul.f32 v28, v25  }
0xf1: {  	v17 =	vsub.f32 $1.500000000e+00, v17;
	v18 =	vmul.f32 v18, v15;
	v26 =	vmul.f32 v19, v27  }
0xf2: {  	v9 =	vsub.f32 v7, v9;
	v20 =	vsub.f32 $1.500000000e+00, v20;
	v27 =	vmul.f32 v25, v29  }
0xf3: {  	v12 =	vmul.f32 v17, v12;
	v17 =	vsub.f32 $1.500000000e+00, v18;
	v18 =	vmul.f32 v26, v19  }
0xf4: {  	v10 =	vmul.f32 v20, v10;
	v20 =	vsub.f32 $1.500000000e+00, v24;
	v24 =	vmul.f32 v27, v25  }
0xf5: {  	v12 =	vmul.f32 v12, v16;
	v15 =	vmul.f32 v17, v15;
	v16 =	vsub.f32 $1.500000000e+00, v18  }
0xf6: {  	v10 =	vmul.f32 v10, v14;
	v14 =	vmul.f32 v20, v23;
	v17 =	vsub.f32 $1.500000000e+00, v24  }
0xf7: {  	[tilespmem:$0x10400] =	vst v8;
	v8 =	vsub.f32 v7, v12;
	v12 =	vmul.f32 v15, v21;
	v15 =	vmul.f32 v16, v19  }
0xf8: {  	[tilespmem:$0x10410] =	vst v9;
	v9 =	vsub.f32 v7, v10;
	v10 =	vmul.f32 v14, v22;
	v14 =	vmul.f32 v17, v25  }
0xf9: {  	[tilespmem:$0x10420] =	vst v8;
	v8 =	vsub.f32 v7, v12;
	v11 =	vmul.f32 v15, v11  }
0xfa: {  	[tilespmem:$0x10430] =	vst v9;
	v9 =	vsub.f32 v7, v10;
	v10 =	vmul.f32 v14, v13  }
0xfb: {  	[tilespmem:$0x10440] =	vst v8;
	v8 =	vsub.f32 v7, v11  }
0xfc: {  	[tilespmem:$0x10450] =	vst v9;
	v9 =	vsub.f32 v7, v10  }
0xfd: {  	[tilespmem:$0x10460] =	vst v8  }
0xfe: {  	[tilespmem:$0x10470] =	vst v9  }
0xff: {  	[tilespmem:s13], [sflag:$0x1] =	stream.indirect.gather [hbm4b:s0+s12], $0x80, s20, s12, $0xb8;
	[tilespmem:$0x10680] =	vst v63  }
0x100: {  	_ = 	snop  }
0x101: {  	[tilespmem:s14], [sflag:$0x1] =	stream.indirect.gather [hbm4b:s0+s12], $0x80, s21, s12, $0xb8;
	[tilespmem:$0x10680] =	vst v63  }
0x102: {  	_ =	swait.ge [sflag:s15], $0x4000  }
0x103: {  	[sflag:s15] =	ssyncset.done $0x0  }
0x104: {  	s30 =	simm.s32 $0x0;
	[sflag:s15] =	ssyncadd.s32 $0xFFFFC000  }
0x105: {  	s1 =	sand.u32 $0x70, s30;
	s26 =	sand.u32 $0x3, s30;
	_ =	swait.ge [sflag:s15], $0x4000  }
0x106: {  	s28 =	sor.u32 s26, s1;
	[sflag:s15] =	ssyncset.done $0x0  }
0x107: {  	s29 =	sshll.u32 s28, $0x7;
	[sflag:s15] =	ssyncadd.s32 $0xFFFFC000  }
0x108: {  	v8 =	vld [tilespmem:s29+$0x8470]  }
0x109: {  	v9 =	vld [tilespmem:s29+$0xC470]  }
0x10a: {  	v10 =	vld [tilespmem:s29+$0x8670]  }
0x10b: {  	v11 =	vld [tilespmem:s29+$0xC670]  }
0x10c: {  	v12 =	vld [tilespmem:s29+$0x8870]  }
0x10d: {  	v13 =	vld [tilespmem:s29+$0xC870]  }
0x10e: {  	v14 =	vld [tilespmem:s29+$0x8A70]  }
0x10f: {  	v17 =	vld [tilespmem:s29+$0xCA70]  }
0x110: {  	v19 =	vld [tilespmem:s29+$0x8460]  }
0x111: {  	v20 =	vld [tilespmem:s29+$0xC460]  }
0x112: {  	v21 =	vld [tilespmem:s29+$0x8660]  }
0x113: {  	v22 =	vld [tilespmem:s29+$0xC660]  }
0x114: {  	v23 =	vld [tilespmem:s29+$0x8860]  }
0x115: {  	v26 =	vld [tilespmem:s29+$0xC860]  }
0x116: {  	v27 =	vld [tilespmem:s29+$0x8A60]  }
0x117: {  	v33 =	vld [tilespmem:s29+$0xCA60]  }
0x118: {  	v34 =	vld [tilespmem:s29+$0x8450]  }
0x119: {  	v35 =	vld [tilespmem:s29+$0xC450]  }
0x11a: {  	v36 =	vld [tilespmem:s29+$0x8650]  }
0x11b: {  	v37 =	vld [tilespmem:s29+$0xC650]  }
0x11c: {  	v38 =	vld [tilespmem:s29+$0x8850]  }
0x11d: {  	v39 =	vld [tilespmem:s29+$0xC850]  }
0x11e: {  	v40 =	vld [tilespmem:s29+$0x8A50]  }
0x11f: {  	v41 =	vld [tilespmem:s29+$0xCA50]  }
0x120: {  	v42 =	vld [tilespmem:s29+$0x8440]  }
0x121: {  	v43 =	vld [tilespmem:s29+$0xC440]  }
0x122: {  	v44 =	vld [tilespmem:s29+$0x8640]  }
0x123: {  	v45 =	vld [tilespmem:s29+$0xC640]  }
0x124: {  	v46 =	vld [tilespmem:s29+$0x8840]  }
0x125: {  	v47 =	vld [tilespmem:s29+$0xC840]  }
0x126: {  	v48 =	vld [tilespmem:s29+$0x8A40]  }
0x127: {  	v49 =	vld [tilespmem:s29+$0xCA40]  }
0x128: {  	v50 =	vld [tilespmem:s29+$0x8430]  }
0x129: {  	v51 =	vld [tilespmem:s29+$0xC430]  }
0x12a: {  	v52 =	vld [tilespmem:s29+$0x8630]  }
0x12b: {  	v53 =	vld [tilespmem:s29+$0xC630]  }
0x12c: {  	v54 =	vld [tilespmem:s29+$0x8830]  }
0x12d: {  	v55 =	vld [tilespmem:s29+$0xC830]  }
0x12e: {  	v56 =	vld [tilespmem:s29+$0x8A30]  }
0x12f: {  	v57 =	vld [tilespmem:s29+$0xCA30]  }
0x130: {  	v58 =	vld [tilespmem:s29+$0x8420]  }
0x131: {  	v59 =	vld [tilespmem:s29+$0xC420]  }
0x132: {  	v60 =	vld [tilespmem:s29+$0x8620]  }
0x133: {  	v61 =	vld [tilespmem:s29+$0xC620]  }
0x134: {  	v15 =	vld [tilespmem:s29+$0x8820]  }
0x135: {  	v16 =	vld [tilespmem:s29+$0xC820]  }
0x136: {  	v29 =	vld [tilespmem:s29+$0x8400]  }
0x137: {  	v30 =	vld [tilespmem:s29+$0xC400]  }
0x138: {  	v28 =	vld [tilespmem:s29+$0x8410];
	v31 =	vsub.f32 v8, v9;
	v32 =	vsub.f32 v10, v11  }
0x139: {  	v18 =	vld [tilespmem:s29+$0xC410];
	v9 =	vsub.f32 v12, v13;
	v8 =	vsub.f32 v14, v17  }
0x13a: {  	v24 =	vsub.f32 v19, v20;
	v14 =	vld [tilespmem:s29+$0x8600];
	v25 =	vsub.f32 v21, v22  }
0x13b: {  	v20 =	vld [tilespmem:s29+$0xC600];
	v11 =	vsub.f32 v23, v26;
	v10 =	vsub.f32 v27, v33  }
0x13c: {  	v35 =	vsub.f32 v34, v35;
	v17 =	vld [tilespmem:s29+$0x8610];
	v36 =	vsub.f32 v36, v37  }
0x13d: {  	v22 =	vld [tilespmem:s29+$0xC610];
	v13 =	vsub.f32 v38, v39;
	v12 =	vsub.f32 v40, v41  }
0x13e: {  	v39 =	vsub.f32 v42, v43;
	v38 =	vsub.f32 v44, v45;
	v23 =	vld [tilespmem:s29+$0x8800]  }
0x13f: {  	v33 =	vld [tilespmem:s29+$0xC800];
	v21 =	vsub.f32 v46, v47;
	v19 =	vsub.f32 v48, v49  }
0x140: {  	v41 =	vsub.f32 v50, v51;
	v42 =	vsub.f32 v52, v53;
	v34 =	vld [tilespmem:s29+$0x8810]  }
0x141: {  	v37 =	vld [tilespmem:s29+$0xC810];
	v26 =	vsub.f32 v54, v55;
	v27 =	vsub.f32 v56, v57  }
0x142: {  	s31 =	simm.s32 $0x1;
	v43 =	vsub.f32 v58, v59;
	v44 =	vsub.f32 v60, v61;
	v40 =	vld [tilespmem:s29+$0x8A00]  }
.LBB2_4:
0x143: {  	p0 =	sne.s32 s31, $0x1F;
	v29 =	vsub.f32 v29, v30;
	v30 =	vmul.f32 v31, v31;
	v31 =	vmul.f32 v32, v32;
	v32 =	vld [tilespmem:s29+$0xCA00]  }
0x144: {  	v18 =	vsub.f32 v28, v18;
	v28 =	vmul.f32 v24, v24;
	v45 =	vmul.f32 v25, v25;
	s30 =	sadd.s32 $0x4, s30;
	v24 =	vld [tilespmem:s29+$0x8A10]  }
0x145: {  	s1 =	sand.u32 $0x3, s31;
	v35 =	vmul.f32 v35, v35;
	v20 =	vsub.f32 v14, v20;
	v36 =	vmul.f32 v36, v36;
	s4 =	sand.u32 $0x70, s30;
	v25 =	vld [tilespmem:s29+$0xCA10]  }
0x146: {  	v39 =	vmul.f32 v39, v39;
	v22 =	vsub.f32 v17, v22;
	v38 =	vmul.f32 v38, v38;
	s4 =	sor.u32 s1, s4;
	v46 =	vld [tilespmem:s29+$0x8A20]  }
0x147: {  	v41 =	vmul.f32 v41, v41;
	v42 =	vmul.f32 v42, v42;
	v23 =	vsub.f32 v23, v33;
	v33 =	vld [tilespmem:s29+$0xCA20];
	s29 =	sshll.u32 s4, $0x7  }
0x148: {  	v43 =	vmul.f32 v43, v43;
	v44 =	vmul.f32 v44, v44;
	v34 =	vsub.f32 v34, v37;
	v14 =	vld [tilespmem:s29+$0x8470]  }
0x149: {  	v29 =	vmul.f32 v29, v29;
	v37 =	vmul.f32 v18, v18;
	v32 =	vsub.f32 v40, v32;
	v17 =	vld [tilespmem:s29+$0xC470]  }
0x14a: {  	v47 =	vmul.f32 v22, v22;
	v40 =	vmul.f32 v20, v20;
	v18 =	vld [tilespmem:s29+$0x8670];
	v24 =	vsub.f32 v24, v25  }
0x14b: {  	v15 =	vsub.f32 v15, v16;
	v34 =	vmul.f32 v34, v34;
	v25 =	vmul.f32 v23, v23;
	v20 =	vld [tilespmem:s29+$0xC670]  }
0x14c: {  	v16 =	vmul.f32 v32, v32;
	v22 =	vld [tilespmem:s29+$0x8870];
	v32 =	vmul.f32 v24, v24;
	v33 =	vsub.f32 v46, v33  }
0x14d: {  	v15 =	vmul.f32 v15, v15;
	v29 =	vadd.f32 v37, v29;
	v37 =	vadd.f32 v47, v40;
	v23 =	vld [tilespmem:s29+$0xC870]  }
0x14e: {  	v34 =	vadd.f32 v34, v25;
	v24 =	vld [tilespmem:s29+$0x8A70];
	v16 =	vadd.f32 v32, v16;
	v32 =	vmul.f32 v33, v33  }
0x14f: {  	v29 =	vadd.f32 v43, v29;
	v33 =	vadd.f32 v44, v37;
	v37 =	vmul.f32 v26, v26;
	v25 =	vld [tilespmem:s29+$0xCA70]  }
0x150: {  	v15 =	vadd.f32 v15, v34;
	v26 =	vld [tilespmem:s29+$0x8460];
	v16 =	vadd.f32 v32, v16;
	v32 =	vmul.f32 v27, v27  }
0x151: {  	v29 =	vadd.f32 v41, v29;
	v34 =	vmul.f32 v21, v21;
	v33 =	vadd.f32 v42, v33;
	v27 =	vld [tilespmem:s29+$0xC460]  }
0x152: {  	v15 =	vadd.f32 v37, v15;
	v21 =	vld [tilespmem:s29+$0x8660];
	v16 =	vadd.f32 v32, v16;
	v32 =	vmul.f32 v19, v19  }
0x153: {  	v13 =	vmul.f32 v13, v13;
	v29 =	vadd.f32 v39, v29;
	v33 =	vadd.f32 v38, v33;
	v19 =	vld [tilespmem:s29+$0xC660]  }
0x154: {  	v12 =	vmul.f32 v12, v12;
	v15 =	vadd.f32 v34, v15;
	v37 =	vld [tilespmem:s29+$0x8860];
	v16 =	vadd.f32 v32, v16  }
0x155: {  	v11 =	vmul.f32 v11, v11;
	v29 =	vadd.f32 v35, v29;
	v32 =	vadd.f32 v36, v33;
	v34 =	vld [tilespmem:s29+$0xC860]  }
0x156: {  	v10 =	vmul.f32 v10, v10;
	v13 =	vadd.f32 v13, v15;
	v33 =	vld [tilespmem:s29+$0x8A60];
	v12 =	vadd.f32 v12, v16  }
0x157: {  	v9 =	vmul.f32 v9, v9;
	v15 =	vadd.f32 v28, v29;
	v16 =	vadd.f32 v45, v32;
	v35 =	vld [tilespmem:s29+$0xCA60]  }
0x158: {  	v8 =	vmul.f32 v8, v8;
	v11 =	vadd.f32 v11, v13;
	v36 =	vld [tilespmem:s29+$0x8450];
	v10 =	vadd.f32 v10, v12  }
0x159: {  	v13 =	vadd.f32 v30, v15;
	v15 =	vadd.f32 v31, v16;
	v12 =	vld [tilespmem:s29+$0xC450]  }
0x15a: {  	v9 =	vadd.f32 v9, v11;
	v38 =	vld [tilespmem:s29+$0x8650];
	v8 =	vadd.f32 v8, v10  }
0x15b: {  	v39 =	vld [tilespmem:s29+$0xC650]  }
0x15c: {  	v10 =	vsel vm1, v9, v13;
	v40 =	vld [tilespmem:s29+$0x8850];
	v11 =	vsel vm1, v8, v15  }
0x15d: {  	v10 =	vperm.xlane v10, v0;
	v41 =	vld [tilespmem:s29+$0xC850];
	v11 =	vperm.xlane v11, v0  }
0x15e: {  	v9 =	vsel vm1, v13, v9;
	v8 =	vsel vm1, v15, v8;
	v42 =	vld [tilespmem:s29+$0x8A50]  }
0x15f: {  	v9 =	vadd.f32 v10, v9;
	v43 =	vld [tilespmem:s29+$0xCA50];
	v8 =	vadd.f32 v8, v11  }
0x160: {  	v44 =	vld [tilespmem:s29+$0x8440]  }
0x161: {  	v45 =	vld [tilespmem:s29+$0xC440];
	v10 =	vsel vm0, v8, v9  }
0x162: {  	v46 =	vld [tilespmem:s29+$0x8640];
	v10 =	vperm.xlane v10, v1  }
0x163: {  	v8 =	vsel vm0, v9, v8;
	v47 =	vld [tilespmem:s29+$0xC640]  }
0x164: {  	v48 =	vld [tilespmem:s29+$0x8840];
	v8 =	vadd.f32 v8, v10  }
0x165: {  	v49 =	vld [tilespmem:s29+$0xC840]  }
0x166: {  	v50 =	vld [tilespmem:s29+$0x8A40];
	v9 =	vperm.xlane v8, v3  }
0x167: {  	v10 =	vmov s26;
	s26 =	smov.u32 s1;
	v51 =	vld [tilespmem:s29+$0xCA40]  }
0x168: {  	s1 =	sor.u32 $0x80, s28;
	s28 =	smov.u32 s4;
	vm2 =	veq.s32 v10, v5;
	v52 =	vld [tilespmem:s29+$0x8430];
	v8 =	vadd.f32 v8, v9  }
0x169: {  	v9 =	vor.u32 s1, v6;
	v53 =	vld [tilespmem:s29+$0xC430]  }
0x16a: {  	v54 =	vld [tilespmem:s29+$0x8630];
	v10 =	vperm.xlane v8, v4  }
0x16b: {  	v55 =	vld [tilespmem:s29+$0xC630]  }
0x16c: {  	v56 =	vld [tilespmem:s29+$0x8830];
	v8 =	vadd.f32 v8, v10  }
0x16d: {  	v57 =	vld [tilespmem:s29+$0xC830]  }
0x16e: {  	v58 =	vld [tilespmem:s29+$0x8A30];
	[tilespmem:v9+s19+$0x0] =	vst.idx.msk vm2, v8  }
0x16f: {  	v59 =	vld [tilespmem:s29+$0xCA30]  }
0x170: {  	v60 =	vld [tilespmem:s29+$0x8420]  }
0x171: {  	v61 =	vld [tilespmem:s29+$0xC420]  }
0x172: {  	v62 =	vld [tilespmem:s29+$0x8620]  }
0x173: {  	v63 =	vld [tilespmem:s29+$0xC620]  }
0x174: {  	v15 =	vld [tilespmem:s29+$0x8820]  }
0x175: {  	v16 =	vld [tilespmem:s29+$0xC820]  }
0x176: {  	v29 =	vld [tilespmem:s29+$0x8400]  }
0x177: {  	v30 =	vld [tilespmem:s29+$0xC400]  }
0x178: {  	v32 =	vsub.f32 v18, v20;
	v31 =	vsub.f32 v14, v17;
	v28 =	vld [tilespmem:s29+$0x8410]  }
0x179: {  	v9 =	vsub.f32 v22, v23;
	v8 =	vsub.f32 v24, v25;
	v18 =	vld [tilespmem:s29+$0xC410]  }
0x17a: {  	v24 =	vsub.f32 v26, v27;
	v25 =	vsub.f32 v21, v19;
	v14 =	vld [tilespmem:s29+$0x8600]  }
0x17b: {  	v11 =	vsub.f32 v37, v34;
	v10 =	vsub.f32 v33, v35;
	v20 =	vld [tilespmem:s29+$0xC600]  }
0x17c: {  	v35 =	vsub.f32 v36, v12;
	v36 =	vsub.f32 v38, v39;
	v17 =	vld [tilespmem:s29+$0x8610]  }
0x17d: {  	v13 =	vsub.f32 v40, v41;
	v12 =	vsub.f32 v42, v43;
	v22 =	vld [tilespmem:s29+$0xC610]  }
.Ltmp1:
0x17e: {  	v39 =	vsub.f32 v44, v45;
	v38 =	vsub.f32 v46, v47;
	v23 =	vld [tilespmem:s29+$0x8800];
	(pc) =	sbr.rel @p0 .LBB2_4-.Ltmp1, $4  }
0x17f: {  	v21 =	vsub.f32 v48, v49;
	v19 =	vsub.f32 v50, v51;
	v33 =	vld [tilespmem:s29+$0xC800]  }
0x180: {  	v41 =	vsub.f32 v52, v53;
	v42 =	vsub.f32 v54, v55;
	v34 =	vld [tilespmem:s29+$0x8810]  }
0x181: {  	v26 =	vsub.f32 v56, v57;
	v27 =	vsub.f32 v58, v59;
	v37 =	vld [tilespmem:s29+$0xC810]  }
0x182: {  	s31 =	sadd.s32 $0x1, s31;
	v43 =	vsub.f32 v60, v61;
	v44 =	vsub.f32 v62, v63;
	v40 =	vld [tilespmem:s29+$0x8A00]  }
0x183: {  	v29 =	vsub.f32 v29, v30;
	v30 =	vmul.f32 v31, v31  }
0x184: {  	v31 =	vmul.f32 v32, v32;
	v59 =	vld [tilespmem:s29+$0xCA00];
	v24 =	vmul.f32 v24, v24  }
0x185: {  	v18 =	vsub.f32 v28, v18;
	v25 =	vmul.f32 v25, v25;
	v28 =	vld [tilespmem:s29+$0x8A10];
	v35 =	vmul.f32 v35, v35  }
0x186: {  	v14 =	vsub.f32 v14, v20;
	v20 =	vmul.f32 v36, v36;
	v60 =	vld [tilespmem:s29+$0xCA10];
	v39 =	vmul.f32 v39, v39  }
0x187: {  	v17 =	vsub.f32 v17, v22;
	v22 =	vmul.f32 v38, v38;
	v61 =	vld [tilespmem:s29+$0x8A20];
	v41 =	vmul.f32 v41, v41  }
0x188: {  	v42 =	vmul.f32 v42, v42;
	v62 =	vld [tilespmem:s29+$0xCA20];
	v43 =	vmul.f32 v43, v43  }
0x189: {  	v23 =	vsub.f32 v23, v33;
	v44 =	vmul.f32 v44, v44;
	v29 =	vmul.f32 v29, v29  }
0x18a: {  	v18 =	vmul.f32 v18, v18;
	v14 =	vmul.f32 v14, v14;
	v34 =	vsub.f32 v34, v37  }
0x18b: {  	v17 =	vmul.f32 v17, v17;
	v32 =	vsub.f32 v40, v59;
	v28 =	vsub.f32 v28, v60  }
0x18c: {  	v15 =	vsub.f32 v15, v16;
	v23 =	vmul.f32 v23, v23;
	v34 =	vmul.f32 v34, v34  }
0x18d: {  	v63 =	vsub.f32 v61, v62;
	v16 =	vmul.f32 v32, v32;
	v28 =	vmul.f32 v28, v28  }
0x18e: {  	v15 =	vmul.f32 v15, v15;
	v18 =	vadd.f32 v18, v29;
	v14 =	vadd.f32 v17, v14  }
0x18f: {  	v17 =	vadd.f32 v34, v23;
	v23 =	vmul.f32 v63, v63;
	v16 =	vadd.f32 v28, v16  }
0x190: {  	v26 =	vmul.f32 v26, v26;
	v18 =	vadd.f32 v43, v18;
	v14 =	vadd.f32 v44, v14  }
0x191: {  	v15 =	vadd.f32 v15, v17;
	v17 =	vmul.f32 v27, v27;
	v16 =	vadd.f32 v23, v16  }
0x192: {  	v21 =	vmul.f32 v21, v21;
	v18 =	vadd.f32 v41, v18;
	v14 =	vadd.f32 v42, v14  }
0x193: {  	v15 =	vadd.f32 v26, v15;
	v16 =	vadd.f32 v17, v16;
	v17 =	vmul.f32 v19, v19  }
0x194: {  	v13 =	vmul.f32 v13, v13;
	v18 =	vadd.f32 v39, v18;
	v14 =	vadd.f32 v22, v14  }
0x195: {  	v12 =	vmul.f32 v12, v12;
	v15 =	vadd.f32 v21, v15;
	v16 =	vadd.f32 v17, v16  }
0x196: {  	v11 =	vmul.f32 v11, v11;
	v14 =	vadd.f32 v20, v14;
	v17 =	vadd.f32 v35, v18  }
0x197: {  	v10 =	vmul.f32 v10, v10;
	v13 =	vadd.f32 v13, v15;
	v12 =	vadd.f32 v12, v16  }
0x198: {  	v9 =	vmul.f32 v9, v9;
	v14 =	vadd.f32 v25, v14;
	v15 =	vadd.f32 v24, v17  }
0x199: {  	v8 =	vmul.f32 v8, v8;
	v11 =	vadd.f32 v11, v13;
	v10 =	vadd.f32 v10, v12  }
0x19a: {  	v13 =	vadd.f32 v31, v14;
	v12 =	vadd.f32 v30, v15  }
0x19b: {  	v9 =	vadd.f32 v9, v11;
	v8 =	vadd.f32 v8, v10;
	_ =	sdelay $0x1  }
0x19c: {  	v10 =	vsel vm1, v9, v12;
	v11 =	vsel vm1, v8, v13  }
0x19d: {  	v10 =	vperm.xlane v10, v0;
	v11 =	vperm.xlane v11, v0  }
0x19e: {  	v9 =	vsel vm1, v12, v9;
	v8 =	vsel vm1, v13, v8  }
0x19f: {  	v9 =	vadd.f32 v10, v9;
	v8 =	vadd.f32 v8, v11;
	_ =	sdelay $0x1  }
0x1a0: {  	v10 =	vsel vm0, v8, v9  }
0x1a1: {  	v10 =	vperm.xlane v10, v1  }
0x1a2: {  	v8 =	vsel vm0, v9, v8  }
0x1a3: {  	v8 =	vadd.f32 v8, v10;
	_ =	sdelay $0x1  }
0x1a4: {  	v9 =	vperm.xlane v8, v3  }
0x1a5: {  	v10 =	vmov s26  }
0x1a6: {  	s1 =	sor.u32 $0x80, s28;
	vm2 =	veq.s32 v10, v5;
	v8 =	vadd.f32 v8, v9  }
0x1a7: {  	v9 =	vor.u32 s1, v6  }
0x1a8: {  	v10 =	vperm.xlane v8, v4;
	_ =	sdelay $0x1  }
0x1a9: {  	v8 =	vadd.f32 v8, v10;
	_ =	sdelay $0x1  }
0x1aa: {  	[tilespmem:v9+s19+$0x0] =	vst.idx.msk vm2, v8  }
0x1ab: {  	v8 =	vld [tilespmem:$0x10480]  }
0x1ac: {  	v9 =	vld [tilespmem:$0x10490];
	_ =	sdelay $0x3  }
0x1ad: {  	v10 =	vshrl.u32 v8, $0x1;
	v11 =	vmul.f32 $5.000000000e-01, v8  }
0x1ae: {  	v12 =	vshrl.u32 v9, $0x1;
	v13 =	vmul.f32 $5.000000000e-01, v9;
	v10 =	vsub.s32 $0x5F3759DF, v10  }
0x1af: {  	v12 =	vsub.s32 $0x5F3759DF, v12;
	v14 =	vmul.f32 v10, v11  }
0x1b0: {  	v15 =	vmul.f32 v12, v13  }
0x1b1: {  	v16 =	vld [tilespmem:$0x104A0];
	v14 =	vmul.f32 v10, v14  }
0x1b2: {  	v22 =	vld [tilespmem:$0x104D0];
	v15 =	vmul.f32 v12, v15  }
0x1b3: {  	v14 =	vsub.f32 $1.500000000e+00, v14  }
0x1b4: {  	v15 =	vsub.f32 $1.500000000e+00, v15  }
0x1b5: {  	v10 =	vmul.f32 v10, v14  }
0x1b6: {  	v17 =	vmul.f32 $5.000000000e-01, v16;
	v12 =	vmul.f32 v12, v15;
	v14 =	vld [tilespmem:$0x104B0]  }
0x1b7: {  	v23 =	vshrl.u32 v22, $0x1;
	v24 =	vmul.f32 $5.000000000e-01, v22;
	v11 =	vmul.f32 v10, v11  }
0x1b8: {  	v23 =	vsub.s32 $0x5F3759DF, v23;
	v15 =	vshrl.u32 v16, $0x1;
	v13 =	vmul.f32 v12, v13  }
0x1b9: {  	v25 =	vmul.f32 v23, v24;
	v15 =	vsub.s32 $0x5F3759DF, v15;
	v11 =	vmul.f32 v11, v10  }
0x1ba: {  	v18 =	vmul.f32 v15, v17;
	v13 =	vmul.f32 v13, v12  }
0x1bb: {  	v19 =	vshrl.u32 v14, $0x1;
	v20 =	vmul.f32 $5.000000000e-01, v14;
	v11 =	vsub.f32 $1.500000000e+00, v11  }
0x1bc: {  	v18 =	vmul.f32 v15, v18;
	v13 =	vsub.f32 $1.500000000e+00, v13;
	v19 =	vsub.s32 $0x5F3759DF, v19  }
0x1bd: {  	v21 =	vld [tilespmem:$0x104C0];
	v10 =	vmul.f32 v11, v10;
	v11 =	vmul.f32 v19, v20  }
0x1be: {  	v25 =	vmul.f32 v23, v25;
	v12 =	vmul.f32 v13, v12;
	v13 =	vsub.f32 $1.500000000e+00, v18  }
0x1bf: {  	v8 =	vmul.f32 v10, v8;
	v10 =	vmul.f32 v19, v11;
	v11 =	vld [tilespmem:$0x104E0]  }
0x1c0: {  	v9 =	vmul.f32 v12, v9;
	v12 =	vmul.f32 v15, v13;
	v13 =	vld [tilespmem:$0x104F0]  }
0x1c1: {  	v25 =	vsub.f32 $1.500000000e+00, v25;
	v10 =	vsub.f32 $1.500000000e+00, v10  }
0x1c2: {  	v18 =	vmul.f32 $5.000000000e-01, v21;
	v15 =	vshrl.u32 v21, $0x1  }
0x1c3: {  	v23 =	vmul.f32 v23, v25;
	v15 =	vsub.s32 $0x5F3759DF, v15;
	v10 =	vmul.f32 v19, v10  }
0x1c4: {  	v19 =	vmul.f32 v15, v18;
	v26 =	vshrl.u32 v11, $0x1;
	v27 =	vmul.f32 $5.000000000e-01, v11  }
0x1c5: {  	v28 =	vshrl.u32 v13, $0x1;
	v29 =	vmul.f32 $5.000000000e-01, v13;
	v26 =	vsub.s32 $0x5F3759DF, v26  }
0x1c6: {  	v19 =	vmul.f32 v15, v19;
	v28 =	vsub.s32 $0x5F3759DF, v28;
	v30 =	vmul.f32 v26, v27  }
0x1c7: {  	v31 =	vmul.f32 v28, v29  }
0x1c8: {  	v24 =	vmul.f32 v23, v24;
	v19 =	vsub.f32 $1.500000000e+00, v19;
	v30 =	vmul.f32 v26, v30  }
0x1c9: {  	v17 =	vmul.f32 v12, v17;
	v31 =	vmul.f32 v28, v31  }
0x1ca: {  	v24 =	vmul.f32 v24, v23;
	v15 =	vmul.f32 v15, v19;
	v19 =	vsub.f32 $1.500000000e+00, v30  }
0x1cb: {  	v17 =	vmul.f32 v17, v12;
	v20 =	vmul.f32 v10, v20;
	v25 =	vsub.f32 $1.500000000e+00, v31  }
0x1cc: {  	v18 =	vmul.f32 v15, v18;
	v19 =	vmul.f32 v26, v19  }
0x1cd: {  	v8 =	vsub.f32 v7, v8;
	v20 =	vmul.f32 v20, v10;
	v25 =	vmul.f32 v28, v25  }
0x1ce: {  	v17 =	vsub.f32 $1.500000000e+00, v17;
	v18 =	vmul.f32 v18, v15;
	v26 =	vmul.f32 v19, v27  }
0x1cf: {  	v9 =	vsub.f32 v7, v9;
	v20 =	vsub.f32 $1.500000000e+00, v20;
	v27 =	vmul.f32 v25, v29  }
0x1d0: {  	v12 =	vmul.f32 v17, v12;
	v17 =	vsub.f32 $1.500000000e+00, v18;
	v18 =	vmul.f32 v26, v19  }
0x1d1: {  	v10 =	vmul.f32 v20, v10;
	v20 =	vsub.f32 $1.500000000e+00, v24;
	v24 =	vmul.f32 v27, v25  }
0x1d2: {  	v12 =	vmul.f32 v12, v16;
	v15 =	vmul.f32 v17, v15;
	v16 =	vsub.f32 $1.500000000e+00, v18  }
0x1d3: {  	v10 =	vmul.f32 v10, v14;
	v14 =	vmul.f32 v20, v23;
	v17 =	vsub.f32 $1.500000000e+00, v24  }
0x1d4: {  	[tilespmem:$0x10480] =	vst v8;
	v8 =	vsub.f32 v7, v12;
	v12 =	vmul.f32 v15, v21;
	v15 =	vmul.f32 v16, v19  }
0x1d5: {  	[tilespmem:$0x10490] =	vst v9;
	v9 =	vsub.f32 v7, v10;
	v10 =	vmul.f32 v14, v22;
	v14 =	vmul.f32 v17, v25  }
0x1d6: {  	[tilespmem:$0x104A0] =	vst v8;
	v8 =	vsub.f32 v7, v12;
	v11 =	vmul.f32 v15, v11  }
0x1d7: {  	[tilespmem:$0x104B0] =	vst v9;
	v9 =	vsub.f32 v7, v10;
	v10 =	vmul.f32 v14, v13  }
0x1d8: {  	[tilespmem:$0x104C0] =	vst v8;
	v8 =	vsub.f32 v7, v11  }
0x1d9: {  	[tilespmem:$0x104D0] =	vst v9;
	v9 =	vsub.f32 v7, v10  }
0x1da: {  	[tilespmem:$0x104E0] =	vst v8  }
0x1db: {  	[tilespmem:$0x104F0] =	vst v9  }
0x1dc: {  	[tilespmem:s16], [sflag:$0x2] =	stream.indirect.gather [hbm4b:s0+s12], $0x80, s22, s12, $0xb8;
	[tilespmem:$0x10680] =	vst v63  }
0x1dd: {  	_ = 	snop  }
0x1de: {  	[tilespmem:s18], [sflag:$0x2] =	stream.indirect.gather [hbm4b:s0+s12], $0x80, s23, s12, $0xb8;
	[tilespmem:$0x10680] =	vst v63  }
0x1df: {  	_ =	swait.ge [sflag:s11], $0x4000  }
0x1e0: {  	[sflag:s11] =	ssyncset.done $0x0  }
0x1e1: {  	s30 =	simm.s32 $0x0;
	[sflag:s11] =	ssyncadd.s32 $0xFFFFC000  }
0x1e2: {  	s4 =	sand.u32 $0x70, s30;
	s26 =	sand.u32 $0x3, s30;
	_ =	swait.ge [sflag:s11], $0x4000  }
0x1e3: {  	s28 =	sor.u32 s26, s4;
	[sflag:s11] =	ssyncset.done $0x0  }
0x1e4: {  	s29 =	sshll.u32 s28, $0x7;
	[sflag:s11] =	ssyncadd.s32 $0xFFFFC000  }
0x1e5: {  	v8 =	vld [tilespmem:s29+$0x470]  }
0x1e6: {  	v9 =	vld [tilespmem:s29+$0x4470]  }
0x1e7: {  	v10 =	vld [tilespmem:s29+$0x670]  }
0x1e8: {  	v11 =	vld [tilespmem:s29+$0x4670]  }
0x1e9: {  	v12 =	vld [tilespmem:s29+$0x870]  }
0x1ea: {  	v13 =	vld [tilespmem:s29+$0x4870]  }
0x1eb: {  	v14 =	vld [tilespmem:s29+$0xA70]  }
0x1ec: {  	v17 =	vld [tilespmem:s29+$0x4A70]  }
0x1ed: {  	v19 =	vld [tilespmem:s29+$0x460]  }
0x1ee: {  	v20 =	vld [tilespmem:s29+$0x4460]  }
0x1ef: {  	v21 =	vld [tilespmem:s29+$0x660]  }
0x1f0: {  	v22 =	vld [tilespmem:s29+$0x4660]  }
0x1f1: {  	v23 =	vld [tilespmem:s29+$0x860]  }
0x1f2: {  	v26 =	vld [tilespmem:s29+$0x4860]  }
0x1f3: {  	v27 =	vld [tilespmem:s29+$0xA60]  }
0x1f4: {  	v33 =	vld [tilespmem:s29+$0x4A60]  }
0x1f5: {  	v34 =	vld [tilespmem:s29+$0x450]  }
0x1f6: {  	v35 =	vld [tilespmem:s29+$0x4450]  }
0x1f7: {  	v36 =	vld [tilespmem:s29+$0x650]  }
0x1f8: {  	v37 =	vld [tilespmem:s29+$0x4650]  }
0x1f9: {  	v38 =	vld [tilespmem:s29+$0x850]  }
0x1fa: {  	v39 =	vld [tilespmem:s29+$0x4850]  }
0x1fb: {  	v40 =	vld [tilespmem:s29+$0xA50]  }
0x1fc: {  	v41 =	vld [tilespmem:s29+$0x4A50]  }
0x1fd: {  	v42 =	vld [tilespmem:s29+$0x440]  }
0x1fe: {  	v43 =	vld [tilespmem:s29+$0x4440]  }
0x1ff: {  	v44 =	vld [tilespmem:s29+$0x640]  }
0x200: {  	v45 =	vld [tilespmem:s29+$0x4640]  }
0x201: {  	v46 =	vld [tilespmem:s29+$0x840]  }
0x202: {  	v47 =	vld [tilespmem:s29+$0x4840]  }
0x203: {  	v48 =	vld [tilespmem:s29+$0xA40]  }
0x204: {  	v49 =	vld [tilespmem:s29+$0x4A40]  }
0x205: {  	v50 =	vld [tilespmem:s29+$0x430]  }
0x206: {  	v51 =	vld [tilespmem:s29+$0x4430]  }
0x207: {  	v52 =	vld [tilespmem:s29+$0x630]  }
0x208: {  	v53 =	vld [tilespmem:s29+$0x4630]  }
0x209: {  	v54 =	vld [tilespmem:s29+$0x830]  }
0x20a: {  	v55 =	vld [tilespmem:s29+$0x4830]  }
0x20b: {  	v56 =	vld [tilespmem:s29+$0xA30]  }
0x20c: {  	v57 =	vld [tilespmem:s29+$0x4A30]  }
0x20d: {  	v58 =	vld [tilespmem:s29+$0x420]  }
0x20e: {  	v59 =	vld [tilespmem:s29+$0x4420]  }
0x20f: {  	v60 =	vld [tilespmem:s29+$0x620]  }
0x210: {  	v61 =	vld [tilespmem:s29+$0x4620]  }
0x211: {  	v15 =	vld [tilespmem:s29+$0x820]  }
0x212: {  	v16 =	vld [tilespmem:s29+$0x4820]  }
0x213: {  	v29 =	vld [tilespmem:s29+$0x400]  }
0x214: {  	v30 =	vld [tilespmem:s29+$0x4400]  }
0x215: {  	v28 =	vld [tilespmem:s29+$0x410];
	v31 =	vsub.f32 v8, v9;
	v32 =	vsub.f32 v10, v11  }
0x216: {  	v18 =	vld [tilespmem:s29+$0x4410];
	v9 =	vsub.f32 v12, v13;
	v8 =	vsub.f32 v14, v17  }
0x217: {  	v24 =	vsub.f32 v19, v20;
	v14 =	vld [tilespmem:s29+$0x600];
	v25 =	vsub.f32 v21, v22  }
0x218: {  	v20 =	vld [tilespmem:s29+$0x4600];
	v11 =	vsub.f32 v23, v26;
	v10 =	vsub.f32 v27, v33  }
0x219: {  	v35 =	vsub.f32 v34, v35;
	v17 =	vld [tilespmem:s29+$0x610];
	v36 =	vsub.f32 v36, v37  }
0x21a: {  	v22 =	vld [tilespmem:s29+$0x4610];
	v13 =	vsub.f32 v38, v39;
	v12 =	vsub.f32 v40, v41  }
0x21b: {  	v39 =	vsub.f32 v42, v43;
	v38 =	vsub.f32 v44, v45;
	v23 =	vld [tilespmem:s29+$0x800]  }
0x21c: {  	v33 =	vld [tilespmem:s29+$0x4800];
	v21 =	vsub.f32 v46, v47;
	v19 =	vsub.f32 v48, v49  }
0x21d: {  	v41 =	vsub.f32 v50, v51;
	v42 =	vsub.f32 v52, v53;
	v34 =	vld [tilespmem:s29+$0x810]  }
0x21e: {  	v37 =	vld [tilespmem:s29+$0x4810];
	v26 =	vsub.f32 v54, v55;
	v27 =	vsub.f32 v56, v57  }
0x21f: {  	s31 =	simm.s32 $0x1;
	v43 =	vsub.f32 v58, v59;
	v44 =	vsub.f32 v60, v61;
	v40 =	vld [tilespmem:s29+$0xA00]  }
.LBB2_6:
0x220: {  	p0 =	sne.s32 s31, $0x1F;
	v29 =	vsub.f32 v29, v30;
	v30 =	vmul.f32 v31, v31;
	v31 =	vmul.f32 v32, v32;
	v32 =	vld [tilespmem:s29+$0x4A00]  }
0x221: {  	v18 =	vsub.f32 v28, v18;
	v28 =	vmul.f32 v24, v24;
	v45 =	vmul.f32 v25, v25;
	s30 =	sadd.s32 $0x4, s30;
	v24 =	vld [tilespmem:s29+$0xA10]  }
0x222: {  	s1 =	sand.u32 $0x3, s31;
	v35 =	vmul.f32 v35, v35;
	v20 =	vsub.f32 v14, v20;
	v36 =	vmul.f32 v36, v36;
	s4 =	sand.u32 $0x70, s30;
	v25 =	vld [tilespmem:s29+$0x4A10]  }
0x223: {  	v39 =	vmul.f32 v39, v39;
	v22 =	vsub.f32 v17, v22;
	v38 =	vmul.f32 v38, v38;
	s4 =	sor.u32 s1, s4;
	v46 =	vld [tilespmem:s29+$0xA20]  }
0x224: {  	v41 =	vmul.f32 v41, v41;
	v42 =	vmul.f32 v42, v42;
	v23 =	vsub.f32 v23, v33;
	v33 =	vld [tilespmem:s29+$0x4A20];
	s29 =	sshll.u32 s4, $0x7  }
0x225: {  	v43 =	vmul.f32 v43, v43;
	v44 =	vmul.f32 v44, v44;
	v34 =	vsub.f32 v34, v37;
	v14 =	vld [tilespmem:s29+$0x470]  }
0x226: {  	v29 =	vmul.f32 v29, v29;
	v37 =	vmul.f32 v18, v18;
	v32 =	vsub.f32 v40, v32;
	v17 =	vld [tilespmem:s29+$0x4470]  }
0x227: {  	v47 =	vmul.f32 v22, v22;
	v40 =	vmul.f32 v20, v20;
	v18 =	vld [tilespmem:s29+$0x670];
	v24 =	vsub.f32 v24, v25  }
0x228: {  	v15 =	vsub.f32 v15, v16;
	v34 =	vmul.f32 v34, v34;
	v25 =	vmul.f32 v23, v23;
	v20 =	vld [tilespmem:s29+$0x4670]  }
0x229: {  	v16 =	vmul.f32 v32, v32;
	v22 =	vld [tilespmem:s29+$0x870];
	v32 =	vmul.f32 v24, v24;
	v33 =	vsub.f32 v46, v33  }
0x22a: {  	v15 =	vmul.f32 v15, v15;
	v29 =	vadd.f32 v37, v29;
	v37 =	vadd.f32 v47, v40;
	v23 =	vld [tilespmem:s29+$0x4870]  }
0x22b: {  	v34 =	vadd.f32 v34, v25;
	v24 =	vld [tilespmem:s29+$0xA70];
	v16 =	vadd.f32 v32, v16;
	v32 =	vmul.f32 v33, v33  }
0x22c: {  	v29 =	vadd.f32 v43, v29;
	v33 =	vadd.f32 v44, v37;
	v37 =	vmul.f32 v26, v26;
	v25 =	vld [tilespmem:s29+$0x4A70]  }
0x22d: {  	v15 =	vadd.f32 v15, v34;
	v26 =	vld [tilespmem:s29+$0x460];
	v16 =	vadd.f32 v32, v16;
	v32 =	vmul.f32 v27, v27  }
0x22e: {  	v29 =	vadd.f32 v41, v29;
	v34 =	vmul.f32 v21, v21;
	v33 =	vadd.f32 v42, v33;
	v27 =	vld [tilespmem:s29+$0x4460]  }
0x22f: {  	v15 =	vadd.f32 v37, v15;
	v21 =	vld [tilespmem:s29+$0x660];
	v16 =	vadd.f32 v32, v16;
	v32 =	vmul.f32 v19, v19  }
0x230: {  	v13 =	vmul.f32 v13, v13;
	v29 =	vadd.f32 v39, v29;
	v33 =	vadd.f32 v38, v33;
	v19 =	vld [tilespmem:s29+$0x4660]  }
0x231: {  	v12 =	vmul.f32 v12, v12;
	v15 =	vadd.f32 v34, v15;
	v37 =	vld [tilespmem:s29+$0x860];
	v16 =	vadd.f32 v32, v16  }
0x232: {  	v11 =	vmul.f32 v11, v11;
	v29 =	vadd.f32 v35, v29;
	v32 =	vadd.f32 v36, v33;
	v34 =	vld [tilespmem:s29+$0x4860]  }
0x233: {  	v10 =	vmul.f32 v10, v10;
	v13 =	vadd.f32 v13, v15;
	v33 =	vld [tilespmem:s29+$0xA60];
	v12 =	vadd.f32 v12, v16  }
0x234: {  	v9 =	vmul.f32 v9, v9;
	v15 =	vadd.f32 v28, v29;
	v16 =	vadd.f32 v45, v32;
	v35 =	vld [tilespmem:s29+$0x4A60]  }
0x235: {  	v8 =	vmul.f32 v8, v8;
	v11 =	vadd.f32 v11, v13;
	v36 =	vld [tilespmem:s29+$0x450];
	v10 =	vadd.f32 v10, v12  }
0x236: {  	v13 =	vadd.f32 v30, v15;
	v15 =	vadd.f32 v31, v16;
	v12 =	vld [tilespmem:s29+$0x4450]  }
0x237: {  	v9 =	vadd.f32 v9, v11;
	v38 =	vld [tilespmem:s29+$0x650];
	v8 =	vadd.f32 v8, v10  }
0x238: {  	v39 =	vld [tilespmem:s29+$0x4650]  }
0x239: {  	v10 =	vsel vm1, v9, v13;
	v40 =	vld [tilespmem:s29+$0x850];
	v11 =	vsel vm1, v8, v15  }
0x23a: {  	v10 =	vperm.xlane v10, v0;
	v41 =	vld [tilespmem:s29+$0x4850];
	v11 =	vperm.xlane v11, v0  }
0x23b: {  	v9 =	vsel vm1, v13, v9;
	v8 =	vsel vm1, v15, v8;
	v42 =	vld [tilespmem:s29+$0xA50]  }
0x23c: {  	v9 =	vadd.f32 v10, v9;
	v43 =	vld [tilespmem:s29+$0x4A50];
	v8 =	vadd.f32 v8, v11  }
0x23d: {  	v44 =	vld [tilespmem:s29+$0x440]  }
0x23e: {  	v45 =	vld [tilespmem:s29+$0x4440];
	v10 =	vsel vm0, v8, v9  }
0x23f: {  	v46 =	vld [tilespmem:s29+$0x640];
	v10 =	vperm.xlane v10, v1  }
0x240: {  	v8 =	vsel vm0, v9, v8;
	v47 =	vld [tilespmem:s29+$0x4640]  }
0x241: {  	v48 =	vld [tilespmem:s29+$0x840];
	v8 =	vadd.f32 v8, v10  }
0x242: {  	v49 =	vld [tilespmem:s29+$0x4840]  }
0x243: {  	v50 =	vld [tilespmem:s29+$0xA40];
	v9 =	vperm.xlane v8, v3  }
0x244: {  	v10 =	vmov s26;
	s26 =	smov.u32 s1;
	v51 =	vld [tilespmem:s29+$0x4A40]  }
0x245: {  	s1 =	sor.u32 $0x100, s28;
	s28 =	smov.u32 s4;
	vm2 =	veq.s32 v10, v5;
	v52 =	vld [tilespmem:s29+$0x430];
	v8 =	vadd.f32 v8, v9  }
0x246: {  	v9 =	vor.u32 s1, v6;
	v53 =	vld [tilespmem:s29+$0x4430]  }
0x247: {  	v54 =	vld [tilespmem:s29+$0x630];
	v10 =	vperm.xlane v8, v4  }
0x248: {  	v55 =	vld [tilespmem:s29+$0x4630]  }
0x249: {  	v56 =	vld [tilespmem:s29+$0x830];
	v8 =	vadd.f32 v8, v10  }
0x24a: {  	v57 =	vld [tilespmem:s29+$0x4830]  }
0x24b: {  	v58 =	vld [tilespmem:s29+$0xA30];
	[tilespmem:v9+s19+$0x0] =	vst.idx.msk vm2, v8  }
0x24c: {  	v59 =	vld [tilespmem:s29+$0x4A30]  }
0x24d: {  	v60 =	vld [tilespmem:s29+$0x420]  }
0x24e: {  	v61 =	vld [tilespmem:s29+$0x4420]  }
0x24f: {  	v62 =	vld [tilespmem:s29+$0x620]  }
0x250: {  	v63 =	vld [tilespmem:s29+$0x4620]  }
0x251: {  	v15 =	vld [tilespmem:s29+$0x820]  }
0x252: {  	v16 =	vld [tilespmem:s29+$0x4820]  }
0x253: {  	v29 =	vld [tilespmem:s29+$0x400]  }
0x254: {  	v30 =	vld [tilespmem:s29+$0x4400]  }
0x255: {  	v32 =	vsub.f32 v18, v20;
	v31 =	vsub.f32 v14, v17;
	v28 =	vld [tilespmem:s29+$0x410]  }
0x256: {  	v9 =	vsub.f32 v22, v23;
	v8 =	vsub.f32 v24, v25;
	v18 =	vld [tilespmem:s29+$0x4410]  }
0x257: {  	v24 =	vsub.f32 v26, v27;
	v25 =	vsub.f32 v21, v19;
	v14 =	vld [tilespmem:s29+$0x600]  }
0x258: {  	v11 =	vsub.f32 v37, v34;
	v10 =	vsub.f32 v33, v35;
	v20 =	vld [tilespmem:s29+$0x4600]  }
0x259: {  	v35 =	vsub.f32 v36, v12;
	v36 =	vsub.f32 v38, v39;
	v17 =	vld [tilespmem:s29+$0x610]  }
0x25a: {  	v13 =	vsub.f32 v40, v41;
	v12 =	vsub.f32 v42, v43;
	v22 =	vld [tilespmem:s29+$0x4610]  }
.Ltmp2:
0x25b: {  	v39 =	vsub.f32 v44, v45;
	v38 =	vsub.f32 v46, v47;
	v23 =	vld [tilespmem:s29+$0x800];
	(pc) =	sbr.rel @p0 .LBB2_6-.Ltmp2, $4  }
0x25c: {  	v21 =	vsub.f32 v48, v49;
	v19 =	vsub.f32 v50, v51;
	v33 =	vld [tilespmem:s29+$0x4800]  }
0x25d: {  	v41 =	vsub.f32 v52, v53;
	v42 =	vsub.f32 v54, v55;
	v34 =	vld [tilespmem:s29+$0x810]  }
0x25e: {  	v26 =	vsub.f32 v56, v57;
	v27 =	vsub.f32 v58, v59;
	v37 =	vld [tilespmem:s29+$0x4810]  }
0x25f: {  	s31 =	sadd.s32 $0x1, s31;
	v43 =	vsub.f32 v60, v61;
	v44 =	vsub.f32 v62, v63;
	v40 =	vld [tilespmem:s29+$0xA00]  }
0x260: {  	v29 =	vsub.f32 v29, v30;
	v30 =	vmul.f32 v31, v31  }
0x261: {  	v31 =	vmul.f32 v32, v32;
	v59 =	vld [tilespmem:s29+$0x4A00];
	v24 =	vmul.f32 v24, v24  }
0x262: {  	v18 =	vsub.f32 v28, v18;
	v25 =	vmul.f32 v25, v25;
	v28 =	vld [tilespmem:s29+$0xA10];
	v35 =	vmul.f32 v35, v35  }
0x263: {  	v14 =	vsub.f32 v14, v20;
	v20 =	vmul.f32 v36, v36;
	v60 =	vld [tilespmem:s29+$0x4A10];
	v39 =	vmul.f32 v39, v39  }
0x264: {  	v17 =	vsub.f32 v17, v22;
	v22 =	vmul.f32 v38, v38;
	v61 =	vld [tilespmem:s29+$0xA20];
	v41 =	vmul.f32 v41, v41  }
0x265: {  	v42 =	vmul.f32 v42, v42;
	v62 =	vld [tilespmem:s29+$0x4A20];
	v43 =	vmul.f32 v43, v43  }
0x266: {  	v23 =	vsub.f32 v23, v33;
	v44 =	vmul.f32 v44, v44;
	v29 =	vmul.f32 v29, v29  }
0x267: {  	v18 =	vmul.f32 v18, v18;
	v14 =	vmul.f32 v14, v14;
	v34 =	vsub.f32 v34, v37  }
0x268: {  	v17 =	vmul.f32 v17, v17;
	v32 =	vsub.f32 v40, v59;
	v28 =	vsub.f32 v28, v60  }
0x269: {  	v15 =	vsub.f32 v15, v16;
	v23 =	vmul.f32 v23, v23;
	v34 =	vmul.f32 v34, v34  }
0x26a: {  	v63 =	vsub.f32 v61, v62;
	v16 =	vmul.f32 v32, v32;
	v28 =	vmul.f32 v28, v28  }
0x26b: {  	v15 =	vmul.f32 v15, v15;
	v18 =	vadd.f32 v18, v29;
	v14 =	vadd.f32 v17, v14  }
0x26c: {  	v17 =	vadd.f32 v34, v23;
	v23 =	vmul.f32 v63, v63;
	v16 =	vadd.f32 v28, v16  }
0x26d: {  	v26 =	vmul.f32 v26, v26;
	v18 =	vadd.f32 v43, v18;
	v14 =	vadd.f32 v44, v14  }
0x26e: {  	v15 =	vadd.f32 v15, v17;
	v17 =	vmul.f32 v27, v27;
	v16 =	vadd.f32 v23, v16  }
0x26f: {  	v21 =	vmul.f32 v21, v21;
	v18 =	vadd.f32 v41, v18;
	v14 =	vadd.f32 v42, v14  }
0x270: {  	v15 =	vadd.f32 v26, v15;
	v16 =	vadd.f32 v17, v16;
	v17 =	vmul.f32 v19, v19  }
0x271: {  	v13 =	vmul.f32 v13, v13;
	v18 =	vadd.f32 v39, v18;
	v14 =	vadd.f32 v22, v14  }
0x272: {  	v12 =	vmul.f32 v12, v12;
	v15 =	vadd.f32 v21, v15;
	v16 =	vadd.f32 v17, v16  }
0x273: {  	v11 =	vmul.f32 v11, v11;
	v14 =	vadd.f32 v20, v14;
	v17 =	vadd.f32 v35, v18  }
0x274: {  	v10 =	vmul.f32 v10, v10;
	v13 =	vadd.f32 v13, v15;
	v12 =	vadd.f32 v12, v16  }
0x275: {  	v9 =	vmul.f32 v9, v9;
	v14 =	vadd.f32 v25, v14;
	v15 =	vadd.f32 v24, v17  }
0x276: {  	v8 =	vmul.f32 v8, v8;
	v11 =	vadd.f32 v11, v13;
	v10 =	vadd.f32 v10, v12  }
0x277: {  	v13 =	vadd.f32 v31, v14;
	v12 =	vadd.f32 v30, v15  }
0x278: {  	v9 =	vadd.f32 v9, v11;
	v8 =	vadd.f32 v8, v10;
	_ =	sdelay $0x1  }
0x279: {  	v10 =	vsel vm1, v9, v12;
	v11 =	vsel vm1, v8, v13  }
0x27a: {  	v10 =	vperm.xlane v10, v0;
	v11 =	vperm.xlane v11, v0  }
0x27b: {  	v9 =	vsel vm1, v12, v9;
	v8 =	vsel vm1, v13, v8  }
0x27c: {  	v9 =	vadd.f32 v10, v9;
	v8 =	vadd.f32 v8, v11;
	_ =	sdelay $0x1  }
0x27d: {  	v10 =	vsel vm0, v8, v9  }
0x27e: {  	v10 =	vperm.xlane v10, v1  }
0x27f: {  	v8 =	vsel vm0, v9, v8  }
0x280: {  	v8 =	vadd.f32 v8, v10;
	_ =	sdelay $0x1  }
0x281: {  	v9 =	vperm.xlane v8, v3  }
0x282: {  	v10 =	vmov s26  }
0x283: {  	s1 =	sor.u32 $0x100, s28;
	vm2 =	veq.s32 v10, v5;
	v8 =	vadd.f32 v8, v9  }
0x284: {  	v9 =	vor.u32 s1, v6  }
0x285: {  	v10 =	vperm.xlane v8, v4;
	_ =	sdelay $0x1  }
0x286: {  	v8 =	vadd.f32 v8, v10;
	_ =	sdelay $0x1  }
0x287: {  	[tilespmem:v9+s19+$0x0] =	vst.idx.msk vm2, v8  }
0x288: {  	v8 =	vld [tilespmem:$0x10500]  }
0x289: {  	v9 =	vld [tilespmem:$0x10510];
	_ =	sdelay $0x3  }
0x28a: {  	v10 =	vshrl.u32 v8, $0x1;
	v11 =	vmul.f32 $5.000000000e-01, v8  }
0x28b: {  	v12 =	vshrl.u32 v9, $0x1;
	v13 =	vmul.f32 $5.000000000e-01, v9;
	v10 =	vsub.s32 $0x5F3759DF, v10  }
0x28c: {  	v12 =	vsub.s32 $0x5F3759DF, v12;
	v14 =	vmul.f32 v10, v11  }
0x28d: {  	v15 =	vmul.f32 v12, v13  }
0x28e: {  	v16 =	vld [tilespmem:$0x10520];
	v14 =	vmul.f32 v10, v14  }
0x28f: {  	v22 =	vld [tilespmem:$0x10550];
	v15 =	vmul.f32 v12, v15  }
0x290: {  	v14 =	vsub.f32 $1.500000000e+00, v14  }
0x291: {  	v15 =	vsub.f32 $1.500000000e+00, v15  }
0x292: {  	v10 =	vmul.f32 v10, v14  }
0x293: {  	v17 =	vmul.f32 $5.000000000e-01, v16;
	v12 =	vmul.f32 v12, v15;
	v14 =	vld [tilespmem:$0x10530]  }
0x294: {  	v23 =	vshrl.u32 v22, $0x1;
	v24 =	vmul.f32 $5.000000000e-01, v22;
	v11 =	vmul.f32 v10, v11  }
0x295: {  	v23 =	vsub.s32 $0x5F3759DF, v23;
	v15 =	vshrl.u32 v16, $0x1;
	v13 =	vmul.f32 v12, v13  }
0x296: {  	v25 =	vmul.f32 v23, v24;
	v15 =	vsub.s32 $0x5F3759DF, v15;
	v11 =	vmul.f32 v11, v10  }
0x297: {  	v18 =	vmul.f32 v15, v17;
	v13 =	vmul.f32 v13, v12  }
0x298: {  	v19 =	vshrl.u32 v14, $0x1;
	v20 =	vmul.f32 $5.000000000e-01, v14;
	v11 =	vsub.f32 $1.500000000e+00, v11  }
0x299: {  	v18 =	vmul.f32 v15, v18;
	v13 =	vsub.f32 $1.500000000e+00, v13;
	v19 =	vsub.s32 $0x5F3759DF, v19  }
0x29a: {  	v21 =	vld [tilespmem:$0x10540];
	v10 =	vmul.f32 v11, v10;
	v11 =	vmul.f32 v19, v20  }
0x29b: {  	v25 =	vmul.f32 v23, v25;
	v12 =	vmul.f32 v13, v12;
	v13 =	vsub.f32 $1.500000000e+00, v18  }
0x29c: {  	v8 =	vmul.f32 v10, v8;
	v10 =	vmul.f32 v19, v11;
	v11 =	vld [tilespmem:$0x10560]  }
0x29d: {  	v9 =	vmul.f32 v12, v9;
	v12 =	vmul.f32 v15, v13;
	v13 =	vld [tilespmem:$0x10570]  }
0x29e: {  	v25 =	vsub.f32 $1.500000000e+00, v25;
	v10 =	vsub.f32 $1.500000000e+00, v10  }
0x29f: {  	v18 =	vmul.f32 $5.000000000e-01, v21;
	v15 =	vshrl.u32 v21, $0x1  }
0x2a0: {  	v23 =	vmul.f32 v23, v25;
	v15 =	vsub.s32 $0x5F3759DF, v15;
	v10 =	vmul.f32 v19, v10  }
0x2a1: {  	v19 =	vmul.f32 v15, v18;
	v26 =	vshrl.u32 v11, $0x1;
	v27 =	vmul.f32 $5.000000000e-01, v11  }
0x2a2: {  	v28 =	vshrl.u32 v13, $0x1;
	v29 =	vmul.f32 $5.000000000e-01, v13;
	v26 =	vsub.s32 $0x5F3759DF, v26  }
0x2a3: {  	v19 =	vmul.f32 v15, v19;
	v28 =	vsub.s32 $0x5F3759DF, v28;
	v30 =	vmul.f32 v26, v27  }
0x2a4: {  	v31 =	vmul.f32 v28, v29  }
0x2a5: {  	v24 =	vmul.f32 v23, v24;
	v19 =	vsub.f32 $1.500000000e+00, v19;
	v30 =	vmul.f32 v26, v30  }
0x2a6: {  	v17 =	vmul.f32 v12, v17;
	v31 =	vmul.f32 v28, v31  }
0x2a7: {  	v24 =	vmul.f32 v24, v23;
	v15 =	vmul.f32 v15, v19;
	v19 =	vsub.f32 $1.500000000e+00, v30  }
0x2a8: {  	v17 =	vmul.f32 v17, v12;
	v20 =	vmul.f32 v10, v20;
	v25 =	vsub.f32 $1.500000000e+00, v31  }
0x2a9: {  	v18 =	vmul.f32 v15, v18;
	v19 =	vmul.f32 v26, v19  }
0x2aa: {  	v8 =	vsub.f32 v7, v8;
	v20 =	vmul.f32 v20, v10;
	v25 =	vmul.f32 v28, v25  }
0x2ab: {  	v17 =	vsub.f32 $1.500000000e+00, v17;
	v18 =	vmul.f32 v18, v15;
	v26 =	vmul.f32 v19, v27  }
0x2ac: {  	v9 =	vsub.f32 v7, v9;
	v20 =	vsub.f32 $1.500000000e+00, v20;
	v27 =	vmul.f32 v25, v29  }
0x2ad: {  	v12 =	vmul.f32 v17, v12;
	v17 =	vsub.f32 $1.500000000e+00, v18;
	v18 =	vmul.f32 v26, v19  }
0x2ae: {  	v10 =	vmul.f32 v20, v10;
	v20 =	vsub.f32 $1.500000000e+00, v24;
	v24 =	vmul.f32 v27, v25  }
0x2af: {  	v12 =	vmul.f32 v12, v16;
	v15 =	vmul.f32 v17, v15;
	v16 =	vsub.f32 $1.500000000e+00, v18  }
0x2b0: {  	v10 =	vmul.f32 v10, v14;
	v14 =	vmul.f32 v20, v23;
	v17 =	vsub.f32 $1.500000000e+00, v24  }
0x2b1: {  	[tilespmem:$0x10500] =	vst v8;
	v8 =	vsub.f32 v7, v12;
	v12 =	vmul.f32 v15, v21;
	v15 =	vmul.f32 v16, v19  }
0x2b2: {  	[tilespmem:$0x10510] =	vst v9;
	v9 =	vsub.f32 v7, v10;
	v10 =	vmul.f32 v14, v22;
	v14 =	vmul.f32 v17, v25  }
0x2b3: {  	[tilespmem:$0x10520] =	vst v8;
	v8 =	vsub.f32 v7, v12;
	v11 =	vmul.f32 v15, v11  }
0x2b4: {  	[tilespmem:$0x10530] =	vst v9;
	v9 =	vsub.f32 v7, v10;
	v10 =	vmul.f32 v14, v13  }
0x2b5: {  	[tilespmem:$0x10540] =	vst v8;
	v8 =	vsub.f32 v7, v11  }
0x2b6: {  	[tilespmem:$0x10550] =	vst v9;
	v9 =	vsub.f32 v7, v10  }
0x2b7: {  	[tilespmem:$0x10560] =	vst v8  }
0x2b8: {  	[tilespmem:$0x10570] =	vst v9  }
0x2b9: {  	_ =	swait.ge [sflag:s15], $0x4000  }
0x2ba: {  	[sflag:s15] =	ssyncset.done $0x0  }
0x2bb: {  	s30 =	simm.s32 $0x0;
	[sflag:s15] =	ssyncadd.s32 $0xFFFFC000  }
0x2bc: {  	s4 =	sand.u32 $0x70, s30;
	s26 =	sand.u32 $0x3, s30;
	_ =	swait.ge [sflag:s15], $0x4000  }
0x2bd: {  	s28 =	sor.u32 s26, s4;
	[sflag:s15] =	ssyncset.done $0x0  }
0x2be: {  	s29 =	sshll.u32 s28, $0x7;
	[sflag:s15] =	ssyncadd.s32 $0xFFFFC000  }
0x2bf: {  	v8 =	vld [tilespmem:s29+$0x8470]  }
0x2c0: {  	v9 =	vld [tilespmem:s29+$0xC470]  }
0x2c1: {  	v10 =	vld [tilespmem:s29+$0x8670]  }
0x2c2: {  	v11 =	vld [tilespmem:s29+$0xC670]  }
0x2c3: {  	v12 =	vld [tilespmem:s29+$0x8870]  }
0x2c4: {  	v13 =	vld [tilespmem:s29+$0xC870]  }
0x2c5: {  	v14 =	vld [tilespmem:s29+$0x8A70]  }
0x2c6: {  	v17 =	vld [tilespmem:s29+$0xCA70]  }
0x2c7: {  	v19 =	vld [tilespmem:s29+$0x8460]  }
0x2c8: {  	v20 =	vld [tilespmem:s29+$0xC460]  }
0x2c9: {  	v21 =	vld [tilespmem:s29+$0x8660]  }
0x2ca: {  	v22 =	vld [tilespmem:s29+$0xC660]  }
0x2cb: {  	v23 =	vld [tilespmem:s29+$0x8860]  }
0x2cc: {  	v26 =	vld [tilespmem:s29+$0xC860]  }
0x2cd: {  	v27 =	vld [tilespmem:s29+$0x8A60]  }
0x2ce: {  	v33 =	vld [tilespmem:s29+$0xCA60]  }
0x2cf: {  	v34 =	vld [tilespmem:s29+$0x8450]  }
0x2d0: {  	v35 =	vld [tilespmem:s29+$0xC450]  }
0x2d1: {  	v36 =	vld [tilespmem:s29+$0x8650]  }
0x2d2: {  	v37 =	vld [tilespmem:s29+$0xC650]  }
0x2d3: {  	v38 =	vld [tilespmem:s29+$0x8850]  }
0x2d4: {  	v39 =	vld [tilespmem:s29+$0xC850]  }
0x2d5: {  	v40 =	vld [tilespmem:s29+$0x8A50]  }
0x2d6: {  	v41 =	vld [tilespmem:s29+$0xCA50]  }
0x2d7: {  	v42 =	vld [tilespmem:s29+$0x8440]  }
0x2d8: {  	v43 =	vld [tilespmem:s29+$0xC440]  }
0x2d9: {  	v44 =	vld [tilespmem:s29+$0x8640]  }
0x2da: {  	v45 =	vld [tilespmem:s29+$0xC640]  }
0x2db: {  	v46 =	vld [tilespmem:s29+$0x8840]  }
0x2dc: {  	v47 =	vld [tilespmem:s29+$0xC840]  }
0x2dd: {  	v48 =	vld [tilespmem:s29+$0x8A40]  }
0x2de: {  	v49 =	vld [tilespmem:s29+$0xCA40]  }
0x2df: {  	v50 =	vld [tilespmem:s29+$0x8430]  }
0x2e0: {  	v51 =	vld [tilespmem:s29+$0xC430]  }
0x2e1: {  	v52 =	vld [tilespmem:s29+$0x8630]  }
0x2e2: {  	v53 =	vld [tilespmem:s29+$0xC630]  }
0x2e3: {  	v54 =	vld [tilespmem:s29+$0x8830]  }
0x2e4: {  	v55 =	vld [tilespmem:s29+$0xC830]  }
0x2e5: {  	v56 =	vld [tilespmem:s29+$0x8A30]  }
0x2e6: {  	v57 =	vld [tilespmem:s29+$0xCA30]  }
0x2e7: {  	v58 =	vld [tilespmem:s29+$0x8420]  }
0x2e8: {  	v59 =	vld [tilespmem:s29+$0xC420]  }
0x2e9: {  	v60 =	vld [tilespmem:s29+$0x8620]  }
0x2ea: {  	v61 =	vld [tilespmem:s29+$0xC620]  }
0x2eb: {  	v15 =	vld [tilespmem:s29+$0x8820]  }
0x2ec: {  	v16 =	vld [tilespmem:s29+$0xC820]  }
0x2ed: {  	v29 =	vld [tilespmem:s29+$0x8400]  }
0x2ee: {  	v30 =	vld [tilespmem:s29+$0xC400]  }
0x2ef: {  	v28 =	vld [tilespmem:s29+$0x8410];
	v31 =	vsub.f32 v8, v9;
	v32 =	vsub.f32 v10, v11  }
0x2f0: {  	v18 =	vld [tilespmem:s29+$0xC410];
	v9 =	vsub.f32 v12, v13;
	v8 =	vsub.f32 v14, v17  }
0x2f1: {  	v24 =	vsub.f32 v19, v20;
	v14 =	vld [tilespmem:s29+$0x8600];
	v25 =	vsub.f32 v21, v22  }
0x2f2: {  	v20 =	vld [tilespmem:s29+$0xC600];
	v11 =	vsub.f32 v23, v26;
	v10 =	vsub.f32 v27, v33  }
0x2f3: {  	v35 =	vsub.f32 v34, v35;
	v17 =	vld [tilespmem:s29+$0x8610];
	v36 =	vsub.f32 v36, v37  }
0x2f4: {  	v22 =	vld [tilespmem:s29+$0xC610];
	v13 =	vsub.f32 v38, v39;
	v12 =	vsub.f32 v40, v41  }
0x2f5: {  	v39 =	vsub.f32 v42, v43;
	v38 =	vsub.f32 v44, v45;
	v23 =	vld [tilespmem:s29+$0x8800]  }
0x2f6: {  	v33 =	vld [tilespmem:s29+$0xC800];
	v21 =	vsub.f32 v46, v47;
	v19 =	vsub.f32 v48, v49  }
0x2f7: {  	v41 =	vsub.f32 v50, v51;
	v42 =	vsub.f32 v52, v53;
	v34 =	vld [tilespmem:s29+$0x8810]  }
0x2f8: {  	v37 =	vld [tilespmem:s29+$0xC810];
	v26 =	vsub.f32 v54, v55;
	v27 =	vsub.f32 v56, v57  }
0x2f9: {  	s31 =	simm.s32 $0x1;
	v43 =	vsub.f32 v58, v59;
	v44 =	vsub.f32 v60, v61;
	v40 =	vld [tilespmem:s29+$0x8A00]  }
.LBB2_8:
0x2fa: {  	p0 =	sne.s32 s31, $0x1F;
	v29 =	vsub.f32 v29, v30;
	v30 =	vmul.f32 v31, v31;
	v31 =	vmul.f32 v32, v32;
	v32 =	vld [tilespmem:s29+$0xCA00]  }
0x2fb: {  	v18 =	vsub.f32 v28, v18;
	v28 =	vmul.f32 v24, v24;
	v45 =	vmul.f32 v25, v25;
	s30 =	sadd.s32 $0x4, s30;
	v24 =	vld [tilespmem:s29+$0x8A10]  }
0x2fc: {  	s1 =	sand.u32 $0x3, s31;
	v35 =	vmul.f32 v35, v35;
	v20 =	vsub.f32 v14, v20;
	v36 =	vmul.f32 v36, v36;
	s4 =	sand.u32 $0x70, s30;
	v25 =	vld [tilespmem:s29+$0xCA10]  }
0x2fd: {  	v39 =	vmul.f32 v39, v39;
	v22 =	vsub.f32 v17, v22;
	v38 =	vmul.f32 v38, v38;
	s4 =	sor.u32 s1, s4;
	v46 =	vld [tilespmem:s29+$0x8A20]  }
0x2fe: {  	v41 =	vmul.f32 v41, v41;
	v42 =	vmul.f32 v42, v42;
	v23 =	vsub.f32 v23, v33;
	v33 =	vld [tilespmem:s29+$0xCA20];
	s29 =	sshll.u32 s4, $0x7  }
0x2ff: {  	v43 =	vmul.f32 v43, v43;
	v44 =	vmul.f32 v44, v44;
	v34 =	vsub.f32 v34, v37;
	v14 =	vld [tilespmem:s29+$0x8470]  }
0x300: {  	v29 =	vmul.f32 v29, v29;
	v37 =	vmul.f32 v18, v18;
	v32 =	vsub.f32 v40, v32;
	v17 =	vld [tilespmem:s29+$0xC470]  }
0x301: {  	v47 =	vmul.f32 v22, v22;
	v40 =	vmul.f32 v20, v20;
	v18 =	vld [tilespmem:s29+$0x8670];
	v24 =	vsub.f32 v24, v25  }
0x302: {  	v15 =	vsub.f32 v15, v16;
	v34 =	vmul.f32 v34, v34;
	v25 =	vmul.f32 v23, v23;
	v20 =	vld [tilespmem:s29+$0xC670]  }
0x303: {  	v16 =	vmul.f32 v32, v32;
	v22 =	vld [tilespmem:s29+$0x8870];
	v32 =	vmul.f32 v24, v24;
	v33 =	vsub.f32 v46, v33  }
0x304: {  	v15 =	vmul.f32 v15, v15;
	v29 =	vadd.f32 v37, v29;
	v37 =	vadd.f32 v47, v40;
	v23 =	vld [tilespmem:s29+$0xC870]  }
0x305: {  	v34 =	vadd.f32 v34, v25;
	v24 =	vld [tilespmem:s29+$0x8A70];
	v16 =	vadd.f32 v32, v16;
	v32 =	vmul.f32 v33, v33  }
0x306: {  	v29 =	vadd.f32 v43, v29;
	v33 =	vadd.f32 v44, v37;
	v37 =	vmul.f32 v26, v26;
	v25 =	vld [tilespmem:s29+$0xCA70]  }
0x307: {  	v15 =	vadd.f32 v15, v34;
	v26 =	vld [tilespmem:s29+$0x8460];
	v16 =	vadd.f32 v32, v16;
	v32 =	vmul.f32 v27, v27  }
0x308: {  	v29 =	vadd.f32 v41, v29;
	v34 =	vmul.f32 v21, v21;
	v33 =	vadd.f32 v42, v33;
	v27 =	vld [tilespmem:s29+$0xC460]  }
0x309: {  	v15 =	vadd.f32 v37, v15;
	v21 =	vld [tilespmem:s29+$0x8660];
	v16 =	vadd.f32 v32, v16;
	v32 =	vmul.f32 v19, v19  }
0x30a: {  	v13 =	vmul.f32 v13, v13;
	v29 =	vadd.f32 v39, v29;
	v33 =	vadd.f32 v38, v33;
	v19 =	vld [tilespmem:s29+$0xC660]  }
0x30b: {  	v12 =	vmul.f32 v12, v12;
	v15 =	vadd.f32 v34, v15;
	v37 =	vld [tilespmem:s29+$0x8860];
	v16 =	vadd.f32 v32, v16  }
0x30c: {  	v11 =	vmul.f32 v11, v11;
	v29 =	vadd.f32 v35, v29;
	v32 =	vadd.f32 v36, v33;
	v34 =	vld [tilespmem:s29+$0xC860]  }
0x30d: {  	v10 =	vmul.f32 v10, v10;
	v13 =	vadd.f32 v13, v15;
	v33 =	vld [tilespmem:s29+$0x8A60];
	v12 =	vadd.f32 v12, v16  }
0x30e: {  	v9 =	vmul.f32 v9, v9;
	v15 =	vadd.f32 v28, v29;
	v16 =	vadd.f32 v45, v32;
	v35 =	vld [tilespmem:s29+$0xCA60]  }
0x30f: {  	v8 =	vmul.f32 v8, v8;
	v11 =	vadd.f32 v11, v13;
	v36 =	vld [tilespmem:s29+$0x8450];
	v10 =	vadd.f32 v10, v12  }
0x310: {  	v13 =	vadd.f32 v30, v15;
	v15 =	vadd.f32 v31, v16;
	v12 =	vld [tilespmem:s29+$0xC450]  }
0x311: {  	v9 =	vadd.f32 v9, v11;
	v38 =	vld [tilespmem:s29+$0x8650];
	v8 =	vadd.f32 v8, v10  }
0x312: {  	v39 =	vld [tilespmem:s29+$0xC650]  }
0x313: {  	v10 =	vsel vm1, v9, v13;
	v40 =	vld [tilespmem:s29+$0x8850];
	v11 =	vsel vm1, v8, v15  }
0x314: {  	v10 =	vperm.xlane v10, v0;
	v41 =	vld [tilespmem:s29+$0xC850];
	v11 =	vperm.xlane v11, v0  }
0x315: {  	v9 =	vsel vm1, v13, v9;
	v8 =	vsel vm1, v15, v8;
	v42 =	vld [tilespmem:s29+$0x8A50]  }
0x316: {  	v9 =	vadd.f32 v10, v9;
	v43 =	vld [tilespmem:s29+$0xCA50];
	v8 =	vadd.f32 v8, v11  }
0x317: {  	v44 =	vld [tilespmem:s29+$0x8440]  }
0x318: {  	v45 =	vld [tilespmem:s29+$0xC440];
	v10 =	vsel vm0, v8, v9  }
0x319: {  	v46 =	vld [tilespmem:s29+$0x8640];
	v10 =	vperm.xlane v10, v1  }
0x31a: {  	v8 =	vsel vm0, v9, v8;
	v47 =	vld [tilespmem:s29+$0xC640]  }
0x31b: {  	v48 =	vld [tilespmem:s29+$0x8840];
	v8 =	vadd.f32 v8, v10  }
0x31c: {  	v49 =	vld [tilespmem:s29+$0xC840]  }
0x31d: {  	v50 =	vld [tilespmem:s29+$0x8A40];
	v9 =	vperm.xlane v8, v3  }
0x31e: {  	v10 =	vmov s26;
	s26 =	smov.u32 s1;
	v51 =	vld [tilespmem:s29+$0xCA40]  }
0x31f: {  	s1 =	sor.u32 $0x180, s28;
	s28 =	smov.u32 s4;
	vm2 =	veq.s32 v10, v5;
	v52 =	vld [tilespmem:s29+$0x8430];
	v8 =	vadd.f32 v8, v9  }
0x320: {  	v9 =	vor.u32 s1, v6;
	v53 =	vld [tilespmem:s29+$0xC430]  }
0x321: {  	v54 =	vld [tilespmem:s29+$0x8630];
	v10 =	vperm.xlane v8, v4  }
0x322: {  	v55 =	vld [tilespmem:s29+$0xC630]  }
0x323: {  	v56 =	vld [tilespmem:s29+$0x8830];
	v8 =	vadd.f32 v8, v10  }
0x324: {  	v57 =	vld [tilespmem:s29+$0xC830]  }
0x325: {  	v58 =	vld [tilespmem:s29+$0x8A30];
	[tilespmem:v9+s19+$0x0] =	vst.idx.msk vm2, v8  }
0x326: {  	v59 =	vld [tilespmem:s29+$0xCA30]  }
0x327: {  	v60 =	vld [tilespmem:s29+$0x8420]  }
0x328: {  	v61 =	vld [tilespmem:s29+$0xC420]  }
0x329: {  	v62 =	vld [tilespmem:s29+$0x8620]  }
0x32a: {  	v63 =	vld [tilespmem:s29+$0xC620]  }
0x32b: {  	v15 =	vld [tilespmem:s29+$0x8820]  }
0x32c: {  	v16 =	vld [tilespmem:s29+$0xC820]  }
0x32d: {  	v29 =	vld [tilespmem:s29+$0x8400]  }
0x32e: {  	v30 =	vld [tilespmem:s29+$0xC400]  }
0x32f: {  	v32 =	vsub.f32 v18, v20;
	v31 =	vsub.f32 v14, v17;
	v28 =	vld [tilespmem:s29+$0x8410]  }
0x330: {  	v9 =	vsub.f32 v22, v23;
	v8 =	vsub.f32 v24, v25;
	v18 =	vld [tilespmem:s29+$0xC410]  }
0x331: {  	v24 =	vsub.f32 v26, v27;
	v25 =	vsub.f32 v21, v19;
	v14 =	vld [tilespmem:s29+$0x8600]  }
0x332: {  	v11 =	vsub.f32 v37, v34;
	v10 =	vsub.f32 v33, v35;
	v20 =	vld [tilespmem:s29+$0xC600]  }
0x333: {  	v35 =	vsub.f32 v36, v12;
	v36 =	vsub.f32 v38, v39;
	v17 =	vld [tilespmem:s29+$0x8610]  }
0x334: {  	v13 =	vsub.f32 v40, v41;
	v12 =	vsub.f32 v42, v43;
	v22 =	vld [tilespmem:s29+$0xC610]  }
.Ltmp3:
0x335: {  	v39 =	vsub.f32 v44, v45;
	v38 =	vsub.f32 v46, v47;
	v23 =	vld [tilespmem:s29+$0x8800];
	(pc) =	sbr.rel @p0 .LBB2_8-.Ltmp3, $4  }
0x336: {  	v21 =	vsub.f32 v48, v49;
	v19 =	vsub.f32 v50, v51;
	v33 =	vld [tilespmem:s29+$0xC800]  }
0x337: {  	v41 =	vsub.f32 v52, v53;
	v42 =	vsub.f32 v54, v55;
	v34 =	vld [tilespmem:s29+$0x8810]  }
0x338: {  	v26 =	vsub.f32 v56, v57;
	v27 =	vsub.f32 v58, v59;
	v37 =	vld [tilespmem:s29+$0xC810]  }
0x339: {  	s31 =	sadd.s32 $0x1, s31;
	v43 =	vsub.f32 v60, v61;
	v44 =	vsub.f32 v62, v63;
	v40 =	vld [tilespmem:s29+$0x8A00]  }
0x33a: {  	v53 =	vmul.f32 v31, v31  }
0x33b: {  	v54 =	vmul.f32 v32, v32;
	v55 =	vld [tilespmem:s29+$0xCA00];
	v24 =	vmul.f32 v24, v24  }
0x33c: {  	v29 =	vsub.f32 v29, v30;
	v25 =	vmul.f32 v25, v25;
	v56 =	vld [tilespmem:s29+$0x8A10];
	v35 =	vmul.f32 v35, v35  }
0x33d: {  	v18 =	vsub.f32 v28, v18;
	v57 =	vmul.f32 v36, v36;
	v58 =	vld [tilespmem:s29+$0xCA10];
	v39 =	vmul.f32 v39, v39  }
0x33e: {  	v14 =	vsub.f32 v14, v20;
	v59 =	vmul.f32 v38, v38;
	v60 =	vld [tilespmem:s29+$0x8A20];
	v41 =	vmul.f32 v41, v41  }
0x33f: {  	v17 =	vsub.f32 v17, v22;
	v42 =	vmul.f32 v42, v42;
	v61 =	vld [tilespmem:s29+$0xCA20];
	v43 =	vmul.f32 v43, v43  }
0x340: {  	v23 =	vsub.f32 v23, v33;
	v44 =	vmul.f32 v44, v44;
	v29 =	vmul.f32 v29, v29  }
0x341: {  	v18 =	vmul.f32 v18, v18;
	v14 =	vmul.f32 v14, v14;
	v34 =	vsub.f32 v34, v37  }
0x342: {  	v17 =	vmul.f32 v17, v17;
	v32 =	vsub.f32 v40, v55;
	v28 =	vsub.f32 v56, v58  }
0x343: {  	v15 =	vsub.f32 v15, v16;
	v23 =	vmul.f32 v23, v23;
	v34 =	vmul.f32 v34, v34  }
0x344: {  	v63 =	vsub.f32 v60, v61;
	v62 =	vmul.f32 v32, v32;
	v28 =	vmul.f32 v28, v28  }
0x345: {  	v15 =	vmul.f32 v15, v15;
	v18 =	vadd.f32 v18, v29;
	v14 =	vadd.f32 v17, v14  }
0x346: {  	v29 =	vadd.f32 v34, v23;
	v33 =	vmul.f32 v63, v63;
	v16 =	vadd.f32 v28, v62  }
0x347: {  	v26 =	vmul.f32 v26, v26;
	v18 =	vadd.f32 v43, v18;
	v14 =	vadd.f32 v44, v14  }
0x348: {  	v34 =	vmul.f32 v27, v27;
	v15 =	vadd.f32 v15, v29;
	v16 =	vadd.f32 v33, v16  }
0x349: {  	v21 =	vmul.f32 v21, v21;
	v18 =	vadd.f32 v41, v18;
	v14 =	vadd.f32 v42, v14  }
0x34a: {  	v36 =	vmul.f32 v19, v19;
	v15 =	vadd.f32 v26, v15;
	v16 =	vadd.f32 v34, v16  }
0x34b: {  	v13 =	vmul.f32 v13, v13;
	v18 =	vadd.f32 v39, v18;
	v14 =	vadd.f32 v59, v14  }
0x34c: {  	v12 =	vmul.f32 v12, v12;
	v15 =	vadd.f32 v21, v15;
	v16 =	vadd.f32 v36, v16  }
0x34d: {  	v11 =	vmul.f32 v11, v11;
	v37 =	vadd.f32 v35, v18;
	v14 =	vadd.f32 v57, v14  }
0x34e: {  	v10 =	vmul.f32 v10, v10;
	v13 =	vadd.f32 v13, v15;
	v12 =	vadd.f32 v12, v16  }
0x34f: {  	v9 =	vmul.f32 v9, v9;
	v38 =	vadd.f32 v24, v37;
	v14 =	vadd.f32 v25, v14  }
0x350: {  	v8 =	vmul.f32 v8, v8;
	v11 =	vadd.f32 v11, v13;
	v10 =	vadd.f32 v10, v12  }
0x351: {  	v39 =	vadd.f32 v53, v38;
	v40 =	vadd.f32 v54, v14  }
0x352: {  	v9 =	vadd.f32 v9, v11;
	v8 =	vadd.f32 v8, v10;
	_ =	sdelay $0x1  }
0x353: {  	v41 =	vsel vm1, v9, v39;
	v42 =	vsel vm1, v8, v40  }
0x354: {  	v10 =	vperm.xlane v41, v0;
	v11 =	vperm.xlane v42, v0  }
0x355: {  	v9 =	vsel vm1, v39, v9;
	v8 =	vsel vm1, v40, v8  }
0x356: {  	v9 =	vadd.f32 v10, v9;
	v8 =	vadd.f32 v8, v11;
	_ =	sdelay $0x1  }
0x357: {  	v10 =	vsel vm0, v8, v9  }
0x358: {  	v10 =	vperm.xlane v10, v1  }
0x359: {  	v8 =	vsel vm0, v9, v8  }
0x35a: {  	v8 =	vadd.f32 v8, v10;
	_ =	sdelay $0x1  }
0x35b: {  	v43 =	vperm.xlane v8, v3  }
0x35c: {  	v44 =	vmov s26  }
0x35d: {  	s1 =	sor.u32 $0x180, s28;
	vm2 =	veq.s32 v44, v5;
	v8 =	vadd.f32 v8, v43  }
0x35e: {  	v45 =	vor.u32 s1, v6  }
0x35f: {  	v46 =	vperm.xlane v8, v4;
	_ =	sdelay $0x1  }
0x360: {  	v8 =	vadd.f32 v8, v46;
	_ =	sdelay $0x1  }
0x361: {  	[tilespmem:v45+s19+$0x0] =	vst.idx.msk vm2, v8  }
0x362: {  	v8 =	vld [tilespmem:$0x10580];
	_ =	sdelay $0x2  }
0x363: {  	v9 =	vld [tilespmem:$0x10590];
	_ =	sdelay $0x1  }
0x364: {  	v16 =	vld [tilespmem:$0x105A0];
	v47 =	vshrl.u32 v8, $0x1;
	v48 =	vmul.f32 $5.000000000e-01, v8  }
0x365: {  	v58 =	vld [tilespmem:$0x105C0];
	v10 =	vsub.s32 $0x5F3759DF, v47  }
0x366: {  	v60 =	vld [tilespmem:$0x105D0];
	v51 =	vmul.f32 v10, v48  }
0x367: {  	v63 =	vld [tilespmem:$0x105E0];
	v49 =	vshrl.u32 v9, $0x1;
	v50 =	vmul.f32 $5.000000000e-01, v9  }
0x368: {  	v34 =	vld [tilespmem:$0x105F0];
	v12 =	vsub.s32 $0x5F3759DF, v49;
	v14 =	vmul.f32 v10, v51  }
0x369: {  	v52 =	vmul.f32 v12, v50  }
0x36a: {  	v53 =	vshrl.u32 v16, $0x1;
	v54 =	vmul.f32 $5.000000000e-01, v16;
	v14 =	vsub.f32 $1.500000000e+00, v14  }
0x36b: {  	v36 =	vmul.f32 $5.000000000e-01, v58;
	v37 =	vshrl.u32 v60, $0x1;
	v15 =	vmul.f32 v12, v52  }
0x36c: {  	v38 =	vmul.f32 $5.000000000e-01, v60;
	v41 =	vshrl.u32 v63, $0x1;
	v10 =	vmul.f32 v10, v14;
	v14 =	vld [tilespmem:$0x105B0]  }
0x36d: {  	v42 =	vmul.f32 $5.000000000e-01, v63;
	v43 =	vshrl.u32 v34, $0x1;
	v15 =	vsub.f32 $1.500000000e+00, v15  }
0x36e: {  	v44 =	vmul.f32 $5.000000000e-01, v34;
	v23 =	vsub.s32 $0x5F3759DF, v37;
	v26 =	vsub.s32 $0x5F3759DF, v41  }
0x36f: {  	v12 =	vmul.f32 v12, v15;
	v15 =	vsub.s32 $0x5F3759DF, v53;
	v11 =	vmul.f32 v10, v48  }
0x370: {  	v28 =	vsub.s32 $0x5F3759DF, v43;
	v40 =	vmul.f32 v23, v38;
	v55 =	vmul.f32 v15, v54  }
0x371: {  	v11 =	vmul.f32 v11, v10;
	v56 =	vshrl.u32 v14, $0x1;
	v57 =	vmul.f32 $5.000000000e-01, v14  }
0x372: {  	v46 =	vmul.f32 v28, v44;
	v18 =	vmul.f32 v15, v55;
	v19 =	vsub.s32 $0x5F3759DF, v56  }
0x373: {  	v45 =	vmul.f32 v26, v42;
	v11 =	vsub.f32 $1.500000000e+00, v11;
	v59 =	vmul.f32 v19, v57  }
0x374: {  	v25 =	vmul.f32 v23, v40;
	v31 =	vmul.f32 v28, v46;
	v61 =	vsub.f32 $1.500000000e+00, v18  }
0x375: {  	v35 =	vshrl.u32 v58, $0x1;
	v10 =	vmul.f32 v11, v10;
	v62 =	vmul.f32 v19, v59  }
0x376: {  	v25 =	vsub.f32 $1.500000000e+00, v25;
	v33 =	vmul.f32 v15, v61;
	v15 =	vsub.s32 $0x5F3759DF, v35  }
0x377: {  	v39 =	vmul.f32 v15, v36;
	v8 =	vmul.f32 v10, v8;
	v10 =	vsub.f32 $1.500000000e+00, v62  }
0x378: {  	v23 =	vmul.f32 v23, v25;
	v13 =	vmul.f32 v12, v50  }
0x379: {  	v48 =	vsub.f32 $1.500000000e+00, v31;
	v10 =	vmul.f32 v19, v10;
	v19 =	vmul.f32 v15, v39  }
0x37a: {  	v24 =	vmul.f32 v23, v38;
	v13 =	vmul.f32 v13, v12  }
0x37b: {  	v30 =	vmul.f32 v26, v45;
	v25 =	vmul.f32 v28, v48;
	v19 =	vsub.f32 $1.500000000e+00, v19  }
0x37c: {  	v24 =	vmul.f32 v24, v23;
	v13 =	vsub.f32 $1.500000000e+00, v13;
	v17 =	vmul.f32 v33, v54  }
0x37d: {  	v47 =	vsub.f32 $1.500000000e+00, v30;
	v49 =	vmul.f32 v25, v44;
	v15 =	vmul.f32 v15, v19  }
0x37e: {  	v12 =	vmul.f32 v13, v12;
	v17 =	vmul.f32 v17, v33  }
0x37f: {  	v19 =	vmul.f32 v26, v47;
	v18 =	vmul.f32 v15, v36  }
0x380: {  	v52 =	vsub.f32 $1.500000000e+00, v24;
	v53 =	vmul.f32 v49, v25;
	v20 =	vmul.f32 v10, v57  }
0x381: {  	v17 =	vsub.f32 $1.500000000e+00, v17;
	v26 =	vmul.f32 v19, v42;
	v18 =	vmul.f32 v18, v15  }
0x382: {  	v9 =	vmul.f32 v12, v9;
	v56 =	vsub.f32 $1.500000000e+00, v53;
	v20 =	vmul.f32 v20, v10  }
0x383: {  	v12 =	vmul.f32 v17, v33;
	v51 =	vmul.f32 v26, v19;
	v50 =	vsub.f32 $1.500000000e+00, v18  }
0x384: {  	v55 =	vmul.f32 v52, v23;
	v8 =	vsub.f32 v7, v8;
	v20 =	vsub.f32 $1.500000000e+00, v20  }
0x385: {  	v12 =	vmul.f32 v12, v16;
	v54 =	vsub.f32 $1.500000000e+00, v51;
	v15 =	vmul.f32 v50, v15  }
0x386: {  	v60 =	vmul.f32 v55, v60;
	v9 =	vsub.f32 v7, v9;
	v10 =	vmul.f32 v20, v10  }
0x387: {  	[tilespmem:$0x10580] =	vst v8;
	v8 =	vsub.f32 v7, v12;
	v57 =	vmul.f32 v15, v58;
	v58 =	vmul.f32 v54, v19  }
0x388: {  	v61 =	vmul.f32 v56, v25;
	v62 =	vsub.f32 v7, v60;
	[tilespmem:$0x10590] =	vst v9;
	v10 =	vmul.f32 v10, v14  }
0x389: {  	[tilespmem:$0x105A0] =	vst v8;
	v8 =	vsub.f32 v7, v57;
	v11 =	vmul.f32 v58, v63  }
0x38a: {  	[tilespmem:$0x105D0] =	vst v62;
	v59 =	vsub.f32 v7, v10;
	v63 =	vmul.f32 v61, v34  }
0x38b: {  	[tilespmem:$0x105C0] =	vst v8;
	v8 =	vsub.f32 v7, v11  }
0x38c: {  	s25 =	sadd.s32 $0x1, s25;
	[tilespmem:$0x105B0] =	vst v59;
	v7 =	vsub.f32 v7, v63  }
0x38d: {  	p0 =	sne.s32 s25, s8;
	[tilespmem:$0x105E0] =	vst v8  }
.Ltmp4:
0x38e: {  	[tilespmem:$0x105F0] =	vst v7;
	(pc) =	sbr.rel @p0 .LBB2_1-.Ltmp4, $4  }
0x38f: {  	[hbm4b:s7+s3] =	stream.linear.scatter [tilespmem:s19], [sflag:$0x3], $0x200, $0x38;
	[tilespmem:$0x10680] =	vst v63  }
0x390: {  	_ =	swait.ge [sflag:s24], $0x200  }
0x391: {  	[sflag:s24] =	ssyncset.done $0x0  }
0x392: {  	[sflag:s24] =	ssyncadd.s32 $0xFFFFFE00  }
0x393: {  	_ =	sfence.sel $0x180000  }
0x394: {  	[bflag:$0x0] =	sbarrier.arrive $0xFFFF  }
0x395: {  	_ =	strace $0x90000047  }
0x396: {  	s0 =	stileid.u32;
	[bflag:$0x2] =	sbarrier.arrive $0xFFFF  }
0x397: {  	p0 =	sne.s32 s0, $0x0;
	s0 =	rddreg [dreg:$0x5]  }
0x398: {  	s0 =	sadd.s32 @!p0 $0x100000, s0  }
0x399: {  	[sflag:s0] =	ssyncadd.tile.s32 @!p0 $0x1;
	_ =	shalt  }
.Lfunc_end2:
_tile_overlayer_lowered:
.L_overlay_start_2:
0x39a: {  	(tag) =	ssettag $0x2  }
0x39b: {  	s0 =	rddreg [dreg:$0x0];
	s2 =	stileid.u32  }
0x39c: {  	s1 =	rddreg [dreg:$0x1];
	p0 =	sne.s32 s2, $0x0  }
0x39d: {  	s3 =	rddreg [dreg:$0x2];
	[bflag:$0x3] =	sbarrier.arrive $0xFFFF;
	s2 =	simm.s32 @!p0 $0x1C03  }
0x39e: {  	[timem:s3], [sflag:s2] =	dma.local @!p0 [hbm:s0], s1  }
0x39f: {  	s0 =	simm.s32 @!p0 $0x3  }
0x3a0: {  	_ =	swait.ge @!p0 [sflag:s0], s1  }
0x3a1: {  	s1 =	ssub.s32 @!p0 $0x0, s1;
	[sflag:s0] =	ssyncset.done @!p0 $0x0  }
0x3a2: {  	[sflag:s0] =	ssyncadd.s32 @!p0 s1  }
0x3a3: {  	[bflag:$0x3] =	sbarrier.arrive $0xFFFF  }
0x3a4: {  	_ =	shalt  }

</sc_bundles>
